<compile_context>
chip_gen: v7x
topology: tpu7x:2x2x1
jax: 0.10.2.dev20260603
libtpu: 0.0.44.dev20260713+nightly
codegen_flags: <defaults>
</compile_context>

<pallas_src>
import functools

import jax
import jax.numpy as jnp
from jax import lax
from jax.experimental import pallas as pl
from jax.experimental.pallas import tpu as pltpu
from jax.experimental.pallas import tpu_sc as plsc

N = 10000
E = 320000
D = 128
C = 4
CP = 16

NC, NS = 2, 16
NW = NC * NS
CHUNK = 128
TOTCH = 2560
EP = TOTCH * CHUNK
NP = 10240
RPS = NP // NS
S = 4
FAST_CID = 1
RCH = E // CHUNK
PCH = TOTCH - RCH
RSTG = RCH // S

_mesh = plsc.VectorSubcoreMesh(core_axis_name="c", subcore_axis_name="s",
                               num_cores=NC, num_subcores=NS)


def _wid():
    return lax.axis_index("s") * NC + lax.axis_index("c")



_CPW_D = TOTCH // NW


@functools.partial(
    pl.kernel,
    out_type=(jax.ShapeDtypeStruct((NP,), jnp.float32),
              jax.ShapeDtypeStruct((NP,), jnp.float32)),
    mesh=_mesh,
    scratch_types=[
        pltpu.VMEM((_CPW_D, CHUNK), jnp.int32),
        pltpu.VMEM((CHUNK,), jnp.float32),
        pltpu.VMEM((RPS,), jnp.float32),
        pltpu.VMEM_SHARED((NP,), jnp.float32),
    ],
)
def _deg_sc(dst_hbm, pad_hbm, out0, out1, dst_v, ones_v, zv, accum):
    cid = lax.axis_index("c")
    sid = lax.axis_index("s")
    wid = _wid()
    for i in range(CHUNK // 16):
        ones_v[pl.ds(i * 16, 16)] = jnp.ones((16,), jnp.float32)
    for i in range(RPS // 16):
        zv[pl.ds(i * 16, 16)] = jnp.zeros((16,), jnp.float32)
    pltpu.sync_copy(zv, accum.at[pl.ds(sid * RPS, RPS)])
    plsc.subcore_barrier()
    rreal = RCH - (NW - 1) * _CPW_D

    @pl.when(wid < NW - 1)
    def _():
        pltpu.sync_copy(dst_hbm.at[pl.ds(wid * _CPW_D, _CPW_D)], dst_v)

    @pl.when(wid == NW - 1)
    def _():
        pltpu.sync_copy(dst_hbm.at[pl.ds((NW - 1) * _CPW_D, rreal)],
                        dst_v.at[pl.ds(0, rreal)])
        pltpu.sync_copy(pad_hbm, dst_v.at[pl.ds(rreal, PCH)])

    @pl.loop(0, _CPW_D)
    def _(c):
        pltpu.sync_copy(ones_v, accum.at[dst_v.at[c]], add=True)

    plsc.subcore_barrier()
    sl = pl.ds(sid * RPS, RPS)

    @pl.when(cid == 0)
    def _():
        pltpu.sync_copy(accum.at[sl], out0.at[sl])

    @pl.when(cid == 1)
    def _():
        pltpu.sync_copy(accum.at[sl], out1.at[sl])




def _make_scatter(width, nf, nsl):
    assert 16 * (nf + nsl) == TOTCH
    assert nf % (2 * S) == 0 and nsl % (2 * S) == 0
    assert (nf // S) % 2 == 0 and (nsl // S) % 2 == 0

    @functools.partial(
        pl.kernel,
        out_type=(jax.ShapeDtypeStruct((NP, width), jnp.float32),
                  jax.ShapeDtypeStruct((NP, width), jnp.float32)),
        mesh=_mesh,
        scratch_types=[
            pltpu.VMEM((S, CHUNK), jnp.int32),
            pltpu.VMEM((S, CHUNK), jnp.int32),
            pltpu.VMEM((S, CHUNK), jnp.int32),
            pltpu.VMEM((S, CHUNK), jnp.int32),
            pltpu.VMEM((CHUNK, width), jnp.float32),
            pltpu.VMEM((CHUNK, width), jnp.float32),
            pltpu.VMEM((16, width), jnp.float32),
            pltpu.VMEM_SHARED((NP, width), jnp.float32),
            pltpu.SemaphoreType.DMA,
            pltpu.SemaphoreType.DMA,
            pltpu.SemaphoreType.DMA,
            pltpu.SemaphoreType.DMA,
            pltpu.SemaphoreType.DMA,
            pltpu.SemaphoreType.DMA,
        ],
        compiler_params=pltpu.CompilerParams(use_tc_tiling_on_sc=False),
    )
    def _scatter(src_hbm, dst_hbm, pad_hbm, tab_hbm, out0, out1,
                 isrc0, isrc1, idst0, idst1, rows0, rows1, zv, accum,
                 gsem0, gsem1, isem0, isem1, ssem0, ssem1):
        isrc = (isrc0, isrc1)
        idst = (idst0, idst1)
        rows = (rows0, rows1)
        gsem = (gsem0, gsem1)
        isem = (isem0, isem1)
        ssem = (ssem0, ssem1)
        cid = lax.axis_index("c")
        sid = lax.axis_index("s")
        nch = jnp.where(cid == FAST_CID, nf, nsl)
        nst2 = jnp.where(cid == FAST_CID, nf // (2 * S), nsl // (2 * S))
        base = jnp.where(cid == FAST_CID, sid * nf, 16 * nf + sid * nsl)

        for r in range(16):
            for c in range(width // 16):
                zv[r, pl.ds(c * 16, 16)] = jnp.zeros((16,), jnp.float32)

        @pl.loop(0, RPS // 16)
        def _(j):
            pltpu.sync_copy(zv, accum.at[pl.ds(sid * RPS + j * 16, 16)])

        plsc.subcore_barrier()

        def issue_idx(st, p):
            c0 = base + st * S

            @pl.when(c0 < RCH)
            def _():
                sl = pl.ds(c0, S)
                pltpu.make_async_copy(src_hbm.at[sl], isrc[p],
                                      isem[p]).start()
                pltpu.make_async_copy(dst_hbm.at[sl], idst[p],
                                      isem[p]).start()

            @pl.when(c0 >= RCH)
            def _():
                sl = pl.ds(c0 - RCH, S)
                pltpu.make_async_copy(pad_hbm.at[sl], isrc[p],
                                      isem[p]).start()
                pltpu.make_async_copy(pad_hbm.at[sl], idst[p],
                                      isem[p]).start()

        def wait_idx(st, p):
            sl = pl.ds(jnp.minimum(base + st * S, RCH - S), S)
            pltpu.make_async_copy(src_hbm.at[sl], isrc[p], isem[p]).wait()
            pltpu.make_async_copy(dst_hbm.at[sl], idst[p], isem[p]).wait()

        def g_desc(p, j, b):
            return pltpu.make_async_copy(tab_hbm.at[isrc[p].at[j]], rows[b],
                                         gsem[b])

        def s_desc(p, j, b):
            return pltpu.make_async_copy(rows[b], accum.at[idst[p].at[j]],
                                         ssem[b])

        issue_idx(0, 0)
        wait_idx(0, 0)
        g_desc(0, 0, 0).start()

        @pl.loop(0, nst2)
        def _(t):
            for par in range(2):
                st = 2 * t + par
                c0 = st * S

                @pl.when(c0 + S < nch)
                def _():
                    issue_idx(st + 1, 1 - par)

                for j in range(S):
                    c = c0 + j
                    b = j % 2
                    g_desc(par, j, b).wait()
                    pp, pj = (par, j - 1) if j > 0 else (1 - par, S - 1)

                    @pl.when(c > 0)
                    def _():
                        s_desc(pp, pj, 1 - b).wait()

                    if j < S - 1:
                        g_desc(par, j + 1, 1 - b).start()
                    else:
                        @pl.when(c + 1 < nch)
                        def _():
                            wait_idx(st + 1, 1 - par)
                            g_desc(1 - par, 0, 1 - b).start()
                    pltpu.async_copy(rows[b], accum.at[idst[par].at[j]],
                                     ssem[b], add=True)

        s_desc(1, S - 1, (S - 1) % 2).wait()
        plsc.subcore_barrier()
        sl = pl.ds(sid * RPS, RPS)

        @pl.when(cid == 0)
        def _():
            pltpu.sync_copy(accum.at[sl], out0.at[sl])

        @pl.when(cid == 1)
        def _():
            pltpu.sync_copy(accum.at[sl], out1.at[sl])

    return _scatter


_scatter_wide = _make_scatter(D, nf=80, nsl=80)
_scatter_thin = _make_scatter(CP, nf=80, nsl=80)



_BLK = 1024


def _rsqrt_deg(dp_ref):
    return lax.rsqrt(dp_ref[0] + dp_ref[1] + 1.0)


def _mm_scale_body(x_ref, w_ref, dp_ref, o_ref):
    ds = _rsqrt_deg(dp_ref)
    o_ref[...] = jnp.dot(x_ref[...], w_ref[...],
                         preferred_element_type=jnp.float32) * ds[:, None]


def _mid_body(sa_ref, sb_ref, gs_ref, dp_ref, b1_ref, w2_ref, o_ref):
    ds = _rsqrt_deg(dp_ref)
    t = (sa_ref[...] + sb_ref[...] + gs_ref[...]) * ds[:, None] + b1_ref[...]
    h = jnp.maximum(t, 0.0)
    o_ref[...] = jnp.dot(h, w2_ref[...],
                         preferred_element_type=jnp.float32) * ds[:, None]


def _final_body(sa_ref, sb_ref, fs_ref, dp_ref, b2_ref, o_ref):
    ds = _rsqrt_deg(dp_ref)
    o_ref[...] = (sa_ref[...] + sb_ref[...] + fs_ref[...]) * ds[:, None] \
        + b2_ref[...]


def _row_spec(w):
    return pl.BlockSpec((_BLK, w), lambda i: (i, 0))


def _const_spec(shape):
    return pl.BlockSpec(shape, lambda i: (0,) * len(shape))


_DP_SPEC = pl.BlockSpec((2, _BLK), lambda i: (0, i))

_mm_scale_tc = pl.pallas_call(
    _mm_scale_body,
    grid=(NP // _BLK,),
    in_specs=[_row_spec(D), _const_spec((D, D)), _DP_SPEC],
    out_specs=_row_spec(D),
    out_shape=jax.ShapeDtypeStruct((NP, D), jnp.float32),
)

_mid_tc = pl.pallas_call(
    _mid_body,
    grid=(NP // _BLK,),
    in_specs=[_row_spec(D), _row_spec(D), _row_spec(D), _DP_SPEC,
              _const_spec((1, D)), _const_spec((D, CP))],
    out_specs=_row_spec(CP),
    out_shape=jax.ShapeDtypeStruct((NP, CP), jnp.float32),
)

_BLKF = 2560

_final_tc = pl.pallas_call(
    _final_body,
    grid=(NP // _BLKF,),
    in_specs=[pl.BlockSpec((_BLKF, CP), lambda i: (i, 0))] * 3
    + [pl.BlockSpec((2, _BLKF), lambda i: (0, i)), _const_spec((1, CP))],
    out_specs=pl.BlockSpec((_BLKF, CP), lambda i: (i, 0)),
    out_shape=jax.ShapeDtypeStruct((NP, CP), jnp.float32),
)




def kernel(x, edge_index, W1, b1, W2, b2):
    srcr = edge_index[0].reshape(RCH, CHUNK)
    dstr = edge_index[1].reshape(RCH, CHUNK)
    padi = (N + (jnp.arange(PCH * CHUNK, dtype=jnp.int32) % CHUNK)) \
        .reshape(PCH, CHUNK)

    x_p = jnp.pad(x, ((0, NP - N), (0, 0)))
    w2_p = jnp.pad(W2, ((0, 0), (0, CP - C)))
    b2_p = jnp.pad(b2, (0, CP - C))

    deg0, deg1 = _deg_sc(dstr, padi)
    dp = jnp.stack([deg0, deg1])

    gs = _mm_scale_tc(x_p, W1, dp)
    s1a, s1b = _scatter_wide(srcr, dstr, padi, gs)
    fs = _mid_tc(s1a, s1b, gs, dp, b1.reshape(1, D), w2_p)
    s2a, s2b = _scatter_thin(srcr, dstr, padi, fs)
    outp = _final_tc(s2a, s2b, fs, dp, b2_p.reshape(1, CP))
    return outp[:N, :C]

# --- scband reference (transcript-rebuilt; emitter-appended) ---
"""Pipeline reference for scband-clinical-gcn-67757404062361 (READ-ONLY COPY).

The authoritative reference and input builder live on the scoring server;
editing this copy changes nothing except your own understanding.
"""

import jax, jax.numpy as jnp
import numpy as np

N_NODES = 10000
N_EDGES = 320000
IN_DIM = 128
HIDDEN = 128
NUM_CLASSES = 4


def gcn_conv(x, src, dst, W, b, num_nodes):
    # PyG GCNConv: x' = D^{-1/2} (A + I) D^{-1/2} (x W) + b, with self-loops added
    loop = jnp.arange(num_nodes, dtype=src.dtype)
    src_sl = jnp.concatenate([src, loop])
    dst_sl = jnp.concatenate([dst, loop])
    h = x @ W
    deg = jnp.zeros((num_nodes,), dtype=x.dtype).at[dst_sl].add(1.0)
    deg_inv_sqrt = jnp.where(deg > 0, deg ** -0.5, 0.0)
    norm = deg_inv_sqrt[src_sl] * deg_inv_sqrt[dst_sl]
    msgs = h[src_sl] * norm[:, None]
    out = jnp.zeros((num_nodes, h.shape[1]), dtype=x.dtype).at[dst_sl].add(msgs)
    return out + b


def setup_inputs(seed: int = 0) -> dict:
    key = jax.random.key(seed)
    k1, k2, k3, k4, k5, k6 = jax.random.split(key, 6)
    x = jax.random.normal(k1, (N_NODES, IN_DIM), dtype=jnp.float32)
    edge_index = jax.random.randint(k2, (2, N_EDGES), 0, N_NODES, dtype=jnp.int32)
    s1 = (1.0 / IN_DIM) ** 0.5
    W1 = jax.random.uniform(k3, (IN_DIM, HIDDEN), minval=-s1, maxval=s1, dtype=jnp.float32)
    b1 = jax.random.uniform(k4, (HIDDEN,), minval=-s1, maxval=s1, dtype=jnp.float32)
    s2 = (1.0 / HIDDEN) ** 0.5
    W2 = jax.random.uniform(k5, (HIDDEN, NUM_CLASSES), minval=-s2, maxval=s2, dtype=jnp.float32)
    b2 = jax.random.uniform(k6, (NUM_CLASSES,), minval=-s2, maxval=s2, dtype=jnp.float32)
    return {"x": x, "edge_index": edge_index, "W1": W1, "b1": b1, "W2": W2, "b2": b2}


def reference(x, edge_index, W1, b1, W2, b2):
    src, dst = edge_index[0], edge_index[1]
    h = gcn_conv(x, src, dst, W1, b1, N_NODES)
    h = jax.nn.relu(h)
    out = gcn_conv(h, src, dst, W2, b2, N_NODES)
    return out

if __name__ == "__main__":
    import jax
    _d = setup_inputs()
    print(jax.jit(kernel)(*tuple(_d.values())))

</pallas_src>

<mosaic_0001>
#map = affine_map<(d0, d1) -> (0, 0)>
module attributes {stable_mosaic.version = 14 : i64} {
  func.func @_scatter(%arg0: i32, %arg1: i32, %arg2: memref<2500x128xi32, #tpu.memory_space<hbm>>, %arg3: memref<2500x128xi32, #tpu.memory_space<hbm>>, %arg4: memref<60x128xi32, #tpu.memory_space<hbm>>, %arg5: memref<10240x128xf32, #tpu.memory_space<hbm>>, %arg6: memref<10240x128xf32, #tpu.memory_space<hbm>>, %arg7: memref<10240x128xf32, #tpu.memory_space<hbm>>, %arg8: memref<4x128xi32, #tpu.memory_space<vmem>>, %arg9: memref<4x128xi32, #tpu.memory_space<vmem>>, %arg10: memref<4x128xi32, #tpu.memory_space<vmem>>, %arg11: memref<4x128xi32, #tpu.memory_space<vmem>>, %arg12: memref<128x128xf32, #tpu.memory_space<vmem>>, %arg13: memref<128x128xf32, #tpu.memory_space<vmem>>, %arg14: memref<16x128xf32, #tpu.memory_space<vmem>>, %arg15: memref<10240x128xf32, #tpu.memory_space<vmem_shared>>, %arg16: memref<!tpu.dma_semaphore, #tpu.memory_space<semaphore_mem>>, %arg17: memref<!tpu.dma_semaphore, #tpu.memory_space<semaphore_mem>>, %arg18: memref<!tpu.dma_semaphore, #tpu.memory_space<semaphore_mem>>, %arg19: memref<!tpu.dma_semaphore, #tpu.memory_space<semaphore_mem>>, %arg20: memref<!tpu.dma_semaphore, #tpu.memory_space<semaphore_mem>>, %arg21: memref<!tpu.dma_semaphore, #tpu.memory_space<semaphore_mem>>) attributes {dimension_semantics = [#tpu.dimension_semantics<core_parallel>, #tpu.dimension_semantics<subcore_parallel>], iteration_bounds = array<i64: 2, 16>, scalar_prefetch = 0 : i64, scratch_operands = 14 : i64, tpu.core_type = #tpu.core_type<sc_vector_subcore>, window_params = [{transform_indices = #map}, {transform_indices = #map}, {transform_indices = #map}, {transform_indices = #map}, {transform_indices = #map}, {transform_indices = #map}]} {
    %eq3A = arith.constant 1 : i32
    %eq3A_0 = arith.cmpi eq, %arg0, %eq3A : i32
    %jit3A = arith.constant 80 : i32
    %jit3A_1 = arith.constant 80 : i32
    %select_n3A = arith.select %eq3A_0, %jit3A, %jit3A_1 : i32
    %eq3A_2 = arith.constant 1 : i32
    %eq3A_3 = arith.cmpi eq, %arg0, %eq3A_2 : i32
    %jit3A_4 = arith.constant 10 : i32
    %jit3A_5 = arith.constant 10 : i32
    %select_n3A_6 = arith.select %eq3A_3, %jit3A_4, %jit3A_5 : i32
    %eq3A_7 = arith.constant 1 : i32
    %eq3A_8 = arith.cmpi eq, %arg0, %eq3A_7 : i32
    %mul3A = arith.constant 80 : i32
    %mul3A_9 = arith.muli %arg1, %mul3A : i32
    %mul3A_10 = arith.constant 80 : i32
    %mul3A_11 = arith.muli %arg1, %mul3A_10 : i32
    %add3A = arith.constant 1280 : i32
    %add3A_12 = arith.addi %add3A, %mul3A_11 : i32
    %select_n3A_13 = arith.select %eq3A_8, %mul3A_9, %add3A_12 : i32
    %broadcast_in_dim3A = arith.constant 0.000000e+00 : f32
    %broadcast_in_dim3A_14 = vector.broadcast %broadcast_in_dim3A : f32 to vector<16xf32>
    %swap3A = arith.constant 0 : i32
    %swap3A_15 = arith.index_cast %swap3A : i32 to index
    %swap3A_16 = arith.constant 0 : index
    %swap3A_17 = tpu.vector_load %arg14[%swap3A_15, %swap3A_16] {strides = array<i32>} : memref<16x128xf32, #tpu.memory_space<vmem>>, vector<1x16xf32>,
    %swap3A_18 = vector.shape_cast %swap3A_17 : vector<1x16xf32> to vector<16xf32>
    %swap3A_19 = vector.shape_cast %broadcast_in_dim3A_14 : vector<16xf32> to vector<1x16xf32>
    tpu.vector_store %arg14[%swap3A_15, %swap3A_16], %swap3A_19 {strides = array<i32>} : memref<16x128xf32, #tpu.memory_space<vmem>>, vector<1x16xf32>,
    %broadcast_in_dim3A_20 = arith.constant 0.000000e+00 : f32
    %broadcast_in_dim3A_21 = vector.broadcast %broadcast_in_dim3A_20 : f32 to vector<16xf32>
    %swap3A_22 = arith.constant 0 : i32
    %swap3A_23 = arith.index_cast %swap3A_22 : i32 to index
    %swap3A_24 = arith.constant 16 : index
    %swap3A_25 = tpu.vector_load %arg14[%swap3A_23, %swap3A_24] {strides = array<i32>} : memref<16x128xf32, #tpu.memory_space<vmem>>, vector<1x16xf32>,
    %swap3A_26 = vector.shape_cast %swap3A_25 : vector<1x16xf32> to vector<16xf32>
    %swap3A_27 = vector.shape_cast %broadcast_in_dim3A_21 : vector<16xf32> to vector<1x16xf32>
    tpu.vector_store %arg14[%swap3A_23, %swap3A_24], %swap3A_27 {strides = array<i32>} : memref<16x128xf32, #tpu.memory_space<vmem>>, vector<1x16xf32>,
    %broadcast_in_dim3A_28 = arith.constant 0.000000e+00 : f32
    %broadcast_in_dim3A_29 = vector.broadcast %broadcast_in_dim3A_28 : f32 to vector<16xf32>
    %swap3A_30 = arith.constant 0 : i32
    %swap3A_31 = arith.index_cast %swap3A_30 : i32 to index
    %swap3A_32 = arith.constant 32 : index
    %swap3A_33 = tpu.vector_load %arg14[%swap3A_31, %swap3A_32] {strides = array<i32>} : memref<16x128xf32, #tpu.memory_space<vmem>>, vector<1x16xf32>,
    %swap3A_34 = vector.shape_cast %swap3A_33 : vector<1x16xf32> to vector<16xf32>
    %swap3A_35 = vector.shape_cast %broadcast_in_dim3A_29 : vector<16xf32> to vector<1x16xf32>
    tpu.vector_store %arg14[%swap3A_31, %swap3A_32], %swap3A_35 {strides = array<i32>} : memref<16x128xf32, #tpu.memory_space<vmem>>, vector<1x16xf32>,
    %broadcast_in_dim3A_36 = arith.constant 0.000000e+00 : f32
    %broadcast_in_dim3A_37 = vector.broadcast %broadcast_in_dim3A_36 : f32 to vector<16xf32>
    %swap3A_38 = arith.constant 0 : i32
    %swap3A_39 = arith.index_cast %swap3A_38 : i32 to index
    %swap3A_40 = arith.constant 48 : index
    %swap3A_41 = tpu.vector_load %arg14[%swap3A_39, %swap3A_40] {strides = array<i32>} : memref<16x128xf32, #tpu.memory_space<vmem>>, vector<1x16xf32>,
    %swap3A_42 = vector.shape_cast %swap3A_41 : vector<1x16xf32> to vector<16xf32>
    %swap3A_43 = vector.shape_cast %broadcast_in_dim3A_37 : vector<16xf32> to vector<1x16xf32>
    tpu.vector_store %arg14[%swap3A_39, %swap3A_40], %swap3A_43 {strides = array<i32>} : memref<16x128xf32, #tpu.memory_space<vmem>>, vector<1x16xf32>,
    %broadcast_in_dim3A_44 = arith.constant 0.000000e+00 : f32
    %broadcast_in_dim3A_45 = vector.broadcast %broadcast_in_dim3A_44 : f32 to vector<16xf32>
    %swap3A_46 = arith.constant 0 : i32
    %swap3A_47 = arith.index_cast %swap3A_46 : i32 to index
    %swap3A_48 = arith.constant 64 : index
    %swap3A_49 = tpu.vector_load %arg14[%swap3A_47, %swap3A_48] {strides = array<i32>} : memref<16x128xf32, #tpu.memory_space<vmem>>, vector<1x16xf32>,
    %swap3A_50 = vector.shape_cast %swap3A_49 : vector<1x16xf32> to vector<16xf32>
    %swap3A_51 = vector.shape_cast %broadcast_in_dim3A_45 : vector<16xf32> to vector<1x16xf32>
    tpu.vector_store %arg14[%swap3A_47, %swap3A_48], %swap3A_51 {strides = array<i32>} : memref<16x128xf32, #tpu.memory_space<vmem>>, vector<1x16xf32>,
    %broadcast_in_dim3A_52 = arith.constant 0.000000e+00 : f32
    %broadcast_in_dim3A_53 = vector.broadcast %broadcast_in_dim3A_52 : f32 to vector<16xf32>
    %swap3A_54 = arith.constant 0 : i32
    %swap3A_55 = arith.index_cast %swap3A_54 : i32 to index
    %swap3A_56 = arith.constant 80 : index
    %swap3A_57 = tpu.vector_load %arg14[%swap3A_55, %swap3A_56] {strides = array<i32>} : memref<16x128xf32, #tpu.memory_space<vmem>>, vector<1x16xf32>,
    %swap3A_58 = vector.shape_cast %swap3A_57 : vector<1x16xf32> to vector<16xf32>
    %swap3A_59 = vector.shape_cast %broadcast_in_dim3A_53 : vector<16xf32> to vector<1x16xf32>
    tpu.vector_store %arg14[%swap3A_55, %swap3A_56], %swap3A_59 {strides = array<i32>} : memref<16x128xf32, #tpu.memory_space<vmem>>, vector<1x16xf32>,
    %broadcast_in_dim3A_60 = arith.constant 0.000000e+00 : f32
    %broadcast_in_dim3A_61 = vector.broadcast %broadcast_in_dim3A_60 : f32 to vector<16xf32>
    %swap3A_62 = arith.constant 0 : i32
    %swap3A_63 = arith.index_cast %swap3A_62 : i32 to index
    %swap3A_64 = arith.constant 96 : index
    %swap3A_65 = tpu.vector_load %arg14[%swap3A_63, %swap3A_64] {strides = array<i32>} : memref<16x128xf32, #tpu.memory_space<vmem>>, vector<1x16xf32>,
    %swap3A_66 = vector.shape_cast %swap3A_65 : vector<1x16xf32> to vector<16xf32>
    %swap3A_67 = vector.shape_cast %broadcast_in_dim3A_61 : vector<16xf32> to vector<1x16xf32>
    tpu.vector_store %arg14[%swap3A_63, %swap3A_64], %swap3A_67 {strides = array<i32>} : memref<16x128xf32, #tpu.memory_space<vmem>>, vector<1x16xf32>,
    %broadcast_in_dim3A_68 = arith.constant 0.000000e+00 : f32
    %broadcast_in_dim3A_69 = vector.broadcast %broadcast_in_dim3A_68 : f32 to vector<16xf32>
    %swap3A_70 = arith.constant 0 : i32
    %swap3A_71 = arith.index_cast %swap3A_70 : i32 to index
    %swap3A_72 = arith.constant 112 : index
    %swap3A_73 = tpu.vector_load %arg14[%swap3A_71, %swap3A_72] {strides = array<i32>} : memref<16x128xf32, #tpu.memory_space<vmem>>, vector<1x16xf32>,
    %swap3A_74 = vector.shape_cast %swap3A_73 : vector<1x16xf32> to vector<16xf32>
    %swap3A_75 = vector.shape_cast %broadcast_in_dim3A_69 : vector<16xf32> to vector<1x16xf32>
    tpu.vector_store %arg14[%swap3A_71, %swap3A_72], %swap3A_75 {strides = array<i32>} : memref<16x128xf32, #tpu.memory_space<vmem>>, vector<1x16xf32>,
    %broadcast_in_dim3A_76 = arith.constant 0.000000e+00 : f32
    %broadcast_in_dim3A_77 = vector.broadcast %broadcast_in_dim3A_76 : f32 to vector<16xf32>
    %swap3A_78 = arith.constant 1 : i32
    %swap3A_79 = arith.index_cast %swap3A_78 : i32 to index
    %swap3A_80 = arith.constant 0 : index
    %swap3A_81 = tpu.vector_load %arg14[%swap3A_79, %swap3A_80] {strides = array<i32>} : memref<16x128xf32, #tpu.memory_space<vmem>>, vector<1x16xf32>,
    %swap3A_82 = vector.shape_cast %swap3A_81 : vector<1x16xf32> to vector<16xf32>
    %swap3A_83 = vector.shape_cast %broadcast_in_dim3A_77 : vector<16xf32> to vector<1x16xf32>
    tpu.vector_store %arg14[%swap3A_79, %swap3A_80], %swap3A_83 {strides = array<i32>} : memref<16x128xf32, #tpu.memory_space<vmem>>, vector<1x16xf32>,
    %broadcast_in_dim3A_84 = arith.constant 0.000000e+00 : f32
    %broadcast_in_dim3A_85 = vector.broadcast %broadcast_in_dim3A_84 : f32 to vector<16xf32>
    %swap3A_86 = arith.constant 1 : i32
    %swap3A_87 = arith.index_cast %swap3A_86 : i32 to index
    %swap3A_88 = arith.constant 16 : index
    %swap3A_89 = tpu.vector_load %arg14[%swap3A_87, %swap3A_88] {strides = array<i32>} : memref<16x128xf32, #tpu.memory_space<vmem>>, vector<1x16xf32>,
    %swap3A_90 = vector.shape_cast %swap3A_89 : vector<1x16xf32> to vector<16xf32>
    %swap3A_91 = vector.shape_cast %broadcast_in_dim3A_85 : vector<16xf32> to vector<1x16xf32>
    tpu.vector_store %arg14[%swap3A_87, %swap3A_88], %swap3A_91 {strides = array<i32>} : memref<16x128xf32, #tpu.memory_space<vmem>>, vector<1x16xf32>,
    %broadcast_in_dim3A_92 = arith.constant 0.000000e+00 : f32
    %broadcast_in_dim3A_93 = vector.broadcast %broadcast_in_dim3A_92 : f32 to vector<16xf32>
    %swap3A_94 = arith.constant 1 : i32
    %swap3A_95 = arith.index_cast %swap3A_94 : i32 to index
    %swap3A_96 = arith.constant 32 : index
    %swap3A_97 = tpu.vector_load %arg14[%swap3A_95, %swap3A_96] {strides = array<i32>} : memref<16x128xf32, #tpu.memory_space<vmem>>, vector<1x16xf32>,
    %swap3A_98 = vector.shape_cast %swap3A_97 : vector<1x16xf32> to vector<16xf32>
    %swap3A_99 = vector.shape_cast %broadcast_in_dim3A_93 : vector<16xf32> to vector<1x16xf32>
    tpu.vector_store %arg14[%swap3A_95, %swap3A_96], %swap3A_99 {strides = array<i32>} : memref<16x128xf32, #tpu.memory_space<vmem>>, vector<1x16xf32>,
    %broadcast_in_dim3A_100 = arith.constant 0.000000e+00 : f32
    %broadcast_in_dim3A_101 = vector.broadcast %broadcast_in_dim3A_100 : f32 to vector<16xf32>
    %swap3A_102 = arith.constant 1 : i32
    %swap3A_103 = arith.index_cast %swap3A_102 : i32 to index
    %swap3A_104 = arith.constant 48 : index
    %swap3A_105 = tpu.vector_load %arg14[%swap3A_103, %swap3A_104] {strides = array<i32>} : memref<16x128xf32, #tpu.memory_space<vmem>>, vector<1x16xf32>,
    %swap3A_106 = vector.shape_cast %swap3A_105 : vector<1x16xf32> to vector<16xf32>
    %swap3A_107 = vector.shape_cast %broadcast_in_dim3A_101 : vector<16xf32> to vector<1x16xf32>
    tpu.vector_store %arg14[%swap3A_103, %swap3A_104], %swap3A_107 {strides = array<i32>} : memref<16x128xf32, #tpu.memory_space<vmem>>, vector<1x16xf32>,
    %broadcast_in_dim3A_108 = arith.constant 0.000000e+00 : f32
    %broadcast_in_dim3A_109 = vector.broadcast %broadcast_in_dim3A_108 : f32 to vector<16xf32>
    %swap3A_110 = arith.constant 1 : i32
    %swap3A_111 = arith.index_cast %swap3A_110 : i32 to index
    %swap3A_112 = arith.constant 64 : index
    %swap3A_113 = tpu.vector_load %arg14[%swap3A_111, %swap3A_112] {strides = array<i32>} : memref<16x128xf32, #tpu.memory_space<vmem>>, vector<1x16xf32>,
    %swap3A_114 = vector.shape_cast %swap3A_113 : vector<1x16xf32> to vector<16xf32>
    %swap3A_115 = vector.shape_cast %broadcast_in_dim3A_109 : vector<16xf32> to vector<1x16xf32>
    tpu.vector_store %arg14[%swap3A_111, %swap3A_112], %swap3A_115 {strides = array<i32>} : memref<16x128xf32, #tpu.memory_space<vmem>>, vector<1x16xf32>,
    %broadcast_in_dim3A_116 = arith.constant 0.000000e+00 : f32
    %broadcast_in_dim3A_117 = vector.broadcast %broadcast_in_dim3A_116 : f32 to vector<16xf32>
    %swap3A_118 = arith.constant 1 : i32
    %swap3A_119 = arith.index_cast %swap3A_118 : i32 to index
    %swap3A_120 = arith.constant 80 : index
    %swap3A_121 = tpu.vector_load %arg14[%swap3A_119, %swap3A_120] {strides = array<i32>} : memref<16x128xf32, #tpu.memory_space<vmem>>, vector<1x16xf32>,
    %swap3A_122 = vector.shape_cast %swap3A_121 : vector<1x16xf32> to vector<16xf32>
    %swap3A_123 = vector.shape_cast %broadcast_in_dim3A_117 : vector<16xf32> to vector<1x16xf32>
    tpu.vector_store %arg14[%swap3A_119, %swap3A_120], %swap3A_123 {strides = array<i32>} : memref<16x128xf32, #tpu.memory_space<vmem>>, vector<1x16xf32>,
    %broadcast_in_dim3A_124 = arith.constant 0.000000e+00 : f32
    %broadcast_in_dim3A_125 = vector.broadcast %broadcast_in_dim3A_124 : f32 to vector<16xf32>
    %swap3A_126 = arith.constant 1 : i32
    %swap3A_127 = arith.index_cast %swap3A_126 : i32 to index
    %swap3A_128 = arith.constant 96 : index
    %swap3A_129 = tpu.vector_load %arg14[%swap3A_127, %swap3A_128] {strides = array<i32>} : memref<16x128xf32, #tpu.memory_space<vmem>>, vector<1x16xf32>,
    %swap3A_130 = vector.shape_cast %swap3A_129 : vector<1x16xf32> to vector<16xf32>
    %swap3A_131 = vector.shape_cast %broadcast_in_dim3A_125 : vector<16xf32> to vector<1x16xf32>
    tpu.vector_store %arg14[%swap3A_127, %swap3A_128], %swap3A_131 {strides = array<i32>} : memref<16x128xf32, #tpu.memory_space<vmem>>, vector<1x16xf32>,
    %broadcast_in_dim3A_132 = arith.constant 0.000000e+00 : f32
    %broadcast_in_dim3A_133 = vector.broadcast %broadcast_in_dim3A_132 : f32 to vector<16xf32>
    %swap3A_134 = arith.constant 1 : i32
    %swap3A_135 = arith.index_cast %swap3A_134 : i32 to index
    %swap3A_136 = arith.constant 112 : index
    %swap3A_137 = tpu.vector_load %arg14[%swap3A_135, %swap3A_136] {strides = array<i32>} : memref<16x128xf32, #tpu.memory_space<vmem>>, vector<1x16xf32>,
    %swap3A_138 = vector.shape_cast %swap3A_137 : vector<1x16xf32> to vector<16xf32>
    %swap3A_139 = vector.shape_cast %broadcast_in_dim3A_133 : vector<16xf32> to vector<1x16xf32>
    tpu.vector_store %arg14[%swap3A_135, %swap3A_136], %swap3A_139 {strides = array<i32>} : memref<16x128xf32, #tpu.memory_space<vmem>>, vector<1x16xf32>,
    %broadcast_in_dim3A_140 = arith.constant 0.000000e+00 : f32
    %broadcast_in_dim3A_141 = vector.broadcast %broadcast_in_dim3A_140 : f32 to vector<16xf32>
    %swap3A_142 = arith.constant 2 : i32
    %swap3A_143 = arith.index_cast %swap3A_142 : i32 to index
    %swap3A_144 = arith.constant 0 : index
    %swap3A_145 = tpu.vector_load %arg14[%swap3A_143, %swap3A_144] {strides = array<i32>} : memref<16x128xf32, #tpu.memory_space<vmem>>, vector<1x16xf32>,
    %swap3A_146 = vector.shape_cast %swap3A_145 : vector<1x16xf32> to vector<16xf32>
    %swap3A_147 = vector.shape_cast %broadcast_in_dim3A_141 : vector<16xf32> to vector<1x16xf32>
    tpu.vector_store %arg14[%swap3A_143, %swap3A_144], %swap3A_147 {strides = array<i32>} : memref<16x128xf32, #tpu.memory_space<vmem>>, vector<1x16xf32>,
    %broadcast_in_dim3A_148 = arith.constant 0.000000e+00 : f32
    %broadcast_in_dim3A_149 = vector.broadcast %broadcast_in_dim3A_148 : f32 to vector<16xf32>
    %swap3A_150 = arith.constant 2 : i32
    %swap3A_151 = arith.index_cast %swap3A_150 : i32 to index
    %swap3A_152 = arith.constant 16 : index
    %swap3A_153 = tpu.vector_load %arg14[%swap3A_151, %swap3A_152] {strides = array<i32>} : memref<16x128xf32, #tpu.memory_space<vmem>>, vector<1x16xf32>,
    %swap3A_154 = vector.shape_cast %swap3A_153 : vector<1x16xf32> to vector<16xf32>
    %swap3A_155 = vector.shape_cast %broadcast_in_dim3A_149 : vector<16xf32> to vector<1x16xf32>
    tpu.vector_store %arg14[%swap3A_151, %swap3A_152], %swap3A_155 {strides = array<i32>} : memref<16x128xf32, #tpu.memory_space<vmem>>, vector<1x16xf32>,
    %broadcast_in_dim3A_156 = arith.constant 0.000000e+00 : f32
    %broadcast_in_dim3A_157 = vector.broadcast %broadcast_in_dim3A_156 : f32 to vector<16xf32>
    %swap3A_158 = arith.constant 2 : i32
    %swap3A_159 = arith.index_cast %swap3A_158 : i32 to index
    %swap3A_160 = arith.constant 32 : index
    %swap3A_161 = tpu.vector_load %arg14[%swap3A_159, %swap3A_160] {strides = array<i32>} : memref<16x128xf32, #tpu.memory_space<vmem>>, vector<1x16xf32>,
    %swap3A_162 = vector.shape_cast %swap3A_161 : vector<1x16xf32> to vector<16xf32>
    %swap3A_163 = vector.shape_cast %broadcast_in_dim3A_157 : vector<16xf32> to vector<1x16xf32>
    tpu.vector_store %arg14[%swap3A_159, %swap3A_160], %swap3A_163 {strides = array<i32>} : memref<16x128xf32, #tpu.memory_space<vmem>>, vector<1x16xf32>,
    %broadcast_in_dim3A_164 = arith.constant 0.000000e+00 : f32
    %broadcast_in_dim3A_165 = vector.broadcast %broadcast_in_dim3A_164 : f32 to vector<16xf32>
    %swap3A_166 = arith.constant 2 : i32
    %swap3A_167 = arith.index_cast %swap3A_166 : i32 to index
    %swap3A_168 = arith.constant 48 : index
    %swap3A_169 = tpu.vector_load %arg14[%swap3A_167, %swap3A_168] {strides = array<i32>} : memref<16x128xf32, #tpu.memory_space<vmem>>, vector<1x16xf32>,
    %swap3A_170 = vector.shape_cast %swap3A_169 : vector<1x16xf32> to vector<16xf32>
    %swap3A_171 = vector.shape_cast %broadcast_in_dim3A_165 : vector<16xf32> to vector<1x16xf32>
    tpu.vector_store %arg14[%swap3A_167, %swap3A_168], %swap3A_171 {strides = array<i32>} : memref<16x128xf32, #tpu.memory_space<vmem>>, vector<1x16xf32>,
    %broadcast_in_dim3A_172 = arith.constant 0.000000e+00 : f32
    %broadcast_in_dim3A_173 = vector.broadcast %broadcast_in_dim3A_172 : f32 to vector<16xf32>
    %swap3A_174 = arith.constant 2 : i32
    %swap3A_175 = arith.index_cast %swap3A_174 : i32 to index
    %swap3A_176 = arith.constant 64 : index
    %swap3A_177 = tpu.vector_load %arg14[%swap3A_175, %swap3A_176] {strides = array<i32>} : memref<16x128xf32, #tpu.memory_space<vmem>>, vector<1x16xf32>,
    %swap3A_178 = vector.shape_cast %swap3A_177 : vector<1x16xf32> to vector<16xf32>
    %swap3A_179 = vector.shape_cast %broadcast_in_dim3A_173 : vector<16xf32> to vector<1x16xf32>
    tpu.vector_store %arg14[%swap3A_175, %swap3A_176], %swap3A_179 {strides = array<i32>} : memref<16x128xf32, #tpu.memory_space<vmem>>, vector<1x16xf32>,
    %broadcast_in_dim3A_180 = arith.constant 0.000000e+00 : f32
    %broadcast_in_dim3A_181 = vector.broadcast %broadcast_in_dim3A_180 : f32 to vector<16xf32>
    %swap3A_182 = arith.constant 2 : i32
    %swap3A_183 = arith.index_cast %swap3A_182 : i32 to index
    %swap3A_184 = arith.constant 80 : index
    %swap3A_185 = tpu.vector_load %arg14[%swap3A_183, %swap3A_184] {strides = array<i32>} : memref<16x128xf32, #tpu.memory_space<vmem>>, vector<1x16xf32>,
    %swap3A_186 = vector.shape_cast %swap3A_185 : vector<1x16xf32> to vector<16xf32>
    %swap3A_187 = vector.shape_cast %broadcast_in_dim3A_181 : vector<16xf32> to vector<1x16xf32>
    tpu.vector_store %arg14[%swap3A_183, %swap3A_184], %swap3A_187 {strides = array<i32>} : memref<16x128xf32, #tpu.memory_space<vmem>>, vector<1x16xf32>,
    %broadcast_in_dim3A_188 = arith.constant 0.000000e+00 : f32
    %broadcast_in_dim3A_189 = vector.broadcast %broadcast_in_dim3A_188 : f32 to vector<16xf32>
    %swap3A_190 = arith.constant 2 : i32
    %swap3A_191 = arith.index_cast %swap3A_190 : i32 to index
    %swap3A_192 = arith.constant 96 : index
    %swap3A_193 = tpu.vector_load %arg14[%swap3A_191, %swap3A_192] {strides = array<i32>} : memref<16x128xf32, #tpu.memory_space<vmem>>, vector<1x16xf32>,
    %swap3A_194 = vector.shape_cast %swap3A_193 : vector<1x16xf32> to vector<16xf32>
    %swap3A_195 = vector.shape_cast %broadcast_in_dim3A_189 : vector<16xf32> to vector<1x16xf32>
    tpu.vector_store %arg14[%swap3A_191, %swap3A_192], %swap3A_195 {strides = array<i32>} : memref<16x128xf32, #tpu.memory_space<vmem>>, vector<1x16xf32>,
    %broadcast_in_dim3A_196 = arith.constant 0.000000e+00 : f32
    %broadcast_in_dim3A_197 = vector.broadcast %broadcast_in_dim3A_196 : f32 to vector<16xf32>
    %swap3A_198 = arith.constant 2 : i32
    %swap3A_199 = arith.index_cast %swap3A_198 : i32 to index
    %swap3A_200 = arith.constant 112 : index
    %swap3A_201 = tpu.vector_load %arg14[%swap3A_199, %swap3A_200] {strides = array<i32>} : memref<16x128xf32, #tpu.memory_space<vmem>>, vector<1x16xf32>,
    %swap3A_202 = vector.shape_cast %swap3A_201 : vector<1x16xf32> to vector<16xf32>
    %swap3A_203 = vector.shape_cast %broadcast_in_dim3A_197 : vector<16xf32> to vector<1x16xf32>
    tpu.vector_store %arg14[%swap3A_199, %swap3A_200], %swap3A_203 {strides = array<i32>} : memref<16x128xf32, #tpu.memory_space<vmem>>, vector<1x16xf32>,
    %broadcast_in_dim3A_204 = arith.constant 0.000000e+00 : f32
    %broadcast_in_dim3A_205 = vector.broadcast %broadcast_in_dim3A_204 : f32 to vector<16xf32>
    %swap3A_206 = arith.constant 3 : i32
    %swap3A_207 = arith.index_cast %swap3A_206 : i32 to index
    %swap3A_208 = arith.constant 0 : index
    %swap3A_209 = tpu.vector_load %arg14[%swap3A_207, %swap3A_208] {strides = array<i32>} : memref<16x128xf32, #tpu.memory_space<vmem>>, vector<1x16xf32>,
    %swap3A_210 = vector.shape_cast %swap3A_209 : vector<1x16xf32> to vector<16xf32>
    %swap3A_211 = vector.shape_cast %broadcast_in_dim3A_205 : vector<16xf32> to vector<1x16xf32>
    tpu.vector_store %arg14[%swap3A_207, %swap3A_208], %swap3A_211 {strides = array<i32>} : memref<16x128xf32, #tpu.memory_space<vmem>>, vector<1x16xf32>,
    %broadcast_in_dim3A_212 = arith.constant 0.000000e+00 : f32
    %broadcast_in_dim3A_213 = vector.broadcast %broadcast_in_dim3A_212 : f32 to vector<16xf32>
    %swap3A_214 = arith.constant 3 : i32
    %swap3A_215 = arith.index_cast %swap3A_214 : i32 to index
    %swap3A_216 = arith.constant 16 : index
    %swap3A_217 = tpu.vector_load %arg14[%swap3A_215, %swap3A_216] {strides = array<i32>} : memref<16x128xf32, #tpu.memory_space<vmem>>, vector<1x16xf32>,
    %swap3A_218 = vector.shape_cast %swap3A_217 : vector<1x16xf32> to vector<16xf32>
    %swap3A_219 = vector.shape_cast %broadcast_in_dim3A_213 : vector<16xf32> to vector<1x16xf32>
    tpu.vector_store %arg14[%swap3A_215, %swap3A_216], %swap3A_219 {strides = array<i32>} : memref<16x128xf32, #tpu.memory_space<vmem>>, vector<1x16xf32>,
    %broadcast_in_dim3A_220 = arith.constant 0.000000e+00 : f32
    %broadcast_in_dim3A_221 = vector.broadcast %broadcast_in_dim3A_220 : f32 to vector<16xf32>
    %swap3A_222 = arith.constant 3 : i32
    %swap3A_223 = arith.index_cast %swap3A_222 : i32 to index
    %swap3A_224 = arith.constant 32 : index
    %swap3A_225 = tpu.vector_load %arg14[%swap3A_223, %swap3A_224] {strides = array<i32>} : memref<16x128xf32, #tpu.memory_space<vmem>>, vector<1x16xf32>,
    %swap3A_226 = vector.shape_cast %swap3A_225 : vector<1x16xf32> to vector<16xf32>
    %swap3A_227 = vector.shape_cast %broadcast_in_dim3A_221 : vector<16xf32> to vector<1x16xf32>
    tpu.vector_store %arg14[%swap3A_223, %swap3A_224], %swap3A_227 {strides = array<i32>} : memref<16x128xf32, #tpu.memory_space<vmem>>, vector<1x16xf32>,
    %broadcast_in_dim3A_228 = arith.constant 0.000000e+00 : f32
    %broadcast_in_dim3A_229 = vector.broadcast %broadcast_in_dim3A_228 : f32 to vector<16xf32>
    %swap3A_230 = arith.constant 3 : i32
    %swap3A_231 = arith.index_cast %swap3A_230 : i32 to index
    %swap3A_232 = arith.constant 48 : index
    %swap3A_233 = tpu.vector_load %arg14[%swap3A_231, %swap3A_232] {strides = array<i32>} : memref<16x128xf32, #tpu.memory_space<vmem>>, vector<1x16xf32>,
    %swap3A_234 = vector.shape_cast %swap3A_233 : vector<1x16xf32> to vector<16xf32>
    %swap3A_235 = vector.shape_cast %broadcast_in_dim3A_229 : vector<16xf32> to vector<1x16xf32>
    tpu.vector_store %arg14[%swap3A_231, %swap3A_232], %swap3A_235 {strides = array<i32>} : memref<16x128xf32, #tpu.memory_space<vmem>>, vector<1x16xf32>,
    %broadcast_in_dim3A_236 = arith.constant 0.000000e+00 : f32
    %broadcast_in_dim3A_237 = vector.broadcast %broadcast_in_dim3A_236 : f32 to vector<16xf32>
    %swap3A_238 = arith.constant 3 : i32
    %swap3A_239 = arith.index_cast %swap3A_238 : i32 to index
    %swap3A_240 = arith.constant 64 : index
    %swap3A_241 = tpu.vector_load %arg14[%swap3A_239, %swap3A_240] {strides = array<i32>} : memref<16x128xf32, #tpu.memory_space<vmem>>, vector<1x16xf32>,
    %swap3A_242 = vector.shape_cast %swap3A_241 : vector<1x16xf32> to vector<16xf32>
    %swap3A_243 = vector.shape_cast %broadcast_in_dim3A_237 : vector<16xf32> to vector<1x16xf32>
    tpu.vector_store %arg14[%swap3A_239, %swap3A_240], %swap3A_243 {strides = array<i32>} : memref<16x128xf32, #tpu.memory_space<vmem>>, vector<1x16xf32>,
    %broadcast_in_dim3A_244 = arith.constant 0.000000e+00 : f32
    %broadcast_in_dim3A_245 = vector.broadcast %broadcast_in_dim3A_244 : f32 to vector<16xf32>
    %swap3A_246 = arith.constant 3 : i32
    %swap3A_247 = arith.index_cast %swap3A_246 : i32 to index
    %swap3A_248 = arith.constant 80 : index
    %swap3A_249 = tpu.vector_load %arg14[%swap3A_247, %swap3A_248] {strides = array<i32>} : memref<16x128xf32, #tpu.memory_space<vmem>>, vector<1x16xf32>,
    %swap3A_250 = vector.shape_cast %swap3A_249 : vector<1x16xf32> to vector<16xf32>
    %swap3A_251 = vector.shape_cast %broadcast_in_dim3A_245 : vector<16xf32> to vector<1x16xf32>
    tpu.vector_store %arg14[%swap3A_247, %swap3A_248], %swap3A_251 {strides = array<i32>} : memref<16x128xf32, #tpu.memory_space<vmem>>, vector<1x16xf32>,
    %broadcast_in_dim3A_252 = arith.constant 0.000000e+00 : f32
    %broadcast_in_dim3A_253 = vector.broadcast %broadcast_in_dim3A_252 : f32 to vector<16xf32>
    %swap3A_254 = arith.constant 3 : i32
    %swap3A_255 = arith.index_cast %swap3A_254 : i32 to index
    %swap3A_256 = arith.constant 96 : index
    %swap3A_257 = tpu.vector_load %arg14[%swap3A_255, %swap3A_256] {strides = array<i32>} : memref<16x128xf32, #tpu.memory_space<vmem>>, vector<1x16xf32>,
    %swap3A_258 = vector.shape_cast %swap3A_257 : vector<1x16xf32> to vector<16xf32>
    %swap3A_259 = vector.shape_cast %broadcast_in_dim3A_253 : vector<16xf32> to vector<1x16xf32>
    tpu.vector_store %arg14[%swap3A_255, %swap3A_256], %swap3A_259 {strides = array<i32>} : memref<16x128xf32, #tpu.memory_space<vmem>>, vector<1x16xf32>,
    %broadcast_in_dim3A_260 = arith.constant 0.000000e+00 : f32
    %broadcast_in_dim3A_261 = vector.broadcast %broadcast_in_dim3A_260 : f32 to vector<16xf32>
    %swap3A_262 = arith.constant 3 : i32
    %swap3A_263 = arith.index_cast %swap3A_262 : i32 to index
    %swap3A_264 = arith.constant 112 : index
    %swap3A_265 = tpu.vector_load %arg14[%swap3A_263, %swap3A_264] {strides = array<i32>} : memref<16x128xf32, #tpu.memory_space<vmem>>, vector<1x16xf32>,
    %swap3A_266 = vector.shape_cast %swap3A_265 : vector<1x16xf32> to vector<16xf32>
    %swap3A_267 = vector.shape_cast %broadcast_in_dim3A_261 : vector<16xf32> to vector<1x16xf32>
    tpu.vector_store %arg14[%swap3A_263, %swap3A_264], %swap3A_267 {strides = array<i32>} : memref<16x128xf32, #tpu.memory_space<vmem>>, vector<1x16xf32>,
    %broadcast_in_dim3A_268 = arith.constant 0.000000e+00 : f32
    %broadcast_in_dim3A_269 = vector.broadcast %broadcast_in_dim3A_268 : f32 to vector<16xf32>
    %swap3A_270 = arith.constant 4 : i32
    %swap3A_271 = arith.index_cast %swap3A_270 : i32 to index
    %swap3A_272 = arith.constant 0 : index
    %swap3A_273 = tpu.vector_load %arg14[%swap3A_271, %swap3A_272] {strides = array<i32>} : memref<16x128xf32, #tpu.memory_space<vmem>>, vector<1x16xf32>,
    %swap3A_274 = vector.shape_cast %swap3A_273 : vector<1x16xf32> to vector<16xf32>
    %swap3A_275 = vector.shape_cast %broadcast_in_dim3A_269 : vector<16xf32> to vector<1x16xf32>
    tpu.vector_store %arg14[%swap3A_271, %swap3A_272], %swap3A_275 {strides = array<i32>} : memref<16x128xf32, #tpu.memory_space<vmem>>, vector<1x16xf32>,
    %broadcast_in_dim3A_276 = arith.constant 0.000000e+00 : f32
    %broadcast_in_dim3A_277 = vector.broadcast %broadcast_in_dim3A_276 : f32 to vector<16xf32>
    %swap3A_278 = arith.constant 4 : i32
    %swap3A_279 = arith.index_cast %swap3A_278 : i32 to index
    %swap3A_280 = arith.constant 16 : index
    %swap3A_281 = tpu.vector_load %arg14[%swap3A_279, %swap3A_280] {strides = array<i32>} : memref<16x128xf32, #tpu.memory_space<vmem>>, vector<1x16xf32>,
    %swap3A_282 = vector.shape_cast %swap3A_281 : vector<1x16xf32> to vector<16xf32>
    %swap3A_283 = vector.shape_cast %broadcast_in_dim3A_277 : vector<16xf32> to vector<1x16xf32>
    tpu.vector_store %arg14[%swap3A_279, %swap3A_280], %swap3A_283 {strides = array<i32>} : memref<16x128xf32, #tpu.memory_space<vmem>>, vector<1x16xf32>,
    %broadcast_in_dim3A_284 = arith.constant 0.000000e+00 : f32
    %broadcast_in_dim3A_285 = vector.broadcast %broadcast_in_dim3A_284 : f32 to vector<16xf32>
    %swap3A_286 = arith.constant 4 : i32
    %swap3A_287 = arith.index_cast %swap3A_286 : i32 to index
    %swap3A_288 = arith.constant 32 : index
    %swap3A_289 = tpu.vector_load %arg14[%swap3A_287, %swap3A_288] {strides = array<i32>} : memref<16x128xf32, #tpu.memory_space<vmem>>, vector<1x16xf32>,
    %swap3A_290 = vector.shape_cast %swap3A_289 : vector<1x16xf32> to vector<16xf32>
    %swap3A_291 = vector.shape_cast %broadcast_in_dim3A_285 : vector<16xf32> to vector<1x16xf32>
    tpu.vector_store %arg14[%swap3A_287, %swap3A_288], %swap3A_291 {strides = array<i32>} : memref<16x128xf32, #tpu.memory_space<vmem>>, vector<1x16xf32>,
    %broadcast_in_dim3A_292 = arith.constant 0.000000e+00 : f32
    %broadcast_in_dim3A_293 = vector.broadcast %broadcast_in_dim3A_292 : f32 to vector<16xf32>
    %swap3A_294 = arith.constant 4 : i32
    %swap3A_295 = arith.index_cast %swap3A_294 : i32 to index
    %swap3A_296 = arith.constant 48 : index
    %swap3A_297 = tpu.vector_load %arg14[%swap3A_295, %swap3A_296] {strides = array<i32>} : memref<16x128xf32, #tpu.memory_space<vmem>>, vector<1x16xf32>,
    %swap3A_298 = vector.shape_cast %swap3A_297 : vector<1x16xf32> to vector<16xf32>
    %swap3A_299 = vector.shape_cast %broadcast_in_dim3A_293 : vector<16xf32> to vector<1x16xf32>
    tpu.vector_store %arg14[%swap3A_295, %swap3A_296], %swap3A_299 {strides = array<i32>} : memref<16x128xf32, #tpu.memory_space<vmem>>, vector<1x16xf32>,
    %broadcast_in_dim3A_300 = arith.constant 0.000000e+00 : f32
    %broadcast_in_dim3A_301 = vector.broadcast %broadcast_in_dim3A_300 : f32 to vector<16xf32>
    %swap3A_302 = arith.constant 4 : i32
    %swap3A_303 = arith.index_cast %swap3A_302 : i32 to index
    %swap3A_304 = arith.constant 64 : index
    %swap3A_305 = tpu.vector_load %arg14[%swap3A_303, %swap3A_304] {strides = array<i32>} : memref<16x128xf32, #tpu.memory_space<vmem>>, vector<1x16xf32>,
    %swap3A_306 = vector.shape_cast %swap3A_305 : vector<1x16xf32> to vector<16xf32>
    %swap3A_307 = vector.shape_cast %broadcast_in_dim3A_301 : vector<16xf32> to vector<1x16xf32>
    tpu.vector_store %arg14[%swap3A_303, %swap3A_304], %swap3A_307 {strides = array<i32>} : memref<16x128xf32, #tpu.memory_space<vmem>>, vector<1x16xf32>,
    %broadcast_in_dim3A_308 = arith.constant 0.000000e+00 : f32
    %broadcast_in_dim3A_309 = vector.broadcast %broadcast_in_dim3A_308 : f32 to vector<16xf32>
    %swap3A_310 = arith.constant 4 : i32
    %swap3A_311 = arith.index_cast %swap3A_310 : i32 to index
    %swap3A_312 = arith.constant 80 : index
    %swap3A_313 = tpu.vector_load %arg14[%swap3A_311, %swap3A_312] {strides = array<i32>} : memref<16x128xf32, #tpu.memory_space<vmem>>, vector<1x16xf32>,
    %swap3A_314 = vector.shape_cast %swap3A_313 : vector<1x16xf32> to vector<16xf32>
    %swap3A_315 = vector.shape_cast %broadcast_in_dim3A_309 : vector<16xf32> to vector<1x16xf32>
    tpu.vector_store %arg14[%swap3A_311, %swap3A_312], %swap3A_315 {strides = array<i32>} : memref<16x128xf32, #tpu.memory_space<vmem>>, vector<1x16xf32>,
    %broadcast_in_dim3A_316 = arith.constant 0.000000e+00 : f32
    %broadcast_in_dim3A_317 = vector.broadcast %broadcast_in_dim3A_316 : f32 to vector<16xf32>
    %swap3A_318 = arith.constant 4 : i32
    %swap3A_319 = arith.index_cast %swap3A_318 : i32 to index
    %swap3A_320 = arith.constant 96 : index
    %swap3A_321 = tpu.vector_load %arg14[%swap3A_319, %swap3A_320] {strides = array<i32>} : memref<16x128xf32, #tpu.memory_space<vmem>>, vector<1x16xf32>,
    %swap3A_322 = vector.shape_cast %swap3A_321 : vector<1x16xf32> to vector<16xf32>
    %swap3A_323 = vector.shape_cast %broadcast_in_dim3A_317 : vector<16xf32> to vector<1x16xf32>
    tpu.vector_store %arg14[%swap3A_319, %swap3A_320], %swap3A_323 {strides = array<i32>} : memref<16x128xf32, #tpu.memory_space<vmem>>, vector<1x16xf32>,
    %broadcast_in_dim3A_324 = arith.constant 0.000000e+00 : f32
    %broadcast_in_dim3A_325 = vector.broadcast %broadcast_in_dim3A_324 : f32 to vector<16xf32>
    %swap3A_326 = arith.constant 4 : i32
    %swap3A_327 = arith.index_cast %swap3A_326 : i32 to index
    %swap3A_328 = arith.constant 112 : index
    %swap3A_329 = tpu.vector_load %arg14[%swap3A_327, %swap3A_328] {strides = array<i32>} : memref<16x128xf32, #tpu.memory_space<vmem>>, vector<1x16xf32>,
    %swap3A_330 = vector.shape_cast %swap3A_329 : vector<1x16xf32> to vector<16xf32>
    %swap3A_331 = vector.shape_cast %broadcast_in_dim3A_325 : vector<16xf32> to vector<1x16xf32>
    tpu.vector_store %arg14[%swap3A_327, %swap3A_328], %swap3A_331 {strides = array<i32>} : memref<16x128xf32, #tpu.memory_space<vmem>>, vector<1x16xf32>,
    %broadcast_in_dim3A_332 = arith.constant 0.000000e+00 : f32
    %broadcast_in_dim3A_333 = vector.broadcast %broadcast_in_dim3A_332 : f32 to vector<16xf32>
    %swap3A_334 = arith.constant 5 : i32
    %swap3A_335 = arith.index_cast %swap3A_334 : i32 to index
    %swap3A_336 = arith.constant 0 : index
    %swap3A_337 = tpu.vector_load %arg14[%swap3A_335, %swap3A_336] {strides = array<i32>} : memref<16x128xf32, #tpu.memory_space<vmem>>, vector<1x16xf32>,
    %swap3A_338 = vector.shape_cast %swap3A_337 : vector<1x16xf32> to vector<16xf32>
    %swap3A_339 = vector.shape_cast %broadcast_in_dim3A_333 : vector<16xf32> to vector<1x16xf32>
    tpu.vector_store %arg14[%swap3A_335, %swap3A_336], %swap3A_339 {strides = array<i32>} : memref<16x128xf32, #tpu.memory_space<vmem>>, vector<1x16xf32>,
    %broadcast_in_dim3A_340 = arith.constant 0.000000e+00 : f32
    %broadcast_in_dim3A_341 = vector.broadcast %broadcast_in_dim3A_340 : f32 to vector<16xf32>
    %swap3A_342 = arith.constant 5 : i32
    %swap3A_343 = arith.index_cast %swap3A_342 : i32 to index
    %swap3A_344 = arith.constant 16 : index
    %swap3A_345 = tpu.vector_load %arg14[%swap3A_343, %swap3A_344] {strides = array<i32>} : memref<16x128xf32, #tpu.memory_space<vmem>>, vector<1x16xf32>,
    %swap3A_346 = vector.shape_cast %swap3A_345 : vector<1x16xf32> to vector<16xf32>
    %swap3A_347 = vector.shape_cast %broadcast_in_dim3A_341 : vector<16xf32> to vector<1x16xf32>
    tpu.vector_store %arg14[%swap3A_343, %swap3A_344], %swap3A_347 {strides = array<i32>} : memref<16x128xf32, #tpu.memory_space<vmem>>, vector<1x16xf32>,
    %broadcast_in_dim3A_348 = arith.constant 0.000000e+00 : f32
    %broadcast_in_dim3A_349 = vector.broadcast %broadcast_in_dim3A_348 : f32 to vector<16xf32>
    %swap3A_350 = arith.constant 5 : i32
    %swap3A_351 = arith.index_cast %swap3A_350 : i32 to index
    %swap3A_352 = arith.constant 32 : index
    %swap3A_353 = tpu.vector_load %arg14[%swap3A_351, %swap3A_352] {strides = array<i32>} : memref<16x128xf32, #tpu.memory_space<vmem>>, vector<1x16xf32>,
    %swap3A_354 = vector.shape_cast %swap3A_353 : vector<1x16xf32> to vector<16xf32>
    %swap3A_355 = vector.shape_cast %broadcast_in_dim3A_349 : vector<16xf32> to vector<1x16xf32>
    tpu.vector_store %arg14[%swap3A_351, %swap3A_352], %swap3A_355 {strides = array<i32>} : memref<16x128xf32, #tpu.memory_space<vmem>>, vector<1x16xf32>,
    %broadcast_in_dim3A_356 = arith.constant 0.000000e+00 : f32
    %broadcast_in_dim3A_357 = vector.broadcast %broadcast_in_dim3A_356 : f32 to vector<16xf32>
    %swap3A_358 = arith.constant 5 : i32
    %swap3A_359 = arith.index_cast %swap3A_358 : i32 to index
    %swap3A_360 = arith.constant 48 : index
    %swap3A_361 = tpu.vector_load %arg14[%swap3A_359, %swap3A_360] {strides = array<i32>} : memref<16x128xf32, #tpu.memory_space<vmem>>, vector<1x16xf32>,
    %swap3A_362 = vector.shape_cast %swap3A_361 : vector<1x16xf32> to vector<16xf32>
    %swap3A_363 = vector.shape_cast %broadcast_in_dim3A_357 : vector<16xf32> to vector<1x16xf32>
    tpu.vector_store %arg14[%swap3A_359, %swap3A_360], %swap3A_363 {strides = array<i32>} : memref<16x128xf32, #tpu.memory_space<vmem>>, vector<1x16xf32>,
    %broadcast_in_dim3A_364 = arith.constant 0.000000e+00 : f32
    %broadcast_in_dim3A_365 = vector.broadcast %broadcast_in_dim3A_364 : f32 to vector<16xf32>
    %swap3A_366 = arith.constant 5 : i32
    %swap3A_367 = arith.index_cast %swap3A_366 : i32 to index
    %swap3A_368 = arith.constant 64 : index
    %swap3A_369 = tpu.vector_load %arg14[%swap3A_367, %swap3A_368] {strides = array<i32>} : memref<16x128xf32, #tpu.memory_space<vmem>>, vector<1x16xf32>,
    %swap3A_370 = vector.shape_cast %swap3A_369 : vector<1x16xf32> to vector<16xf32>
    %swap3A_371 = vector.shape_cast %broadcast_in_dim3A_365 : vector<16xf32> to vector<1x16xf32>
    tpu.vector_store %arg14[%swap3A_367, %swap3A_368], %swap3A_371 {strides = array<i32>} : memref<16x128xf32, #tpu.memory_space<vmem>>, vector<1x16xf32>,
    %broadcast_in_dim3A_372 = arith.constant 0.000000e+00 : f32
    %broadcast_in_dim3A_373 = vector.broadcast %broadcast_in_dim3A_372 : f32 to vector<16xf32>
    %swap3A_374 = arith.constant 5 : i32
    %swap3A_375 = arith.index_cast %swap3A_374 : i32 to index
    %swap3A_376 = arith.constant 80 : index
    %swap3A_377 = tpu.vector_load %arg14[%swap3A_375, %swap3A_376] {strides = array<i32>} : memref<16x128xf32, #tpu.memory_space<vmem>>, vector<1x16xf32>,
    %swap3A_378 = vector.shape_cast %swap3A_377 : vector<1x16xf32> to vector<16xf32>
    %swap3A_379 = vector.shape_cast %broadcast_in_dim3A_373 : vector<16xf32> to vector<1x16xf32>
    tpu.vector_store %arg14[%swap3A_375, %swap3A_376], %swap3A_379 {strides = array<i32>} : memref<16x128xf32, #tpu.memory_space<vmem>>, vector<1x16xf32>,
    %broadcast_in_dim3A_380 = arith.constant 0.000000e+00 : f32
    %broadcast_in_dim3A_381 = vector.broadcast %broadcast_in_dim3A_380 : f32 to vector<16xf32>
    %swap3A_382 = arith.constant 5 : i32
    %swap3A_383 = arith.index_cast %swap3A_382 : i32 to index
    %swap3A_384 = arith.constant 96 : index
    %swap3A_385 = tpu.vector_load %arg14[%swap3A_383, %swap3A_384] {strides = array<i32>} : memref<16x128xf32, #tpu.memory_space<vmem>>, vector<1x16xf32>,
    %swap3A_386 = vector.shape_cast %swap3A_385 : vector<1x16xf32> to vector<16xf32>
    %swap3A_387 = vector.shape_cast %broadcast_in_dim3A_381 : vector<16xf32> to vector<1x16xf32>
    tpu.vector_store %arg14[%swap3A_383, %swap3A_384], %swap3A_387 {strides = array<i32>} : memref<16x128xf32, #tpu.memory_space<vmem>>, vector<1x16xf32>,
    %broadcast_in_dim3A_388 = arith.constant 0.000000e+00 : f32
    %broadcast_in_dim3A_389 = vector.broadcast %broadcast_in_dim3A_388 : f32 to vector<16xf32>
    %swap3A_390 = arith.constant 5 : i32
    %swap3A_391 = arith.index_cast %swap3A_390 : i32 to index
    %swap3A_392 = arith.constant 112 : index
    %swap3A_393 = tpu.vector_load %arg14[%swap3A_391, %swap3A_392] {strides = array<i32>} : memref<16x128xf32, #tpu.memory_space<vmem>>, vector<1x16xf32>,
    %swap3A_394 = vector.shape_cast %swap3A_393 : vector<1x16xf32> to vector<16xf32>
    %swap3A_395 = vector.shape_cast %broadcast_in_dim3A_389 : vector<16xf32> to vector<1x16xf32>
    tpu.vector_store %arg14[%swap3A_391, %swap3A_392], %swap3A_395 {strides = array<i32>} : memref<16x128xf32, #tpu.memory_space<vmem>>, vector<1x16xf32>,
    %broadcast_in_dim3A_396 = arith.constant 0.000000e+00 : f32
    %broadcast_in_dim3A_397 = vector.broadcast %broadcast_in_dim3A_396 : f32 to vector<16xf32>
    %swap3A_398 = arith.constant 6 : i32
    %swap3A_399 = arith.index_cast %swap3A_398 : i32 to index
    %swap3A_400 = arith.constant 0 : index
    %swap3A_401 = tpu.vector_load %arg14[%swap3A_399, %swap3A_400] {strides = array<i32>} : memref<16x128xf32, #tpu.memory_space<vmem>>, vector<1x16xf32>,
    %swap3A_402 = vector.shape_cast %swap3A_401 : vector<1x16xf32> to vector<16xf32>
    %swap3A_403 = vector.shape_cast %broadcast_in_dim3A_397 : vector<16xf32> to vector<1x16xf32>
    tpu.vector_store %arg14[%swap3A_399, %swap3A_400], %swap3A_403 {strides = array<i32>} : memref<16x128xf32, #tpu.memory_space<vmem>>, vector<1x16xf32>,
    %broadcast_in_dim3A_404 = arith.constant 0.000000e+00 : f32
    %broadcast_in_dim3A_405 = vector.broadcast %broadcast_in_dim3A_404 : f32 to vector<16xf32>
    %swap3A_406 = arith.constant 6 : i32
    %swap3A_407 = arith.index_cast %swap3A_406 : i32 to index
    %swap3A_408 = arith.constant 16 : index
    %swap3A_409 = tpu.vector_load %arg14[%swap3A_407, %swap3A_408] {strides = array<i32>} : memref<16x128xf32, #tpu.memory_space<vmem>>, vector<1x16xf32>,
    %swap3A_410 = vector.shape_cast %swap3A_409 : vector<1x16xf32> to vector<16xf32>
    %swap3A_411 = vector.shape_cast %broadcast_in_dim3A_405 : vector<16xf32> to vector<1x16xf32>
    tpu.vector_store %arg14[%swap3A_407, %swap3A_408], %swap3A_411 {strides = array<i32>} : memref<16x128xf32, #tpu.memory_space<vmem>>, vector<1x16xf32>,
    %broadcast_in_dim3A_412 = arith.constant 0.000000e+00 : f32
    %broadcast_in_dim3A_413 = vector.broadcast %broadcast_in_dim3A_412 : f32 to vector<16xf32>
    %swap3A_414 = arith.constant 6 : i32
    %swap3A_415 = arith.index_cast %swap3A_414 : i32 to index
    %swap3A_416 = arith.constant 32 : index
    %swap3A_417 = tpu.vector_load %arg14[%swap3A_415, %swap3A_416] {strides = array<i32>} : memref<16x128xf32, #tpu.memory_space<vmem>>, vector<1x16xf32>,
    %swap3A_418 = vector.shape_cast %swap3A_417 : vector<1x16xf32> to vector<16xf32>
    %swap3A_419 = vector.shape_cast %broadcast_in_dim3A_413 : vector<16xf32> to vector<1x16xf32>
    tpu.vector_store %arg14[%swap3A_415, %swap3A_416], %swap3A_419 {strides = array<i32>} : memref<16x128xf32, #tpu.memory_space<vmem>>, vector<1x16xf32>,
    %broadcast_in_dim3A_420 = arith.constant 0.000000e+00 : f32
    %broadcast_in_dim3A_421 = vector.broadcast %broadcast_in_dim3A_420 : f32 to vector<16xf32>
    %swap3A_422 = arith.constant 6 : i32
    %swap3A_423 = arith.index_cast %swap3A_422 : i32 to index
    %swap3A_424 = arith.constant 48 : index
    %swap3A_425 = tpu.vector_load %arg14[%swap3A_423, %swap3A_424] {strides = array<i32>} : memref<16x128xf32, #tpu.memory_space<vmem>>, vector<1x16xf32>,
    %swap3A_426 = vector.shape_cast %swap3A_425 : vector<1x16xf32> to vector<16xf32>
    %swap3A_427 = vector.shape_cast %broadcast_in_dim3A_421 : vector<16xf32> to vector<1x16xf32>
    tpu.vector_store %arg14[%swap3A_423, %swap3A_424], %swap3A_427 {strides = array<i32>} : memref<16x128xf32, #tpu.memory_space<vmem>>, vector<1x16xf32>,
    %broadcast_in_dim3A_428 = arith.constant 0.000000e+00 : f32
    %broadcast_in_dim3A_429 = vector.broadcast %broadcast_in_dim3A_428 : f32 to vector<16xf32>
    %swap3A_430 = arith.constant 6 : i32
    %swap3A_431 = arith.index_cast %swap3A_430 : i32 to index
    %swap3A_432 = arith.constant 64 : index
    %swap3A_433 = tpu.vector_load %arg14[%swap3A_431, %swap3A_432] {strides = array<i32>} : memref<16x128xf32, #tpu.memory_space<vmem>>, vector<1x16xf32>,
    %swap3A_434 = vector.shape_cast %swap3A_433 : vector<1x16xf32> to vector<16xf32>
    %swap3A_435 = vector.shape_cast %broadcast_in_dim3A_429 : vector<16xf32> to vector<1x16xf32>
    tpu.vector_store %arg14[%swap3A_431, %swap3A_432], %swap3A_435 {strides = array<i32>} : memref<16x128xf32, #tpu.memory_space<vmem>>, vector<1x16xf32>,
    %broadcast_in_dim3A_436 = arith.constant 0.000000e+00 : f32
    %broadcast_in_dim3A_437 = vector.broadcast %broadcast_in_dim3A_436 : f32 to vector<16xf32>
    %swap3A_438 = arith.constant 6 : i32
    %swap3A_439 = arith.index_cast %swap3A_438 : i32 to index
    %swap3A_440 = arith.constant 80 : index
    %swap3A_441 = tpu.vector_load %arg14[%swap3A_439, %swap3A_440] {strides = array<i32>} : memref<16x128xf32, #tpu.memory_space<vmem>>, vector<1x16xf32>,
    %swap3A_442 = vector.shape_cast %swap3A_441 : vector<1x16xf32> to vector<16xf32>
    %swap3A_443 = vector.shape_cast %broadcast_in_dim3A_437 : vector<16xf32> to vector<1x16xf32>
    tpu.vector_store %arg14[%swap3A_439, %swap3A_440], %swap3A_443 {strides = array<i32>} : memref<16x128xf32, #tpu.memory_space<vmem>>, vector<1x16xf32>,
    %broadcast_in_dim3A_444 = arith.constant 0.000000e+00 : f32
    %broadcast_in_dim3A_445 = vector.broadcast %broadcast_in_dim3A_444 : f32 to vector<16xf32>
    %swap3A_446 = arith.constant 6 : i32
    %swap3A_447 = arith.index_cast %swap3A_446 : i32 to index
    %swap3A_448 = arith.constant 96 : index
    %swap3A_449 = tpu.vector_load %arg14[%swap3A_447, %swap3A_448] {strides = array<i32>} : memref<16x128xf32, #tpu.memory_space<vmem>>, vector<1x16xf32>,
    %swap3A_450 = vector.shape_cast %swap3A_449 : vector<1x16xf32> to vector<16xf32>
    %swap3A_451 = vector.shape_cast %broadcast_in_dim3A_445 : vector<16xf32> to vector<1x16xf32>
    tpu.vector_store %arg14[%swap3A_447, %swap3A_448], %swap3A_451 {strides = array<i32>} : memref<16x128xf32, #tpu.memory_space<vmem>>, vector<1x16xf32>,
    %broadcast_in_dim3A_452 = arith.constant 0.000000e+00 : f32
    %broadcast_in_dim3A_453 = vector.broadcast %broadcast_in_dim3A_452 : f32 to vector<16xf32>
    %swap3A_454 = arith.constant 6 : i32
    %swap3A_455 = arith.index_cast %swap3A_454 : i32 to index
    %swap3A_456 = arith.constant 112 : index
    %swap3A_457 = tpu.vector_load %arg14[%swap3A_455, %swap3A_456] {strides = array<i32>} : memref<16x128xf32, #tpu.memory_space<vmem>>, vector<1x16xf32>,
    %swap3A_458 = vector.shape_cast %swap3A_457 : vector<1x16xf32> to vector<16xf32>
    %swap3A_459 = vector.shape_cast %broadcast_in_dim3A_453 : vector<16xf32> to vector<1x16xf32>
    tpu.vector_store %arg14[%swap3A_455, %swap3A_456], %swap3A_459 {strides = array<i32>} : memref<16x128xf32, #tpu.memory_space<vmem>>, vector<1x16xf32>,
    %broadcast_in_dim3A_460 = arith.constant 0.000000e+00 : f32
    %broadcast_in_dim3A_461 = vector.broadcast %broadcast_in_dim3A_460 : f32 to vector<16xf32>
    %swap3A_462 = arith.constant 7 : i32
    %swap3A_463 = arith.index_cast %swap3A_462 : i32 to index
    %swap3A_464 = arith.constant 0 : index
    %swap3A_465 = tpu.vector_load %arg14[%swap3A_463, %swap3A_464] {strides = array<i32>} : memref<16x128xf32, #tpu.memory_space<vmem>>, vector<1x16xf32>,
    %swap3A_466 = vector.shape_cast %swap3A_465 : vector<1x16xf32> to vector<16xf32>
    %swap3A_467 = vector.shape_cast %broadcast_in_dim3A_461 : vector<16xf32> to vector<1x16xf32>
    tpu.vector_store %arg14[%swap3A_463, %swap3A_464], %swap3A_467 {strides = array<i32>} : memref<16x128xf32, #tpu.memory_space<vmem>>, vector<1x16xf32>,
    %broadcast_in_dim3A_468 = arith.constant 0.000000e+00 : f32
    %broadcast_in_dim3A_469 = vector.broadcast %broadcast_in_dim3A_468 : f32 to vector<16xf32>
    %swap3A_470 = arith.constant 7 : i32
    %swap3A_471 = arith.index_cast %swap3A_470 : i32 to index
    %swap3A_472 = arith.constant 16 : index
    %swap3A_473 = tpu.vector_load %arg14[%swap3A_471, %swap3A_472] {strides = array<i32>} : memref<16x128xf32, #tpu.memory_space<vmem>>, vector<1x16xf32>,
    %swap3A_474 = vector.shape_cast %swap3A_473 : vector<1x16xf32> to vector<16xf32>
    %swap3A_475 = vector.shape_cast %broadcast_in_dim3A_469 : vector<16xf32> to vector<1x16xf32>
    tpu.vector_store %arg14[%swap3A_471, %swap3A_472], %swap3A_475 {strides = array<i32>} : memref<16x128xf32, #tpu.memory_space<vmem>>, vector<1x16xf32>,
    %broadcast_in_dim3A_476 = arith.constant 0.000000e+00 : f32
    %broadcast_in_dim3A_477 = vector.broadcast %broadcast_in_dim3A_476 : f32 to vector<16xf32>
    %swap3A_478 = arith.constant 7 : i32
    %swap3A_479 = arith.index_cast %swap3A_478 : i32 to index
    %swap3A_480 = arith.constant 32 : index
    %swap3A_481 = tpu.vector_load %arg14[%swap3A_479, %swap3A_480] {strides = array<i32>} : memref<16x128xf32, #tpu.memory_space<vmem>>, vector<1x16xf32>,
    %swap3A_482 = vector.shape_cast %swap3A_481 : vector<1x16xf32> to vector<16xf32>
    %swap3A_483 = vector.shape_cast %broadcast_in_dim3A_477 : vector<16xf32> to vector<1x16xf32>
    tpu.vector_store %arg14[%swap3A_479, %swap3A_480], %swap3A_483 {strides = array<i32>} : memref<16x128xf32, #tpu.memory_space<vmem>>, vector<1x16xf32>,
    %broadcast_in_dim3A_484 = arith.constant 0.000000e+00 : f32
    %broadcast_in_dim3A_485 = vector.broadcast %broadcast_in_dim3A_484 : f32 to vector<16xf32>
    %swap3A_486 = arith.constant 7 : i32
    %swap3A_487 = arith.index_cast %swap3A_486 : i32 to index
    %swap3A_488 = arith.constant 48 : index
    %swap3A_489 = tpu.vector_load %arg14[%swap3A_487, %swap3A_488] {strides = array<i32>} : memref<16x128xf32, #tpu.memory_space<vmem>>, vector<1x16xf32>,
    %swap3A_490 = vector.shape_cast %swap3A_489 : vector<1x16xf32> to vector<16xf32>
    %swap3A_491 = vector.shape_cast %broadcast_in_dim3A_485 : vector<16xf32> to vector<1x16xf32>
    tpu.vector_store %arg14[%swap3A_487, %swap3A_488], %swap3A_491 {strides = array<i32>} : memref<16x128xf32, #tpu.memory_space<vmem>>, vector<1x16xf32>,
    %broadcast_in_dim3A_492 = arith.constant 0.000000e+00 : f32
    %broadcast_in_dim3A_493 = vector.broadcast %broadcast_in_dim3A_492 : f32 to vector<16xf32>
    %swap3A_494 = arith.constant 7 : i32
    %swap3A_495 = arith.index_cast %swap3A_494 : i32 to index
    %swap3A_496 = arith.constant 64 : index
    %swap3A_497 = tpu.vector_load %arg14[%swap3A_495, %swap3A_496] {strides = array<i32>} : memref<16x128xf32, #tpu.memory_space<vmem>>, vector<1x16xf32>,
    %swap3A_498 = vector.shape_cast %swap3A_497 : vector<1x16xf32> to vector<16xf32>
    %swap3A_499 = vector.shape_cast %broadcast_in_dim3A_493 : vector<16xf32> to vector<1x16xf32>
    tpu.vector_store %arg14[%swap3A_495, %swap3A_496], %swap3A_499 {strides = array<i32>} : memref<16x128xf32, #tpu.memory_space<vmem>>, vector<1x16xf32>,
    %broadcast_in_dim3A_500 = arith.constant 0.000000e+00 : f32
    %broadcast_in_dim3A_501 = vector.broadcast %broadcast_in_dim3A_500 : f32 to vector<16xf32>
    %swap3A_502 = arith.constant 7 : i32
    %swap3A_503 = arith.index_cast %swap3A_502 : i32 to index
    %swap3A_504 = arith.constant 80 : index
    %swap3A_505 = tpu.vector_load %arg14[%swap3A_503, %swap3A_504] {strides = array<i32>} : memref<16x128xf32, #tpu.memory_space<vmem>>, vector<1x16xf32>,
    %swap3A_506 = vector.shape_cast %swap3A_505 : vector<1x16xf32> to vector<16xf32>
    %swap3A_507 = vector.shape_cast %broadcast_in_dim3A_501 : vector<16xf32> to vector<1x16xf32>
    tpu.vector_store %arg14[%swap3A_503, %swap3A_504], %swap3A_507 {strides = array<i32>} : memref<16x128xf32, #tpu.memory_space<vmem>>, vector<1x16xf32>,
    %broadcast_in_dim3A_508 = arith.constant 0.000000e+00 : f32
    %broadcast_in_dim3A_509 = vector.broadcast %broadcast_in_dim3A_508 : f32 to vector<16xf32>
    %swap3A_510 = arith.constant 7 : i32
    %swap3A_511 = arith.index_cast %swap3A_510 : i32 to index
    %swap3A_512 = arith.constant 96 : index
    %swap3A_513 = tpu.vector_load %arg14[%swap3A_511, %swap3A_512] {strides = array<i32>} : memref<16x128xf32, #tpu.memory_space<vmem>>, vector<1x16xf32>,
    %swap3A_514 = vector.shape_cast %swap3A_513 : vector<1x16xf32> to vector<16xf32>
    %swap3A_515 = vector.shape_cast %broadcast_in_dim3A_509 : vector<16xf32> to vector<1x16xf32>
    tpu.vector_store %arg14[%swap3A_511, %swap3A_512], %swap3A_515 {strides = array<i32>} : memref<16x128xf32, #tpu.memory_space<vmem>>, vector<1x16xf32>,
    %broadcast_in_dim3A_516 = arith.constant 0.000000e+00 : f32
    %broadcast_in_dim3A_517 = vector.broadcast %broadcast_in_dim3A_516 : f32 to vector<16xf32>
    %swap3A_518 = arith.constant 7 : i32
    %swap3A_519 = arith.index_cast %swap3A_518 : i32 to index
    %swap3A_520 = arith.constant 112 : index
    %swap3A_521 = tpu.vector_load %arg14[%swap3A_519, %swap3A_520] {strides = array<i32>} : memref<16x128xf32, #tpu.memory_space<vmem>>, vector<1x16xf32>,
    %swap3A_522 = vector.shape_cast %swap3A_521 : vector<1x16xf32> to vector<16xf32>
    %swap3A_523 = vector.shape_cast %broadcast_in_dim3A_517 : vector<16xf32> to vector<1x16xf32>
    tpu.vector_store %arg14[%swap3A_519, %swap3A_520], %swap3A_523 {strides = array<i32>} : memref<16x128xf32, #tpu.memory_space<vmem>>, vector<1x16xf32>,
    %broadcast_in_dim3A_524 = arith.constant 0.000000e+00 : f32
    %broadcast_in_dim3A_525 = vector.broadcast %broadcast_in_dim3A_524 : f32 to vector<16xf32>
    %swap3A_526 = arith.constant 8 : i32
    %swap3A_527 = arith.index_cast %swap3A_526 : i32 to index
    %swap3A_528 = arith.constant 0 : index
    %swap3A_529 = tpu.vector_load %arg14[%swap3A_527, %swap3A_528] {strides = array<i32>} : memref<16x128xf32, #tpu.memory_space<vmem>>, vector<1x16xf32>,
    %swap3A_530 = vector.shape_cast %swap3A_529 : vector<1x16xf32> to vector<16xf32>
    %swap3A_531 = vector.shape_cast %broadcast_in_dim3A_525 : vector<16xf32> to vector<1x16xf32>
    tpu.vector_store %arg14[%swap3A_527, %swap3A_528], %swap3A_531 {strides = array<i32>} : memref<16x128xf32, #tpu.memory_space<vmem>>, vector<1x16xf32>,
    %broadcast_in_dim3A_532 = arith.constant 0.000000e+00 : f32
    %broadcast_in_dim3A_533 = vector.broadcast %broadcast_in_dim3A_532 : f32 to vector<16xf32>
    %swap3A_534 = arith.constant 8 : i32
    %swap3A_535 = arith.index_cast %swap3A_534 : i32 to index
    %swap3A_536 = arith.constant 16 : index
    %swap3A_537 = tpu.vector_load %arg14[%swap3A_535, %swap3A_536] {strides = array<i32>} : memref<16x128xf32, #tpu.memory_space<vmem>>, vector<1x16xf32>,
    %swap3A_538 = vector.shape_cast %swap3A_537 : vector<1x16xf32> to vector<16xf32>
    %swap3A_539 = vector.shape_cast %broadcast_in_dim3A_533 : vector<16xf32> to vector<1x16xf32>
    tpu.vector_store %arg14[%swap3A_535, %swap3A_536], %swap3A_539 {strides = array<i32>} : memref<16x128xf32, #tpu.memory_space<vmem>>, vector<1x16xf32>,
    %broadcast_in_dim3A_540 = arith.constant 0.000000e+00 : f32
    %broadcast_in_dim3A_541 = vector.broadcast %broadcast_in_dim3A_540 : f32 to vector<16xf32>
    %swap3A_542 = arith.constant 8 : i32
    %swap3A_543 = arith.index_cast %swap3A_542 : i32 to index
    %swap3A_544 = arith.constant 32 : index
    %swap3A_545 = tpu.vector_load %arg14[%swap3A_543, %swap3A_544] {strides = array<i32>} : memref<16x128xf32, #tpu.memory_space<vmem>>, vector<1x16xf32>,
    %swap3A_546 = vector.shape_cast %swap3A_545 : vector<1x16xf32> to vector<16xf32>
    %swap3A_547 = vector.shape_cast %broadcast_in_dim3A_541 : vector<16xf32> to vector<1x16xf32>
    tpu.vector_store %arg14[%swap3A_543, %swap3A_544], %swap3A_547 {strides = array<i32>} : memref<16x128xf32, #tpu.memory_space<vmem>>, vector<1x16xf32>,
    %broadcast_in_dim3A_548 = arith.constant 0.000000e+00 : f32
    %broadcast_in_dim3A_549 = vector.broadcast %broadcast_in_dim3A_548 : f32 to vector<16xf32>
    %swap3A_550 = arith.constant 8 : i32
    %swap3A_551 = arith.index_cast %swap3A_550 : i32 to index
    %swap3A_552 = arith.constant 48 : index
    %swap3A_553 = tpu.vector_load %arg14[%swap3A_551, %swap3A_552] {strides = array<i32>} : memref<16x128xf32, #tpu.memory_space<vmem>>, vector<1x16xf32>,
    %swap3A_554 = vector.shape_cast %swap3A_553 : vector<1x16xf32> to vector<16xf32>
    %swap3A_555 = vector.shape_cast %broadcast_in_dim3A_549 : vector<16xf32> to vector<1x16xf32>
    tpu.vector_store %arg14[%swap3A_551, %swap3A_552], %swap3A_555 {strides = array<i32>} : memref<16x128xf32, #tpu.memory_space<vmem>>, vector<1x16xf32>,
    %broadcast_in_dim3A_556 = arith.constant 0.000000e+00 : f32
    %broadcast_in_dim3A_557 = vector.broadcast %broadcast_in_dim3A_556 : f32 to vector<16xf32>
    %swap3A_558 = arith.constant 8 : i32
    %swap3A_559 = arith.index_cast %swap3A_558 : i32 to index
    %swap3A_560 = arith.constant 64 : index
    %swap3A_561 = tpu.vector_load %arg14[%swap3A_559, %swap3A_560] {strides = array<i32>} : memref<16x128xf32, #tpu.memory_space<vmem>>, vector<1x16xf32>,
    %swap3A_562 = vector.shape_cast %swap3A_561 : vector<1x16xf32> to vector<16xf32>
    %swap3A_563 = vector.shape_cast %broadcast_in_dim3A_557 : vector<16xf32> to vector<1x16xf32>
    tpu.vector_store %arg14[%swap3A_559, %swap3A_560], %swap3A_563 {strides = array<i32>} : memref<16x128xf32, #tpu.memory_space<vmem>>, vector<1x16xf32>,
    %broadcast_in_dim3A_564 = arith.constant 0.000000e+00 : f32
    %broadcast_in_dim3A_565 = vector.broadcast %broadcast_in_dim3A_564 : f32 to vector<16xf32>
    %swap3A_566 = arith.constant 8 : i32
    %swap3A_567 = arith.index_cast %swap3A_566 : i32 to index
    %swap3A_568 = arith.constant 80 : index
    %swap3A_569 = tpu.vector_load %arg14[%swap3A_567, %swap3A_568] {strides = array<i32>} : memref<16x128xf32, #tpu.memory_space<vmem>>, vector<1x16xf32>,
    %swap3A_570 = vector.shape_cast %swap3A_569 : vector<1x16xf32> to vector<16xf32>
    %swap3A_571 = vector.shape_cast %broadcast_in_dim3A_565 : vector<16xf32> to vector<1x16xf32>
    tpu.vector_store %arg14[%swap3A_567, %swap3A_568], %swap3A_571 {strides = array<i32>} : memref<16x128xf32, #tpu.memory_space<vmem>>, vector<1x16xf32>,
    %broadcast_in_dim3A_572 = arith.constant 0.000000e+00 : f32
    %broadcast_in_dim3A_573 = vector.broadcast %broadcast_in_dim3A_572 : f32 to vector<16xf32>
    %swap3A_574 = arith.constant 8 : i32
    %swap3A_575 = arith.index_cast %swap3A_574 : i32 to index
    %swap3A_576 = arith.constant 96 : index
    %swap3A_577 = tpu.vector_load %arg14[%swap3A_575, %swap3A_576] {strides = array<i32>} : memref<16x128xf32, #tpu.memory_space<vmem>>, vector<1x16xf32>,
    %swap3A_578 = vector.shape_cast %swap3A_577 : vector<1x16xf32> to vector<16xf32>
    %swap3A_579 = vector.shape_cast %broadcast_in_dim3A_573 : vector<16xf32> to vector<1x16xf32>
    tpu.vector_store %arg14[%swap3A_575, %swap3A_576], %swap3A_579 {strides = array<i32>} : memref<16x128xf32, #tpu.memory_space<vmem>>, vector<1x16xf32>,
    %broadcast_in_dim3A_580 = arith.constant 0.000000e+00 : f32
    %broadcast_in_dim3A_581 = vector.broadcast %broadcast_in_dim3A_580 : f32 to vector<16xf32>
    %swap3A_582 = arith.constant 8 : i32
    %swap3A_583 = arith.index_cast %swap3A_582 : i32 to index
    %swap3A_584 = arith.constant 112 : index
    %swap3A_585 = tpu.vector_load %arg14[%swap3A_583, %swap3A_584] {strides = array<i32>} : memref<16x128xf32, #tpu.memory_space<vmem>>, vector<1x16xf32>,
    %swap3A_586 = vector.shape_cast %swap3A_585 : vector<1x16xf32> to vector<16xf32>
    %swap3A_587 = vector.shape_cast %broadcast_in_dim3A_581 : vector<16xf32> to vector<1x16xf32>
    tpu.vector_store %arg14[%swap3A_583, %swap3A_584], %swap3A_587 {strides = array<i32>} : memref<16x128xf32, #tpu.memory_space<vmem>>, vector<1x16xf32>,
    %broadcast_in_dim3A_588 = arith.constant 0.000000e+00 : f32
    %broadcast_in_dim3A_589 = vector.broadcast %broadcast_in_dim3A_588 : f32 to vector<16xf32>
    %swap3A_590 = arith.constant 9 : i32
    %swap3A_591 = arith.index_cast %swap3A_590 : i32 to index
    %swap3A_592 = arith.constant 0 : index
    %swap3A_593 = tpu.vector_load %arg14[%swap3A_591, %swap3A_592] {strides = array<i32>} : memref<16x128xf32, #tpu.memory_space<vmem>>, vector<1x16xf32>,
    %swap3A_594 = vector.shape_cast %swap3A_593 : vector<1x16xf32> to vector<16xf32>
    %swap3A_595 = vector.shape_cast %broadcast_in_dim3A_589 : vector<16xf32> to vector<1x16xf32>
    tpu.vector_store %arg14[%swap3A_591, %swap3A_592], %swap3A_595 {strides = array<i32>} : memref<16x128xf32, #tpu.memory_space<vmem>>, vector<1x16xf32>,
    %broadcast_in_dim3A_596 = arith.constant 0.000000e+00 : f32
    %broadcast_in_dim3A_597 = vector.broadcast %broadcast_in_dim3A_596 : f32 to vector<16xf32>
    %swap3A_598 = arith.constant 9 : i32
    %swap3A_599 = arith.index_cast %swap3A_598 : i32 to index
    %swap3A_600 = arith.constant 16 : index
    %swap3A_601 = tpu.vector_load %arg14[%swap3A_599, %swap3A_600] {strides = array<i32>} : memref<16x128xf32, #tpu.memory_space<vmem>>, vector<1x16xf32>,
    %swap3A_602 = vector.shape_cast %swap3A_601 : vector<1x16xf32> to vector<16xf32>
    %swap3A_603 = vector.shape_cast %broadcast_in_dim3A_597 : vector<16xf32> to vector<1x16xf32>
    tpu.vector_store %arg14[%swap3A_599, %swap3A_600], %swap3A_603 {strides = array<i32>} : memref<16x128xf32, #tpu.memory_space<vmem>>, vector<1x16xf32>,
    %broadcast_in_dim3A_604 = arith.constant 0.000000e+00 : f32
    %broadcast_in_dim3A_605 = vector.broadcast %broadcast_in_dim3A_604 : f32 to vector<16xf32>
    %swap3A_606 = arith.constant 9 : i32
    %swap3A_607 = arith.index_cast %swap3A_606 : i32 to index
    %swap3A_608 = arith.constant 32 : index
    %swap3A_609 = tpu.vector_load %arg14[%swap3A_607, %swap3A_608] {strides = array<i32>} : memref<16x128xf32, #tpu.memory_space<vmem>>, vector<1x16xf32>,
    %swap3A_610 = vector.shape_cast %swap3A_609 : vector<1x16xf32> to vector<16xf32>
    %swap3A_611 = vector.shape_cast %broadcast_in_dim3A_605 : vector<16xf32> to vector<1x16xf32>
    tpu.vector_store %arg14[%swap3A_607, %swap3A_608], %swap3A_611 {strides = array<i32>} : memref<16x128xf32, #tpu.memory_space<vmem>>, vector<1x16xf32>,
    %broadcast_in_dim3A_612 = arith.constant 0.000000e+00 : f32
    %broadcast_in_dim3A_613 = vector.broadcast %broadcast_in_dim3A_612 : f32 to vector<16xf32>
    %swap3A_614 = arith.constant 9 : i32
    %swap3A_615 = arith.index_cast %swap3A_614 : i32 to index
    %swap3A_616 = arith.constant 48 : index
    %swap3A_617 = tpu.vector_load %arg14[%swap3A_615, %swap3A_616] {strides = array<i32>} : memref<16x128xf32, #tpu.memory_space<vmem>>, vector<1x16xf32>,
    %swap3A_618 = vector.shape_cast %swap3A_617 : vector<1x16xf32> to vector<16xf32>
    %swap3A_619 = vector.shape_cast %broadcast_in_dim3A_613 : vector<16xf32> to vector<1x16xf32>
    tpu.vector_store %arg14[%swap3A_615, %swap3A_616], %swap3A_619 {strides = array<i32>} : memref<16x128xf32, #tpu.memory_space<vmem>>, vector<1x16xf32>,
    %broadcast_in_dim3A_620 = arith.constant 0.000000e+00 : f32
    %broadcast_in_dim3A_621 = vector.broadcast %broadcast_in_dim3A_620 : f32 to vector<16xf32>
    %swap3A_622 = arith.constant 9 : i32
    %swap3A_623 = arith.index_cast %swap3A_622 : i32 to index
    %swap3A_624 = arith.constant 64 : index
    %swap3A_625 = tpu.vector_load %arg14[%swap3A_623, %swap3A_624] {strides = array<i32>} : memref<16x128xf32, #tpu.memory_space<vmem>>, vector<1x16xf32>,
    %swap3A_626 = vector.shape_cast %swap3A_625 : vector<1x16xf32> to vector<16xf32>
    %swap3A_627 = vector.shape_cast %broadcast_in_dim3A_621 : vector<16xf32> to vector<1x16xf32>
    tpu.vector_store %arg14[%swap3A_623, %swap3A_624], %swap3A_627 {strides = array<i32>} : memref<16x128xf32, #tpu.memory_space<vmem>>, vector<1x16xf32>,
    %broadcast_in_dim3A_628 = arith.constant 0.000000e+00 : f32
    %broadcast_in_dim3A_629 = vector.broadcast %broadcast_in_dim3A_628 : f32 to vector<16xf32>
    %swap3A_630 = arith.constant 9 : i32
    %swap3A_631 = arith.index_cast %swap3A_630 : i32 to index
    %swap3A_632 = arith.constant 80 : index
    %swap3A_633 = tpu.vector_load %arg14[%swap3A_631, %swap3A_632] {strides = array<i32>} : memref<16x128xf32, #tpu.memory_space<vmem>>, vector<1x16xf32>,
    %swap3A_634 = vector.shape_cast %swap3A_633 : vector<1x16xf32> to vector<16xf32>
    %swap3A_635 = vector.shape_cast %broadcast_in_dim3A_629 : vector<16xf32> to vector<1x16xf32>
    tpu.vector_store %arg14[%swap3A_631, %swap3A_632], %swap3A_635 {strides = array<i32>} : memref<16x128xf32, #tpu.memory_space<vmem>>, vector<1x16xf32>,
    %broadcast_in_dim3A_636 = arith.constant 0.000000e+00 : f32
    %broadcast_in_dim3A_637 = vector.broadcast %broadcast_in_dim3A_636 : f32 to vector<16xf32>
    %swap3A_638 = arith.constant 9 : i32
    %swap3A_639 = arith.index_cast %swap3A_638 : i32 to index
    %swap3A_640 = arith.constant 96 : index
    %swap3A_641 = tpu.vector_load %arg14[%swap3A_639, %swap3A_640] {strides = array<i32>} : memref<16x128xf32, #tpu.memory_space<vmem>>, vector<1x16xf32>,
    %swap3A_642 = vector.shape_cast %swap3A_641 : vector<1x16xf32> to vector<16xf32>
    %swap3A_643 = vector.shape_cast %broadcast_in_dim3A_637 : vector<16xf32> to vector<1x16xf32>
    tpu.vector_store %arg14[%swap3A_639, %swap3A_640], %swap3A_643 {strides = array<i32>} : memref<16x128xf32, #tpu.memory_space<vmem>>, vector<1x16xf32>,
    %broadcast_in_dim3A_644 = arith.constant 0.000000e+00 : f32
    %broadcast_in_dim3A_645 = vector.broadcast %broadcast_in_dim3A_644 : f32 to vector<16xf32>
    %swap3A_646 = arith.constant 9 : i32
    %swap3A_647 = arith.index_cast %swap3A_646 : i32 to index
    %swap3A_648 = arith.constant 112 : index
    %swap3A_649 = tpu.vector_load %arg14[%swap3A_647, %swap3A_648] {strides = array<i32>} : memref<16x128xf32, #tpu.memory_space<vmem>>, vector<1x16xf32>,
    %swap3A_650 = vector.shape_cast %swap3A_649 : vector<1x16xf32> to vector<16xf32>
    %swap3A_651 = vector.shape_cast %broadcast_in_dim3A_645 : vector<16xf32> to vector<1x16xf32>
    tpu.vector_store %arg14[%swap3A_647, %swap3A_648], %swap3A_651 {strides = array<i32>} : memref<16x128xf32, #tpu.memory_space<vmem>>, vector<1x16xf32>,
    %broadcast_in_dim3A_652 = arith.constant 0.000000e+00 : f32
    %broadcast_in_dim3A_653 = vector.broadcast %broadcast_in_dim3A_652 : f32 to vector<16xf32>
    %swap3A_654 = arith.constant 10 : i32
    %swap3A_655 = arith.index_cast %swap3A_654 : i32 to index
    %swap3A_656 = arith.constant 0 : index
    %swap3A_657 = tpu.vector_load %arg14[%swap3A_655, %swap3A_656] {strides = array<i32>} : memref<16x128xf32, #tpu.memory_space<vmem>>, vector<1x16xf32>,
    %swap3A_658 = vector.shape_cast %swap3A_657 : vector<1x16xf32> to vector<16xf32>
    %swap3A_659 = vector.shape_cast %broadcast_in_dim3A_653 : vector<16xf32> to vector<1x16xf32>
    tpu.vector_store %arg14[%swap3A_655, %swap3A_656], %swap3A_659 {strides = array<i32>} : memref<16x128xf32, #tpu.memory_space<vmem>>, vector<1x16xf32>,
    %broadcast_in_dim3A_660 = arith.constant 0.000000e+00 : f32
    %broadcast_in_dim3A_661 = vector.broadcast %broadcast_in_dim3A_660 : f32 to vector<16xf32>
    %swap3A_662 = arith.constant 10 : i32
    %swap3A_663 = arith.index_cast %swap3A_662 : i32 to index
    %swap3A_664 = arith.constant 16 : index
    %swap3A_665 = tpu.vector_load %arg14[%swap3A_663, %swap3A_664] {strides = array<i32>} : memref<16x128xf32, #tpu.memory_space<vmem>>, vector<1x16xf32>,
    %swap3A_666 = vector.shape_cast %swap3A_665 : vector<1x16xf32> to vector<16xf32>
    %swap3A_667 = vector.shape_cast %broadcast_in_dim3A_661 : vector<16xf32> to vector<1x16xf32>
    tpu.vector_store %arg14[%swap3A_663, %swap3A_664], %swap3A_667 {strides = array<i32>} : memref<16x128xf32, #tpu.memory_space<vmem>>, vector<1x16xf32>,
    %broadcast_in_dim3A_668 = arith.constant 0.000000e+00 : f32
    %broadcast_in_dim3A_669 = vector.broadcast %broadcast_in_dim3A_668 : f32 to vector<16xf32>
    %swap3A_670 = arith.constant 10 : i32
    %swap3A_671 = arith.index_cast %swap3A_670 : i32 to index
    %swap3A_672 = arith.constant 32 : index
    %swap3A_673 = tpu.vector_load %arg14[%swap3A_671, %swap3A_672] {strides = array<i32>} : memref<16x128xf32, #tpu.memory_space<vmem>>, vector<1x16xf32>,
    %swap3A_674 = vector.shape_cast %swap3A_673 : vector<1x16xf32> to vector<16xf32>
    %swap3A_675 = vector.shape_cast %broadcast_in_dim3A_669 : vector<16xf32> to vector<1x16xf32>
    tpu.vector_store %arg14[%swap3A_671, %swap3A_672], %swap3A_675 {strides = array<i32>} : memref<16x128xf32, #tpu.memory_space<vmem>>, vector<1x16xf32>,
    %broadcast_in_dim3A_676 = arith.constant 0.000000e+00 : f32
    %broadcast_in_dim3A_677 = vector.broadcast %broadcast_in_dim3A_676 : f32 to vector<16xf32>
    %swap3A_678 = arith.constant 10 : i32
    %swap3A_679 = arith.index_cast %swap3A_678 : i32 to index
    %swap3A_680 = arith.constant 48 : index
    %swap3A_681 = tpu.vector_load %arg14[%swap3A_679, %swap3A_680] {strides = array<i32>} : memref<16x128xf32, #tpu.memory_space<vmem>>, vector<1x16xf32>,
    %swap3A_682 = vector.shape_cast %swap3A_681 : vector<1x16xf32> to vector<16xf32>
    %swap3A_683 = vector.shape_cast %broadcast_in_dim3A_677 : vector<16xf32> to vector<1x16xf32>
    tpu.vector_store %arg14[%swap3A_679, %swap3A_680], %swap3A_683 {strides = array<i32>} : memref<16x128xf32, #tpu.memory_space<vmem>>, vector<1x16xf32>,
    %broadcast_in_dim3A_684 = arith.constant 0.000000e+00 : f32
    %broadcast_in_dim3A_685 = vector.broadcast %broadcast_in_dim3A_684 : f32 to vector<16xf32>
    %swap3A_686 = arith.constant 10 : i32
    %swap3A_687 = arith.index_cast %swap3A_686 : i32 to index
    %swap3A_688 = arith.constant 64 : index
    %swap3A_689 = tpu.vector_load %arg14[%swap3A_687, %swap3A_688] {strides = array<i32>} : memref<16x128xf32, #tpu.memory_space<vmem>>, vector<1x16xf32>,
    %swap3A_690 = vector.shape_cast %swap3A_689 : vector<1x16xf32> to vector<16xf32>
    %swap3A_691 = vector.shape_cast %broadcast_in_dim3A_685 : vector<16xf32> to vector<1x16xf32>
    tpu.vector_store %arg14[%swap3A_687, %swap3A_688], %swap3A_691 {strides = array<i32>} : memref<16x128xf32, #tpu.memory_space<vmem>>, vector<1x16xf32>,
    %broadcast_in_dim3A_692 = arith.constant 0.000000e+00 : f32
    %broadcast_in_dim3A_693 = vector.broadcast %broadcast_in_dim3A_692 : f32 to vector<16xf32>
    %swap3A_694 = arith.constant 10 : i32
    %swap3A_695 = arith.index_cast %swap3A_694 : i32 to index
    %swap3A_696 = arith.constant 80 : index
    %swap3A_697 = tpu.vector_load %arg14[%swap3A_695, %swap3A_696] {strides = array<i32>} : memref<16x128xf32, #tpu.memory_space<vmem>>, vector<1x16xf32>,
    %swap3A_698 = vector.shape_cast %swap3A_697 : vector<1x16xf32> to vector<16xf32>
    %swap3A_699 = vector.shape_cast %broadcast_in_dim3A_693 : vector<16xf32> to vector<1x16xf32>
    tpu.vector_store %arg14[%swap3A_695, %swap3A_696], %swap3A_699 {strides = array<i32>} : memref<16x128xf32, #tpu.memory_space<vmem>>, vector<1x16xf32>,
    %broadcast_in_dim3A_700 = arith.constant 0.000000e+00 : f32
    %broadcast_in_dim3A_701 = vector.broadcast %broadcast_in_dim3A_700 : f32 to vector<16xf32>
    %swap3A_702 = arith.constant 10 : i32
    %swap3A_703 = arith.index_cast %swap3A_702 : i32 to index
    %swap3A_704 = arith.constant 96 : index
    %swap3A_705 = tpu.vector_load %arg14[%swap3A_703, %swap3A_704] {strides = array<i32>} : memref<16x128xf32, #tpu.memory_space<vmem>>, vector<1x16xf32>,
    %swap3A_706 = vector.shape_cast %swap3A_705 : vector<1x16xf32> to vector<16xf32>
    %swap3A_707 = vector.shape_cast %broadcast_in_dim3A_701 : vector<16xf32> to vector<1x16xf32>
    tpu.vector_store %arg14[%swap3A_703, %swap3A_704], %swap3A_707 {strides = array<i32>} : memref<16x128xf32, #tpu.memory_space<vmem>>, vector<1x16xf32>,
    %broadcast_in_dim3A_708 = arith.constant 0.000000e+00 : f32
    %broadcast_in_dim3A_709 = vector.broadcast %broadcast_in_dim3A_708 : f32 to vector<16xf32>
    %swap3A_710 = arith.constant 10 : i32
    %swap3A_711 = arith.index_cast %swap3A_710 : i32 to index
    %swap3A_712 = arith.constant 112 : index
    %swap3A_713 = tpu.vector_load %arg14[%swap3A_711, %swap3A_712] {strides = array<i32>} : memref<16x128xf32, #tpu.memory_space<vmem>>, vector<1x16xf32>,
    %swap3A_714 = vector.shape_cast %swap3A_713 : vector<1x16xf32> to vector<16xf32>
    %swap3A_715 = vector.shape_cast %broadcast_in_dim3A_709 : vector<16xf32> to vector<1x16xf32>
    tpu.vector_store %arg14[%swap3A_711, %swap3A_712], %swap3A_715 {strides = array<i32>} : memref<16x128xf32, #tpu.memory_space<vmem>>, vector<1x16xf32>,
    %broadcast_in_dim3A_716 = arith.constant 0.000000e+00 : f32
    %broadcast_in_dim3A_717 = vector.broadcast %broadcast_in_dim3A_716 : f32 to vector<16xf32>
    %swap3A_718 = arith.constant 11 : i32
    %swap3A_719 = arith.index_cast %swap3A_718 : i32 to index
    %swap3A_720 = arith.constant 0 : index
    %swap3A_721 = tpu.vector_load %arg14[%swap3A_719, %swap3A_720] {strides = array<i32>} : memref<16x128xf32, #tpu.memory_space<vmem>>, vector<1x16xf32>,
    %swap3A_722 = vector.shape_cast %swap3A_721 : vector<1x16xf32> to vector<16xf32>
    %swap3A_723 = vector.shape_cast %broadcast_in_dim3A_717 : vector<16xf32> to vector<1x16xf32>
    tpu.vector_store %arg14[%swap3A_719, %swap3A_720], %swap3A_723 {strides = array<i32>} : memref<16x128xf32, #tpu.memory_space<vmem>>, vector<1x16xf32>,
    %broadcast_in_dim3A_724 = arith.constant 0.000000e+00 : f32
    %broadcast_in_dim3A_725 = vector.broadcast %broadcast_in_dim3A_724 : f32 to vector<16xf32>
    %swap3A_726 = arith.constant 11 : i32
    %swap3A_727 = arith.index_cast %swap3A_726 : i32 to index
    %swap3A_728 = arith.constant 16 : index
    %swap3A_729 = tpu.vector_load %arg14[%swap3A_727, %swap3A_728] {strides = array<i32>} : memref<16x128xf32, #tpu.memory_space<vmem>>, vector<1x16xf32>,
    %swap3A_730 = vector.shape_cast %swap3A_729 : vector<1x16xf32> to vector<16xf32>
    %swap3A_731 = vector.shape_cast %broadcast_in_dim3A_725 : vector<16xf32> to vector<1x16xf32>
    tpu.vector_store %arg14[%swap3A_727, %swap3A_728], %swap3A_731 {strides = array<i32>} : memref<16x128xf32, #tpu.memory_space<vmem>>, vector<1x16xf32>,
    %broadcast_in_dim3A_732 = arith.constant 0.000000e+00 : f32
    %broadcast_in_dim3A_733 = vector.broadcast %broadcast_in_dim3A_732 : f32 to vector<16xf32>
    %swap3A_734 = arith.constant 11 : i32
    %swap3A_735 = arith.index_cast %swap3A_734 : i32 to index
    %swap3A_736 = arith.constant 32 : index
    %swap3A_737 = tpu.vector_load %arg14[%swap3A_735, %swap3A_736] {strides = array<i32>} : memref<16x128xf32, #tpu.memory_space<vmem>>, vector<1x16xf32>,
    %swap3A_738 = vector.shape_cast %swap3A_737 : vector<1x16xf32> to vector<16xf32>
    %swap3A_739 = vector.shape_cast %broadcast_in_dim3A_733 : vector<16xf32> to vector<1x16xf32>
    tpu.vector_store %arg14[%swap3A_735, %swap3A_736], %swap3A_739 {strides = array<i32>} : memref<16x128xf32, #tpu.memory_space<vmem>>, vector<1x16xf32>,
    %broadcast_in_dim3A_740 = arith.constant 0.000000e+00 : f32
    %broadcast_in_dim3A_741 = vector.broadcast %broadcast_in_dim3A_740 : f32 to vector<16xf32>
    %swap3A_742 = arith.constant 11 : i32
    %swap3A_743 = arith.index_cast %swap3A_742 : i32 to index
    %swap3A_744 = arith.constant 48 : index
    %swap3A_745 = tpu.vector_load %arg14[%swap3A_743, %swap3A_744] {strides = array<i32>} : memref<16x128xf32, #tpu.memory_space<vmem>>, vector<1x16xf32>,
    %swap3A_746 = vector.shape_cast %swap3A_745 : vector<1x16xf32> to vector<16xf32>
    %swap3A_747 = vector.shape_cast %broadcast_in_dim3A_741 : vector<16xf32> to vector<1x16xf32>
    tpu.vector_store %arg14[%swap3A_743, %swap3A_744], %swap3A_747 {strides = array<i32>} : memref<16x128xf32, #tpu.memory_space<vmem>>, vector<1x16xf32>,
    %broadcast_in_dim3A_748 = arith.constant 0.000000e+00 : f32
    %broadcast_in_dim3A_749 = vector.broadcast %broadcast_in_dim3A_748 : f32 to vector<16xf32>
    %swap3A_750 = arith.constant 11 : i32
    %swap3A_751 = arith.index_cast %swap3A_750 : i32 to index
    %swap3A_752 = arith.constant 64 : index
    %swap3A_753 = tpu.vector_load %arg14[%swap3A_751, %swap3A_752] {strides = array<i32>} : memref<16x128xf32, #tpu.memory_space<vmem>>, vector<1x16xf32>,
    %swap3A_754 = vector.shape_cast %swap3A_753 : vector<1x16xf32> to vector<16xf32>
    %swap3A_755 = vector.shape_cast %broadcast_in_dim3A_749 : vector<16xf32> to vector<1x16xf32>
    tpu.vector_store %arg14[%swap3A_751, %swap3A_752], %swap3A_755 {strides = array<i32>} : memref<16x128xf32, #tpu.memory_space<vmem>>, vector<1x16xf32>,
    %broadcast_in_dim3A_756 = arith.constant 0.000000e+00 : f32
    %broadcast_in_dim3A_757 = vector.broadcast %broadcast_in_dim3A_756 : f32 to vector<16xf32>
    %swap3A_758 = arith.constant 11 : i32
    %swap3A_759 = arith.index_cast %swap3A_758 : i32 to index
    %swap3A_760 = arith.constant 80 : index
    %swap3A_761 = tpu.vector_load %arg14[%swap3A_759, %swap3A_760] {strides = array<i32>} : memref<16x128xf32, #tpu.memory_space<vmem>>, vector<1x16xf32>,
    %swap3A_762 = vector.shape_cast %swap3A_761 : vector<1x16xf32> to vector<16xf32>
    %swap3A_763 = vector.shape_cast %broadcast_in_dim3A_757 : vector<16xf32> to vector<1x16xf32>
    tpu.vector_store %arg14[%swap3A_759, %swap3A_760], %swap3A_763 {strides = array<i32>} : memref<16x128xf32, #tpu.memory_space<vmem>>, vector<1x16xf32>,
    %broadcast_in_dim3A_764 = arith.constant 0.000000e+00 : f32
    %broadcast_in_dim3A_765 = vector.broadcast %broadcast_in_dim3A_764 : f32 to vector<16xf32>
    %swap3A_766 = arith.constant 11 : i32
    %swap3A_767 = arith.index_cast %swap3A_766 : i32 to index
    %swap3A_768 = arith.constant 96 : index
    %swap3A_769 = tpu.vector_load %arg14[%swap3A_767, %swap3A_768] {strides = array<i32>} : memref<16x128xf32, #tpu.memory_space<vmem>>, vector<1x16xf32>,
    %swap3A_770 = vector.shape_cast %swap3A_769 : vector<1x16xf32> to vector<16xf32>
    %swap3A_771 = vector.shape_cast %broadcast_in_dim3A_765 : vector<16xf32> to vector<1x16xf32>
    tpu.vector_store %arg14[%swap3A_767, %swap3A_768], %swap3A_771 {strides = array<i32>} : memref<16x128xf32, #tpu.memory_space<vmem>>, vector<1x16xf32>,
    %broadcast_in_dim3A_772 = arith.constant 0.000000e+00 : f32
    %broadcast_in_dim3A_773 = vector.broadcast %broadcast_in_dim3A_772 : f32 to vector<16xf32>
    %swap3A_774 = arith.constant 11 : i32
    %swap3A_775 = arith.index_cast %swap3A_774 : i32 to index
    %swap3A_776 = arith.constant 112 : index
    %swap3A_777 = tpu.vector_load %arg14[%swap3A_775, %swap3A_776] {strides = array<i32>} : memref<16x128xf32, #tpu.memory_space<vmem>>, vector<1x16xf32>,
    %swap3A_778 = vector.shape_cast %swap3A_777 : vector<1x16xf32> to vector<16xf32>
    %swap3A_779 = vector.shape_cast %broadcast_in_dim3A_773 : vector<16xf32> to vector<1x16xf32>
    tpu.vector_store %arg14[%swap3A_775, %swap3A_776], %swap3A_779 {strides = array<i32>} : memref<16x128xf32, #tpu.memory_space<vmem>>, vector<1x16xf32>,
    %broadcast_in_dim3A_780 = arith.constant 0.000000e+00 : f32
    %broadcast_in_dim3A_781 = vector.broadcast %broadcast_in_dim3A_780 : f32 to vector<16xf32>
    %swap3A_782 = arith.constant 12 : i32
    %swap3A_783 = arith.index_cast %swap3A_782 : i32 to index
    %swap3A_784 = arith.constant 0 : index
    %swap3A_785 = tpu.vector_load %arg14[%swap3A_783, %swap3A_784] {strides = array<i32>} : memref<16x128xf32, #tpu.memory_space<vmem>>, vector<1x16xf32>,
    %swap3A_786 = vector.shape_cast %swap3A_785 : vector<1x16xf32> to vector<16xf32>
    %swap3A_787 = vector.shape_cast %broadcast_in_dim3A_781 : vector<16xf32> to vector<1x16xf32>
    tpu.vector_store %arg14[%swap3A_783, %swap3A_784], %swap3A_787 {strides = array<i32>} : memref<16x128xf32, #tpu.memory_space<vmem>>, vector<1x16xf32>,
    %broadcast_in_dim3A_788 = arith.constant 0.000000e+00 : f32
    %broadcast_in_dim3A_789 = vector.broadcast %broadcast_in_dim3A_788 : f32 to vector<16xf32>
    %swap3A_790 = arith.constant 12 : i32
    %swap3A_791 = arith.index_cast %swap3A_790 : i32 to index
    %swap3A_792 = arith.constant 16 : index
    %swap3A_793 = tpu.vector_load %arg14[%swap3A_791, %swap3A_792] {strides = array<i32>} : memref<16x128xf32, #tpu.memory_space<vmem>>, vector<1x16xf32>,
    %swap3A_794 = vector.shape_cast %swap3A_793 : vector<1x16xf32> to vector<16xf32>
    %swap3A_795 = vector.shape_cast %broadcast_in_dim3A_789 : vector<16xf32> to vector<1x16xf32>
    tpu.vector_store %arg14[%swap3A_791, %swap3A_792], %swap3A_795 {strides = array<i32>} : memref<16x128xf32, #tpu.memory_space<vmem>>, vector<1x16xf32>,
    %broadcast_in_dim3A_796 = arith.constant 0.000000e+00 : f32
    %broadcast_in_dim3A_797 = vector.broadcast %broadcast_in_dim3A_796 : f32 to vector<16xf32>
    %swap3A_798 = arith.constant 12 : i32
    %swap3A_799 = arith.index_cast %swap3A_798 : i32 to index
    %swap3A_800 = arith.constant 32 : index
    %swap3A_801 = tpu.vector_load %arg14[%swap3A_799, %swap3A_800] {strides = array<i32>} : memref<16x128xf32, #tpu.memory_space<vmem>>, vector<1x16xf32>,
    %swap3A_802 = vector.shape_cast %swap3A_801 : vector<1x16xf32> to vector<16xf32>
    %swap3A_803 = vector.shape_cast %broadcast_in_dim3A_797 : vector<16xf32> to vector<1x16xf32>
    tpu.vector_store %arg14[%swap3A_799, %swap3A_800], %swap3A_803 {strides = array<i32>} : memref<16x128xf32, #tpu.memory_space<vmem>>, vector<1x16xf32>,
    %broadcast_in_dim3A_804 = arith.constant 0.000000e+00 : f32
    %broadcast_in_dim3A_805 = vector.broadcast %broadcast_in_dim3A_804 : f32 to vector<16xf32>
    %swap3A_806 = arith.constant 12 : i32
    %swap3A_807 = arith.index_cast %swap3A_806 : i32 to index
    %swap3A_808 = arith.constant 48 : index
    %swap3A_809 = tpu.vector_load %arg14[%swap3A_807, %swap3A_808] {strides = array<i32>} : memref<16x128xf32, #tpu.memory_space<vmem>>, vector<1x16xf32>,
    %swap3A_810 = vector.shape_cast %swap3A_809 : vector<1x16xf32> to vector<16xf32>
    %swap3A_811 = vector.shape_cast %broadcast_in_dim3A_805 : vector<16xf32> to vector<1x16xf32>
    tpu.vector_store %arg14[%swap3A_807, %swap3A_808], %swap3A_811 {strides = array<i32>} : memref<16x128xf32, #tpu.memory_space<vmem>>, vector<1x16xf32>,
    %broadcast_in_dim3A_812 = arith.constant 0.000000e+00 : f32
    %broadcast_in_dim3A_813 = vector.broadcast %broadcast_in_dim3A_812 : f32 to vector<16xf32>
    %swap3A_814 = arith.constant 12 : i32
    %swap3A_815 = arith.index_cast %swap3A_814 : i32 to index
    %swap3A_816 = arith.constant 64 : index
    %swap3A_817 = tpu.vector_load %arg14[%swap3A_815, %swap3A_816] {strides = array<i32>} : memref<16x128xf32, #tpu.memory_space<vmem>>, vector<1x16xf32>,
    %swap3A_818 = vector.shape_cast %swap3A_817 : vector<1x16xf32> to vector<16xf32>
    %swap3A_819 = vector.shape_cast %broadcast_in_dim3A_813 : vector<16xf32> to vector<1x16xf32>
    tpu.vector_store %arg14[%swap3A_815, %swap3A_816], %swap3A_819 {strides = array<i32>} : memref<16x128xf32, #tpu.memory_space<vmem>>, vector<1x16xf32>,
    %broadcast_in_dim3A_820 = arith.constant 0.000000e+00 : f32
    %broadcast_in_dim3A_821 = vector.broadcast %broadcast_in_dim3A_820 : f32 to vector<16xf32>
    %swap3A_822 = arith.constant 12 : i32
    %swap3A_823 = arith.index_cast %swap3A_822 : i32 to index
    %swap3A_824 = arith.constant 80 : index
    %swap3A_825 = tpu.vector_load %arg14[%swap3A_823, %swap3A_824] {strides = array<i32>} : memref<16x128xf32, #tpu.memory_space<vmem>>, vector<1x16xf32>,
    %swap3A_826 = vector.shape_cast %swap3A_825 : vector<1x16xf32> to vector<16xf32>
    %swap3A_827 = vector.shape_cast %broadcast_in_dim3A_821 : vector<16xf32> to vector<1x16xf32>
    tpu.vector_store %arg14[%swap3A_823, %swap3A_824], %swap3A_827 {strides = array<i32>} : memref<16x128xf32, #tpu.memory_space<vmem>>, vector<1x16xf32>,
    %broadcast_in_dim3A_828 = arith.constant 0.000000e+00 : f32
    %broadcast_in_dim3A_829 = vector.broadcast %broadcast_in_dim3A_828 : f32 to vector<16xf32>
    %swap3A_830 = arith.constant 12 : i32
    %swap3A_831 = arith.index_cast %swap3A_830 : i32 to index
    %swap3A_832 = arith.constant 96 : index
    %swap3A_833 = tpu.vector_load %arg14[%swap3A_831, %swap3A_832] {strides = array<i32>} : memref<16x128xf32, #tpu.memory_space<vmem>>, vector<1x16xf32>,
    %swap3A_834 = vector.shape_cast %swap3A_833 : vector<1x16xf32> to vector<16xf32>
    %swap3A_835 = vector.shape_cast %broadcast_in_dim3A_829 : vector<16xf32> to vector<1x16xf32>
    tpu.vector_store %arg14[%swap3A_831, %swap3A_832], %swap3A_835 {strides = array<i32>} : memref<16x128xf32, #tpu.memory_space<vmem>>, vector<1x16xf32>,
    %broadcast_in_dim3A_836 = arith.constant 0.000000e+00 : f32
    %broadcast_in_dim3A_837 = vector.broadcast %broadcast_in_dim3A_836 : f32 to vector<16xf32>
    %swap3A_838 = arith.constant 12 : i32
    %swap3A_839 = arith.index_cast %swap3A_838 : i32 to index
    %swap3A_840 = arith.constant 112 : index
    %swap3A_841 = tpu.vector_load %arg14[%swap3A_839, %swap3A_840] {strides = array<i32>} : memref<16x128xf32, #tpu.memory_space<vmem>>, vector<1x16xf32>,
    %swap3A_842 = vector.shape_cast %swap3A_841 : vector<1x16xf32> to vector<16xf32>
    %swap3A_843 = vector.shape_cast %broadcast_in_dim3A_837 : vector<16xf32> to vector<1x16xf32>
    tpu.vector_store %arg14[%swap3A_839, %swap3A_840], %swap3A_843 {strides = array<i32>} : memref<16x128xf32, #tpu.memory_space<vmem>>, vector<1x16xf32>,
    %broadcast_in_dim3A_844 = arith.constant 0.000000e+00 : f32
    %broadcast_in_dim3A_845 = vector.broadcast %broadcast_in_dim3A_844 : f32 to vector<16xf32>
    %swap3A_846 = arith.constant 13 : i32
    %swap3A_847 = arith.index_cast %swap3A_846 : i32 to index
    %swap3A_848 = arith.constant 0 : index
    %swap3A_849 = tpu.vector_load %arg14[%swap3A_847, %swap3A_848] {strides = array<i32>} : memref<16x128xf32, #tpu.memory_space<vmem>>, vector<1x16xf32>,
    %swap3A_850 = vector.shape_cast %swap3A_849 : vector<1x16xf32> to vector<16xf32>
    %swap3A_851 = vector.shape_cast %broadcast_in_dim3A_845 : vector<16xf32> to vector<1x16xf32>
    tpu.vector_store %arg14[%swap3A_847, %swap3A_848], %swap3A_851 {strides = array<i32>} : memref<16x128xf32, #tpu.memory_space<vmem>>, vector<1x16xf32>,
    %broadcast_in_dim3A_852 = arith.constant 0.000000e+00 : f32
    %broadcast_in_dim3A_853 = vector.broadcast %broadcast_in_dim3A_852 : f32 to vector<16xf32>
    %swap3A_854 = arith.constant 13 : i32
    %swap3A_855 = arith.index_cast %swap3A_854 : i32 to index
    %swap3A_856 = arith.constant 16 : index
    %swap3A_857 = tpu.vector_load %arg14[%swap3A_855, %swap3A_856] {strides = array<i32>} : memref<16x128xf32, #tpu.memory_space<vmem>>, vector<1x16xf32>,
    %swap3A_858 = vector.shape_cast %swap3A_857 : vector<1x16xf32> to vector<16xf32>
    %swap3A_859 = vector.shape_cast %broadcast_in_dim3A_853 : vector<16xf32> to vector<1x16xf32>
    tpu.vector_store %arg14[%swap3A_855, %swap3A_856], %swap3A_859 {strides = array<i32>} : memref<16x128xf32, #tpu.memory_space<vmem>>, vector<1x16xf32>,
    %broadcast_in_dim3A_860 = arith.constant 0.000000e+00 : f32
    %broadcast_in_dim3A_861 = vector.broadcast %broadcast_in_dim3A_860 : f32 to vector<16xf32>
    %swap3A_862 = arith.constant 13 : i32
    %swap3A_863 = arith.index_cast %swap3A_862 : i32 to index
    %swap3A_864 = arith.constant 32 : index
    %swap3A_865 = tpu.vector_load %arg14[%swap3A_863, %swap3A_864] {strides = array<i32>} : memref<16x128xf32, #tpu.memory_space<vmem>>, vector<1x16xf32>,
    %swap3A_866 = vector.shape_cast %swap3A_865 : vector<1x16xf32> to vector<16xf32>
    %swap3A_867 = vector.shape_cast %broadcast_in_dim3A_861 : vector<16xf32> to vector<1x16xf32>
    tpu.vector_store %arg14[%swap3A_863, %swap3A_864], %swap3A_867 {strides = array<i32>} : memref<16x128xf32, #tpu.memory_space<vmem>>, vector<1x16xf32>,
    %broadcast_in_dim3A_868 = arith.constant 0.000000e+00 : f32
    %broadcast_in_dim3A_869 = vector.broadcast %broadcast_in_dim3A_868 : f32 to vector<16xf32>
    %swap3A_870 = arith.constant 13 : i32
    %swap3A_871 = arith.index_cast %swap3A_870 : i32 to index
    %swap3A_872 = arith.constant 48 : index
    %swap3A_873 = tpu.vector_load %arg14[%swap3A_871, %swap3A_872] {strides = array<i32>} : memref<16x128xf32, #tpu.memory_space<vmem>>, vector<1x16xf32>,
    %swap3A_874 = vector.shape_cast %swap3A_873 : vector<1x16xf32> to vector<16xf32>
    %swap3A_875 = vector.shape_cast %broadcast_in_dim3A_869 : vector<16xf32> to vector<1x16xf32>
    tpu.vector_store %arg14[%swap3A_871, %swap3A_872], %swap3A_875 {strides = array<i32>} : memref<16x128xf32, #tpu.memory_space<vmem>>, vector<1x16xf32>,
    %broadcast_in_dim3A_876 = arith.constant 0.000000e+00 : f32
    %broadcast_in_dim3A_877 = vector.broadcast %broadcast_in_dim3A_876 : f32 to vector<16xf32>
    %swap3A_878 = arith.constant 13 : i32
    %swap3A_879 = arith.index_cast %swap3A_878 : i32 to index
    %swap3A_880 = arith.constant 64 : index
    %swap3A_881 = tpu.vector_load %arg14[%swap3A_879, %swap3A_880] {strides = array<i32>} : memref<16x128xf32, #tpu.memory_space<vmem>>, vector<1x16xf32>,
    %swap3A_882 = vector.shape_cast %swap3A_881 : vector<1x16xf32> to vector<16xf32>
    %swap3A_883 = vector.shape_cast %broadcast_in_dim3A_877 : vector<16xf32> to vector<1x16xf32>
    tpu.vector_store %arg14[%swap3A_879, %swap3A_880], %swap3A_883 {strides = array<i32>} : memref<16x128xf32, #tpu.memory_space<vmem>>, vector<1x16xf32>,
    %broadcast_in_dim3A_884 = arith.constant 0.000000e+00 : f32
    %broadcast_in_dim3A_885 = vector.broadcast %broadcast_in_dim3A_884 : f32 to vector<16xf32>
    %swap3A_886 = arith.constant 13 : i32
    %swap3A_887 = arith.index_cast %swap3A_886 : i32 to index
    %swap3A_888 = arith.constant 80 : index
    %swap3A_889 = tpu.vector_load %arg14[%swap3A_887, %swap3A_888] {strides = array<i32>} : memref<16x128xf32, #tpu.memory_space<vmem>>, vector<1x16xf32>,
    %swap3A_890 = vector.shape_cast %swap3A_889 : vector<1x16xf32> to vector<16xf32>
    %swap3A_891 = vector.shape_cast %broadcast_in_dim3A_885 : vector<16xf32> to vector<1x16xf32>
    tpu.vector_store %arg14[%swap3A_887, %swap3A_888], %swap3A_891 {strides = array<i32>} : memref<16x128xf32, #tpu.memory_space<vmem>>, vector<1x16xf32>,
    %broadcast_in_dim3A_892 = arith.constant 0.000000e+00 : f32
    %broadcast_in_dim3A_893 = vector.broadcast %broadcast_in_dim3A_892 : f32 to vector<16xf32>
    %swap3A_894 = arith.constant 13 : i32
    %swap3A_895 = arith.index_cast %swap3A_894 : i32 to index
    %swap3A_896 = arith.constant 96 : index
    %swap3A_897 = tpu.vector_load %arg14[%swap3A_895, %swap3A_896] {strides = array<i32>} : memref<16x128xf32, #tpu.memory_space<vmem>>, vector<1x16xf32>,
    %swap3A_898 = vector.shape_cast %swap3A_897 : vector<1x16xf32> to vector<16xf32>
    %swap3A_899 = vector.shape_cast %broadcast_in_dim3A_893 : vector<16xf32> to vector<1x16xf32>
    tpu.vector_store %arg14[%swap3A_895, %swap3A_896], %swap3A_899 {strides = array<i32>} : memref<16x128xf32, #tpu.memory_space<vmem>>, vector<1x16xf32>,
    %broadcast_in_dim3A_900 = arith.constant 0.000000e+00 : f32
    %broadcast_in_dim3A_901 = vector.broadcast %broadcast_in_dim3A_900 : f32 to vector<16xf32>
    %swap3A_902 = arith.constant 13 : i32
    %swap3A_903 = arith.index_cast %swap3A_902 : i32 to index
    %swap3A_904 = arith.constant 112 : index
    %swap3A_905 = tpu.vector_load %arg14[%swap3A_903, %swap3A_904] {strides = array<i32>} : memref<16x128xf32, #tpu.memory_space<vmem>>, vector<1x16xf32>,
    %swap3A_906 = vector.shape_cast %swap3A_905 : vector<1x16xf32> to vector<16xf32>
    %swap3A_907 = vector.shape_cast %broadcast_in_dim3A_901 : vector<16xf32> to vector<1x16xf32>
    tpu.vector_store %arg14[%swap3A_903, %swap3A_904], %swap3A_907 {strides = array<i32>} : memref<16x128xf32, #tpu.memory_space<vmem>>, vector<1x16xf32>,
    %broadcast_in_dim3A_908 = arith.constant 0.000000e+00 : f32
    %broadcast_in_dim3A_909 = vector.broadcast %broadcast_in_dim3A_908 : f32 to vector<16xf32>
    %swap3A_910 = arith.constant 14 : i32
    %swap3A_911 = arith.index_cast %swap3A_910 : i32 to index
    %swap3A_912 = arith.constant 0 : index
    %swap3A_913 = tpu.vector_load %arg14[%swap3A_911, %swap3A_912] {strides = array<i32>} : memref<16x128xf32, #tpu.memory_space<vmem>>, vector<1x16xf32>,
    %swap3A_914 = vector.shape_cast %swap3A_913 : vector<1x16xf32> to vector<16xf32>
    %swap3A_915 = vector.shape_cast %broadcast_in_dim3A_909 : vector<16xf32> to vector<1x16xf32>
    tpu.vector_store %arg14[%swap3A_911, %swap3A_912], %swap3A_915 {strides = array<i32>} : memref<16x128xf32, #tpu.memory_space<vmem>>, vector<1x16xf32>,
    %broadcast_in_dim3A_916 = arith.constant 0.000000e+00 : f32
    %broadcast_in_dim3A_917 = vector.broadcast %broadcast_in_dim3A_916 : f32 to vector<16xf32>
    %swap3A_918 = arith.constant 14 : i32
    %swap3A_919 = arith.index_cast %swap3A_918 : i32 to index
    %swap3A_920 = arith.constant 16 : index
    %swap3A_921 = tpu.vector_load %arg14[%swap3A_919, %swap3A_920] {strides = array<i32>} : memref<16x128xf32, #tpu.memory_space<vmem>>, vector<1x16xf32>,
    %swap3A_922 = vector.shape_cast %swap3A_921 : vector<1x16xf32> to vector<16xf32>
    %swap3A_923 = vector.shape_cast %broadcast_in_dim3A_917 : vector<16xf32> to vector<1x16xf32>
    tpu.vector_store %arg14[%swap3A_919, %swap3A_920], %swap3A_923 {strides = array<i32>} : memref<16x128xf32, #tpu.memory_space<vmem>>, vector<1x16xf32>,
    %broadcast_in_dim3A_924 = arith.constant 0.000000e+00 : f32
    %broadcast_in_dim3A_925 = vector.broadcast %broadcast_in_dim3A_924 : f32 to vector<16xf32>
    %swap3A_926 = arith.constant 14 : i32
    %swap3A_927 = arith.index_cast %swap3A_926 : i32 to index
    %swap3A_928 = arith.constant 32 : index
    %swap3A_929 = tpu.vector_load %arg14[%swap3A_927, %swap3A_928] {strides = array<i32>} : memref<16x128xf32, #tpu.memory_space<vmem>>, vector<1x16xf32>,
    %swap3A_930 = vector.shape_cast %swap3A_929 : vector<1x16xf32> to vector<16xf32>
    %swap3A_931 = vector.shape_cast %broadcast_in_dim3A_925 : vector<16xf32> to vector<1x16xf32>
    tpu.vector_store %arg14[%swap3A_927, %swap3A_928], %swap3A_931 {strides = array<i32>} : memref<16x128xf32, #tpu.memory_space<vmem>>, vector<1x16xf32>,
    %broadcast_in_dim3A_932 = arith.constant 0.000000e+00 : f32
    %broadcast_in_dim3A_933 = vector.broadcast %broadcast_in_dim3A_932 : f32 to vector<16xf32>
    %swap3A_934 = arith.constant 14 : i32
    %swap3A_935 = arith.index_cast %swap3A_934 : i32 to index
    %swap3A_936 = arith.constant 48 : index
    %swap3A_937 = tpu.vector_load %arg14[%swap3A_935, %swap3A_936] {strides = array<i32>} : memref<16x128xf32, #tpu.memory_space<vmem>>, vector<1x16xf32>,
    %swap3A_938 = vector.shape_cast %swap3A_937 : vector<1x16xf32> to vector<16xf32>
    %swap3A_939 = vector.shape_cast %broadcast_in_dim3A_933 : vector<16xf32> to vector<1x16xf32>
    tpu.vector_store %arg14[%swap3A_935, %swap3A_936], %swap3A_939 {strides = array<i32>} : memref<16x128xf32, #tpu.memory_space<vmem>>, vector<1x16xf32>,
    %broadcast_in_dim3A_940 = arith.constant 0.000000e+00 : f32
    %broadcast_in_dim3A_941 = vector.broadcast %broadcast_in_dim3A_940 : f32 to vector<16xf32>
    %swap3A_942 = arith.constant 14 : i32
    %swap3A_943 = arith.index_cast %swap3A_942 : i32 to index
    %swap3A_944 = arith.constant 64 : index
    %swap3A_945 = tpu.vector_load %arg14[%swap3A_943, %swap3A_944] {strides = array<i32>} : memref<16x128xf32, #tpu.memory_space<vmem>>, vector<1x16xf32>,
    %swap3A_946 = vector.shape_cast %swap3A_945 : vector<1x16xf32> to vector<16xf32>
    %swap3A_947 = vector.shape_cast %broadcast_in_dim3A_941 : vector<16xf32> to vector<1x16xf32>
    tpu.vector_store %arg14[%swap3A_943, %swap3A_944], %swap3A_947 {strides = array<i32>} : memref<16x128xf32, #tpu.memory_space<vmem>>, vector<1x16xf32>,
    %broadcast_in_dim3A_948 = arith.constant 0.000000e+00 : f32
    %broadcast_in_dim3A_949 = vector.broadcast %broadcast_in_dim3A_948 : f32 to vector<16xf32>
    %swap3A_950 = arith.constant 14 : i32
    %swap3A_951 = arith.index_cast %swap3A_950 : i32 to index
    %swap3A_952 = arith.constant 80 : index
    %swap3A_953 = tpu.vector_load %arg14[%swap3A_951, %swap3A_952] {strides = array<i32>} : memref<16x128xf32, #tpu.memory_space<vmem>>, vector<1x16xf32>,
    %swap3A_954 = vector.shape_cast %swap3A_953 : vector<1x16xf32> to vector<16xf32>
    %swap3A_955 = vector.shape_cast %broadcast_in_dim3A_949 : vector<16xf32> to vector<1x16xf32>
    tpu.vector_store %arg14[%swap3A_951, %swap3A_952], %swap3A_955 {strides = array<i32>} : memref<16x128xf32, #tpu.memory_space<vmem>>, vector<1x16xf32>,
    %broadcast_in_dim3A_956 = arith.constant 0.000000e+00 : f32
    %broadcast_in_dim3A_957 = vector.broadcast %broadcast_in_dim3A_956 : f32 to vector<16xf32>
    %swap3A_958 = arith.constant 14 : i32
    %swap3A_959 = arith.index_cast %swap3A_958 : i32 to index
    %swap3A_960 = arith.constant 96 : index
    %swap3A_961 = tpu.vector_load %arg14[%swap3A_959, %swap3A_960] {strides = array<i32>} : memref<16x128xf32, #tpu.memory_space<vmem>>, vector<1x16xf32>,
    %swap3A_962 = vector.shape_cast %swap3A_961 : vector<1x16xf32> to vector<16xf32>
    %swap3A_963 = vector.shape_cast %broadcast_in_dim3A_957 : vector<16xf32> to vector<1x16xf32>
    tpu.vector_store %arg14[%swap3A_959, %swap3A_960], %swap3A_963 {strides = array<i32>} : memref<16x128xf32, #tpu.memory_space<vmem>>, vector<1x16xf32>,
    %broadcast_in_dim3A_964 = arith.constant 0.000000e+00 : f32
    %broadcast_in_dim3A_965 = vector.broadcast %broadcast_in_dim3A_964 : f32 to vector<16xf32>
    %swap3A_966 = arith.constant 14 : i32
    %swap3A_967 = arith.index_cast %swap3A_966 : i32 to index
    %swap3A_968 = arith.constant 112 : index
    %swap3A_969 = tpu.vector_load %arg14[%swap3A_967, %swap3A_968] {strides = array<i32>} : memref<16x128xf32, #tpu.memory_space<vmem>>, vector<1x16xf32>,
    %swap3A_970 = vector.shape_cast %swap3A_969 : vector<1x16xf32> to vector<16xf32>
    %swap3A_971 = vector.shape_cast %broadcast_in_dim3A_965 : vector<16xf32> to vector<1x16xf32>
    tpu.vector_store %arg14[%swap3A_967, %swap3A_968], %swap3A_971 {strides = array<i32>} : memref<16x128xf32, #tpu.memory_space<vmem>>, vector<1x16xf32>,
    %broadcast_in_dim3A_972 = arith.constant 0.000000e+00 : f32
    %broadcast_in_dim3A_973 = vector.broadcast %broadcast_in_dim3A_972 : f32 to vector<16xf32>
    %swap3A_974 = arith.constant 15 : i32
    %swap3A_975 = arith.index_cast %swap3A_974 : i32 to index
    %swap3A_976 = arith.constant 0 : index
    %swap3A_977 = tpu.vector_load %arg14[%swap3A_975, %swap3A_976] {strides = array<i32>} : memref<16x128xf32, #tpu.memory_space<vmem>>, vector<1x16xf32>,
    %swap3A_978 = vector.shape_cast %swap3A_977 : vector<1x16xf32> to vector<16xf32>
    %swap3A_979 = vector.shape_cast %broadcast_in_dim3A_973 : vector<16xf32> to vector<1x16xf32>
    tpu.vector_store %arg14[%swap3A_975, %swap3A_976], %swap3A_979 {strides = array<i32>} : memref<16x128xf32, #tpu.memory_space<vmem>>, vector<1x16xf32>,
    %broadcast_in_dim3A_980 = arith.constant 0.000000e+00 : f32
    %broadcast_in_dim3A_981 = vector.broadcast %broadcast_in_dim3A_980 : f32 to vector<16xf32>
    %swap3A_982 = arith.constant 15 : i32
    %swap3A_983 = arith.index_cast %swap3A_982 : i32 to index
    %swap3A_984 = arith.constant 16 : index
    %swap3A_985 = tpu.vector_load %arg14[%swap3A_983, %swap3A_984] {strides = array<i32>} : memref<16x128xf32, #tpu.memory_space<vmem>>, vector<1x16xf32>,
    %swap3A_986 = vector.shape_cast %swap3A_985 : vector<1x16xf32> to vector<16xf32>
    %swap3A_987 = vector.shape_cast %broadcast_in_dim3A_981 : vector<16xf32> to vector<1x16xf32>
    tpu.vector_store %arg14[%swap3A_983, %swap3A_984], %swap3A_987 {strides = array<i32>} : memref<16x128xf32, #tpu.memory_space<vmem>>, vector<1x16xf32>,
    %broadcast_in_dim3A_988 = arith.constant 0.000000e+00 : f32
    %broadcast_in_dim3A_989 = vector.broadcast %broadcast_in_dim3A_988 : f32 to vector<16xf32>
    %swap3A_990 = arith.constant 15 : i32
    %swap3A_991 = arith.index_cast %swap3A_990 : i32 to index
    %swap3A_992 = arith.constant 32 : index
    %swap3A_993 = tpu.vector_load %arg14[%swap3A_991, %swap3A_992] {strides = array<i32>} : memref<16x128xf32, #tpu.memory_space<vmem>>, vector<1x16xf32>,
    %swap3A_994 = vector.shape_cast %swap3A_993 : vector<1x16xf32> to vector<16xf32>
    %swap3A_995 = vector.shape_cast %broadcast_in_dim3A_989 : vector<16xf32> to vector<1x16xf32>
    tpu.vector_store %arg14[%swap3A_991, %swap3A_992], %swap3A_995 {strides = array<i32>} : memref<16x128xf32, #tpu.memory_space<vmem>>, vector<1x16xf32>,
    %broadcast_in_dim3A_996 = arith.constant 0.000000e+00 : f32
    %broadcast_in_dim3A_997 = vector.broadcast %broadcast_in_dim3A_996 : f32 to vector<16xf32>
    %swap3A_998 = arith.constant 15 : i32
    %swap3A_999 = arith.index_cast %swap3A_998 : i32 to index
    %swap3A_1000 = arith.constant 48 : index
    %swap3A_1001 = tpu.vector_load %arg14[%swap3A_999, %swap3A_1000] {strides = array<i32>} : memref<16x128xf32, #tpu.memory_space<vmem>>, vector<1x16xf32>,
    %swap3A_1002 = vector.shape_cast %swap3A_1001 : vector<1x16xf32> to vector<16xf32>
    %swap3A_1003 = vector.shape_cast %broadcast_in_dim3A_997 : vector<16xf32> to vector<1x16xf32>
    tpu.vector_store %arg14[%swap3A_999, %swap3A_1000], %swap3A_1003 {strides = array<i32>} : memref<16x128xf32, #tpu.memory_space<vmem>>, vector<1x16xf32>,
    %broadcast_in_dim3A_1004 = arith.constant 0.000000e+00 : f32
    %broadcast_in_dim3A_1005 = vector.broadcast %broadcast_in_dim3A_1004 : f32 to vector<16xf32>
    %swap3A_1006 = arith.constant 15 : i32
    %swap3A_1007 = arith.index_cast %swap3A_1006 : i32 to index
    %swap3A_1008 = arith.constant 64 : index
    %swap3A_1009 = tpu.vector_load %arg14[%swap3A_1007, %swap3A_1008] {strides = array<i32>} : memref<16x128xf32, #tpu.memory_space<vmem>>, vector<1x16xf32>,
    %swap3A_1010 = vector.shape_cast %swap3A_1009 : vector<1x16xf32> to vector<16xf32>
    %swap3A_1011 = vector.shape_cast %broadcast_in_dim3A_1005 : vector<16xf32> to vector<1x16xf32>
    tpu.vector_store %arg14[%swap3A_1007, %swap3A_1008], %swap3A_1011 {strides = array<i32>} : memref<16x128xf32, #tpu.memory_space<vmem>>, vector<1x16xf32>,
    %broadcast_in_dim3A_1012 = arith.constant 0.000000e+00 : f32
    %broadcast_in_dim3A_1013 = vector.broadcast %broadcast_in_dim3A_1012 : f32 to vector<16xf32>
    %swap3A_1014 = arith.constant 15 : i32
    %swap3A_1015 = arith.index_cast %swap3A_1014 : i32 to index
    %swap3A_1016 = arith.constant 80 : index
    %swap3A_1017 = tpu.vector_load %arg14[%swap3A_1015, %swap3A_1016] {strides = array<i32>} : memref<16x128xf32, #tpu.memory_space<vmem>>, vector<1x16xf32>,
    %swap3A_1018 = vector.shape_cast %swap3A_1017 : vector<1x16xf32> to vector<16xf32>
    %swap3A_1019 = vector.shape_cast %broadcast_in_dim3A_1013 : vector<16xf32> to vector<1x16xf32>
    tpu.vector_store %arg14[%swap3A_1015, %swap3A_1016], %swap3A_1019 {strides = array<i32>} : memref<16x128xf32, #tpu.memory_space<vmem>>, vector<1x16xf32>,
    %broadcast_in_dim3A_1020 = arith.constant 0.000000e+00 : f32
    %broadcast_in_dim3A_1021 = vector.broadcast %broadcast_in_dim3A_1020 : f32 to vector<16xf32>
    %swap3A_1022 = arith.constant 15 : i32
    %swap3A_1023 = arith.index_cast %swap3A_1022 : i32 to index
    %swap3A_1024 = arith.constant 96 : index
    %swap3A_1025 = tpu.vector_load %arg14[%swap3A_1023, %swap3A_1024] {strides = array<i32>} : memref<16x128xf32, #tpu.memory_space<vmem>>, vector<1x16xf32>,
    %swap3A_1026 = vector.shape_cast %swap3A_1025 : vector<1x16xf32> to vector<16xf32>
    %swap3A_1027 = vector.shape_cast %broadcast_in_dim3A_1021 : vector<16xf32> to vector<1x16xf32>
    tpu.vector_store %arg14[%swap3A_1023, %swap3A_1024], %swap3A_1027 {strides = array<i32>} : memref<16x128xf32, #tpu.memory_space<vmem>>, vector<1x16xf32>,
    %broadcast_in_dim3A_1028 = arith.constant 0.000000e+00 : f32
    %broadcast_in_dim3A_1029 = vector.broadcast %broadcast_in_dim3A_1028 : f32 to vector<16xf32>
    %swap3A_1030 = arith.constant 15 : i32
    %swap3A_1031 = arith.index_cast %swap3A_1030 : i32 to index
    %swap3A_1032 = arith.constant 112 : index
    %swap3A_1033 = tpu.vector_load %arg14[%swap3A_1031, %swap3A_1032] {strides = array<i32>} : memref<16x128xf32, #tpu.memory_space<vmem>>, vector<1x16xf32>,
    %swap3A_1034 = vector.shape_cast %swap3A_1033 : vector<1x16xf32> to vector<16xf32>
    %swap3A_1035 = vector.shape_cast %broadcast_in_dim3A_1029 : vector<16xf32> to vector<1x16xf32>
    tpu.vector_store %arg14[%swap3A_1031, %swap3A_1032], %swap3A_1035 {strides = array<i32>} : memref<16x128xf32, #tpu.memory_space<vmem>>, vector<1x16xf32>,
    %scan3A = arith.constant 0 : i32
    %scan3A_1036 = arith.constant 40 : i32
    %scan3A_1037 = arith.addi %scan3A, %scan3A_1036 : i32
    %scan3A_1038 = arith.constant 1 : i32
    scf.for %scan3A_1100 = %scan3A to %scan3A_1037 step %scan3A_1038  : i32 {
      %mul3A_1101 = arith.constant 1 : i32
      %mul3A_1102 = arith.muli %scan3A_1100, %mul3A_1101 : i32
      %add3A_1103 = arith.constant 0 : i32
      %add3A_1104 = arith.addi %add3A_1103, %mul3A_1102 : i32
      %mul3A_1105 = arith.constant 640 : i32
      %mul3A_1106 = arith.muli %arg1, %mul3A_1105 : i32
      %mul3A_1107 = arith.constant 16 : i32
      %mul3A_1108 = arith.muli %add3A_1104, %mul3A_1107 : i32
      %add3A_1109 = arith.addi %mul3A_1106, %mul3A_1108 : i32
      "tpu.region"() ({
        %run_scoped3A = tpu.sem_alloc : memref<!tpu.dma_semaphore, #tpu.memory_space<semaphore_mem>>
        %dma_start3A_1110 = arith.constant 0 : i32
        %dma_start3A_1111 = tpu.memref_slice %arg15[%add3A_1109, %dma_start3A_1110] : memref<10240x128xf32, #tpu.memory_space<vmem_shared>> -> memref<16x128xf32, #tpu.memory_space<vmem_shared>>
        %dma_start3A_1112 = arith.constant 0 : i32
        %dma_start3A_1113 = tpu.memref_slice %arg15[%add3A_1109, %dma_start3A_1112] : memref<10240x128xf32, #tpu.memory_space<vmem_shared>> -> memref<16x128xf32, #tpu.memory_space<vmem_shared>>
        tpu.enqueue_dma source(%arg14 : memref<16x128xf32, #tpu.memory_space<vmem>>) target(%dma_start3A_1113 : memref<16x128xf32, #tpu.memory_space<vmem_shared>>) target_semaphore(%run_scoped3A : memref<!tpu.dma_semaphore, #tpu.memory_space<semaphore_mem>>)
        %dma_wait3A_1114 = arith.constant 0 : i32
        %dma_wait3A_1115 = tpu.memref_slice %arg15[%add3A_1109, %dma_wait3A_1114] : memref<10240x128xf32, #tpu.memory_space<vmem_shared>> -> memref<16x128xf32, #tpu.memory_space<vmem_shared>>
        %dma_wait3A_1116 = arith.constant 0 : i32
        %dma_wait3A_1117 = tpu.memref_slice %arg15[%add3A_1109, %dma_wait3A_1116] : memref<10240x128xf32, #tpu.memory_space<vmem_shared>> -> memref<16x128xf32, #tpu.memory_space<vmem_shared>>
        tpu.wait_dma2 semaphore(%run_scoped3A : memref<!tpu.dma_semaphore, #tpu.memory_space<semaphore_mem>>) src(%arg14 : memref<16x128xf32, #tpu.memory_space<vmem>>) dst(%dma_wait3A_1117 : memref<16x128xf32, #tpu.memory_space<vmem_shared>>)
        tpu.yield
      }) : () -> ()
    }
    %scan3A_1039 = arith.constant 40 : i32
    %barrier3A = arith.constant 0 : index
    tpu.barrier barrier_id(%barrier3A)
    %add3A_1040 = arith.constant 0 : i32
    %add3A_1041 = arith.addi %select_n3A_13, %add3A_1040 : i32
    %lt3A = arith.constant 2500 : i32
    %lt3A_1042 = arith.cmpi slt, %add3A_1041, %lt3A : i32
    %convert_element_type3A = arith.extui %lt3A_1042 : i1 to i32
    %cond3A = arith.constant 0 : i32
    %cond3A_1043 = arith.cmpi ne, %convert_element_type3A, %cond3A : i32
    scf.if %cond3A_1043 {
      %dma_start3A_1100 = arith.constant 0 : i32
      %dma_start3A_1101 = tpu.memref_slice %arg2[%add3A_1041, %dma_start3A_1100] : memref<2500x128xi32, #tpu.memory_space<hbm>> -> memref<4x128xi32, #tpu.memory_space<hbm>>
      %dma_start3A_1102 = arith.constant 0 : i32
      %dma_start3A_1103 = tpu.memref_slice %arg2[%add3A_1041, %dma_start3A_1102] : memref<2500x128xi32, #tpu.memory_space<hbm>> -> memref<4x128xi32, #tpu.memory_space<hbm>>
      tpu.enqueue_dma source(%dma_start3A_1103 : memref<4x128xi32, #tpu.memory_space<hbm>>) target(%arg8 : memref<4x128xi32, #tpu.memory_space<vmem>>) target_semaphore(%arg18 : memref<!tpu.dma_semaphore, #tpu.memory_space<semaphore_mem>>)
      %dma_start3A_1104 = arith.constant 0 : i32
      %dma_start3A_1105 = tpu.memref_slice %arg3[%add3A_1041, %dma_start3A_1104] : memref<2500x128xi32, #tpu.memory_space<hbm>> -> memref<4x128xi32, #tpu.memory_space<hbm>>
      %dma_start3A_1106 = arith.constant 0 : i32
      %dma_start3A_1107 = tpu.memref_slice %arg3[%add3A_1041, %dma_start3A_1106] : memref<2500x128xi32, #tpu.memory_space<hbm>> -> memref<4x128xi32, #tpu.memory_space<hbm>>
      tpu.enqueue_dma source(%dma_start3A_1107 : memref<4x128xi32, #tpu.memory_space<hbm>>) target(%arg10 : memref<4x128xi32, #tpu.memory_space<vmem>>) target_semaphore(%arg18 : memref<!tpu.dma_semaphore, #tpu.memory_space<semaphore_mem>>)
    } else {
    }
    %ge3A = arith.constant 2500 : i32
    %ge3A_1044 = arith.cmpi sge, %add3A_1041, %ge3A : i32
    %convert_element_type3A_1045 = arith.extui %ge3A_1044 : i1 to i32
    %cond3A_1046 = arith.constant 0 : i32
    %cond3A_1047 = arith.cmpi ne, %convert_element_type3A_1045, %cond3A_1046 : i32
    scf.if %cond3A_1047 {
      %sub3A_1100 = arith.constant 2500 : i32
      %sub3A_1101 = arith.subi %add3A_1041, %sub3A_1100 : i32
      %dma_start3A_1102 = arith.constant 0 : i32
      %dma_start3A_1103 = tpu.memref_slice %arg4[%sub3A_1101, %dma_start3A_1102] : memref<60x128xi32, #tpu.memory_space<hbm>> -> memref<4x128xi32, #tpu.memory_space<hbm>>
      %dma_start3A_1104 = arith.constant 0 : i32
      %dma_start3A_1105 = tpu.memref_slice %arg4[%sub3A_1101, %dma_start3A_1104] : memref<60x128xi32, #tpu.memory_space<hbm>> -> memref<4x128xi32, #tpu.memory_space<hbm>>
      tpu.enqueue_dma source(%dma_start3A_1105 : memref<4x128xi32, #tpu.memory_space<hbm>>) target(%arg8 : memref<4x128xi32, #tpu.memory_space<vmem>>) target_semaphore(%arg18 : memref<!tpu.dma_semaphore, #tpu.memory_space<semaphore_mem>>)
      %dma_start3A_1106 = arith.constant 0 : i32
      %dma_start3A_1107 = tpu.memref_slice %arg4[%sub3A_1101, %dma_start3A_1106] : memref<60x128xi32, #tpu.memory_space<hbm>> -> memref<4x128xi32, #tpu.memory_space<hbm>>
      %dma_start3A_1108 = arith.constant 0 : i32
      %dma_start3A_1109 = tpu.memref_slice %arg4[%sub3A_1101, %dma_start3A_1108] : memref<60x128xi32, #tpu.memory_space<hbm>> -> memref<4x128xi32, #tpu.memory_space<hbm>>
      tpu.enqueue_dma source(%dma_start3A_1109 : memref<4x128xi32, #tpu.memory_space<hbm>>) target(%arg10 : memref<4x128xi32, #tpu.memory_space<vmem>>) target_semaphore(%arg18 : memref<!tpu.dma_semaphore, #tpu.memory_space<semaphore_mem>>)
    } else {
    }
    %add3A_1048 = arith.constant 0 : i32
    %add3A_1049 = arith.addi %select_n3A_13, %add3A_1048 : i32
    %min3A = arith.constant 2496 : i32
    %min3A_1050 = arith.minsi %add3A_1049, %min3A : i32
    %dma_wait3A = arith.constant 0 : i32
    %dma_wait3A_1051 = tpu.memref_slice %arg2[%min3A_1050, %dma_wait3A] : memref<2500x128xi32, #tpu.memory_space<hbm>> -> memref<4x128xi32, #tpu.memory_space<hbm>>
    %dma_wait3A_1052 = arith.constant 0 : i32
    %dma_wait3A_1053 = tpu.memref_slice %arg2[%min3A_1050, %dma_wait3A_1052] : memref<2500x128xi32, #tpu.memory_space<hbm>> -> memref<4x128xi32, #tpu.memory_space<hbm>>
    tpu.wait_dma2 semaphore(%arg18 : memref<!tpu.dma_semaphore, #tpu.memory_space<semaphore_mem>>) src(%dma_wait3A_1053 : memref<4x128xi32, #tpu.memory_space<hbm>>) dst(%arg8 : memref<4x128xi32, #tpu.memory_space<vmem>>)
    %dma_wait3A_1054 = arith.constant 0 : i32
    %dma_wait3A_1055 = tpu.memref_slice %arg3[%min3A_1050, %dma_wait3A_1054] : memref<2500x128xi32, #tpu.memory_space<hbm>> -> memref<4x128xi32, #tpu.memory_space<hbm>>
    %dma_wait3A_1056 = arith.constant 0 : i32
    %dma_wait3A_1057 = tpu.memref_slice %arg3[%min3A_1050, %dma_wait3A_1056] : memref<2500x128xi32, #tpu.memory_space<hbm>> -> memref<4x128xi32, #tpu.memory_space<hbm>>
    tpu.wait_dma2 semaphore(%arg18 : memref<!tpu.dma_semaphore, #tpu.memory_space<semaphore_mem>>) src(%dma_wait3A_1057 : memref<4x128xi32, #tpu.memory_space<hbm>>) dst(%arg10 : memref<4x128xi32, #tpu.memory_space<vmem>>)
    %dma_start3A = arith.constant 0 : i32
    %dma_start3A_1058 = arith.constant 0 : i32
    %dma_start3A_1059 = tpu.memref_slice %arg8[%dma_start3A, %dma_start3A_1058] : memref<4x128xi32, #tpu.memory_space<vmem>> -> memref<1x128xi32, #tpu.memory_space<vmem>>
    %dma_start3A_1060 = tpu.memref_squeeze %dma_start3A_1059 : memref<1x128xi32, #tpu.memory_space<vmem>> -> memref<128xi32, #tpu.memory_space<vmem>>
    %dma_start3A_1061 = arith.constant 0 : i32
    %dma_start3A_1062 = arith.constant 0 : i32
    %dma_start3A_1063 = tpu.memref_slice %arg5[%dma_start3A_1061, %dma_start3A_1062] : memref<10240x128xf32, #tpu.memory_space<hbm>> -> memref<10240x128xf32, #tpu.memory_space<hbm>>
    tpu.enqueue_indirect_dma source(%dma_start3A_1063 : memref<10240x128xf32, #tpu.memory_space<hbm>>) target(%arg12 : memref<128x128xf32, #tpu.memory_space<vmem>>) offsets(%dma_start3A_1060 : memref<128xi32, #tpu.memory_space<vmem>>) semaphore(%arg16 : memref<!tpu.dma_semaphore, #tpu.memory_space<semaphore_mem>>)
    %sub3A = arith.constant 0 : i32
    %sub3A_1064 = arith.subi %select_n3A_6, %sub3A : i32
    %sub3A_1065 = arith.constant 1 : i32
    %sub3A_1066 = arith.constant 1 : i32
    %sub3A_1067 = arith.subi %sub3A_1065, %sub3A_1066 : i32
    %add3A_1068 = arith.addi %sub3A_1064, %sub3A_1067 : i32
    %div3A = arith.constant 1 : i32
    %div3A_1069 = arith.divsi %add3A_1068, %div3A : i32
    %while3A = arith.constant 1 : i32
    %while3A_1070 = arith.constant 0 : i32
    %while3A_1071 = arith.constant 0 : i32
    %while3A_1072 = arith.subi %div3A_1069, %while3A_1071 : i32
    %while3A_1073 = arith.addi %while3A_1071, %while3A_1072 : i32
    %while3A_1074 = arith.constant 1 : i32
    %while3A_1075 = arith.divsi %while3A_1072, %while3A_1074 : i32
    %while3A_1076 = arith.muli %while3A_1075, %while3A_1074 : i32
    %while3A_1077 = arith.addi %while3A_1071, %while3A_1076 : i32
    %while3A_1078 = arith.constant 1 : i32
    scf.for %while3A_1100 = %while3A_1071 to %while3A_1077 step %while3A_1078  : i32 {
      %mul3A_1101 = arith.muli %while3A_1100, %while3A : i32
      %add3A_1102 = arith.addi %while3A_1070, %mul3A_1101 : i32
      %mul3A_1103 = arith.constant 2 : i32
      %mul3A_1104 = arith.muli %mul3A_1103, %add3A_1102 : i32
      %add3A_1105 = arith.constant 0 : i32
      %add3A_1106 = arith.addi %mul3A_1104, %add3A_1105 : i32
      %mul3A_1107 = arith.constant 4 : i32
      %mul3A_1108 = arith.muli %add3A_1106, %mul3A_1107 : i32
      %add3A_1109 = arith.constant 4 : i32
      %add3A_1110 = arith.addi %mul3A_1108, %add3A_1109 : i32
      %lt3A_1111 = arith.cmpi slt, %add3A_1110, %select_n3A : i32
      %convert_element_type3A_1112 = arith.extui %lt3A_1111 : i1 to i32
      %cond3A_1113 = arith.constant 0 : i32
      %cond3A_1114 = arith.cmpi ne, %convert_element_type3A_1112, %cond3A_1113 : i32
      scf.if %cond3A_1114 {
        %add3A_1348 = arith.constant 1 : i32
        %add3A_1349 = arith.addi %add3A_1106, %add3A_1348 : i32
        %mul3A_1350 = arith.constant 4 : i32
        %mul3A_1351 = arith.muli %add3A_1349, %mul3A_1350 : i32
        %add3A_1352 = arith.addi %select_n3A_13, %mul3A_1351 : i32
        %lt3A_1353 = arith.constant 2500 : i32
        %lt3A_1354 = arith.cmpi slt, %add3A_1352, %lt3A_1353 : i32
        %convert_element_type3A_1355 = arith.extui %lt3A_1354 : i1 to i32
        %cond3A_1356 = arith.constant 0 : i32
        %cond3A_1357 = arith.cmpi ne, %convert_element_type3A_1355, %cond3A_1356 : i32
        scf.if %cond3A_1357 {
          %dma_start3A_1363 = arith.constant 0 : i32
          %dma_start3A_1364 = tpu.memref_slice %arg2[%add3A_1352, %dma_start3A_1363] : memref<2500x128xi32, #tpu.memory_space<hbm>> -> memref<4x128xi32, #tpu.memory_space<hbm>>
          %dma_start3A_1365 = arith.constant 0 : i32
          %dma_start3A_1366 = tpu.memref_slice %arg2[%add3A_1352, %dma_start3A_1365] : memref<2500x128xi32, #tpu.memory_space<hbm>> -> memref<4x128xi32, #tpu.memory_space<hbm>>
          tpu.enqueue_dma source(%dma_start3A_1366 : memref<4x128xi32, #tpu.memory_space<hbm>>) target(%arg9 : memref<4x128xi32, #tpu.memory_space<vmem>>) target_semaphore(%arg19 : memref<!tpu.dma_semaphore, #tpu.memory_space<semaphore_mem>>)
          %dma_start3A_1367 = arith.constant 0 : i32
          %dma_start3A_1368 = tpu.memref_slice %arg3[%add3A_1352, %dma_start3A_1367] : memref<2500x128xi32, #tpu.memory_space<hbm>> -> memref<4x128xi32, #tpu.memory_space<hbm>>
          %dma_start3A_1369 = arith.constant 0 : i32
          %dma_start3A_1370 = tpu.memref_slice %arg3[%add3A_1352, %dma_start3A_1369] : memref<2500x128xi32, #tpu.memory_space<hbm>> -> memref<4x128xi32, #tpu.memory_space<hbm>>
          tpu.enqueue_dma source(%dma_start3A_1370 : memref<4x128xi32, #tpu.memory_space<hbm>>) target(%arg11 : memref<4x128xi32, #tpu.memory_space<vmem>>) target_semaphore(%arg19 : memref<!tpu.dma_semaphore, #tpu.memory_space<semaphore_mem>>)
        } else {
        }
        %ge3A_1358 = arith.constant 2500 : i32
        %ge3A_1359 = arith.cmpi sge, %add3A_1352, %ge3A_1358 : i32
        %convert_element_type3A_1360 = arith.extui %ge3A_1359 : i1 to i32
        %cond3A_1361 = arith.constant 0 : i32
        %cond3A_1362 = arith.cmpi ne, %convert_element_type3A_1360, %cond3A_1361 : i32
        scf.if %cond3A_1362 {
          %sub3A_1363 = arith.constant 2500 : i32
          %sub3A_1364 = arith.subi %add3A_1352, %sub3A_1363 : i32
          %dma_start3A_1365 = arith.constant 0 : i32
          %dma_start3A_1366 = tpu.memref_slice %arg4[%sub3A_1364, %dma_start3A_1365] : memref<60x128xi32, #tpu.memory_space<hbm>> -> memref<4x128xi32, #tpu.memory_space<hbm>>
          %dma_start3A_1367 = arith.constant 0 : i32
          %dma_start3A_1368 = tpu.memref_slice %arg4[%sub3A_1364, %dma_start3A_1367] : memref<60x128xi32, #tpu.memory_space<hbm>> -> memref<4x128xi32, #tpu.memory_space<hbm>>
          tpu.enqueue_dma source(%dma_start3A_1368 : memref<4x128xi32, #tpu.memory_space<hbm>>) target(%arg9 : memref<4x128xi32, #tpu.memory_space<vmem>>) target_semaphore(%arg19 : memref<!tpu.dma_semaphore, #tpu.memory_space<semaphore_mem>>)
          %dma_start3A_1369 = arith.constant 0 : i32
          %dma_start3A_1370 = tpu.memref_slice %arg4[%sub3A_1364, %dma_start3A_1369] : memref<60x128xi32, #tpu.memory_space<hbm>> -> memref<4x128xi32, #tpu.memory_space<hbm>>
          %dma_start3A_1371 = arith.constant 0 : i32
          %dma_start3A_1372 = tpu.memref_slice %arg4[%sub3A_1364, %dma_start3A_1371] : memref<60x128xi32, #tpu.memory_space<hbm>> -> memref<4x128xi32, #tpu.memory_space<hbm>>
          tpu.enqueue_dma source(%dma_start3A_1372 : memref<4x128xi32, #tpu.memory_space<hbm>>) target(%arg11 : memref<4x128xi32, #tpu.memory_space<vmem>>) target_semaphore(%arg19 : memref<!tpu.dma_semaphore, #tpu.memory_space<semaphore_mem>>)
        } else {
        }
      } else {
      }
      %add3A_1115 = arith.constant 0 : i32
      %add3A_1116 = arith.addi %mul3A_1108, %add3A_1115 : i32
      %dma_wait3A_1117 = arith.constant 0 : i32
      %dma_wait3A_1118 = arith.constant 0 : i32
      %dma_wait3A_1119 = tpu.memref_slice %arg8[%dma_wait3A_1117, %dma_wait3A_1118] : memref<4x128xi32, #tpu.memory_space<vmem>> -> memref<1x128xi32, #tpu.memory_space<vmem>>
      %dma_wait3A_1120 = tpu.memref_squeeze %dma_wait3A_1119 : memref<1x128xi32, #tpu.memory_space<vmem>> -> memref<128xi32, #tpu.memory_space<vmem>>
      %dma_wait3A_1121 = arith.constant 0 : i32
      %dma_wait3A_1122 = arith.constant 0 : i32
      %dma_wait3A_1123 = tpu.memref_slice %arg5[%dma_wait3A_1121, %dma_wait3A_1122] : memref<10240x128xf32, #tpu.memory_space<hbm>> -> memref<10240x128xf32, #tpu.memory_space<hbm>>
      tpu.wait_indirect_dma semaphore(%arg16 : memref<!tpu.dma_semaphore, #tpu.memory_space<semaphore_mem>>) src(%dma_wait3A_1123 : memref<10240x128xf32, #tpu.memory_space<hbm>>) dst(%arg12 : memref<128x128xf32, #tpu.memory_space<vmem>>)
      %gt3A = arith.constant 0 : i32
      %gt3A_1124 = arith.cmpi sgt, %add3A_1116, %gt3A : i32
      %convert_element_type3A_1125 = arith.extui %gt3A_1124 : i1 to i32
      %cond3A_1126 = arith.constant 0 : i32
      %cond3A_1127 = arith.cmpi ne, %convert_element_type3A_1125, %cond3A_1126 : i32
      scf.if %cond3A_1127 {
        %dma_wait3A_1348 = arith.constant 3 : i32
        %dma_wait3A_1349 = arith.constant 0 : i32
        %dma_wait3A_1350 = tpu.memref_slice %arg11[%dma_wait3A_1348, %dma_wait3A_1349] : memref<4x128xi32, #tpu.memory_space<vmem>> -> memref<1x128xi32, #tpu.memory_space<vmem>>
        %dma_wait3A_1351 = tpu.memref_squeeze %dma_wait3A_1350 : memref<1x128xi32, #tpu.memory_space<vmem>> -> memref<128xi32, #tpu.memory_space<vmem>>
        %dma_wait3A_1352 = arith.constant 0 : i32
        %dma_wait3A_1353 = arith.constant 0 : i32
        %dma_wait3A_1354 = tpu.memref_slice %arg15[%dma_wait3A_1352, %dma_wait3A_1353] : memref<10240x128xf32, #tpu.memory_space<vmem_shared>> -> memref<10240x128xf32, #tpu.memory_space<vmem_shared>>
        tpu.wait_indirect_dma semaphore(%arg21 : memref<!tpu.dma_semaphore, #tpu.memory_space<semaphore_mem>>) src(%arg13 : memref<128x128xf32, #tpu.memory_space<vmem>>) dst(%dma_wait3A_1354 : memref<10240x128xf32, #tpu.memory_space<vmem_shared>>)
      } else {
      }
      %dma_start3A_1128 = arith.constant 1 : i32
      %dma_start3A_1129 = arith.constant 0 : i32
      %dma_start3A_1130 = tpu.memref_slice %arg8[%dma_start3A_1128, %dma_start3A_1129] : memref<4x128xi32, #tpu.memory_space<vmem>> -> memref<1x128xi32, #tpu.memory_space<vmem>>
      %dma_start3A_1131 = tpu.memref_squeeze %dma_start3A_1130 : memref<1x128xi32, #tpu.memory_space<vmem>> -> memref<128xi32, #tpu.memory_space<vmem>>
      %dma_start3A_1132 = arith.constant 0 : i32
      %dma_start3A_1133 = arith.constant 0 : i32
      %dma_start3A_1134 = tpu.memref_slice %arg5[%dma_start3A_1132, %dma_start3A_1133] : memref<10240x128xf32, #tpu.memory_space<hbm>> -> memref<10240x128xf32, #tpu.memory_space<hbm>>
      tpu.enqueue_indirect_dma source(%dma_start3A_1134 : memref<10240x128xf32, #tpu.memory_space<hbm>>) target(%arg13 : memref<128x128xf32, #tpu.memory_space<vmem>>) offsets(%dma_start3A_1131 : memref<128xi32, #tpu.memory_space<vmem>>) semaphore(%arg17 : memref<!tpu.dma_semaphore, #tpu.memory_space<semaphore_mem>>)
      %dma_start3A_1135 = arith.constant 0 : i32
      %dma_start3A_1136 = arith.constant 0 : i32
      %dma_start3A_1137 = tpu.memref_slice %arg10[%dma_start3A_1135, %dma_start3A_1136] : memref<4x128xi32, #tpu.memory_space<vmem>> -> memref<1x128xi32, #tpu.memory_space<vmem>>
      %dma_start3A_1138 = tpu.memref_squeeze %dma_start3A_1137 : memref<1x128xi32, #tpu.memory_space<vmem>> -> memref<128xi32, #tpu.memory_space<vmem>>
      %dma_start3A_1139 = arith.constant 0 : i32
      %dma_start3A_1140 = arith.constant 0 : i32
      %dma_start3A_1141 = tpu.memref_slice %arg15[%dma_start3A_1139, %dma_start3A_1140] : memref<10240x128xf32, #tpu.memory_space<vmem_shared>> -> memref<10240x128xf32, #tpu.memory_space<vmem_shared>>
      tpu.enqueue_indirect_dma source(%arg12 : memref<128x128xf32, #tpu.memory_space<vmem>>) target(%dma_start3A_1141 : memref<10240x128xf32, #tpu.memory_space<vmem_shared>>) offsets(%dma_start3A_1138 : memref<128xi32, #tpu.memory_space<vmem>>) semaphore(%arg20 : memref<!tpu.dma_semaphore, #tpu.memory_space<semaphore_mem>>) {add = true}
      %add3A_1142 = arith.constant 1 : i32
      %add3A_1143 = arith.addi %mul3A_1108, %add3A_1142 : i32
      %dma_wait3A_1144 = arith.constant 1 : i32
      %dma_wait3A_1145 = arith.constant 0 : i32
      %dma_wait3A_1146 = tpu.memref_slice %arg8[%dma_wait3A_1144, %dma_wait3A_1145] : memref<4x128xi32, #tpu.memory_space<vmem>> -> memref<1x128xi32, #tpu.memory_space<vmem>>
      %dma_wait3A_1147 = tpu.memref_squeeze %dma_wait3A_1146 : memref<1x128xi32, #tpu.memory_space<vmem>> -> memref<128xi32, #tpu.memory_space<vmem>>
      %dma_wait3A_1148 = arith.constant 0 : i32
      %dma_wait3A_1149 = arith.constant 0 : i32
      %dma_wait3A_1150 = tpu.memref_slice %arg5[%dma_wait3A_1148, %dma_wait3A_1149] : memref<10240x128xf32, #tpu.memory_space<hbm>> -> memref<10240x128xf32, #tpu.memory_space<hbm>>
      tpu.wait_indirect_dma semaphore(%arg17 : memref<!tpu.dma_semaphore, #tpu.memory_space<semaphore_mem>>) src(%dma_wait3A_1150 : memref<10240x128xf32, #tpu.memory_space<hbm>>) dst(%arg13 : memref<128x128xf32, #tpu.memory_space<vmem>>)
      %gt3A_1151 = arith.constant 0 : i32
      %gt3A_1152 = arith.cmpi sgt, %add3A_1143, %gt3A_1151 : i32
      %convert_element_type3A_1153 = arith.extui %gt3A_1152 : i1 to i32
      %cond3A_1154 = arith.constant 0 : i32
      %cond3A_1155 = arith.cmpi ne, %convert_element_type3A_1153, %cond3A_1154 : i32
      scf.if %cond3A_1155 {
        %dma_wait3A_1348 = arith.constant 0 : i32
        %dma_wait3A_1349 = arith.constant 0 : i32
        %dma_wait3A_1350 = tpu.memref_slice %arg10[%dma_wait3A_1348, %dma_wait3A_1349] : memref<4x128xi32, #tpu.memory_space<vmem>> -> memref<1x128xi32, #tpu.memory_space<vmem>>
        %dma_wait3A_1351 = tpu.memref_squeeze %dma_wait3A_1350 : memref<1x128xi32, #tpu.memory_space<vmem>> -> memref<128xi32, #tpu.memory_space<vmem>>
        %dma_wait3A_1352 = arith.constant 0 : i32
        %dma_wait3A_1353 = arith.constant 0 : i32
        %dma_wait3A_1354 = tpu.memref_slice %arg15[%dma_wait3A_1352, %dma_wait3A_1353] : memref<10240x128xf32, #tpu.memory_space<vmem_shared>> -> memref<10240x128xf32, #tpu.memory_space<vmem_shared>>
        tpu.wait_indirect_dma semaphore(%arg20 : memref<!tpu.dma_semaphore, #tpu.memory_space<semaphore_mem>>) src(%arg12 : memref<128x128xf32, #tpu.memory_space<vmem>>) dst(%dma_wait3A_1354 : memref<10240x128xf32, #tpu.memory_space<vmem_shared>>)
      } else {
      }
      %dma_start3A_1156 = arith.constant 2 : i32
      %dma_start3A_1157 = arith.constant 0 : i32
      %dma_start3A_1158 = tpu.memref_slice %arg8[%dma_start3A_1156, %dma_start3A_1157] : memref<4x128xi32, #tpu.memory_space<vmem>> -> memref<1x128xi32, #tpu.memory_space<vmem>>
      %dma_start3A_1159 = tpu.memref_squeeze %dma_start3A_1158 : memref<1x128xi32, #tpu.memory_space<vmem>> -> memref<128xi32, #tpu.memory_space<vmem>>
      %dma_start3A_1160 = arith.constant 0 : i32
      %dma_start3A_1161 = arith.constant 0 : i32
      %dma_start3A_1162 = tpu.memref_slice %arg5[%dma_start3A_1160, %dma_start3A_1161] : memref<10240x128xf32, #tpu.memory_space<hbm>> -> memref<10240x128xf32, #tpu.memory_space<hbm>>
      tpu.enqueue_indirect_dma source(%dma_start3A_1162 : memref<10240x128xf32, #tpu.memory_space<hbm>>) target(%arg12 : memref<128x128xf32, #tpu.memory_space<vmem>>) offsets(%dma_start3A_1159 : memref<128xi32, #tpu.memory_space<vmem>>) semaphore(%arg16 : memref<!tpu.dma_semaphore, #tpu.memory_space<semaphore_mem>>)
      %dma_start3A_1163 = arith.constant 1 : i32
      %dma_start3A_1164 = arith.constant 0 : i32
      %dma_start3A_1165 = tpu.memref_slice %arg10[%dma_start3A_1163, %dma_start3A_1164] : memref<4x128xi32, #tpu.memory_space<vmem>> -> memref<1x128xi32, #tpu.memory_space<vmem>>
      %dma_start3A_1166 = tpu.memref_squeeze %dma_start3A_1165 : memref<1x128xi32, #tpu.memory_space<vmem>> -> memref<128xi32, #tpu.memory_space<vmem>>
      %dma_start3A_1167 = arith.constant 0 : i32
      %dma_start3A_1168 = arith.constant 0 : i32
      %dma_start3A_1169 = tpu.memref_slice %arg15[%dma_start3A_1167, %dma_start3A_1168] : memref<10240x128xf32, #tpu.memory_space<vmem_shared>> -> memref<10240x128xf32, #tpu.memory_space<vmem_shared>>
      tpu.enqueue_indirect_dma source(%arg13 : memref<128x128xf32, #tpu.memory_space<vmem>>) target(%dma_start3A_1169 : memref<10240x128xf32, #tpu.memory_space<vmem_shared>>) offsets(%dma_start3A_1166 : memref<128xi32, #tpu.memory_space<vmem>>) semaphore(%arg21 : memref<!tpu.dma_semaphore, #tpu.memory_space<semaphore_mem>>) {add = true}
      %add3A_1170 = arith.constant 2 : i32
      %add3A_1171 = arith.addi %mul3A_1108, %add3A_1170 : i32
      %dma_wait3A_1172 = arith.constant 2 : i32
      %dma_wait3A_1173 = arith.constant 0 : i32
      %dma_wait3A_1174 = tpu.memref_slice %arg8[%dma_wait3A_1172, %dma_wait3A_1173] : memref<4x128xi32, #tpu.memory_space<vmem>> -> memref<1x128xi32, #tpu.memory_space<vmem>>
      %dma_wait3A_1175 = tpu.memref_squeeze %dma_wait3A_1174 : memref<1x128xi32, #tpu.memory_space<vmem>> -> memref<128xi32, #tpu.memory_space<vmem>>
      %dma_wait3A_1176 = arith.constant 0 : i32
      %dma_wait3A_1177 = arith.constant 0 : i32
      %dma_wait3A_1178 = tpu.memref_slice %arg5[%dma_wait3A_1176, %dma_wait3A_1177] : memref<10240x128xf32, #tpu.memory_space<hbm>> -> memref<10240x128xf32, #tpu.memory_space<hbm>>
      tpu.wait_indirect_dma semaphore(%arg16 : memref<!tpu.dma_semaphore, #tpu.memory_space<semaphore_mem>>) src(%dma_wait3A_1178 : memref<10240x128xf32, #tpu.memory_space<hbm>>) dst(%arg12 : memref<128x128xf32, #tpu.memory_space<vmem>>)
      %gt3A_1179 = arith.constant 0 : i32
      %gt3A_1180 = arith.cmpi sgt, %add3A_1171, %gt3A_1179 : i32
      %convert_element_type3A_1181 = arith.extui %gt3A_1180 : i1 to i32
      %cond3A_1182 = arith.constant 0 : i32
      %cond3A_1183 = arith.cmpi ne, %convert_element_type3A_1181, %cond3A_1182 : i32
      scf.if %cond3A_1183 {
        %dma_wait3A_1348 = arith.constant 1 : i32
        %dma_wait3A_1349 = arith.constant 0 : i32
        %dma_wait3A_1350 = tpu.memref_slice %arg10[%dma_wait3A_1348, %dma_wait3A_1349] : memref<4x128xi32, #tpu.memory_space<vmem>> -> memref<1x128xi32, #tpu.memory_space<vmem>>
        %dma_wait3A_1351 = tpu.memref_squeeze %dma_wait3A_1350 : memref<1x128xi32, #tpu.memory_space<vmem>> -> memref<128xi32, #tpu.memory_space<vmem>>
        %dma_wait3A_1352 = arith.constant 0 : i32
        %dma_wait3A_1353 = arith.constant 0 : i32
        %dma_wait3A_1354 = tpu.memref_slice %arg15[%dma_wait3A_1352, %dma_wait3A_1353] : memref<10240x128xf32, #tpu.memory_space<vmem_shared>> -> memref<10240x128xf32, #tpu.memory_space<vmem_shared>>
        tpu.wait_indirect_dma semaphore(%arg21 : memref<!tpu.dma_semaphore, #tpu.memory_space<semaphore_mem>>) src(%arg13 : memref<128x128xf32, #tpu.memory_space<vmem>>) dst(%dma_wait3A_1354 : memref<10240x128xf32, #tpu.memory_space<vmem_shared>>)
      } else {
      }
      %dma_start3A_1184 = arith.constant 3 : i32
      %dma_start3A_1185 = arith.constant 0 : i32
      %dma_start3A_1186 = tpu.memref_slice %arg8[%dma_start3A_1184, %dma_start3A_1185] : memref<4x128xi32, #tpu.memory_space<vmem>> -> memref<1x128xi32, #tpu.memory_space<vmem>>
      %dma_start3A_1187 = tpu.memref_squeeze %dma_start3A_1186 : memref<1x128xi32, #tpu.memory_space<vmem>> -> memref<128xi32, #tpu.memory_space<vmem>>
      %dma_start3A_1188 = arith.constant 0 : i32
      %dma_start3A_1189 = arith.constant 0 : i32
      %dma_start3A_1190 = tpu.memref_slice %arg5[%dma_start3A_1188, %dma_start3A_1189] : memref<10240x128xf32, #tpu.memory_space<hbm>> -> memref<10240x128xf32, #tpu.memory_space<hbm>>
      tpu.enqueue_indirect_dma source(%dma_start3A_1190 : memref<10240x128xf32, #tpu.memory_space<hbm>>) target(%arg13 : memref<128x128xf32, #tpu.memory_space<vmem>>) offsets(%dma_start3A_1187 : memref<128xi32, #tpu.memory_space<vmem>>) semaphore(%arg17 : memref<!tpu.dma_semaphore, #tpu.memory_space<semaphore_mem>>)
      %dma_start3A_1191 = arith.constant 2 : i32
      %dma_start3A_1192 = arith.constant 0 : i32
      %dma_start3A_1193 = tpu.memref_slice %arg10[%dma_start3A_1191, %dma_start3A_1192] : memref<4x128xi32, #tpu.memory_space<vmem>> -> memref<1x128xi32, #tpu.memory_space<vmem>>
      %dma_start3A_1194 = tpu.memref_squeeze %dma_start3A_1193 : memref<1x128xi32, #tpu.memory_space<vmem>> -> memref<128xi32, #tpu.memory_space<vmem>>
      %dma_start3A_1195 = arith.constant 0 : i32
      %dma_start3A_1196 = arith.constant 0 : i32
      %dma_start3A_1197 = tpu.memref_slice %arg15[%dma_start3A_1195, %dma_start3A_1196] : memref<10240x128xf32, #tpu.memory_space<vmem_shared>> -> memref<10240x128xf32, #tpu.memory_space<vmem_shared>>
      tpu.enqueue_indirect_dma source(%arg12 : memref<128x128xf32, #tpu.memory_space<vmem>>) target(%dma_start3A_1197 : memref<10240x128xf32, #tpu.memory_space<vmem_shared>>) offsets(%dma_start3A_1194 : memref<128xi32, #tpu.memory_space<vmem>>) semaphore(%arg20 : memref<!tpu.dma_semaphore, #tpu.memory_space<semaphore_mem>>) {add = true}
      %add3A_1198 = arith.constant 3 : i32
      %add3A_1199 = arith.addi %mul3A_1108, %add3A_1198 : i32
      %dma_wait3A_1200 = arith.constant 3 : i32
      %dma_wait3A_1201 = arith.constant 0 : i32
      %dma_wait3A_1202 = tpu.memref_slice %arg8[%dma_wait3A_1200, %dma_wait3A_1201] : memref<4x128xi32, #tpu.memory_space<vmem>> -> memref<1x128xi32, #tpu.memory_space<vmem>>
      %dma_wait3A_1203 = tpu.memref_squeeze %dma_wait3A_1202 : memref<1x128xi32, #tpu.memory_space<vmem>> -> memref<128xi32, #tpu.memory_space<vmem>>
      %dma_wait3A_1204 = arith.constant 0 : i32
      %dma_wait3A_1205 = arith.constant 0 : i32
      %dma_wait3A_1206 = tpu.memref_slice %arg5[%dma_wait3A_1204, %dma_wait3A_1205] : memref<10240x128xf32, #tpu.memory_space<hbm>> -> memref<10240x128xf32, #tpu.memory_space<hbm>>
      tpu.wait_indirect_dma semaphore(%arg17 : memref<!tpu.dma_semaphore, #tpu.memory_space<semaphore_mem>>) src(%dma_wait3A_1206 : memref<10240x128xf32, #tpu.memory_space<hbm>>) dst(%arg13 : memref<128x128xf32, #tpu.memory_space<vmem>>)
      %gt3A_1207 = arith.constant 0 : i32
      %gt3A_1208 = arith.cmpi sgt, %add3A_1199, %gt3A_1207 : i32
      %convert_element_type3A_1209 = arith.extui %gt3A_1208 : i1 to i32
      %cond3A_1210 = arith.constant 0 : i32
      %cond3A_1211 = arith.cmpi ne, %convert_element_type3A_1209, %cond3A_1210 : i32
      scf.if %cond3A_1211 {
        %dma_wait3A_1348 = arith.constant 2 : i32
        %dma_wait3A_1349 = arith.constant 0 : i32
        %dma_wait3A_1350 = tpu.memref_slice %arg10[%dma_wait3A_1348, %dma_wait3A_1349] : memref<4x128xi32, #tpu.memory_space<vmem>> -> memref<1x128xi32, #tpu.memory_space<vmem>>
        %dma_wait3A_1351 = tpu.memref_squeeze %dma_wait3A_1350 : memref<1x128xi32, #tpu.memory_space<vmem>> -> memref<128xi32, #tpu.memory_space<vmem>>
        %dma_wait3A_1352 = arith.constant 0 : i32
        %dma_wait3A_1353 = arith.constant 0 : i32
        %dma_wait3A_1354 = tpu.memref_slice %arg15[%dma_wait3A_1352, %dma_wait3A_1353] : memref<10240x128xf32, #tpu.memory_space<vmem_shared>> -> memref<10240x128xf32, #tpu.memory_space<vmem_shared>>
        tpu.wait_indirect_dma semaphore(%arg20 : memref<!tpu.dma_semaphore, #tpu.memory_space<semaphore_mem>>) src(%arg12 : memref<128x128xf32, #tpu.memory_space<vmem>>) dst(%dma_wait3A_1354 : memref<10240x128xf32, #tpu.memory_space<vmem_shared>>)
      } else {
      }
      %add3A_1212 = arith.constant 1 : i32
      %add3A_1213 = arith.addi %add3A_1199, %add3A_1212 : i32
      %lt3A_1214 = arith.cmpi slt, %add3A_1213, %select_n3A : i32
      %convert_element_type3A_1215 = arith.extui %lt3A_1214 : i1 to i32
      %cond3A_1216 = arith.constant 0 : i32
      %cond3A_1217 = arith.cmpi ne, %convert_element_type3A_1215, %cond3A_1216 : i32
      scf.if %cond3A_1217 {
        %add3A_1348 = arith.constant 1 : i32
        %add3A_1349 = arith.addi %add3A_1106, %add3A_1348 : i32
        %mul3A_1350 = arith.constant 4 : i32
        %mul3A_1351 = arith.muli %add3A_1349, %mul3A_1350 : i32
        %add3A_1352 = arith.addi %select_n3A_13, %mul3A_1351 : i32
        %min3A_1353 = arith.constant 2496 : i32
        %min3A_1354 = arith.minsi %add3A_1352, %min3A_1353 : i32
        %dma_wait3A_1355 = arith.constant 0 : i32
        %dma_wait3A_1356 = tpu.memref_slice %arg2[%min3A_1354, %dma_wait3A_1355] : memref<2500x128xi32, #tpu.memory_space<hbm>> -> memref<4x128xi32, #tpu.memory_space<hbm>>
        %dma_wait3A_1357 = arith.constant 0 : i32
        %dma_wait3A_1358 = tpu.memref_slice %arg2[%min3A_1354, %dma_wait3A_1357] : memref<2500x128xi32, #tpu.memory_space<hbm>> -> memref<4x128xi32, #tpu.memory_space<hbm>>
        tpu.wait_dma2 semaphore(%arg19 : memref<!tpu.dma_semaphore, #tpu.memory_space<semaphore_mem>>) src(%dma_wait3A_1358 : memref<4x128xi32, #tpu.memory_space<hbm>>) dst(%arg9 : memref<4x128xi32, #tpu.memory_space<vmem>>)
        %dma_wait3A_1359 = arith.constant 0 : i32
        %dma_wait3A_1360 = tpu.memref_slice %arg3[%min3A_1354, %dma_wait3A_1359] : memref<2500x128xi32, #tpu.memory_space<hbm>> -> memref<4x128xi32, #tpu.memory_space<hbm>>
        %dma_wait3A_1361 = arith.constant 0 : i32
        %dma_wait3A_1362 = tpu.memref_slice %arg3[%min3A_1354, %dma_wait3A_1361] : memref<2500x128xi32, #tpu.memory_space<hbm>> -> memref<4x128xi32, #tpu.memory_space<hbm>>
        tpu.wait_dma2 semaphore(%arg19 : memref<!tpu.dma_semaphore, #tpu.memory_space<semaphore_mem>>) src(%dma_wait3A_1362 : memref<4x128xi32, #tpu.memory_space<hbm>>) dst(%arg11 : memref<4x128xi32, #tpu.memory_space<vmem>>)
        %dma_start3A_1363 = arith.constant 0 : i32
        %dma_start3A_1364 = arith.constant 0 : i32
        %dma_start3A_1365 = tpu.memref_slice %arg9[%dma_start3A_1363, %dma_start3A_1364] : memref<4x128xi32, #tpu.memory_space<vmem>> -> memref<1x128xi32, #tpu.memory_space<vmem>>
        %dma_start3A_1366 = tpu.memref_squeeze %dma_start3A_1365 : memref<1x128xi32, #tpu.memory_space<vmem>> -> memref<128xi32, #tpu.memory_space<vmem>>
        %dma_start3A_1367 = arith.constant 0 : i32
        %dma_start3A_1368 = arith.constant 0 : i32
        %dma_start3A_1369 = tpu.memref_slice %arg5[%dma_start3A_1367, %dma_start3A_1368] : memref<10240x128xf32, #tpu.memory_space<hbm>> -> memref<10240x128xf32, #tpu.memory_space<hbm>>
        tpu.enqueue_indirect_dma source(%dma_start3A_1369 : memref<10240x128xf32, #tpu.memory_space<hbm>>) target(%arg12 : memref<128x128xf32, #tpu.memory_space<vmem>>) offsets(%dma_start3A_1366 : memref<128xi32, #tpu.memory_space<vmem>>) semaphore(%arg16 : memref<!tpu.dma_semaphore, #tpu.memory_space<semaphore_mem>>)
      } else {
      }
      %dma_start3A_1218 = arith.constant 3 : i32
      %dma_start3A_1219 = arith.constant 0 : i32
      %dma_start3A_1220 = tpu.memref_slice %arg10[%dma_start3A_1218, %dma_start3A_1219] : memref<4x128xi32, #tpu.memory_space<vmem>> -> memref<1x128xi32, #tpu.memory_space<vmem>>
      %dma_start3A_1221 = tpu.memref_squeeze %dma_start3A_1220 : memref<1x128xi32, #tpu.memory_space<vmem>> -> memref<128xi32, #tpu.memory_space<vmem>>
      %dma_start3A_1222 = arith.constant 0 : i32
      %dma_start3A_1223 = arith.constant 0 : i32
      %dma_start3A_1224 = tpu.memref_slice %arg15[%dma_start3A_1222, %dma_start3A_1223] : memref<10240x128xf32, #tpu.memory_space<vmem_shared>> -> memref<10240x128xf32, #tpu.memory_space<vmem_shared>>
      tpu.enqueue_indirect_dma source(%arg13 : memref<128x128xf32, #tpu.memory_space<vmem>>) target(%dma_start3A_1224 : memref<10240x128xf32, #tpu.memory_space<vmem_shared>>) offsets(%dma_start3A_1221 : memref<128xi32, #tpu.memory_space<vmem>>) semaphore(%arg21 : memref<!tpu.dma_semaphore, #tpu.memory_space<semaphore_mem>>) {add = true}
      %mul3A_1225 = arith.constant 2 : i32
      %mul3A_1226 = arith.muli %mul3A_1225, %add3A_1102 : i32
      %add3A_1227 = arith.constant 1 : i32
      %add3A_1228 = arith.addi %mul3A_1226, %add3A_1227 : i32
      %mul3A_1229 = arith.constant 4 : i32
      %mul3A_1230 = arith.muli %add3A_1228, %mul3A_1229 : i32
      %add3A_1231 = arith.constant 4 : i32
      %add3A_1232 = arith.addi %mul3A_1230, %add3A_1231 : i32
      %lt3A_1233 = arith.cmpi slt, %add3A_1232, %select_n3A : i32
      %convert_element_type3A_1234 = arith.extui %lt3A_1233 : i1 to i32
      %cond3A_1235 = arith.constant 0 : i32
      %cond3A_1236 = arith.cmpi ne, %convert_element_type3A_1234, %cond3A_1235 : i32
      scf.if %cond3A_1236 {
        %add3A_1348 = arith.constant 1 : i32
        %add3A_1349 = arith.addi %add3A_1228, %add3A_1348 : i32
        %mul3A_1350 = arith.constant 4 : i32
        %mul3A_1351 = arith.muli %add3A_1349, %mul3A_1350 : i32
        %add3A_1352 = arith.addi %select_n3A_13, %mul3A_1351 : i32
        %lt3A_1353 = arith.constant 2500 : i32
        %lt3A_1354 = arith.cmpi slt, %add3A_1352, %lt3A_1353 : i32
        %convert_element_type3A_1355 = arith.extui %lt3A_1354 : i1 to i32
        %cond3A_1356 = arith.constant 0 : i32
        %cond3A_1357 = arith.cmpi ne, %convert_element_type3A_1355, %cond3A_1356 : i32
        scf.if %cond3A_1357 {
          %dma_start3A_1363 = arith.constant 0 : i32
          %dma_start3A_1364 = tpu.memref_slice %arg2[%add3A_1352, %dma_start3A_1363] : memref<2500x128xi32, #tpu.memory_space<hbm>> -> memref<4x128xi32, #tpu.memory_space<hbm>>
          %dma_start3A_1365 = arith.constant 0 : i32
          %dma_start3A_1366 = tpu.memref_slice %arg2[%add3A_1352, %dma_start3A_1365] : memref<2500x128xi32, #tpu.memory_space<hbm>> -> memref<4x128xi32, #tpu.memory_space<hbm>>
          tpu.enqueue_dma source(%dma_start3A_1366 : memref<4x128xi32, #tpu.memory_space<hbm>>) target(%arg8 : memref<4x128xi32, #tpu.memory_space<vmem>>) target_semaphore(%arg18 : memref<!tpu.dma_semaphore, #tpu.memory_space<semaphore_mem>>)
          %dma_start3A_1367 = arith.constant 0 : i32
          %dma_start3A_1368 = tpu.memref_slice %arg3[%add3A_1352, %dma_start3A_1367] : memref<2500x128xi32, #tpu.memory_space<hbm>> -> memref<4x128xi32, #tpu.memory_space<hbm>>
          %dma_start3A_1369 = arith.constant 0 : i32
          %dma_start3A_1370 = tpu.memref_slice %arg3[%add3A_1352, %dma_start3A_1369] : memref<2500x128xi32, #tpu.memory_space<hbm>> -> memref<4x128xi32, #tpu.memory_space<hbm>>
          tpu.enqueue_dma source(%dma_start3A_1370 : memref<4x128xi32, #tpu.memory_space<hbm>>) target(%arg10 : memref<4x128xi32, #tpu.memory_space<vmem>>) target_semaphore(%arg18 : memref<!tpu.dma_semaphore, #tpu.memory_space<semaphore_mem>>)
        } else {
        }
        %ge3A_1358 = arith.constant 2500 : i32
        %ge3A_1359 = arith.cmpi sge, %add3A_1352, %ge3A_1358 : i32
        %convert_element_type3A_1360 = arith.extui %ge3A_1359 : i1 to i32
        %cond3A_1361 = arith.constant 0 : i32
        %cond3A_1362 = arith.cmpi ne, %convert_element_type3A_1360, %cond3A_1361 : i32
        scf.if %cond3A_1362 {
          %sub3A_1363 = arith.constant 2500 : i32
          %sub3A_1364 = arith.subi %add3A_1352, %sub3A_1363 : i32
          %dma_start3A_1365 = arith.constant 0 : i32
          %dma_start3A_1366 = tpu.memref_slice %arg4[%sub3A_1364, %dma_start3A_1365] : memref<60x128xi32, #tpu.memory_space<hbm>> -> memref<4x128xi32, #tpu.memory_space<hbm>>
          %dma_start3A_1367 = arith.constant 0 : i32
          %dma_start3A_1368 = tpu.memref_slice %arg4[%sub3A_1364, %dma_start3A_1367] : memref<60x128xi32, #tpu.memory_space<hbm>> -> memref<4x128xi32, #tpu.memory_space<hbm>>
          tpu.enqueue_dma source(%dma_start3A_1368 : memref<4x128xi32, #tpu.memory_space<hbm>>) target(%arg8 : memref<4x128xi32, #tpu.memory_space<vmem>>) target_semaphore(%arg18 : memref<!tpu.dma_semaphore, #tpu.memory_space<semaphore_mem>>)
          %dma_start3A_1369 = arith.constant 0 : i32
          %dma_start3A_1370 = tpu.memref_slice %arg4[%sub3A_1364, %dma_start3A_1369] : memref<60x128xi32, #tpu.memory_space<hbm>> -> memref<4x128xi32, #tpu.memory_space<hbm>>
          %dma_start3A_1371 = arith.constant 0 : i32
          %dma_start3A_1372 = tpu.memref_slice %arg4[%sub3A_1364, %dma_start3A_1371] : memref<60x128xi32, #tpu.memory_space<hbm>> -> memref<4x128xi32, #tpu.memory_space<hbm>>
          tpu.enqueue_dma source(%dma_start3A_1372 : memref<4x128xi32, #tpu.memory_space<hbm>>) target(%arg10 : memref<4x128xi32, #tpu.memory_space<vmem>>) target_semaphore(%arg18 : memref<!tpu.dma_semaphore, #tpu.memory_space<semaphore_mem>>)
        } else {
        }
      } else {
      }
      %add3A_1237 = arith.constant 0 : i32
      %add3A_1238 = arith.addi %mul3A_1230, %add3A_1237 : i32
      %dma_wait3A_1239 = arith.constant 0 : i32
      %dma_wait3A_1240 = arith.constant 0 : i32
      %dma_wait3A_1241 = tpu.memref_slice %arg9[%dma_wait3A_1239, %dma_wait3A_1240] : memref<4x128xi32, #tpu.memory_space<vmem>> -> memref<1x128xi32, #tpu.memory_space<vmem>>
      %dma_wait3A_1242 = tpu.memref_squeeze %dma_wait3A_1241 : memref<1x128xi32, #tpu.memory_space<vmem>> -> memref<128xi32, #tpu.memory_space<vmem>>
      %dma_wait3A_1243 = arith.constant 0 : i32
      %dma_wait3A_1244 = arith.constant 0 : i32
      %dma_wait3A_1245 = tpu.memref_slice %arg5[%dma_wait3A_1243, %dma_wait3A_1244] : memref<10240x128xf32, #tpu.memory_space<hbm>> -> memref<10240x128xf32, #tpu.memory_space<hbm>>
      tpu.wait_indirect_dma semaphore(%arg16 : memref<!tpu.dma_semaphore, #tpu.memory_space<semaphore_mem>>) src(%dma_wait3A_1245 : memref<10240x128xf32, #tpu.memory_space<hbm>>) dst(%arg12 : memref<128x128xf32, #tpu.memory_space<vmem>>)
      %gt3A_1246 = arith.constant 0 : i32
      %gt3A_1247 = arith.cmpi sgt, %add3A_1238, %gt3A_1246 : i32
      %convert_element_type3A_1248 = arith.extui %gt3A_1247 : i1 to i32
      %cond3A_1249 = arith.constant 0 : i32
      %cond3A_1250 = arith.cmpi ne, %convert_element_type3A_1248, %cond3A_1249 : i32
      scf.if %cond3A_1250 {
        %dma_wait3A_1348 = arith.constant 3 : i32
        %dma_wait3A_1349 = arith.constant 0 : i32
        %dma_wait3A_1350 = tpu.memref_slice %arg10[%dma_wait3A_1348, %dma_wait3A_1349] : memref<4x128xi32, #tpu.memory_space<vmem>> -> memref<1x128xi32, #tpu.memory_space<vmem>>
        %dma_wait3A_1351 = tpu.memref_squeeze %dma_wait3A_1350 : memref<1x128xi32, #tpu.memory_space<vmem>> -> memref<128xi32, #tpu.memory_space<vmem>>
        %dma_wait3A_1352 = arith.constant 0 : i32
        %dma_wait3A_1353 = arith.constant 0 : i32
        %dma_wait3A_1354 = tpu.memref_slice %arg15[%dma_wait3A_1352, %dma_wait3A_1353] : memref<10240x128xf32, #tpu.memory_space<vmem_shared>> -> memref<10240x128xf32, #tpu.memory_space<vmem_shared>>
        tpu.wait_indirect_dma semaphore(%arg21 : memref<!tpu.dma_semaphore, #tpu.memory_space<semaphore_mem>>) src(%arg13 : memref<128x128xf32, #tpu.memory_space<vmem>>) dst(%dma_wait3A_1354 : memref<10240x128xf32, #tpu.memory_space<vmem_shared>>)
      } else {
      }
      %dma_start3A_1251 = arith.constant 1 : i32
      %dma_start3A_1252 = arith.constant 0 : i32
      %dma_start3A_1253 = tpu.memref_slice %arg9[%dma_start3A_1251, %dma_start3A_1252] : memref<4x128xi32, #tpu.memory_space<vmem>> -> memref<1x128xi32, #tpu.memory_space<vmem>>
      %dma_start3A_1254 = tpu.memref_squeeze %dma_start3A_1253 : memref<1x128xi32, #tpu.memory_space<vmem>> -> memref<128xi32, #tpu.memory_space<vmem>>
      %dma_start3A_1255 = arith.constant 0 : i32
      %dma_start3A_1256 = arith.constant 0 : i32
      %dma_start3A_1257 = tpu.memref_slice %arg5[%dma_start3A_1255, %dma_start3A_1256] : memref<10240x128xf32, #tpu.memory_space<hbm>> -> memref<10240x128xf32, #tpu.memory_space<hbm>>
      tpu.enqueue_indirect_dma source(%dma_start3A_1257 : memref<10240x128xf32, #tpu.memory_space<hbm>>) target(%arg13 : memref<128x128xf32, #tpu.memory_space<vmem>>) offsets(%dma_start3A_1254 : memref<128xi32, #tpu.memory_space<vmem>>) semaphore(%arg17 : memref<!tpu.dma_semaphore, #tpu.memory_space<semaphore_mem>>)
      %dma_start3A_1258 = arith.constant 0 : i32
      %dma_start3A_1259 = arith.constant 0 : i32
      %dma_start3A_1260 = tpu.memref_slice %arg11[%dma_start3A_1258, %dma_start3A_1259] : memref<4x128xi32, #tpu.memory_space<vmem>> -> memref<1x128xi32, #tpu.memory_space<vmem>>
      %dma_start3A_1261 = tpu.memref_squeeze %dma_start3A_1260 : memref<1x128xi32, #tpu.memory_space<vmem>> -> memref<128xi32, #tpu.memory_space<vmem>>
      %dma_start3A_1262 = arith.constant 0 : i32
      %dma_start3A_1263 = arith.constant 0 : i32
      %dma_start3A_1264 = tpu.memref_slice %arg15[%dma_start3A_1262, %dma_start3A_1263] : memref<10240x128xf32, #tpu.memory_space<vmem_shared>> -> memref<10240x128xf32, #tpu.memory_space<vmem_shared>>
      tpu.enqueue_indirect_dma source(%arg12 : memref<128x128xf32, #tpu.memory_space<vmem>>) target(%dma_start3A_1264 : memref<10240x128xf32, #tpu.memory_space<vmem_shared>>) offsets(%dma_start3A_1261 : memref<128xi32, #tpu.memory_space<vmem>>) semaphore(%arg20 : memref<!tpu.dma_semaphore, #tpu.memory_space<semaphore_mem>>) {add = true}
      %add3A_1265 = arith.constant 1 : i32
      %add3A_1266 = arith.addi %mul3A_1230, %add3A_1265 : i32
      %dma_wait3A_1267 = arith.constant 1 : i32
      %dma_wait3A_1268 = arith.constant 0 : i32
      %dma_wait3A_1269 = tpu.memref_slice %arg9[%dma_wait3A_1267, %dma_wait3A_1268] : memref<4x128xi32, #tpu.memory_space<vmem>> -> memref<1x128xi32, #tpu.memory_space<vmem>>
      %dma_wait3A_1270 = tpu.memref_squeeze %dma_wait3A_1269 : memref<1x128xi32, #tpu.memory_space<vmem>> -> memref<128xi32, #tpu.memory_space<vmem>>
      %dma_wait3A_1271 = arith.constant 0 : i32
      %dma_wait3A_1272 = arith.constant 0 : i32
      %dma_wait3A_1273 = tpu.memref_slice %arg5[%dma_wait3A_1271, %dma_wait3A_1272] : memref<10240x128xf32, #tpu.memory_space<hbm>> -> memref<10240x128xf32, #tpu.memory_space<hbm>>
      tpu.wait_indirect_dma semaphore(%arg17 : memref<!tpu.dma_semaphore, #tpu.memory_space<semaphore_mem>>) src(%dma_wait3A_1273 : memref<10240x128xf32, #tpu.memory_space<hbm>>) dst(%arg13 : memref<128x128xf32, #tpu.memory_space<vmem>>)
      %gt3A_1274 = arith.constant 0 : i32
      %gt3A_1275 = arith.cmpi sgt, %add3A_1266, %gt3A_1274 : i32
      %convert_element_type3A_1276 = arith.extui %gt3A_1275 : i1 to i32
      %cond3A_1277 = arith.constant 0 : i32
      %cond3A_1278 = arith.cmpi ne, %convert_element_type3A_1276, %cond3A_1277 : i32
      scf.if %cond3A_1278 {
        %dma_wait3A_1348 = arith.constant 0 : i32
        %dma_wait3A_1349 = arith.constant 0 : i32
        %dma_wait3A_1350 = tpu.memref_slice %arg11[%dma_wait3A_1348, %dma_wait3A_1349] : memref<4x128xi32, #tpu.memory_space<vmem>> -> memref<1x128xi32, #tpu.memory_space<vmem>>
        %dma_wait3A_1351 = tpu.memref_squeeze %dma_wait3A_1350 : memref<1x128xi32, #tpu.memory_space<vmem>> -> memref<128xi32, #tpu.memory_space<vmem>>
        %dma_wait3A_1352 = arith.constant 0 : i32
        %dma_wait3A_1353 = arith.constant 0 : i32
        %dma_wait3A_1354 = tpu.memref_slice %arg15[%dma_wait3A_1352, %dma_wait3A_1353] : memref<10240x128xf32, #tpu.memory_space<vmem_shared>> -> memref<10240x128xf32, #tpu.memory_space<vmem_shared>>
        tpu.wait_indirect_dma semaphore(%arg20 : memref<!tpu.dma_semaphore, #tpu.memory_space<semaphore_mem>>) src(%arg12 : memref<128x128xf32, #tpu.memory_space<vmem>>) dst(%dma_wait3A_1354 : memref<10240x128xf32, #tpu.memory_space<vmem_shared>>)
      } else {
      }
      %dma_start3A_1279 = arith.constant 2 : i32
      %dma_start3A_1280 = arith.constant 0 : i32
      %dma_start3A_1281 = tpu.memref_slice %arg9[%dma_start3A_1279, %dma_start3A_1280] : memref<4x128xi32, #tpu.memory_space<vmem>> -> memref<1x128xi32, #tpu.memory_space<vmem>>
      %dma_start3A_1282 = tpu.memref_squeeze %dma_start3A_1281 : memref<1x128xi32, #tpu.memory_space<vmem>> -> memref<128xi32, #tpu.memory_space<vmem>>
      %dma_start3A_1283 = arith.constant 0 : i32
      %dma_start3A_1284 = arith.constant 0 : i32
      %dma_start3A_1285 = tpu.memref_slice %arg5[%dma_start3A_1283, %dma_start3A_1284] : memref<10240x128xf32, #tpu.memory_space<hbm>> -> memref<10240x128xf32, #tpu.memory_space<hbm>>
      tpu.enqueue_indirect_dma source(%dma_start3A_1285 : memref<10240x128xf32, #tpu.memory_space<hbm>>) target(%arg12 : memref<128x128xf32, #tpu.memory_space<vmem>>) offsets(%dma_start3A_1282 : memref<128xi32, #tpu.memory_space<vmem>>) semaphore(%arg16 : memref<!tpu.dma_semaphore, #tpu.memory_space<semaphore_mem>>)
      %dma_start3A_1286 = arith.constant 1 : i32
      %dma_start3A_1287 = arith.constant 0 : i32
      %dma_start3A_1288 = tpu.memref_slice %arg11[%dma_start3A_1286, %dma_start3A_1287] : memref<4x128xi32, #tpu.memory_space<vmem>> -> memref<1x128xi32, #tpu.memory_space<vmem>>
      %dma_start3A_1289 = tpu.memref_squeeze %dma_start3A_1288 : memref<1x128xi32, #tpu.memory_space<vmem>> -> memref<128xi32, #tpu.memory_space<vmem>>
      %dma_start3A_1290 = arith.constant 0 : i32
      %dma_start3A_1291 = arith.constant 0 : i32
      %dma_start3A_1292 = tpu.memref_slice %arg15[%dma_start3A_1290, %dma_start3A_1291] : memref<10240x128xf32, #tpu.memory_space<vmem_shared>> -> memref<10240x128xf32, #tpu.memory_space<vmem_shared>>
      tpu.enqueue_indirect_dma source(%arg13 : memref<128x128xf32, #tpu.memory_space<vmem>>) target(%dma_start3A_1292 : memref<10240x128xf32, #tpu.memory_space<vmem_shared>>) offsets(%dma_start3A_1289 : memref<128xi32, #tpu.memory_space<vmem>>) semaphore(%arg21 : memref<!tpu.dma_semaphore, #tpu.memory_space<semaphore_mem>>) {add = true}
      %add3A_1293 = arith.constant 2 : i32
      %add3A_1294 = arith.addi %mul3A_1230, %add3A_1293 : i32
      %dma_wait3A_1295 = arith.constant 2 : i32
      %dma_wait3A_1296 = arith.constant 0 : i32
      %dma_wait3A_1297 = tpu.memref_slice %arg9[%dma_wait3A_1295, %dma_wait3A_1296] : memref<4x128xi32, #tpu.memory_space<vmem>> -> memref<1x128xi32, #tpu.memory_space<vmem>>
      %dma_wait3A_1298 = tpu.memref_squeeze %dma_wait3A_1297 : memref<1x128xi32, #tpu.memory_space<vmem>> -> memref<128xi32, #tpu.memory_space<vmem>>
      %dma_wait3A_1299 = arith.constant 0 : i32
      %dma_wait3A_1300 = arith.constant 0 : i32
      %dma_wait3A_1301 = tpu.memref_slice %arg5[%dma_wait3A_1299, %dma_wait3A_1300] : memref<10240x128xf32, #tpu.memory_space<hbm>> -> memref<10240x128xf32, #tpu.memory_space<hbm>>
      tpu.wait_indirect_dma semaphore(%arg16 : memref<!tpu.dma_semaphore, #tpu.memory_space<semaphore_mem>>) src(%dma_wait3A_1301 : memref<10240x128xf32, #tpu.memory_space<hbm>>) dst(%arg12 : memref<128x128xf32, #tpu.memory_space<vmem>>)
      %gt3A_1302 = arith.constant 0 : i32
      %gt3A_1303 = arith.cmpi sgt, %add3A_1294, %gt3A_1302 : i32
      %convert_element_type3A_1304 = arith.extui %gt3A_1303 : i1 to i32
      %cond3A_1305 = arith.constant 0 : i32
      %cond3A_1306 = arith.cmpi ne, %convert_element_type3A_1304, %cond3A_1305 : i32
      scf.if %cond3A_1306 {
        %dma_wait3A_1348 = arith.constant 1 : i32
        %dma_wait3A_1349 = arith.constant 0 : i32
        %dma_wait3A_1350 = tpu.memref_slice %arg11[%dma_wait3A_1348, %dma_wait3A_1349] : memref<4x128xi32, #tpu.memory_space<vmem>> -> memref<1x128xi32, #tpu.memory_space<vmem>>
        %dma_wait3A_1351 = tpu.memref_squeeze %dma_wait3A_1350 : memref<1x128xi32, #tpu.memory_space<vmem>> -> memref<128xi32, #tpu.memory_space<vmem>>
        %dma_wait3A_1352 = arith.constant 0 : i32
        %dma_wait3A_1353 = arith.constant 0 : i32
        %dma_wait3A_1354 = tpu.memref_slice %arg15[%dma_wait3A_1352, %dma_wait3A_1353] : memref<10240x128xf32, #tpu.memory_space<vmem_shared>> -> memref<10240x128xf32, #tpu.memory_space<vmem_shared>>
        tpu.wait_indirect_dma semaphore(%arg21 : memref<!tpu.dma_semaphore, #tpu.memory_space<semaphore_mem>>) src(%arg13 : memref<128x128xf32, #tpu.memory_space<vmem>>) dst(%dma_wait3A_1354 : memref<10240x128xf32, #tpu.memory_space<vmem_shared>>)
      } else {
      }
      %dma_start3A_1307 = arith.constant 3 : i32
      %dma_start3A_1308 = arith.constant 0 : i32
      %dma_start3A_1309 = tpu.memref_slice %arg9[%dma_start3A_1307, %dma_start3A_1308] : memref<4x128xi32, #tpu.memory_space<vmem>> -> memref<1x128xi32, #tpu.memory_space<vmem>>
      %dma_start3A_1310 = tpu.memref_squeeze %dma_start3A_1309 : memref<1x128xi32, #tpu.memory_space<vmem>> -> memref<128xi32, #tpu.memory_space<vmem>>
      %dma_start3A_1311 = arith.constant 0 : i32
      %dma_start3A_1312 = arith.constant 0 : i32
      %dma_start3A_1313 = tpu.memref_slice %arg5[%dma_start3A_1311, %dma_start3A_1312] : memref<10240x128xf32, #tpu.memory_space<hbm>> -> memref<10240x128xf32, #tpu.memory_space<hbm>>
      tpu.enqueue_indirect_dma source(%dma_start3A_1313 : memref<10240x128xf32, #tpu.memory_space<hbm>>) target(%arg13 : memref<128x128xf32, #tpu.memory_space<vmem>>) offsets(%dma_start3A_1310 : memref<128xi32, #tpu.memory_space<vmem>>) semaphore(%arg17 : memref<!tpu.dma_semaphore, #tpu.memory_space<semaphore_mem>>)
      %dma_start3A_1314 = arith.constant 2 : i32
      %dma_start3A_1315 = arith.constant 0 : i32
      %dma_start3A_1316 = tpu.memref_slice %arg11[%dma_start3A_1314, %dma_start3A_1315] : memref<4x128xi32, #tpu.memory_space<vmem>> -> memref<1x128xi32, #tpu.memory_space<vmem>>
      %dma_start3A_1317 = tpu.memref_squeeze %dma_start3A_1316 : memref<1x128xi32, #tpu.memory_space<vmem>> -> memref<128xi32, #tpu.memory_space<vmem>>
      %dma_start3A_1318 = arith.constant 0 : i32
      %dma_start3A_1319 = arith.constant 0 : i32
      %dma_start3A_1320 = tpu.memref_slice %arg15[%dma_start3A_1318, %dma_start3A_1319] : memref<10240x128xf32, #tpu.memory_space<vmem_shared>> -> memref<10240x128xf32, #tpu.memory_space<vmem_shared>>
      tpu.enqueue_indirect_dma source(%arg12 : memref<128x128xf32, #tpu.memory_space<vmem>>) target(%dma_start3A_1320 : memref<10240x128xf32, #tpu.memory_space<vmem_shared>>) offsets(%dma_start3A_1317 : memref<128xi32, #tpu.memory_space<vmem>>) semaphore(%arg20 : memref<!tpu.dma_semaphore, #tpu.memory_space<semaphore_mem>>) {add = true}
      %add3A_1321 = arith.constant 3 : i32
      %add3A_1322 = arith.addi %mul3A_1230, %add3A_1321 : i32
      %dma_wait3A_1323 = arith.constant 3 : i32
      %dma_wait3A_1324 = arith.constant 0 : i32
      %dma_wait3A_1325 = tpu.memref_slice %arg9[%dma_wait3A_1323, %dma_wait3A_1324] : memref<4x128xi32, #tpu.memory_space<vmem>> -> memref<1x128xi32, #tpu.memory_space<vmem>>
      %dma_wait3A_1326 = tpu.memref_squeeze %dma_wait3A_1325 : memref<1x128xi32, #tpu.memory_space<vmem>> -> memref<128xi32, #tpu.memory_space<vmem>>
      %dma_wait3A_1327 = arith.constant 0 : i32
      %dma_wait3A_1328 = arith.constant 0 : i32
      %dma_wait3A_1329 = tpu.memref_slice %arg5[%dma_wait3A_1327, %dma_wait3A_1328] : memref<10240x128xf32, #tpu.memory_space<hbm>> -> memref<10240x128xf32, #tpu.memory_space<hbm>>
      tpu.wait_indirect_dma semaphore(%arg17 : memref<!tpu.dma_semaphore, #tpu.memory_space<semaphore_mem>>) src(%dma_wait3A_1329 : memref<10240x128xf32, #tpu.memory_space<hbm>>) dst(%arg13 : memref<128x128xf32, #tpu.memory_space<vmem>>)
      %gt3A_1330 = arith.constant 0 : i32
      %gt3A_1331 = arith.cmpi sgt, %add3A_1322, %gt3A_1330 : i32
      %convert_element_type3A_1332 = arith.extui %gt3A_1331 : i1 to i32
      %cond3A_1333 = arith.constant 0 : i32
      %cond3A_1334 = arith.cmpi ne, %convert_element_type3A_1332, %cond3A_1333 : i32
      scf.if %cond3A_1334 {
        %dma_wait3A_1348 = arith.constant 2 : i32
        %dma_wait3A_1349 = arith.constant 0 : i32
        %dma_wait3A_1350 = tpu.memref_slice %arg11[%dma_wait3A_1348, %dma_wait3A_1349] : memref<4x128xi32, #tpu.memory_space<vmem>> -> memref<1x128xi32, #tpu.memory_space<vmem>>
        %dma_wait3A_1351 = tpu.memref_squeeze %dma_wait3A_1350 : memref<1x128xi32, #tpu.memory_space<vmem>> -> memref<128xi32, #tpu.memory_space<vmem>>
        %dma_wait3A_1352 = arith.constant 0 : i32
        %dma_wait3A_1353 = arith.constant 0 : i32
        %dma_wait3A_1354 = tpu.memref_slice %arg15[%dma_wait3A_1352, %dma_wait3A_1353] : memref<10240x128xf32, #tpu.memory_space<vmem_shared>> -> memref<10240x128xf32, #tpu.memory_space<vmem_shared>>
        tpu.wait_indirect_dma semaphore(%arg20 : memref<!tpu.dma_semaphore, #tpu.memory_space<semaphore_mem>>) src(%arg12 : memref<128x128xf32, #tpu.memory_space<vmem>>) dst(%dma_wait3A_1354 : memref<10240x128xf32, #tpu.memory_space<vmem_shared>>)
      } else {
      }
      %add3A_1335 = arith.constant 1 : i32
      %add3A_1336 = arith.addi %add3A_1322, %add3A_1335 : i32
      %lt3A_1337 = arith.cmpi slt, %add3A_1336, %select_n3A : i32
      %convert_element_type3A_1338 = arith.extui %lt3A_1337 : i1 to i32
      %cond3A_1339 = arith.constant 0 : i32
      %cond3A_1340 = arith.cmpi ne, %convert_element_type3A_1338, %cond3A_1339 : i32
      scf.if %cond3A_1340 {
        %add3A_1348 = arith.constant 1 : i32
        %add3A_1349 = arith.addi %add3A_1228, %add3A_1348 : i32
        %mul3A_1350 = arith.constant 4 : i32
        %mul3A_1351 = arith.muli %add3A_1349, %mul3A_1350 : i32
        %add3A_1352 = arith.addi %select_n3A_13, %mul3A_1351 : i32
        %min3A_1353 = arith.constant 2496 : i32
        %min3A_1354 = arith.minsi %add3A_1352, %min3A_1353 : i32
        %dma_wait3A_1355 = arith.constant 0 : i32
        %dma_wait3A_1356 = tpu.memref_slice %arg2[%min3A_1354, %dma_wait3A_1355] : memref<2500x128xi32, #tpu.memory_space<hbm>> -> memref<4x128xi32, #tpu.memory_space<hbm>>
        %dma_wait3A_1357 = arith.constant 0 : i32
        %dma_wait3A_1358 = tpu.memref_slice %arg2[%min3A_1354, %dma_wait3A_1357] : memref<2500x128xi32, #tpu.memory_space<hbm>> -> memref<4x128xi32, #tpu.memory_space<hbm>>
        tpu.wait_dma2 semaphore(%arg18 : memref<!tpu.dma_semaphore, #tpu.memory_space<semaphore_mem>>) src(%dma_wait3A_1358 : memref<4x128xi32, #tpu.memory_space<hbm>>) dst(%arg8 : memref<4x128xi32, #tpu.memory_space<vmem>>)
        %dma_wait3A_1359 = arith.constant 0 : i32
        %dma_wait3A_1360 = tpu.memref_slice %arg3[%min3A_1354, %dma_wait3A_1359] : memref<2500x128xi32, #tpu.memory_space<hbm>> -> memref<4x128xi32, #tpu.memory_space<hbm>>
        %dma_wait3A_1361 = arith.constant 0 : i32
        %dma_wait3A_1362 = tpu.memref_slice %arg3[%min3A_1354, %dma_wait3A_1361] : memref<2500x128xi32, #tpu.memory_space<hbm>> -> memref<4x128xi32, #tpu.memory_space<hbm>>
        tpu.wait_dma2 semaphore(%arg18 : memref<!tpu.dma_semaphore, #tpu.memory_space<semaphore_mem>>) src(%dma_wait3A_1362 : memref<4x128xi32, #tpu.memory_space<hbm>>) dst(%arg10 : memref<4x128xi32, #tpu.memory_space<vmem>>)
        %dma_start3A_1363 = arith.constant 0 : i32
        %dma_start3A_1364 = arith.constant 0 : i32
        %dma_start3A_1365 = tpu.memref_slice %arg8[%dma_start3A_1363, %dma_start3A_1364] : memref<4x128xi32, #tpu.memory_space<vmem>> -> memref<1x128xi32, #tpu.memory_space<vmem>>
        %dma_start3A_1366 = tpu.memref_squeeze %dma_start3A_1365 : memref<1x128xi32, #tpu.memory_space<vmem>> -> memref<128xi32, #tpu.memory_space<vmem>>
        %dma_start3A_1367 = arith.constant 0 : i32
        %dma_start3A_1368 = arith.constant 0 : i32
        %dma_start3A_1369 = tpu.memref_slice %arg5[%dma_start3A_1367, %dma_start3A_1368] : memref<10240x128xf32, #tpu.memory_space<hbm>> -> memref<10240x128xf32, #tpu.memory_space<hbm>>
        tpu.enqueue_indirect_dma source(%dma_start3A_1369 : memref<10240x128xf32, #tpu.memory_space<hbm>>) target(%arg12 : memref<128x128xf32, #tpu.memory_space<vmem>>) offsets(%dma_start3A_1366 : memref<128xi32, #tpu.memory_space<vmem>>) semaphore(%arg16 : memref<!tpu.dma_semaphore, #tpu.memory_space<semaphore_mem>>)
      } else {
      }
      %dma_start3A_1341 = arith.constant 3 : i32
      %dma_start3A_1342 = arith.constant 0 : i32
      %dma_start3A_1343 = tpu.memref_slice %arg11[%dma_start3A_1341, %dma_start3A_1342] : memref<4x128xi32, #tpu.memory_space<vmem>> -> memref<1x128xi32, #tpu.memory_space<vmem>>
      %dma_start3A_1344 = tpu.memref_squeeze %dma_start3A_1343 : memref<1x128xi32, #tpu.memory_space<vmem>> -> memref<128xi32, #tpu.memory_space<vmem>>
      %dma_start3A_1345 = arith.constant 0 : i32
      %dma_start3A_1346 = arith.constant 0 : i32
      %dma_start3A_1347 = tpu.memref_slice %arg15[%dma_start3A_1345, %dma_start3A_1346] : memref<10240x128xf32, #tpu.memory_space<vmem_shared>> -> memref<10240x128xf32, #tpu.memory_space<vmem_shared>>
      tpu.enqueue_indirect_dma source(%arg13 : memref<128x128xf32, #tpu.memory_space<vmem>>) target(%dma_start3A_1347 : memref<10240x128xf32, #tpu.memory_space<vmem_shared>>) offsets(%dma_start3A_1344 : memref<128xi32, #tpu.memory_space<vmem>>) semaphore(%arg21 : memref<!tpu.dma_semaphore, #tpu.memory_space<semaphore_mem>>) {add = true}
    }
    %while3A_1079 = arith.constant 1 : i32
    scf.for %while3A_1100 = %while3A_1077 to %while3A_1073 step %while3A_1079  : i32 {
      %mul3A_1101 = arith.muli %while3A_1100, %while3A : i32
      %add3A_1102 = arith.addi %while3A_1070, %mul3A_1101 : i32
      %mul3A_1103 = arith.constant 2 : i32
      %mul3A_1104 = arith.muli %mul3A_1103, %add3A_1102 : i32
      %add3A_1105 = arith.constant 0 : i32
      %add3A_1106 = arith.addi %mul3A_1104, %add3A_1105 : i32
      %mul3A_1107 = arith.constant 4 : i32
      %mul3A_1108 = arith.muli %add3A_1106, %mul3A_1107 : i32
      %add3A_1109 = arith.constant 4 : i32
      %add3A_1110 = arith.addi %mul3A_1108, %add3A_1109 : i32
      %lt3A_1111 = arith.cmpi slt, %add3A_1110, %select_n3A : i32
      %convert_element_type3A_1112 = arith.extui %lt3A_1111 : i1 to i32
      %cond3A_1113 = arith.constant 0 : i32
      %cond3A_1114 = arith.cmpi ne, %convert_element_type3A_1112, %cond3A_1113 : i32
      scf.if %cond3A_1114 {
        %add3A_1348 = arith.constant 1 : i32
        %add3A_1349 = arith.addi %add3A_1106, %add3A_1348 : i32
        %mul3A_1350 = arith.constant 4 : i32
        %mul3A_1351 = arith.muli %add3A_1349, %mul3A_1350 : i32
        %add3A_1352 = arith.addi %select_n3A_13, %mul3A_1351 : i32
        %lt3A_1353 = arith.constant 2500 : i32
        %lt3A_1354 = arith.cmpi slt, %add3A_1352, %lt3A_1353 : i32
        %convert_element_type3A_1355 = arith.extui %lt3A_1354 : i1 to i32
        %cond3A_1356 = arith.constant 0 : i32
        %cond3A_1357 = arith.cmpi ne, %convert_element_type3A_1355, %cond3A_1356 : i32
        scf.if %cond3A_1357 {
          %dma_start3A_1363 = arith.constant 0 : i32
          %dma_start3A_1364 = tpu.memref_slice %arg2[%add3A_1352, %dma_start3A_1363] : memref<2500x128xi32, #tpu.memory_space<hbm>> -> memref<4x128xi32, #tpu.memory_space<hbm>>
          %dma_start3A_1365 = arith.constant 0 : i32
          %dma_start3A_1366 = tpu.memref_slice %arg2[%add3A_1352, %dma_start3A_1365] : memref<2500x128xi32, #tpu.memory_space<hbm>> -> memref<4x128xi32, #tpu.memory_space<hbm>>
          tpu.enqueue_dma source(%dma_start3A_1366 : memref<4x128xi32, #tpu.memory_space<hbm>>) target(%arg9 : memref<4x128xi32, #tpu.memory_space<vmem>>) target_semaphore(%arg19 : memref<!tpu.dma_semaphore, #tpu.memory_space<semaphore_mem>>)
          %dma_start3A_1367 = arith.constant 0 : i32
          %dma_start3A_1368 = tpu.memref_slice %arg3[%add3A_1352, %dma_start3A_1367] : memref<2500x128xi32, #tpu.memory_space<hbm>> -> memref<4x128xi32, #tpu.memory_space<hbm>>
          %dma_start3A_1369 = arith.constant 0 : i32
          %dma_start3A_1370 = tpu.memref_slice %arg3[%add3A_1352, %dma_start3A_1369] : memref<2500x128xi32, #tpu.memory_space<hbm>> -> memref<4x128xi32, #tpu.memory_space<hbm>>
          tpu.enqueue_dma source(%dma_start3A_1370 : memref<4x128xi32, #tpu.memory_space<hbm>>) target(%arg11 : memref<4x128xi32, #tpu.memory_space<vmem>>) target_semaphore(%arg19 : memref<!tpu.dma_semaphore, #tpu.memory_space<semaphore_mem>>)
        } else {
        }
        %ge3A_1358 = arith.constant 2500 : i32
        %ge3A_1359 = arith.cmpi sge, %add3A_1352, %ge3A_1358 : i32
        %convert_element_type3A_1360 = arith.extui %ge3A_1359 : i1 to i32
        %cond3A_1361 = arith.constant 0 : i32
        %cond3A_1362 = arith.cmpi ne, %convert_element_type3A_1360, %cond3A_1361 : i32
        scf.if %cond3A_1362 {
          %sub3A_1363 = arith.constant 2500 : i32
          %sub3A_1364 = arith.subi %add3A_1352, %sub3A_1363 : i32
          %dma_start3A_1365 = arith.constant 0 : i32
          %dma_start3A_1366 = tpu.memref_slice %arg4[%sub3A_1364, %dma_start3A_1365] : memref<60x128xi32, #tpu.memory_space<hbm>> -> memref<4x128xi32, #tpu.memory_space<hbm>>
          %dma_start3A_1367 = arith.constant 0 : i32
          %dma_start3A_1368 = tpu.memref_slice %arg4[%sub3A_1364, %dma_start3A_1367] : memref<60x128xi32, #tpu.memory_space<hbm>> -> memref<4x128xi32, #tpu.memory_space<hbm>>
          tpu.enqueue_dma source(%dma_start3A_1368 : memref<4x128xi32, #tpu.memory_space<hbm>>) target(%arg9 : memref<4x128xi32, #tpu.memory_space<vmem>>) target_semaphore(%arg19 : memref<!tpu.dma_semaphore, #tpu.memory_space<semaphore_mem>>)
          %dma_start3A_1369 = arith.constant 0 : i32
          %dma_start3A_1370 = tpu.memref_slice %arg4[%sub3A_1364, %dma_start3A_1369] : memref<60x128xi32, #tpu.memory_space<hbm>> -> memref<4x128xi32, #tpu.memory_space<hbm>>
          %dma_start3A_1371 = arith.constant 0 : i32
          %dma_start3A_1372 = tpu.memref_slice %arg4[%sub3A_1364, %dma_start3A_1371] : memref<60x128xi32, #tpu.memory_space<hbm>> -> memref<4x128xi32, #tpu.memory_space<hbm>>
          tpu.enqueue_dma source(%dma_start3A_1372 : memref<4x128xi32, #tpu.memory_space<hbm>>) target(%arg11 : memref<4x128xi32, #tpu.memory_space<vmem>>) target_semaphore(%arg19 : memref<!tpu.dma_semaphore, #tpu.memory_space<semaphore_mem>>)
        } else {
        }
      } else {
      }
      %add3A_1115 = arith.constant 0 : i32
      %add3A_1116 = arith.addi %mul3A_1108, %add3A_1115 : i32
      %dma_wait3A_1117 = arith.constant 0 : i32
      %dma_wait3A_1118 = arith.constant 0 : i32
      %dma_wait3A_1119 = tpu.memref_slice %arg8[%dma_wait3A_1117, %dma_wait3A_1118] : memref<4x128xi32, #tpu.memory_space<vmem>> -> memref<1x128xi32, #tpu.memory_space<vmem>>
      %dma_wait3A_1120 = tpu.memref_squeeze %dma_wait3A_1119 : memref<1x128xi32, #tpu.memory_space<vmem>> -> memref<128xi32, #tpu.memory_space<vmem>>
      %dma_wait3A_1121 = arith.constant 0 : i32
      %dma_wait3A_1122 = arith.constant 0 : i32
      %dma_wait3A_1123 = tpu.memref_slice %arg5[%dma_wait3A_1121, %dma_wait3A_1122] : memref<10240x128xf32, #tpu.memory_space<hbm>> -> memref<10240x128xf32, #tpu.memory_space<hbm>>
      tpu.wait_indirect_dma semaphore(%arg16 : memref<!tpu.dma_semaphore, #tpu.memory_space<semaphore_mem>>) src(%dma_wait3A_1123 : memref<10240x128xf32, #tpu.memory_space<hbm>>) dst(%arg12 : memref<128x128xf32, #tpu.memory_space<vmem>>)
      %gt3A = arith.constant 0 : i32
      %gt3A_1124 = arith.cmpi sgt, %add3A_1116, %gt3A : i32
      %convert_element_type3A_1125 = arith.extui %gt3A_1124 : i1 to i32
      %cond3A_1126 = arith.constant 0 : i32
      %cond3A_1127 = arith.cmpi ne, %convert_element_type3A_1125, %cond3A_1126 : i32
      scf.if %cond3A_1127 {
        %dma_wait3A_1348 = arith.constant 3 : i32
        %dma_wait3A_1349 = arith.constant 0 : i32
        %dma_wait3A_1350 = tpu.memref_slice %arg11[%dma_wait3A_1348, %dma_wait3A_1349] : memref<4x128xi32, #tpu.memory_space<vmem>> -> memref<1x128xi32, #tpu.memory_space<vmem>>
        %dma_wait3A_1351 = tpu.memref_squeeze %dma_wait3A_1350 : memref<1x128xi32, #tpu.memory_space<vmem>> -> memref<128xi32, #tpu.memory_space<vmem>>
        %dma_wait3A_1352 = arith.constant 0 : i32
        %dma_wait3A_1353 = arith.constant 0 : i32
        %dma_wait3A_1354 = tpu.memref_slice %arg15[%dma_wait3A_1352, %dma_wait3A_1353] : memref<10240x128xf32, #tpu.memory_space<vmem_shared>> -> memref<10240x128xf32, #tpu.memory_space<vmem_shared>>
        tpu.wait_indirect_dma semaphore(%arg21 : memref<!tpu.dma_semaphore, #tpu.memory_space<semaphore_mem>>) src(%arg13 : memref<128x128xf32, #tpu.memory_space<vmem>>) dst(%dma_wait3A_1354 : memref<10240x128xf32, #tpu.memory_space<vmem_shared>>)
      } else {
      }
      %dma_start3A_1128 = arith.constant 1 : i32
      %dma_start3A_1129 = arith.constant 0 : i32
      %dma_start3A_1130 = tpu.memref_slice %arg8[%dma_start3A_1128, %dma_start3A_1129] : memref<4x128xi32, #tpu.memory_space<vmem>> -> memref<1x128xi32, #tpu.memory_space<vmem>>
      %dma_start3A_1131 = tpu.memref_squeeze %dma_start3A_1130 : memref<1x128xi32, #tpu.memory_space<vmem>> -> memref<128xi32, #tpu.memory_space<vmem>>
      %dma_start3A_1132 = arith.constant 0 : i32
      %dma_start3A_1133 = arith.constant 0 : i32
      %dma_start3A_1134 = tpu.memref_slice %arg5[%dma_start3A_1132, %dma_start3A_1133] : memref<10240x128xf32, #tpu.memory_space<hbm>> -> memref<10240x128xf32, #tpu.memory_space<hbm>>
      tpu.enqueue_indirect_dma source(%dma_start3A_1134 : memref<10240x128xf32, #tpu.memory_space<hbm>>) target(%arg13 : memref<128x128xf32, #tpu.memory_space<vmem>>) offsets(%dma_start3A_1131 : memref<128xi32, #tpu.memory_space<vmem>>) semaphore(%arg17 : memref<!tpu.dma_semaphore, #tpu.memory_space<semaphore_mem>>)
      %dma_start3A_1135 = arith.constant 0 : i32
      %dma_start3A_1136 = arith.constant 0 : i32
      %dma_start3A_1137 = tpu.memref_slice %arg10[%dma_start3A_1135, %dma_start3A_1136] : memref<4x128xi32, #tpu.memory_space<vmem>> -> memref<1x128xi32, #tpu.memory_space<vmem>>
      %dma_start3A_1138 = tpu.memref_squeeze %dma_start3A_1137 : memref<1x128xi32, #tpu.memory_space<vmem>> -> memref<128xi32, #tpu.memory_space<vmem>>
      %dma_start3A_1139 = arith.constant 0 : i32
      %dma_start3A_1140 = arith.constant 0 : i32
      %dma_start3A_1141 = tpu.memref_slice %arg15[%dma_start3A_1139, %dma_start3A_1140] : memref<10240x128xf32, #tpu.memory_space<vmem_shared>> -> memref<10240x128xf32, #tpu.memory_space<vmem_shared>>
      tpu.enqueue_indirect_dma source(%arg12 : memref<128x128xf32, #tpu.memory_space<vmem>>) target(%dma_start3A_1141 : memref<10240x128xf32, #tpu.memory_space<vmem_shared>>) offsets(%dma_start3A_1138 : memref<128xi32, #tpu.memory_space<vmem>>) semaphore(%arg20 : memref<!tpu.dma_semaphore, #tpu.memory_space<semaphore_mem>>) {add = true}
      %add3A_1142 = arith.constant 1 : i32
      %add3A_1143 = arith.addi %mul3A_1108, %add3A_1142 : i32
      %dma_wait3A_1144 = arith.constant 1 : i32
      %dma_wait3A_1145 = arith.constant 0 : i32
      %dma_wait3A_1146 = tpu.memref_slice %arg8[%dma_wait3A_1144, %dma_wait3A_1145] : memref<4x128xi32, #tpu.memory_space<vmem>> -> memref<1x128xi32, #tpu.memory_space<vmem>>
      %dma_wait3A_1147 = tpu.memref_squeeze %dma_wait3A_1146 : memref<1x128xi32, #tpu.memory_space<vmem>> -> memref<128xi32, #tpu.memory_space<vmem>>
      %dma_wait3A_1148 = arith.constant 0 : i32
      %dma_wait3A_1149 = arith.constant 0 : i32
      %dma_wait3A_1150 = tpu.memref_slice %arg5[%dma_wait3A_1148, %dma_wait3A_1149] : memref<10240x128xf32, #tpu.memory_space<hbm>> -> memref<10240x128xf32, #tpu.memory_space<hbm>>
      tpu.wait_indirect_dma semaphore(%arg17 : memref<!tpu.dma_semaphore, #tpu.memory_space<semaphore_mem>>) src(%dma_wait3A_1150 : memref<10240x128xf32, #tpu.memory_space<hbm>>) dst(%arg13 : memref<128x128xf32, #tpu.memory_space<vmem>>)
      %gt3A_1151 = arith.constant 0 : i32
      %gt3A_1152 = arith.cmpi sgt, %add3A_1143, %gt3A_1151 : i32
      %convert_element_type3A_1153 = arith.extui %gt3A_1152 : i1 to i32
      %cond3A_1154 = arith.constant 0 : i32
      %cond3A_1155 = arith.cmpi ne, %convert_element_type3A_1153, %cond3A_1154 : i32
      scf.if %cond3A_1155 {
        %dma_wait3A_1348 = arith.constant 0 : i32
        %dma_wait3A_1349 = arith.constant 0 : i32
        %dma_wait3A_1350 = tpu.memref_slice %arg10[%dma_wait3A_1348, %dma_wait3A_1349] : memref<4x128xi32, #tpu.memory_space<vmem>> -> memref<1x128xi32, #tpu.memory_space<vmem>>
        %dma_wait3A_1351 = tpu.memref_squeeze %dma_wait3A_1350 : memref<1x128xi32, #tpu.memory_space<vmem>> -> memref<128xi32, #tpu.memory_space<vmem>>
        %dma_wait3A_1352 = arith.constant 0 : i32
        %dma_wait3A_1353 = arith.constant 0 : i32
        %dma_wait3A_1354 = tpu.memref_slice %arg15[%dma_wait3A_1352, %dma_wait3A_1353] : memref<10240x128xf32, #tpu.memory_space<vmem_shared>> -> memref<10240x128xf32, #tpu.memory_space<vmem_shared>>
        tpu.wait_indirect_dma semaphore(%arg20 : memref<!tpu.dma_semaphore, #tpu.memory_space<semaphore_mem>>) src(%arg12 : memref<128x128xf32, #tpu.memory_space<vmem>>) dst(%dma_wait3A_1354 : memref<10240x128xf32, #tpu.memory_space<vmem_shared>>)
      } else {
      }
      %dma_start3A_1156 = arith.constant 2 : i32
      %dma_start3A_1157 = arith.constant 0 : i32
      %dma_start3A_1158 = tpu.memref_slice %arg8[%dma_start3A_1156, %dma_start3A_1157] : memref<4x128xi32, #tpu.memory_space<vmem>> -> memref<1x128xi32, #tpu.memory_space<vmem>>
      %dma_start3A_1159 = tpu.memref_squeeze %dma_start3A_1158 : memref<1x128xi32, #tpu.memory_space<vmem>> -> memref<128xi32, #tpu.memory_space<vmem>>
      %dma_start3A_1160 = arith.constant 0 : i32
      %dma_start3A_1161 = arith.constant 0 : i32
      %dma_start3A_1162 = tpu.memref_slice %arg5[%dma_start3A_1160, %dma_start3A_1161] : memref<10240x128xf32, #tpu.memory_space<hbm>> -> memref<10240x128xf32, #tpu.memory_space<hbm>>
      tpu.enqueue_indirect_dma source(%dma_start3A_1162 : memref<10240x128xf32, #tpu.memory_space<hbm>>) target(%arg12 : memref<128x128xf32, #tpu.memory_space<vmem>>) offsets(%dma_start3A_1159 : memref<128xi32, #tpu.memory_space<vmem>>) semaphore(%arg16 : memref<!tpu.dma_semaphore, #tpu.memory_space<semaphore_mem>>)
      %dma_start3A_1163 = arith.constant 1 : i32
      %dma_start3A_1164 = arith.constant 0 : i32
      %dma_start3A_1165 = tpu.memref_slice %arg10[%dma_start3A_1163, %dma_start3A_1164] : memref<4x128xi32, #tpu.memory_space<vmem>> -> memref<1x128xi32, #tpu.memory_space<vmem>>
      %dma_start3A_1166 = tpu.memref_squeeze %dma_start3A_1165 : memref<1x128xi32, #tpu.memory_space<vmem>> -> memref<128xi32, #tpu.memory_space<vmem>>
      %dma_start3A_1167 = arith.constant 0 : i32
      %dma_start3A_1168 = arith.constant 0 : i32
      %dma_start3A_1169 = tpu.memref_slice %arg15[%dma_start3A_1167, %dma_start3A_1168] : memref<10240x128xf32, #tpu.memory_space<vmem_shared>> -> memref<10240x128xf32, #tpu.memory_space<vmem_shared>>
      tpu.enqueue_indirect_dma source(%arg13 : memref<128x128xf32, #tpu.memory_space<vmem>>) target(%dma_start3A_1169 : memref<10240x128xf32, #tpu.memory_space<vmem_shared>>) offsets(%dma_start3A_1166 : memref<128xi32, #tpu.memory_space<vmem>>) semaphore(%arg21 : memref<!tpu.dma_semaphore, #tpu.memory_space<semaphore_mem>>) {add = true}
      %add3A_1170 = arith.constant 2 : i32
      %add3A_1171 = arith.addi %mul3A_1108, %add3A_1170 : i32
      %dma_wait3A_1172 = arith.constant 2 : i32
      %dma_wait3A_1173 = arith.constant 0 : i32
      %dma_wait3A_1174 = tpu.memref_slice %arg8[%dma_wait3A_1172, %dma_wait3A_1173] : memref<4x128xi32, #tpu.memory_space<vmem>> -> memref<1x128xi32, #tpu.memory_space<vmem>>
      %dma_wait3A_1175 = tpu.memref_squeeze %dma_wait3A_1174 : memref<1x128xi32, #tpu.memory_space<vmem>> -> memref<128xi32, #tpu.memory_space<vmem>>
      %dma_wait3A_1176 = arith.constant 0 : i32
      %dma_wait3A_1177 = arith.constant 0 : i32
      %dma_wait3A_1178 = tpu.memref_slice %arg5[%dma_wait3A_1176, %dma_wait3A_1177] : memref<10240x128xf32, #tpu.memory_space<hbm>> -> memref<10240x128xf32, #tpu.memory_space<hbm>>
      tpu.wait_indirect_dma semaphore(%arg16 : memref<!tpu.dma_semaphore, #tpu.memory_space<semaphore_mem>>) src(%dma_wait3A_1178 : memref<10240x128xf32, #tpu.memory_space<hbm>>) dst(%arg12 : memref<128x128xf32, #tpu.memory_space<vmem>>)
      %gt3A_1179 = arith.constant 0 : i32
      %gt3A_1180 = arith.cmpi sgt, %add3A_1171, %gt3A_1179 : i32
      %convert_element_type3A_1181 = arith.extui %gt3A_1180 : i1 to i32
      %cond3A_1182 = arith.constant 0 : i32
      %cond3A_1183 = arith.cmpi ne, %convert_element_type3A_1181, %cond3A_1182 : i32
      scf.if %cond3A_1183 {
        %dma_wait3A_1348 = arith.constant 1 : i32
        %dma_wait3A_1349 = arith.constant 0 : i32
        %dma_wait3A_1350 = tpu.memref_slice %arg10[%dma_wait3A_1348, %dma_wait3A_1349] : memref<4x128xi32, #tpu.memory_space<vmem>> -> memref<1x128xi32, #tpu.memory_space<vmem>>
        %dma_wait3A_1351 = tpu.memref_squeeze %dma_wait3A_1350 : memref<1x128xi32, #tpu.memory_space<vmem>> -> memref<128xi32, #tpu.memory_space<vmem>>
        %dma_wait3A_1352 = arith.constant 0 : i32
        %dma_wait3A_1353 = arith.constant 0 : i32
        %dma_wait3A_1354 = tpu.memref_slice %arg15[%dma_wait3A_1352, %dma_wait3A_1353] : memref<10240x128xf32, #tpu.memory_space<vmem_shared>> -> memref<10240x128xf32, #tpu.memory_space<vmem_shared>>
        tpu.wait_indirect_dma semaphore(%arg21 : memref<!tpu.dma_semaphore, #tpu.memory_space<semaphore_mem>>) src(%arg13 : memref<128x128xf32, #tpu.memory_space<vmem>>) dst(%dma_wait3A_1354 : memref<10240x128xf32, #tpu.memory_space<vmem_shared>>)
      } else {
      }
      %dma_start3A_1184 = arith.constant 3 : i32
      %dma_start3A_1185 = arith.constant 0 : i32
      %dma_start3A_1186 = tpu.memref_slice %arg8[%dma_start3A_1184, %dma_start3A_1185] : memref<4x128xi32, #tpu.memory_space<vmem>> -> memref<1x128xi32, #tpu.memory_space<vmem>>
      %dma_start3A_1187 = tpu.memref_squeeze %dma_start3A_1186 : memref<1x128xi32, #tpu.memory_space<vmem>> -> memref<128xi32, #tpu.memory_space<vmem>>
      %dma_start3A_1188 = arith.constant 0 : i32
      %dma_start3A_1189 = arith.constant 0 : i32
      %dma_start3A_1190 = tpu.memref_slice %arg5[%dma_start3A_1188, %dma_start3A_1189] : memref<10240x128xf32, #tpu.memory_space<hbm>> -> memref<10240x128xf32, #tpu.memory_space<hbm>>
      tpu.enqueue_indirect_dma source(%dma_start3A_1190 : memref<10240x128xf32, #tpu.memory_space<hbm>>) target(%arg13 : memref<128x128xf32, #tpu.memory_space<vmem>>) offsets(%dma_start3A_1187 : memref<128xi32, #tpu.memory_space<vmem>>) semaphore(%arg17 : memref<!tpu.dma_semaphore, #tpu.memory_space<semaphore_mem>>)
      %dma_start3A_1191 = arith.constant 2 : i32
      %dma_start3A_1192 = arith.constant 0 : i32
      %dma_start3A_1193 = tpu.memref_slice %arg10[%dma_start3A_1191, %dma_start3A_1192] : memref<4x128xi32, #tpu.memory_space<vmem>> -> memref<1x128xi32, #tpu.memory_space<vmem>>
      %dma_start3A_1194 = tpu.memref_squeeze %dma_start3A_1193 : memref<1x128xi32, #tpu.memory_space<vmem>> -> memref<128xi32, #tpu.memory_space<vmem>>
      %dma_start3A_1195 = arith.constant 0 : i32
      %dma_start3A_1196 = arith.constant 0 : i32
      %dma_start3A_1197 = tpu.memref_slice %arg15[%dma_start3A_1195, %dma_start3A_1196] : memref<10240x128xf32, #tpu.memory_space<vmem_shared>> -> memref<10240x128xf32, #tpu.memory_space<vmem_shared>>
      tpu.enqueue_indirect_dma source(%arg12 : memref<128x128xf32, #tpu.memory_space<vmem>>) target(%dma_start3A_1197 : memref<10240x128xf32, #tpu.memory_space<vmem_shared>>) offsets(%dma_start3A_1194 : memref<128xi32, #tpu.memory_space<vmem>>) semaphore(%arg20 : memref<!tpu.dma_semaphore, #tpu.memory_space<semaphore_mem>>) {add = true}
      %add3A_1198 = arith.constant 3 : i32
      %add3A_1199 = arith.addi %mul3A_1108, %add3A_1198 : i32
      %dma_wait3A_1200 = arith.constant 3 : i32
      %dma_wait3A_1201 = arith.constant 0 : i32
      %dma_wait3A_1202 = tpu.memref_slice %arg8[%dma_wait3A_1200, %dma_wait3A_1201] : memref<4x128xi32, #tpu.memory_space<vmem>> -> memref<1x128xi32, #tpu.memory_space<vmem>>
      %dma_wait3A_1203 = tpu.memref_squeeze %dma_wait3A_1202 : memref<1x128xi32, #tpu.memory_space<vmem>> -> memref<128xi32, #tpu.memory_space<vmem>>
      %dma_wait3A_1204 = arith.constant 0 : i32
      %dma_wait3A_1205 = arith.constant 0 : i32
      %dma_wait3A_1206 = tpu.memref_slice %arg5[%dma_wait3A_1204, %dma_wait3A_1205] : memref<10240x128xf32, #tpu.memory_space<hbm>> -> memref<10240x128xf32, #tpu.memory_space<hbm>>
      tpu.wait_indirect_dma semaphore(%arg17 : memref<!tpu.dma_semaphore, #tpu.memory_space<semaphore_mem>>) src(%dma_wait3A_1206 : memref<10240x128xf32, #tpu.memory_space<hbm>>) dst(%arg13 : memref<128x128xf32, #tpu.memory_space<vmem>>)
      %gt3A_1207 = arith.constant 0 : i32
      %gt3A_1208 = arith.cmpi sgt, %add3A_1199, %gt3A_1207 : i32
      %convert_element_type3A_1209 = arith.extui %gt3A_1208 : i1 to i32
      %cond3A_1210 = arith.constant 0 : i32
      %cond3A_1211 = arith.cmpi ne, %convert_element_type3A_1209, %cond3A_1210 : i32
      scf.if %cond3A_1211 {
        %dma_wait3A_1348 = arith.constant 2 : i32
        %dma_wait3A_1349 = arith.constant 0 : i32
        %dma_wait3A_1350 = tpu.memref_slice %arg10[%dma_wait3A_1348, %dma_wait3A_1349] : memref<4x128xi32, #tpu.memory_space<vmem>> -> memref<1x128xi32, #tpu.memory_space<vmem>>
        %dma_wait3A_1351 = tpu.memref_squeeze %dma_wait3A_1350 : memref<1x128xi32, #tpu.memory_space<vmem>> -> memref<128xi32, #tpu.memory_space<vmem>>
        %dma_wait3A_1352 = arith.constant 0 : i32
        %dma_wait3A_1353 = arith.constant 0 : i32
        %dma_wait3A_1354 = tpu.memref_slice %arg15[%dma_wait3A_1352, %dma_wait3A_1353] : memref<10240x128xf32, #tpu.memory_space<vmem_shared>> -> memref<10240x128xf32, #tpu.memory_space<vmem_shared>>
        tpu.wait_indirect_dma semaphore(%arg20 : memref<!tpu.dma_semaphore, #tpu.memory_space<semaphore_mem>>) src(%arg12 : memref<128x128xf32, #tpu.memory_space<vmem>>) dst(%dma_wait3A_1354 : memref<10240x128xf32, #tpu.memory_space<vmem_shared>>)
      } else {
      }
      %add3A_1212 = arith.constant 1 : i32
      %add3A_1213 = arith.addi %add3A_1199, %add3A_1212 : i32
      %lt3A_1214 = arith.cmpi slt, %add3A_1213, %select_n3A : i32
      %convert_element_type3A_1215 = arith.extui %lt3A_1214 : i1 to i32
      %cond3A_1216 = arith.constant 0 : i32
      %cond3A_1217 = arith.cmpi ne, %convert_element_type3A_1215, %cond3A_1216 : i32
      scf.if %cond3A_1217 {
        %add3A_1348 = arith.constant 1 : i32
        %add3A_1349 = arith.addi %add3A_1106, %add3A_1348 : i32
        %mul3A_1350 = arith.constant 4 : i32
        %mul3A_1351 = arith.muli %add3A_1349, %mul3A_1350 : i32
        %add3A_1352 = arith.addi %select_n3A_13, %mul3A_1351 : i32
        %min3A_1353 = arith.constant 2496 : i32
        %min3A_1354 = arith.minsi %add3A_1352, %min3A_1353 : i32
        %dma_wait3A_1355 = arith.constant 0 : i32
        %dma_wait3A_1356 = tpu.memref_slice %arg2[%min3A_1354, %dma_wait3A_1355] : memref<2500x128xi32, #tpu.memory_space<hbm>> -> memref<4x128xi32, #tpu.memory_space<hbm>>
        %dma_wait3A_1357 = arith.constant 0 : i32
        %dma_wait3A_1358 = tpu.memref_slice %arg2[%min3A_1354, %dma_wait3A_1357] : memref<2500x128xi32, #tpu.memory_space<hbm>> -> memref<4x128xi32, #tpu.memory_space<hbm>>
        tpu.wait_dma2 semaphore(%arg19 : memref<!tpu.dma_semaphore, #tpu.memory_space<semaphore_mem>>) src(%dma_wait3A_1358 : memref<4x128xi32, #tpu.memory_space<hbm>>) dst(%arg9 : memref<4x128xi32, #tpu.memory_space<vmem>>)
        %dma_wait3A_1359 = arith.constant 0 : i32
        %dma_wait3A_1360 = tpu.memref_slice %arg3[%min3A_1354, %dma_wait3A_1359] : memref<2500x128xi32, #tpu.memory_space<hbm>> -> memref<4x128xi32, #tpu.memory_space<hbm>>
        %dma_wait3A_1361 = arith.constant 0 : i32
        %dma_wait3A_1362 = tpu.memref_slice %arg3[%min3A_1354, %dma_wait3A_1361] : memref<2500x128xi32, #tpu.memory_space<hbm>> -> memref<4x128xi32, #tpu.memory_space<hbm>>
        tpu.wait_dma2 semaphore(%arg19 : memref<!tpu.dma_semaphore, #tpu.memory_space<semaphore_mem>>) src(%dma_wait3A_1362 : memref<4x128xi32, #tpu.memory_space<hbm>>) dst(%arg11 : memref<4x128xi32, #tpu.memory_space<vmem>>)
        %dma_start3A_1363 = arith.constant 0 : i32
        %dma_start3A_1364 = arith.constant 0 : i32
        %dma_start3A_1365 = tpu.memref_slice %arg9[%dma_start3A_1363, %dma_start3A_1364] : memref<4x128xi32, #tpu.memory_space<vmem>> -> memref<1x128xi32, #tpu.memory_space<vmem>>
        %dma_start3A_1366 = tpu.memref_squeeze %dma_start3A_1365 : memref<1x128xi32, #tpu.memory_space<vmem>> -> memref<128xi32, #tpu.memory_space<vmem>>
        %dma_start3A_1367 = arith.constant 0 : i32
        %dma_start3A_1368 = arith.constant 0 : i32
        %dma_start3A_1369 = tpu.memref_slice %arg5[%dma_start3A_1367, %dma_start3A_1368] : memref<10240x128xf32, #tpu.memory_space<hbm>> -> memref<10240x128xf32, #tpu.memory_space<hbm>>
        tpu.enqueue_indirect_dma source(%dma_start3A_1369 : memref<10240x128xf32, #tpu.memory_space<hbm>>) target(%arg12 : memref<128x128xf32, #tpu.memory_space<vmem>>) offsets(%dma_start3A_1366 : memref<128xi32, #tpu.memory_space<vmem>>) semaphore(%arg16 : memref<!tpu.dma_semaphore, #tpu.memory_space<semaphore_mem>>)
      } else {
      }
      %dma_start3A_1218 = arith.constant 3 : i32
      %dma_start3A_1219 = arith.constant 0 : i32
      %dma_start3A_1220 = tpu.memref_slice %arg10[%dma_start3A_1218, %dma_start3A_1219] : memref<4x128xi32, #tpu.memory_space<vmem>> -> memref<1x128xi32, #tpu.memory_space<vmem>>
      %dma_start3A_1221 = tpu.memref_squeeze %dma_start3A_1220 : memref<1x128xi32, #tpu.memory_space<vmem>> -> memref<128xi32, #tpu.memory_space<vmem>>
      %dma_start3A_1222 = arith.constant 0 : i32
      %dma_start3A_1223 = arith.constant 0 : i32
      %dma_start3A_1224 = tpu.memref_slice %arg15[%dma_start3A_1222, %dma_start3A_1223] : memref<10240x128xf32, #tpu.memory_space<vmem_shared>> -> memref<10240x128xf32, #tpu.memory_space<vmem_shared>>
      tpu.enqueue_indirect_dma source(%arg13 : memref<128x128xf32, #tpu.memory_space<vmem>>) target(%dma_start3A_1224 : memref<10240x128xf32, #tpu.memory_space<vmem_shared>>) offsets(%dma_start3A_1221 : memref<128xi32, #tpu.memory_space<vmem>>) semaphore(%arg21 : memref<!tpu.dma_semaphore, #tpu.memory_space<semaphore_mem>>) {add = true}
      %mul3A_1225 = arith.constant 2 : i32
      %mul3A_1226 = arith.muli %mul3A_1225, %add3A_1102 : i32
      %add3A_1227 = arith.constant 1 : i32
      %add3A_1228 = arith.addi %mul3A_1226, %add3A_1227 : i32
      %mul3A_1229 = arith.constant 4 : i32
      %mul3A_1230 = arith.muli %add3A_1228, %mul3A_1229 : i32
      %add3A_1231 = arith.constant 4 : i32
      %add3A_1232 = arith.addi %mul3A_1230, %add3A_1231 : i32
      %lt3A_1233 = arith.cmpi slt, %add3A_1232, %select_n3A : i32
      %convert_element_type3A_1234 = arith.extui %lt3A_1233 : i1 to i32
      %cond3A_1235 = arith.constant 0 : i32
      %cond3A_1236 = arith.cmpi ne, %convert_element_type3A_1234, %cond3A_1235 : i32
      scf.if %cond3A_1236 {
        %add3A_1348 = arith.constant 1 : i32
        %add3A_1349 = arith.addi %add3A_1228, %add3A_1348 : i32
        %mul3A_1350 = arith.constant 4 : i32
        %mul3A_1351 = arith.muli %add3A_1349, %mul3A_1350 : i32
        %add3A_1352 = arith.addi %select_n3A_13, %mul3A_1351 : i32
        %lt3A_1353 = arith.constant 2500 : i32
        %lt3A_1354 = arith.cmpi slt, %add3A_1352, %lt3A_1353 : i32
        %convert_element_type3A_1355 = arith.extui %lt3A_1354 : i1 to i32
        %cond3A_1356 = arith.constant 0 : i32
        %cond3A_1357 = arith.cmpi ne, %convert_element_type3A_1355, %cond3A_1356 : i32
        scf.if %cond3A_1357 {
          %dma_start3A_1363 = arith.constant 0 : i32
          %dma_start3A_1364 = tpu.memref_slice %arg2[%add3A_1352, %dma_start3A_1363] : memref<2500x128xi32, #tpu.memory_space<hbm>> -> memref<4x128xi32, #tpu.memory_space<hbm>>
          %dma_start3A_1365 = arith.constant 0 : i32
          %dma_start3A_1366 = tpu.memref_slice %arg2[%add3A_1352, %dma_start3A_1365] : memref<2500x128xi32, #tpu.memory_space<hbm>> -> memref<4x128xi32, #tpu.memory_space<hbm>>
          tpu.enqueue_dma source(%dma_start3A_1366 : memref<4x128xi32, #tpu.memory_space<hbm>>) target(%arg8 : memref<4x128xi32, #tpu.memory_space<vmem>>) target_semaphore(%arg18 : memref<!tpu.dma_semaphore, #tpu.memory_space<semaphore_mem>>)
          %dma_start3A_1367 = arith.constant 0 : i32
          %dma_start3A_1368 = tpu.memref_slice %arg3[%add3A_1352, %dma_start3A_1367] : memref<2500x128xi32, #tpu.memory_space<hbm>> -> memref<4x128xi32, #tpu.memory_space<hbm>>
          %dma_start3A_1369 = arith.constant 0 : i32
          %dma_start3A_1370 = tpu.memref_slice %arg3[%add3A_1352, %dma_start3A_1369] : memref<2500x128xi32, #tpu.memory_space<hbm>> -> memref<4x128xi32, #tpu.memory_space<hbm>>
          tpu.enqueue_dma source(%dma_start3A_1370 : memref<4x128xi32, #tpu.memory_space<hbm>>) target(%arg10 : memref<4x128xi32, #tpu.memory_space<vmem>>) target_semaphore(%arg18 : memref<!tpu.dma_semaphore, #tpu.memory_space<semaphore_mem>>)
        } else {
        }
        %ge3A_1358 = arith.constant 2500 : i32
        %ge3A_1359 = arith.cmpi sge, %add3A_1352, %ge3A_1358 : i32
        %convert_element_type3A_1360 = arith.extui %ge3A_1359 : i1 to i32
        %cond3A_1361 = arith.constant 0 : i32
        %cond3A_1362 = arith.cmpi ne, %convert_element_type3A_1360, %cond3A_1361 : i32
        scf.if %cond3A_1362 {
          %sub3A_1363 = arith.constant 2500 : i32
          %sub3A_1364 = arith.subi %add3A_1352, %sub3A_1363 : i32
          %dma_start3A_1365 = arith.constant 0 : i32
          %dma_start3A_1366 = tpu.memref_slice %arg4[%sub3A_1364, %dma_start3A_1365] : memref<60x128xi32, #tpu.memory_space<hbm>> -> memref<4x128xi32, #tpu.memory_space<hbm>>
          %dma_start3A_1367 = arith.constant 0 : i32
          %dma_start3A_1368 = tpu.memref_slice %arg4[%sub3A_1364, %dma_start3A_1367] : memref<60x128xi32, #tpu.memory_space<hbm>> -> memref<4x128xi32, #tpu.memory_space<hbm>>
          tpu.enqueue_dma source(%dma_start3A_1368 : memref<4x128xi32, #tpu.memory_space<hbm>>) target(%arg8 : memref<4x128xi32, #tpu.memory_space<vmem>>) target_semaphore(%arg18 : memref<!tpu.dma_semaphore, #tpu.memory_space<semaphore_mem>>)
          %dma_start3A_1369 = arith.constant 0 : i32
          %dma_start3A_1370 = tpu.memref_slice %arg4[%sub3A_1364, %dma_start3A_1369] : memref<60x128xi32, #tpu.memory_space<hbm>> -> memref<4x128xi32, #tpu.memory_space<hbm>>
          %dma_start3A_1371 = arith.constant 0 : i32
          %dma_start3A_1372 = tpu.memref_slice %arg4[%sub3A_1364, %dma_start3A_1371] : memref<60x128xi32, #tpu.memory_space<hbm>> -> memref<4x128xi32, #tpu.memory_space<hbm>>
          tpu.enqueue_dma source(%dma_start3A_1372 : memref<4x128xi32, #tpu.memory_space<hbm>>) target(%arg10 : memref<4x128xi32, #tpu.memory_space<vmem>>) target_semaphore(%arg18 : memref<!tpu.dma_semaphore, #tpu.memory_space<semaphore_mem>>)
        } else {
        }
      } else {
      }
      %add3A_1237 = arith.constant 0 : i32
      %add3A_1238 = arith.addi %mul3A_1230, %add3A_1237 : i32
      %dma_wait3A_1239 = arith.constant 0 : i32
      %dma_wait3A_1240 = arith.constant 0 : i32
      %dma_wait3A_1241 = tpu.memref_slice %arg9[%dma_wait3A_1239, %dma_wait3A_1240] : memref<4x128xi32, #tpu.memory_space<vmem>> -> memref<1x128xi32, #tpu.memory_space<vmem>>
      %dma_wait3A_1242 = tpu.memref_squeeze %dma_wait3A_1241 : memref<1x128xi32, #tpu.memory_space<vmem>> -> memref<128xi32, #tpu.memory_space<vmem>>
      %dma_wait3A_1243 = arith.constant 0 : i32
      %dma_wait3A_1244 = arith.constant 0 : i32
      %dma_wait3A_1245 = tpu.memref_slice %arg5[%dma_wait3A_1243, %dma_wait3A_1244] : memref<10240x128xf32, #tpu.memory_space<hbm>> -> memref<10240x128xf32, #tpu.memory_space<hbm>>
      tpu.wait_indirect_dma semaphore(%arg16 : memref<!tpu.dma_semaphore, #tpu.memory_space<semaphore_mem>>) src(%dma_wait3A_1245 : memref<10240x128xf32, #tpu.memory_space<hbm>>) dst(%arg12 : memref<128x128xf32, #tpu.memory_space<vmem>>)
      %gt3A_1246 = arith.constant 0 : i32
      %gt3A_1247 = arith.cmpi sgt, %add3A_1238, %gt3A_1246 : i32
      %convert_element_type3A_1248 = arith.extui %gt3A_1247 : i1 to i32
      %cond3A_1249 = arith.constant 0 : i32
      %cond3A_1250 = arith.cmpi ne, %convert_element_type3A_1248, %cond3A_1249 : i32
      scf.if %cond3A_1250 {
        %dma_wait3A_1348 = arith.constant 3 : i32
        %dma_wait3A_1349 = arith.constant 0 : i32
        %dma_wait3A_1350 = tpu.memref_slice %arg10[%dma_wait3A_1348, %dma_wait3A_1349] : memref<4x128xi32, #tpu.memory_space<vmem>> -> memref<1x128xi32, #tpu.memory_space<vmem>>
        %dma_wait3A_1351 = tpu.memref_squeeze %dma_wait3A_1350 : memref<1x128xi32, #tpu.memory_space<vmem>> -> memref<128xi32, #tpu.memory_space<vmem>>
        %dma_wait3A_1352 = arith.constant 0 : i32
        %dma_wait3A_1353 = arith.constant 0 : i32
        %dma_wait3A_1354 = tpu.memref_slice %arg15[%dma_wait3A_1352, %dma_wait3A_1353] : memref<10240x128xf32, #tpu.memory_space<vmem_shared>> -> memref<10240x128xf32, #tpu.memory_space<vmem_shared>>
        tpu.wait_indirect_dma semaphore(%arg21 : memref<!tpu.dma_semaphore, #tpu.memory_space<semaphore_mem>>) src(%arg13 : memref<128x128xf32, #tpu.memory_space<vmem>>) dst(%dma_wait3A_1354 : memref<10240x128xf32, #tpu.memory_space<vmem_shared>>)
      } else {
      }
      %dma_start3A_1251 = arith.constant 1 : i32
      %dma_start3A_1252 = arith.constant 0 : i32
      %dma_start3A_1253 = tpu.memref_slice %arg9[%dma_start3A_1251, %dma_start3A_1252] : memref<4x128xi32, #tpu.memory_space<vmem>> -> memref<1x128xi32, #tpu.memory_space<vmem>>
      %dma_start3A_1254 = tpu.memref_squeeze %dma_start3A_1253 : memref<1x128xi32, #tpu.memory_space<vmem>> -> memref<128xi32, #tpu.memory_space<vmem>>
      %dma_start3A_1255 = arith.constant 0 : i32
      %dma_start3A_1256 = arith.constant 0 : i32
      %dma_start3A_1257 = tpu.memref_slice %arg5[%dma_start3A_1255, %dma_start3A_1256] : memref<10240x128xf32, #tpu.memory_space<hbm>> -> memref<10240x128xf32, #tpu.memory_space<hbm>>
      tpu.enqueue_indirect_dma source(%dma_start3A_1257 : memref<10240x128xf32, #tpu.memory_space<hbm>>) target(%arg13 : memref<128x128xf32, #tpu.memory_space<vmem>>) offsets(%dma_start3A_1254 : memref<128xi32, #tpu.memory_space<vmem>>) semaphore(%arg17 : memref<!tpu.dma_semaphore, #tpu.memory_space<semaphore_mem>>)
      %dma_start3A_1258 = arith.constant 0 : i32
      %dma_start3A_1259 = arith.constant 0 : i32
      %dma_start3A_1260 = tpu.memref_slice %arg11[%dma_start3A_1258, %dma_start3A_1259] : memref<4x128xi32, #tpu.memory_space<vmem>> -> memref<1x128xi32, #tpu.memory_space<vmem>>
      %dma_start3A_1261 = tpu.memref_squeeze %dma_start3A_1260 : memref<1x128xi32, #tpu.memory_space<vmem>> -> memref<128xi32, #tpu.memory_space<vmem>>
      %dma_start3A_1262 = arith.constant 0 : i32
      %dma_start3A_1263 = arith.constant 0 : i32
      %dma_start3A_1264 = tpu.memref_slice %arg15[%dma_start3A_1262, %dma_start3A_1263] : memref<10240x128xf32, #tpu.memory_space<vmem_shared>> -> memref<10240x128xf32, #tpu.memory_space<vmem_shared>>
      tpu.enqueue_indirect_dma source(%arg12 : memref<128x128xf32, #tpu.memory_space<vmem>>) target(%dma_start3A_1264 : memref<10240x128xf32, #tpu.memory_space<vmem_shared>>) offsets(%dma_start3A_1261 : memref<128xi32, #tpu.memory_space<vmem>>) semaphore(%arg20 : memref<!tpu.dma_semaphore, #tpu.memory_space<semaphore_mem>>) {add = true}
      %add3A_1265 = arith.constant 1 : i32
      %add3A_1266 = arith.addi %mul3A_1230, %add3A_1265 : i32
      %dma_wait3A_1267 = arith.constant 1 : i32
      %dma_wait3A_1268 = arith.constant 0 : i32
      %dma_wait3A_1269 = tpu.memref_slice %arg9[%dma_wait3A_1267, %dma_wait3A_1268] : memref<4x128xi32, #tpu.memory_space<vmem>> -> memref<1x128xi32, #tpu.memory_space<vmem>>
      %dma_wait3A_1270 = tpu.memref_squeeze %dma_wait3A_1269 : memref<1x128xi32, #tpu.memory_space<vmem>> -> memref<128xi32, #tpu.memory_space<vmem>>
      %dma_wait3A_1271 = arith.constant 0 : i32
      %dma_wait3A_1272 = arith.constant 0 : i32
      %dma_wait3A_1273 = tpu.memref_slice %arg5[%dma_wait3A_1271, %dma_wait3A_1272] : memref<10240x128xf32, #tpu.memory_space<hbm>> -> memref<10240x128xf32, #tpu.memory_space<hbm>>
      tpu.wait_indirect_dma semaphore(%arg17 : memref<!tpu.dma_semaphore, #tpu.memory_space<semaphore_mem>>) src(%dma_wait3A_1273 : memref<10240x128xf32, #tpu.memory_space<hbm>>) dst(%arg13 : memref<128x128xf32, #tpu.memory_space<vmem>>)
      %gt3A_1274 = arith.constant 0 : i32
      %gt3A_1275 = arith.cmpi sgt, %add3A_1266, %gt3A_1274 : i32
      %convert_element_type3A_1276 = arith.extui %gt3A_1275 : i1 to i32
      %cond3A_1277 = arith.constant 0 : i32
      %cond3A_1278 = arith.cmpi ne, %convert_element_type3A_1276, %cond3A_1277 : i32
      scf.if %cond3A_1278 {
        %dma_wait3A_1348 = arith.constant 0 : i32
        %dma_wait3A_1349 = arith.constant 0 : i32
        %dma_wait3A_1350 = tpu.memref_slice %arg11[%dma_wait3A_1348, %dma_wait3A_1349] : memref<4x128xi32, #tpu.memory_space<vmem>> -> memref<1x128xi32, #tpu.memory_space<vmem>>
        %dma_wait3A_1351 = tpu.memref_squeeze %dma_wait3A_1350 : memref<1x128xi32, #tpu.memory_space<vmem>> -> memref<128xi32, #tpu.memory_space<vmem>>
        %dma_wait3A_1352 = arith.constant 0 : i32
        %dma_wait3A_1353 = arith.constant 0 : i32
        %dma_wait3A_1354 = tpu.memref_slice %arg15[%dma_wait3A_1352, %dma_wait3A_1353] : memref<10240x128xf32, #tpu.memory_space<vmem_shared>> -> memref<10240x128xf32, #tpu.memory_space<vmem_shared>>
        tpu.wait_indirect_dma semaphore(%arg20 : memref<!tpu.dma_semaphore, #tpu.memory_space<semaphore_mem>>) src(%arg12 : memref<128x128xf32, #tpu.memory_space<vmem>>) dst(%dma_wait3A_1354 : memref<10240x128xf32, #tpu.memory_space<vmem_shared>>)
      } else {
      }
      %dma_start3A_1279 = arith.constant 2 : i32
      %dma_start3A_1280 = arith.constant 0 : i32
      %dma_start3A_1281 = tpu.memref_slice %arg9[%dma_start3A_1279, %dma_start3A_1280] : memref<4x128xi32, #tpu.memory_space<vmem>> -> memref<1x128xi32, #tpu.memory_space<vmem>>
      %dma_start3A_1282 = tpu.memref_squeeze %dma_start3A_1281 : memref<1x128xi32, #tpu.memory_space<vmem>> -> memref<128xi32, #tpu.memory_space<vmem>>
      %dma_start3A_1283 = arith.constant 0 : i32
      %dma_start3A_1284 = arith.constant 0 : i32
      %dma_start3A_1285 = tpu.memref_slice %arg5[%dma_start3A_1283, %dma_start3A_1284] : memref<10240x128xf32, #tpu.memory_space<hbm>> -> memref<10240x128xf32, #tpu.memory_space<hbm>>
      tpu.enqueue_indirect_dma source(%dma_start3A_1285 : memref<10240x128xf32, #tpu.memory_space<hbm>>) target(%arg12 : memref<128x128xf32, #tpu.memory_space<vmem>>) offsets(%dma_start3A_1282 : memref<128xi32, #tpu.memory_space<vmem>>) semaphore(%arg16 : memref<!tpu.dma_semaphore, #tpu.memory_space<semaphore_mem>>)
      %dma_start3A_1286 = arith.constant 1 : i32
      %dma_start3A_1287 = arith.constant 0 : i32
      %dma_start3A_1288 = tpu.memref_slice %arg11[%dma_start3A_1286, %dma_start3A_1287] : memref<4x128xi32, #tpu.memory_space<vmem>> -> memref<1x128xi32, #tpu.memory_space<vmem>>
      %dma_start3A_1289 = tpu.memref_squeeze %dma_start3A_1288 : memref<1x128xi32, #tpu.memory_space<vmem>> -> memref<128xi32, #tpu.memory_space<vmem>>
      %dma_start3A_1290 = arith.constant 0 : i32
      %dma_start3A_1291 = arith.constant 0 : i32
      %dma_start3A_1292 = tpu.memref_slice %arg15[%dma_start3A_1290, %dma_start3A_1291] : memref<10240x128xf32, #tpu.memory_space<vmem_shared>> -> memref<10240x128xf32, #tpu.memory_space<vmem_shared>>
      tpu.enqueue_indirect_dma source(%arg13 : memref<128x128xf32, #tpu.memory_space<vmem>>) target(%dma_start3A_1292 : memref<10240x128xf32, #tpu.memory_space<vmem_shared>>) offsets(%dma_start3A_1289 : memref<128xi32, #tpu.memory_space<vmem>>) semaphore(%arg21 : memref<!tpu.dma_semaphore, #tpu.memory_space<semaphore_mem>>) {add = true}
      %add3A_1293 = arith.constant 2 : i32
      %add3A_1294 = arith.addi %mul3A_1230, %add3A_1293 : i32
      %dma_wait3A_1295 = arith.constant 2 : i32
      %dma_wait3A_1296 = arith.constant 0 : i32
      %dma_wait3A_1297 = tpu.memref_slice %arg9[%dma_wait3A_1295, %dma_wait3A_1296] : memref<4x128xi32, #tpu.memory_space<vmem>> -> memref<1x128xi32, #tpu.memory_space<vmem>>
      %dma_wait3A_1298 = tpu.memref_squeeze %dma_wait3A_1297 : memref<1x128xi32, #tpu.memory_space<vmem>> -> memref<128xi32, #tpu.memory_space<vmem>>
      %dma_wait3A_1299 = arith.constant 0 : i32
      %dma_wait3A_1300 = arith.constant 0 : i32
      %dma_wait3A_1301 = tpu.memref_slice %arg5[%dma_wait3A_1299, %dma_wait3A_1300] : memref<10240x128xf32, #tpu.memory_space<hbm>> -> memref<10240x128xf32, #tpu.memory_space<hbm>>
      tpu.wait_indirect_dma semaphore(%arg16 : memref<!tpu.dma_semaphore, #tpu.memory_space<semaphore_mem>>) src(%dma_wait3A_1301 : memref<10240x128xf32, #tpu.memory_space<hbm>>) dst(%arg12 : memref<128x128xf32, #tpu.memory_space<vmem>>)
      %gt3A_1302 = arith.constant 0 : i32
      %gt3A_1303 = arith.cmpi sgt, %add3A_1294, %gt3A_1302 : i32
      %convert_element_type3A_1304 = arith.extui %gt3A_1303 : i1 to i32
      %cond3A_1305 = arith.constant 0 : i32
      %cond3A_1306 = arith.cmpi ne, %convert_element_type3A_1304, %cond3A_1305 : i32
      scf.if %cond3A_1306 {
        %dma_wait3A_1348 = arith.constant 1 : i32
        %dma_wait3A_1349 = arith.constant 0 : i32
        %dma_wait3A_1350 = tpu.memref_slice %arg11[%dma_wait3A_1348, %dma_wait3A_1349] : memref<4x128xi32, #tpu.memory_space<vmem>> -> memref<1x128xi32, #tpu.memory_space<vmem>>
        %dma_wait3A_1351 = tpu.memref_squeeze %dma_wait3A_1350 : memref<1x128xi32, #tpu.memory_space<vmem>> -> memref<128xi32, #tpu.memory_space<vmem>>
        %dma_wait3A_1352 = arith.constant 0 : i32
        %dma_wait3A_1353 = arith.constant 0 : i32
        %dma_wait3A_1354 = tpu.memref_slice %arg15[%dma_wait3A_1352, %dma_wait3A_1353] : memref<10240x128xf32, #tpu.memory_space<vmem_shared>> -> memref<10240x128xf32, #tpu.memory_space<vmem_shared>>
        tpu.wait_indirect_dma semaphore(%arg21 : memref<!tpu.dma_semaphore, #tpu.memory_space<semaphore_mem>>) src(%arg13 : memref<128x128xf32, #tpu.memory_space<vmem>>) dst(%dma_wait3A_1354 : memref<10240x128xf32, #tpu.memory_space<vmem_shared>>)
      } else {
      }
      %dma_start3A_1307 = arith.constant 3 : i32
      %dma_start3A_1308 = arith.constant 0 : i32
      %dma_start3A_1309 = tpu.memref_slice %arg9[%dma_start3A_1307, %dma_start3A_1308] : memref<4x128xi32, #tpu.memory_space<vmem>> -> memref<1x128xi32, #tpu.memory_space<vmem>>
      %dma_start3A_1310 = tpu.memref_squeeze %dma_start3A_1309 : memref<1x128xi32, #tpu.memory_space<vmem>> -> memref<128xi32, #tpu.memory_space<vmem>>
      %dma_start3A_1311 = arith.constant 0 : i32
      %dma_start3A_1312 = arith.constant 0 : i32
      %dma_start3A_1313 = tpu.memref_slice %arg5[%dma_start3A_1311, %dma_start3A_1312] : memref<10240x128xf32, #tpu.memory_space<hbm>> -> memref<10240x128xf32, #tpu.memory_space<hbm>>
      tpu.enqueue_indirect_dma source(%dma_start3A_1313 : memref<10240x128xf32, #tpu.memory_space<hbm>>) target(%arg13 : memref<128x128xf32, #tpu.memory_space<vmem>>) offsets(%dma_start3A_1310 : memref<128xi32, #tpu.memory_space<vmem>>) semaphore(%arg17 : memref<!tpu.dma_semaphore, #tpu.memory_space<semaphore_mem>>)
      %dma_start3A_1314 = arith.constant 2 : i32
      %dma_start3A_1315 = arith.constant 0 : i32
      %dma_start3A_1316 = tpu.memref_slice %arg11[%dma_start3A_1314, %dma_start3A_1315] : memref<4x128xi32, #tpu.memory_space<vmem>> -> memref<1x128xi32, #tpu.memory_space<vmem>>
      %dma_start3A_1317 = tpu.memref_squeeze %dma_start3A_1316 : memref<1x128xi32, #tpu.memory_space<vmem>> -> memref<128xi32, #tpu.memory_space<vmem>>
      %dma_start3A_1318 = arith.constant 0 : i32
      %dma_start3A_1319 = arith.constant 0 : i32
      %dma_start3A_1320 = tpu.memref_slice %arg15[%dma_start3A_1318, %dma_start3A_1319] : memref<10240x128xf32, #tpu.memory_space<vmem_shared>> -> memref<10240x128xf32, #tpu.memory_space<vmem_shared>>
      tpu.enqueue_indirect_dma source(%arg12 : memref<128x128xf32, #tpu.memory_space<vmem>>) target(%dma_start3A_1320 : memref<10240x128xf32, #tpu.memory_space<vmem_shared>>) offsets(%dma_start3A_1317 : memref<128xi32, #tpu.memory_space<vmem>>) semaphore(%arg20 : memref<!tpu.dma_semaphore, #tpu.memory_space<semaphore_mem>>) {add = true}
      %add3A_1321 = arith.constant 3 : i32
      %add3A_1322 = arith.addi %mul3A_1230, %add3A_1321 : i32
      %dma_wait3A_1323 = arith.constant 3 : i32
      %dma_wait3A_1324 = arith.constant 0 : i32
      %dma_wait3A_1325 = tpu.memref_slice %arg9[%dma_wait3A_1323, %dma_wait3A_1324] : memref<4x128xi32, #tpu.memory_space<vmem>> -> memref<1x128xi32, #tpu.memory_space<vmem>>
      %dma_wait3A_1326 = tpu.memref_squeeze %dma_wait3A_1325 : memref<1x128xi32, #tpu.memory_space<vmem>> -> memref<128xi32, #tpu.memory_space<vmem>>
      %dma_wait3A_1327 = arith.constant 0 : i32
      %dma_wait3A_1328 = arith.constant 0 : i32
      %dma_wait3A_1329 = tpu.memref_slice %arg5[%dma_wait3A_1327, %dma_wait3A_1328] : memref<10240x128xf32, #tpu.memory_space<hbm>> -> memref<10240x128xf32, #tpu.memory_space<hbm>>
      tpu.wait_indirect_dma semaphore(%arg17 : memref<!tpu.dma_semaphore, #tpu.memory_space<semaphore_mem>>) src(%dma_wait3A_1329 : memref<10240x128xf32, #tpu.memory_space<hbm>>) dst(%arg13 : memref<128x128xf32, #tpu.memory_space<vmem>>)
      %gt3A_1330 = arith.constant 0 : i32
      %gt3A_1331 = arith.cmpi sgt, %add3A_1322, %gt3A_1330 : i32
      %convert_element_type3A_1332 = arith.extui %gt3A_1331 : i1 to i32
      %cond3A_1333 = arith.constant 0 : i32
      %cond3A_1334 = arith.cmpi ne, %convert_element_type3A_1332, %cond3A_1333 : i32
      scf.if %cond3A_1334 {
        %dma_wait3A_1348 = arith.constant 2 : i32
        %dma_wait3A_1349 = arith.constant 0 : i32
        %dma_wait3A_1350 = tpu.memref_slice %arg11[%dma_wait3A_1348, %dma_wait3A_1349] : memref<4x128xi32, #tpu.memory_space<vmem>> -> memref<1x128xi32, #tpu.memory_space<vmem>>
        %dma_wait3A_1351 = tpu.memref_squeeze %dma_wait3A_1350 : memref<1x128xi32, #tpu.memory_space<vmem>> -> memref<128xi32, #tpu.memory_space<vmem>>
        %dma_wait3A_1352 = arith.constant 0 : i32
        %dma_wait3A_1353 = arith.constant 0 : i32
        %dma_wait3A_1354 = tpu.memref_slice %arg15[%dma_wait3A_1352, %dma_wait3A_1353] : memref<10240x128xf32, #tpu.memory_space<vmem_shared>> -> memref<10240x128xf32, #tpu.memory_space<vmem_shared>>
        tpu.wait_indirect_dma semaphore(%arg20 : memref<!tpu.dma_semaphore, #tpu.memory_space<semaphore_mem>>) src(%arg12 : memref<128x128xf32, #tpu.memory_space<vmem>>) dst(%dma_wait3A_1354 : memref<10240x128xf32, #tpu.memory_space<vmem_shared>>)
      } else {
      }
      %add3A_1335 = arith.constant 1 : i32
      %add3A_1336 = arith.addi %add3A_1322, %add3A_1335 : i32
      %lt3A_1337 = arith.cmpi slt, %add3A_1336, %select_n3A : i32
      %convert_element_type3A_1338 = arith.extui %lt3A_1337 : i1 to i32
      %cond3A_1339 = arith.constant 0 : i32
      %cond3A_1340 = arith.cmpi ne, %convert_element_type3A_1338, %cond3A_1339 : i32
      scf.if %cond3A_1340 {
        %add3A_1348 = arith.constant 1 : i32
        %add3A_1349 = arith.addi %add3A_1228, %add3A_1348 : i32
        %mul3A_1350 = arith.constant 4 : i32
        %mul3A_1351 = arith.muli %add3A_1349, %mul3A_1350 : i32
        %add3A_1352 = arith.addi %select_n3A_13, %mul3A_1351 : i32
        %min3A_1353 = arith.constant 2496 : i32
        %min3A_1354 = arith.minsi %add3A_1352, %min3A_1353 : i32
        %dma_wait3A_1355 = arith.constant 0 : i32
        %dma_wait3A_1356 = tpu.memref_slice %arg2[%min3A_1354, %dma_wait3A_1355] : memref<2500x128xi32, #tpu.memory_space<hbm>> -> memref<4x128xi32, #tpu.memory_space<hbm>>
        %dma_wait3A_1357 = arith.constant 0 : i32
        %dma_wait3A_1358 = tpu.memref_slice %arg2[%min3A_1354, %dma_wait3A_1357] : memref<2500x128xi32, #tpu.memory_space<hbm>> -> memref<4x128xi32, #tpu.memory_space<hbm>>
        tpu.wait_dma2 semaphore(%arg18 : memref<!tpu.dma_semaphore, #tpu.memory_space<semaphore_mem>>) src(%dma_wait3A_1358 : memref<4x128xi32, #tpu.memory_space<hbm>>) dst(%arg8 : memref<4x128xi32, #tpu.memory_space<vmem>>)
        %dma_wait3A_1359 = arith.constant 0 : i32
        %dma_wait3A_1360 = tpu.memref_slice %arg3[%min3A_1354, %dma_wait3A_1359] : memref<2500x128xi32, #tpu.memory_space<hbm>> -> memref<4x128xi32, #tpu.memory_space<hbm>>
        %dma_wait3A_1361 = arith.constant 0 : i32
        %dma_wait3A_1362 = tpu.memref_slice %arg3[%min3A_1354, %dma_wait3A_1361] : memref<2500x128xi32, #tpu.memory_space<hbm>> -> memref<4x128xi32, #tpu.memory_space<hbm>>
        tpu.wait_dma2 semaphore(%arg18 : memref<!tpu.dma_semaphore, #tpu.memory_space<semaphore_mem>>) src(%dma_wait3A_1362 : memref<4x128xi32, #tpu.memory_space<hbm>>) dst(%arg10 : memref<4x128xi32, #tpu.memory_space<vmem>>)
        %dma_start3A_1363 = arith.constant 0 : i32
        %dma_start3A_1364 = arith.constant 0 : i32
        %dma_start3A_1365 = tpu.memref_slice %arg8[%dma_start3A_1363, %dma_start3A_1364] : memref<4x128xi32, #tpu.memory_space<vmem>> -> memref<1x128xi32, #tpu.memory_space<vmem>>
        %dma_start3A_1366 = tpu.memref_squeeze %dma_start3A_1365 : memref<1x128xi32, #tpu.memory_space<vmem>> -> memref<128xi32, #tpu.memory_space<vmem>>
        %dma_start3A_1367 = arith.constant 0 : i32
        %dma_start3A_1368 = arith.constant 0 : i32
        %dma_start3A_1369 = tpu.memref_slice %arg5[%dma_start3A_1367, %dma_start3A_1368] : memref<10240x128xf32, #tpu.memory_space<hbm>> -> memref<10240x128xf32, #tpu.memory_space<hbm>>
        tpu.enqueue_indirect_dma source(%dma_start3A_1369 : memref<10240x128xf32, #tpu.memory_space<hbm>>) target(%arg12 : memref<128x128xf32, #tpu.memory_space<vmem>>) offsets(%dma_start3A_1366 : memref<128xi32, #tpu.memory_space<vmem>>) semaphore(%arg16 : memref<!tpu.dma_semaphore, #tpu.memory_space<semaphore_mem>>)
      } else {
      }
      %dma_start3A_1341 = arith.constant 3 : i32
      %dma_start3A_1342 = arith.constant 0 : i32
      %dma_start3A_1343 = tpu.memref_slice %arg11[%dma_start3A_1341, %dma_start3A_1342] : memref<4x128xi32, #tpu.memory_space<vmem>> -> memref<1x128xi32, #tpu.memory_space<vmem>>
      %dma_start3A_1344 = tpu.memref_squeeze %dma_start3A_1343 : memref<1x128xi32, #tpu.memory_space<vmem>> -> memref<128xi32, #tpu.memory_space<vmem>>
      %dma_start3A_1345 = arith.constant 0 : i32
      %dma_start3A_1346 = arith.constant 0 : i32
      %dma_start3A_1347 = tpu.memref_slice %arg15[%dma_start3A_1345, %dma_start3A_1346] : memref<10240x128xf32, #tpu.memory_space<vmem_shared>> -> memref<10240x128xf32, #tpu.memory_space<vmem_shared>>
      tpu.enqueue_indirect_dma source(%arg13 : memref<128x128xf32, #tpu.memory_space<vmem>>) target(%dma_start3A_1347 : memref<10240x128xf32, #tpu.memory_space<vmem_shared>>) offsets(%dma_start3A_1344 : memref<128xi32, #tpu.memory_space<vmem>>) semaphore(%arg21 : memref<!tpu.dma_semaphore, #tpu.memory_space<semaphore_mem>>) {add = true}
    }
    %dma_wait3A_1080 = arith.constant 3 : i32
    %dma_wait3A_1081 = arith.constant 0 : i32
    %dma_wait3A_1082 = tpu.memref_slice %arg11[%dma_wait3A_1080, %dma_wait3A_1081] : memref<4x128xi32, #tpu.memory_space<vmem>> -> memref<1x128xi32, #tpu.memory_space<vmem>>
    %dma_wait3A_1083 = tpu.memref_squeeze %dma_wait3A_1082 : memref<1x128xi32, #tpu.memory_space<vmem>> -> memref<128xi32, #tpu.memory_space<vmem>>
    %dma_wait3A_1084 = arith.constant 0 : i32
    %dma_wait3A_1085 = arith.constant 0 : i32
    %dma_wait3A_1086 = tpu.memref_slice %arg15[%dma_wait3A_1084, %dma_wait3A_1085] : memref<10240x128xf32, #tpu.memory_space<vmem_shared>> -> memref<10240x128xf32, #tpu.memory_space<vmem_shared>>
    tpu.wait_indirect_dma semaphore(%arg21 : memref<!tpu.dma_semaphore, #tpu.memory_space<semaphore_mem>>) src(%arg13 : memref<128x128xf32, #tpu.memory_space<vmem>>) dst(%dma_wait3A_1086 : memref<10240x128xf32, #tpu.memory_space<vmem_shared>>)
    %barrier3A_1087 = arith.constant 0 : index
    tpu.barrier barrier_id(%barrier3A_1087)
    %mul3A_1088 = arith.constant 640 : i32
    %mul3A_1089 = arith.muli %arg1, %mul3A_1088 : i32
    %eq3A_1090 = arith.constant 0 : i32
    %eq3A_1091 = arith.cmpi eq, %arg0, %eq3A_1090 : i32
    %convert_element_type3A_1092 = arith.extui %eq3A_1091 : i1 to i32
    %cond3A_1093 = arith.constant 0 : i32
    %cond3A_1094 = arith.cmpi ne, %convert_element_type3A_1092, %cond3A_1093 : i32
    scf.if %cond3A_1094 {
      "tpu.region"() ({
        %run_scoped3A = tpu.sem_alloc : memref<!tpu.dma_semaphore, #tpu.memory_space<semaphore_mem>>
        %dma_start3A_1100 = arith.constant 0 : i32
        %dma_start3A_1101 = tpu.memref_slice %arg6[%mul3A_1089, %dma_start3A_1100] : memref<10240x128xf32, #tpu.memory_space<hbm>> -> memref<640x128xf32, #tpu.memory_space<hbm>>
        %dma_start3A_1102 = arith.constant 0 : i32
        %dma_start3A_1103 = tpu.memref_slice %arg15[%mul3A_1089, %dma_start3A_1102] : memref<10240x128xf32, #tpu.memory_space<vmem_shared>> -> memref<640x128xf32, #tpu.memory_space<vmem_shared>>
        tpu.enqueue_dma source(%dma_start3A_1103 : memref<640x128xf32, #tpu.memory_space<vmem_shared>>) target(%dma_start3A_1101 : memref<640x128xf32, #tpu.memory_space<hbm>>) target_semaphore(%run_scoped3A : memref<!tpu.dma_semaphore, #tpu.memory_space<semaphore_mem>>)
        %dma_wait3A_1104 = arith.constant 0 : i32
        %dma_wait3A_1105 = tpu.memref_slice %arg6[%mul3A_1089, %dma_wait3A_1104] : memref<10240x128xf32, #tpu.memory_space<hbm>> -> memref<640x128xf32, #tpu.memory_space<hbm>>
        %dma_wait3A_1106 = arith.constant 0 : i32
        %dma_wait3A_1107 = tpu.memref_slice %arg15[%mul3A_1089, %dma_wait3A_1106] : memref<10240x128xf32, #tpu.memory_space<vmem_shared>> -> memref<640x128xf32, #tpu.memory_space<vmem_shared>>
        tpu.wait_dma2 semaphore(%run_scoped3A : memref<!tpu.dma_semaphore, #tpu.memory_space<semaphore_mem>>) src(%dma_wait3A_1107 : memref<640x128xf32, #tpu.memory_space<vmem_shared>>) dst(%dma_wait3A_1105 : memref<640x128xf32, #tpu.memory_space<hbm>>)
        tpu.yield
      }) : () -> ()
    } else {
    }
    %eq3A_1095 = arith.constant 1 : i32
    %eq3A_1096 = arith.cmpi eq, %arg0, %eq3A_1095 : i32
    %convert_element_type3A_1097 = arith.extui %eq3A_1096 : i1 to i32
    %cond3A_1098 = arith.constant 0 : i32
    %cond3A_1099 = arith.cmpi ne, %convert_element_type3A_1097, %cond3A_1098 : i32
    scf.if %cond3A_1099 {
      "tpu.region"() ({
        %run_scoped3A = tpu.sem_alloc : memref<!tpu.dma_semaphore, #tpu.memory_space<semaphore_mem>>
        %dma_start3A_1100 = arith.constant 0 : i32
        %dma_start3A_1101 = tpu.memref_slice %arg7[%mul3A_1089, %dma_start3A_1100] : memref<10240x128xf32, #tpu.memory_space<hbm>> -> memref<640x128xf32, #tpu.memory_space<hbm>>
        %dma_start3A_1102 = arith.constant 0 : i32
        %dma_start3A_1103 = tpu.memref_slice %arg15[%mul3A_1089, %dma_start3A_1102] : memref<10240x128xf32, #tpu.memory_space<vmem_shared>> -> memref<640x128xf32, #tpu.memory_space<vmem_shared>>
        tpu.enqueue_dma source(%dma_start3A_1103 : memref<640x128xf32, #tpu.memory_space<vmem_shared>>) target(%dma_start3A_1101 : memref<640x128xf32, #tpu.memory_space<hbm>>) target_semaphore(%run_scoped3A : memref<!tpu.dma_semaphore, #tpu.memory_space<semaphore_mem>>)
        %dma_wait3A_1104 = arith.constant 0 : i32
        %dma_wait3A_1105 = tpu.memref_slice %arg7[%mul3A_1089, %dma_wait3A_1104] : memref<10240x128xf32, #tpu.memory_space<hbm>> -> memref<640x128xf32, #tpu.memory_space<hbm>>
        %dma_wait3A_1106 = arith.constant 0 : i32
        %dma_wait3A_1107 = tpu.memref_slice %arg15[%mul3A_1089, %dma_wait3A_1106] : memref<10240x128xf32, #tpu.memory_space<vmem_shared>> -> memref<640x128xf32, #tpu.memory_space<vmem_shared>>
        tpu.wait_dma2 semaphore(%run_scoped3A : memref<!tpu.dma_semaphore, #tpu.memory_space<semaphore_mem>>) src(%dma_wait3A_1107 : memref<640x128xf32, #tpu.memory_space<vmem_shared>>) dst(%dma_wait3A_1105 : memref<640x128xf32, #tpu.memory_space<hbm>>)
        tpu.yield
      }) : () -> ()
    } else {
    }
    return
  }
}

#map = affine_map<(d0, d1) -> (0, 0)>
module attributes {stable_mosaic.version = 14 : i64} {
  func.func @_scatter(%arg0: i32, %arg1: i32, %arg2: memref<2500x128xi32, #tpu.memory_space<hbm>>, %arg3: memref<2500x128xi32, #tpu.memory_space<hbm>>, %arg4: memref<60x128xi32, #tpu.memory_space<hbm>>, %arg5: memref<10240x16xf32, #tpu.memory_space<hbm>>, %arg6: memref<10240x16xf32, #tpu.memory_space<hbm>>, %arg7: memref<10240x16xf32, #tpu.memory_space<hbm>>, %arg8: memref<4x128xi32, #tpu.memory_space<vmem>>, %arg9: memref<4x128xi32, #tpu.memory_space<vmem>>, %arg10: memref<4x128xi32, #tpu.memory_space<vmem>>, %arg11: memref<4x128xi32, #tpu.memory_space<vmem>>, %arg12: memref<128x16xf32, #tpu.memory_space<vmem>>, %arg13: memref<128x16xf32, #tpu.memory_space<vmem>>, %arg14: memref<16x16xf32, #tpu.memory_space<vmem>>, %arg15: memref<10240x16xf32, #tpu.memory_space<vmem_shared>>, %arg16: memref<!tpu.dma_semaphore, #tpu.memory_space<semaphore_mem>>, %arg17: memref<!tpu.dma_semaphore, #tpu.memory_space<semaphore_mem>>, %arg18: memref<!tpu.dma_semaphore, #tpu.memory_space<semaphore_mem>>, %arg19: memref<!tpu.dma_semaphore, #tpu.memory_space<semaphore_mem>>, %arg20: memref<!tpu.dma_semaphore, #tpu.memory_space<semaphore_mem>>, %arg21: memref<!tpu.dma_semaphore, #tpu.memory_space<semaphore_mem>>) attributes {dimension_semantics = [#tpu.dimension_semantics<core_parallel>, #tpu.dimension_semantics<subcore_parallel>], iteration_bounds = array<i64: 2, 16>, scalar_prefetch = 0 : i64, scratch_operands = 14 : i64, tpu.core_type = #tpu.core_type<sc_vector_subcore>, window_params = [{transform_indices = #map}, {transform_indices = #map}, {transform_indices = #map}, {transform_indices = #map}, {transform_indices = #map}, {transform_indices = #map}]} {
    %eq3A = arith.constant 1 : i32
    %eq3A_0 = arith.cmpi eq, %arg0, %eq3A : i32
    %jit3A = arith.constant 80 : i32
    %jit3A_1 = arith.constant 80 : i32
    %select_n3A = arith.select %eq3A_0, %jit3A, %jit3A_1 : i32
    %eq3A_2 = arith.constant 1 : i32
    %eq3A_3 = arith.cmpi eq, %arg0, %eq3A_2 : i32
    %jit3A_4 = arith.constant 10 : i32
    %jit3A_5 = arith.constant 10 : i32
    %select_n3A_6 = arith.select %eq3A_3, %jit3A_4, %jit3A_5 : i32
    %eq3A_7 = arith.constant 1 : i32
    %eq3A_8 = arith.cmpi eq, %arg0, %eq3A_7 : i32
    %mul3A = arith.constant 80 : i32
    %mul3A_9 = arith.muli %arg1, %mul3A : i32
    %mul3A_10 = arith.constant 80 : i32
    %mul3A_11 = arith.muli %arg1, %mul3A_10 : i32
    %add3A = arith.constant 1280 : i32
    %add3A_12 = arith.addi %add3A, %mul3A_11 : i32
    %select_n3A_13 = arith.select %eq3A_8, %mul3A_9, %add3A_12 : i32
    %broadcast_in_dim3A = arith.constant 0.000000e+00 : f32
    %broadcast_in_dim3A_14 = vector.broadcast %broadcast_in_dim3A : f32 to vector<16xf32>
    %swap3A = arith.constant 0 : i32
    %swap3A_15 = arith.index_cast %swap3A : i32 to index
    %swap3A_16 = arith.constant 0 : index
    %swap3A_17 = tpu.vector_load %arg14[%swap3A_15, %swap3A_16] {strides = array<i32>} : memref<16x16xf32, #tpu.memory_space<vmem>>, vector<1x16xf32>,
    %swap3A_18 = vector.shape_cast %swap3A_17 : vector<1x16xf32> to vector<16xf32>
    %swap3A_19 = vector.shape_cast %broadcast_in_dim3A_14 : vector<16xf32> to vector<1x16xf32>
    tpu.vector_store %arg14[%swap3A_15, %swap3A_16], %swap3A_19 {strides = array<i32>} : memref<16x16xf32, #tpu.memory_space<vmem>>, vector<1x16xf32>,
    %broadcast_in_dim3A_20 = arith.constant 0.000000e+00 : f32
    %broadcast_in_dim3A_21 = vector.broadcast %broadcast_in_dim3A_20 : f32 to vector<16xf32>
    %swap3A_22 = arith.constant 1 : i32
    %swap3A_23 = arith.index_cast %swap3A_22 : i32 to index
    %swap3A_24 = arith.constant 0 : index
    %swap3A_25 = tpu.vector_load %arg14[%swap3A_23, %swap3A_24] {strides = array<i32>} : memref<16x16xf32, #tpu.memory_space<vmem>>, vector<1x16xf32>,
    %swap3A_26 = vector.shape_cast %swap3A_25 : vector<1x16xf32> to vector<16xf32>
    %swap3A_27 = vector.shape_cast %broadcast_in_dim3A_21 : vector<16xf32> to vector<1x16xf32>
    tpu.vector_store %arg14[%swap3A_23, %swap3A_24], %swap3A_27 {strides = array<i32>} : memref<16x16xf32, #tpu.memory_space<vmem>>, vector<1x16xf32>,
    %broadcast_in_dim3A_28 = arith.constant 0.000000e+00 : f32
    %broadcast_in_dim3A_29 = vector.broadcast %broadcast_in_dim3A_28 : f32 to vector<16xf32>
    %swap3A_30 = arith.constant 2 : i32
    %swap3A_31 = arith.index_cast %swap3A_30 : i32 to index
    %swap3A_32 = arith.constant 0 : index
    %swap3A_33 = tpu.vector_load %arg14[%swap3A_31, %swap3A_32] {strides = array<i32>} : memref<16x16xf32, #tpu.memory_space<vmem>>, vector<1x16xf32>,
    %swap3A_34 = vector.shape_cast %swap3A_33 : vector<1x16xf32> to vector<16xf32>
    %swap3A_35 = vector.shape_cast %broadcast_in_dim3A_29 : vector<16xf32> to vector<1x16xf32>
    tpu.vector_store %arg14[%swap3A_31, %swap3A_32], %swap3A_35 {strides = array<i32>} : memref<16x16xf32, #tpu.memory_space<vmem>>, vector<1x16xf32>,
    %broadcast_in_dim3A_36 = arith.constant 0.000000e+00 : f32
    %broadcast_in_dim3A_37 = vector.broadcast %broadcast_in_dim3A_36 : f32 to vector<16xf32>
    %swap3A_38 = arith.constant 3 : i32
    %swap3A_39 = arith.index_cast %swap3A_38 : i32 to index
    %swap3A_40 = arith.constant 0 : index
    %swap3A_41 = tpu.vector_load %arg14[%swap3A_39, %swap3A_40] {strides = array<i32>} : memref<16x16xf32, #tpu.memory_space<vmem>>, vector<1x16xf32>,
    %swap3A_42 = vector.shape_cast %swap3A_41 : vector<1x16xf32> to vector<16xf32>
    %swap3A_43 = vector.shape_cast %broadcast_in_dim3A_37 : vector<16xf32> to vector<1x16xf32>
    tpu.vector_store %arg14[%swap3A_39, %swap3A_40], %swap3A_43 {strides = array<i32>} : memref<16x16xf32, #tpu.memory_space<vmem>>, vector<1x16xf32>,
    %broadcast_in_dim3A_44 = arith.constant 0.000000e+00 : f32
    %broadcast_in_dim3A_45 = vector.broadcast %broadcast_in_dim3A_44 : f32 to vector<16xf32>
    %swap3A_46 = arith.constant 4 : i32
    %swap3A_47 = arith.index_cast %swap3A_46 : i32 to index
    %swap3A_48 = arith.constant 0 : index
    %swap3A_49 = tpu.vector_load %arg14[%swap3A_47, %swap3A_48] {strides = array<i32>} : memref<16x16xf32, #tpu.memory_space<vmem>>, vector<1x16xf32>,
    %swap3A_50 = vector.shape_cast %swap3A_49 : vector<1x16xf32> to vector<16xf32>
    %swap3A_51 = vector.shape_cast %broadcast_in_dim3A_45 : vector<16xf32> to vector<1x16xf32>
    tpu.vector_store %arg14[%swap3A_47, %swap3A_48], %swap3A_51 {strides = array<i32>} : memref<16x16xf32, #tpu.memory_space<vmem>>, vector<1x16xf32>,
    %broadcast_in_dim3A_52 = arith.constant 0.000000e+00 : f32
    %broadcast_in_dim3A_53 = vector.broadcast %broadcast_in_dim3A_52 : f32 to vector<16xf32>
    %swap3A_54 = arith.constant 5 : i32
    %swap3A_55 = arith.index_cast %swap3A_54 : i32 to index
    %swap3A_56 = arith.constant 0 : index
    %swap3A_57 = tpu.vector_load %arg14[%swap3A_55, %swap3A_56] {strides = array<i32>} : memref<16x16xf32, #tpu.memory_space<vmem>>, vector<1x16xf32>,
    %swap3A_58 = vector.shape_cast %swap3A_57 : vector<1x16xf32> to vector<16xf32>
    %swap3A_59 = vector.shape_cast %broadcast_in_dim3A_53 : vector<16xf32> to vector<1x16xf32>
    tpu.vector_store %arg14[%swap3A_55, %swap3A_56], %swap3A_59 {strides = array<i32>} : memref<16x16xf32, #tpu.memory_space<vmem>>, vector<1x16xf32>,
    %broadcast_in_dim3A_60 = arith.constant 0.000000e+00 : f32
    %broadcast_in_dim3A_61 = vector.broadcast %broadcast_in_dim3A_60 : f32 to vector<16xf32>
    %swap3A_62 = arith.constant 6 : i32
    %swap3A_63 = arith.index_cast %swap3A_62 : i32 to index
    %swap3A_64 = arith.constant 0 : index
    %swap3A_65 = tpu.vector_load %arg14[%swap3A_63, %swap3A_64] {strides = array<i32>} : memref<16x16xf32, #tpu.memory_space<vmem>>, vector<1x16xf32>,
    %swap3A_66 = vector.shape_cast %swap3A_65 : vector<1x16xf32> to vector<16xf32>
    %swap3A_67 = vector.shape_cast %broadcast_in_dim3A_61 : vector<16xf32> to vector<1x16xf32>
    tpu.vector_store %arg14[%swap3A_63, %swap3A_64], %swap3A_67 {strides = array<i32>} : memref<16x16xf32, #tpu.memory_space<vmem>>, vector<1x16xf32>,
    %broadcast_in_dim3A_68 = arith.constant 0.000000e+00 : f32
    %broadcast_in_dim3A_69 = vector.broadcast %broadcast_in_dim3A_68 : f32 to vector<16xf32>
    %swap3A_70 = arith.constant 7 : i32
    %swap3A_71 = arith.index_cast %swap3A_70 : i32 to index
    %swap3A_72 = arith.constant 0 : index
    %swap3A_73 = tpu.vector_load %arg14[%swap3A_71, %swap3A_72] {strides = array<i32>} : memref<16x16xf32, #tpu.memory_space<vmem>>, vector<1x16xf32>,
    %swap3A_74 = vector.shape_cast %swap3A_73 : vector<1x16xf32> to vector<16xf32>
    %swap3A_75 = vector.shape_cast %broadcast_in_dim3A_69 : vector<16xf32> to vector<1x16xf32>
    tpu.vector_store %arg14[%swap3A_71, %swap3A_72], %swap3A_75 {strides = array<i32>} : memref<16x16xf32, #tpu.memory_space<vmem>>, vector<1x16xf32>,
    %broadcast_in_dim3A_76 = arith.constant 0.000000e+00 : f32
    %broadcast_in_dim3A_77 = vector.broadcast %broadcast_in_dim3A_76 : f32 to vector<16xf32>
    %swap3A_78 = arith.constant 8 : i32
    %swap3A_79 = arith.index_cast %swap3A_78 : i32 to index
    %swap3A_80 = arith.constant 0 : index
    %swap3A_81 = tpu.vector_load %arg14[%swap3A_79, %swap3A_80] {strides = array<i32>} : memref<16x16xf32, #tpu.memory_space<vmem>>, vector<1x16xf32>,
    %swap3A_82 = vector.shape_cast %swap3A_81 : vector<1x16xf32> to vector<16xf32>
    %swap3A_83 = vector.shape_cast %broadcast_in_dim3A_77 : vector<16xf32> to vector<1x16xf32>
    tpu.vector_store %arg14[%swap3A_79, %swap3A_80], %swap3A_83 {strides = array<i32>} : memref<16x16xf32, #tpu.memory_space<vmem>>, vector<1x16xf32>,
    %broadcast_in_dim3A_84 = arith.constant 0.000000e+00 : f32
    %broadcast_in_dim3A_85 = vector.broadcast %broadcast_in_dim3A_84 : f32 to vector<16xf32>
    %swap3A_86 = arith.constant 9 : i32
    %swap3A_87 = arith.index_cast %swap3A_86 : i32 to index
    %swap3A_88 = arith.constant 0 : index
    %swap3A_89 = tpu.vector_load %arg14[%swap3A_87, %swap3A_88] {strides = array<i32>} : memref<16x16xf32, #tpu.memory_space<vmem>>, vector<1x16xf32>,
    %swap3A_90 = vector.shape_cast %swap3A_89 : vector<1x16xf32> to vector<16xf32>
    %swap3A_91 = vector.shape_cast %broadcast_in_dim3A_85 : vector<16xf32> to vector<1x16xf32>
    tpu.vector_store %arg14[%swap3A_87, %swap3A_88], %swap3A_91 {strides = array<i32>} : memref<16x16xf32, #tpu.memory_space<vmem>>, vector<1x16xf32>,
    %broadcast_in_dim3A_92 = arith.constant 0.000000e+00 : f32
    %broadcast_in_dim3A_93 = vector.broadcast %broadcast_in_dim3A_92 : f32 to vector<16xf32>
    %swap3A_94 = arith.constant 10 : i32
    %swap3A_95 = arith.index_cast %swap3A_94 : i32 to index
    %swap3A_96 = arith.constant 0 : index
    %swap3A_97 = tpu.vector_load %arg14[%swap3A_95, %swap3A_96] {strides = array<i32>} : memref<16x16xf32, #tpu.memory_space<vmem>>, vector<1x16xf32>,
    %swap3A_98 = vector.shape_cast %swap3A_97 : vector<1x16xf32> to vector<16xf32>
    %swap3A_99 = vector.shape_cast %broadcast_in_dim3A_93 : vector<16xf32> to vector<1x16xf32>
    tpu.vector_store %arg14[%swap3A_95, %swap3A_96], %swap3A_99 {strides = array<i32>} : memref<16x16xf32, #tpu.memory_space<vmem>>, vector<1x16xf32>,
    %broadcast_in_dim3A_100 = arith.constant 0.000000e+00 : f32
    %broadcast_in_dim3A_101 = vector.broadcast %broadcast_in_dim3A_100 : f32 to vector<16xf32>
    %swap3A_102 = arith.constant 11 : i32
    %swap3A_103 = arith.index_cast %swap3A_102 : i32 to index
    %swap3A_104 = arith.constant 0 : index
    %swap3A_105 = tpu.vector_load %arg14[%swap3A_103, %swap3A_104] {strides = array<i32>} : memref<16x16xf32, #tpu.memory_space<vmem>>, vector<1x16xf32>,
    %swap3A_106 = vector.shape_cast %swap3A_105 : vector<1x16xf32> to vector<16xf32>
    %swap3A_107 = vector.shape_cast %broadcast_in_dim3A_101 : vector<16xf32> to vector<1x16xf32>
    tpu.vector_store %arg14[%swap3A_103, %swap3A_104], %swap3A_107 {strides = array<i32>} : memref<16x16xf32, #tpu.memory_space<vmem>>, vector<1x16xf32>,
    %broadcast_in_dim3A_108 = arith.constant 0.000000e+00 : f32
    %broadcast_in_dim3A_109 = vector.broadcast %broadcast_in_dim3A_108 : f32 to vector<16xf32>
    %swap3A_110 = arith.constant 12 : i32
    %swap3A_111 = arith.index_cast %swap3A_110 : i32 to index
    %swap3A_112 = arith.constant 0 : index
    %swap3A_113 = tpu.vector_load %arg14[%swap3A_111, %swap3A_112] {strides = array<i32>} : memref<16x16xf32, #tpu.memory_space<vmem>>, vector<1x16xf32>,
    %swap3A_114 = vector.shape_cast %swap3A_113 : vector<1x16xf32> to vector<16xf32>
    %swap3A_115 = vector.shape_cast %broadcast_in_dim3A_109 : vector<16xf32> to vector<1x16xf32>
    tpu.vector_store %arg14[%swap3A_111, %swap3A_112], %swap3A_115 {strides = array<i32>} : memref<16x16xf32, #tpu.memory_space<vmem>>, vector<1x16xf32>,
    %broadcast_in_dim3A_116 = arith.constant 0.000000e+00 : f32
    %broadcast_in_dim3A_117 = vector.broadcast %broadcast_in_dim3A_116 : f32 to vector<16xf32>
    %swap3A_118 = arith.constant 13 : i32
    %swap3A_119 = arith.index_cast %swap3A_118 : i32 to index
    %swap3A_120 = arith.constant 0 : index
    %swap3A_121 = tpu.vector_load %arg14[%swap3A_119, %swap3A_120] {strides = array<i32>} : memref<16x16xf32, #tpu.memory_space<vmem>>, vector<1x16xf32>,
    %swap3A_122 = vector.shape_cast %swap3A_121 : vector<1x16xf32> to vector<16xf32>
    %swap3A_123 = vector.shape_cast %broadcast_in_dim3A_117 : vector<16xf32> to vector<1x16xf32>
    tpu.vector_store %arg14[%swap3A_119, %swap3A_120], %swap3A_123 {strides = array<i32>} : memref<16x16xf32, #tpu.memory_space<vmem>>, vector<1x16xf32>,
    %broadcast_in_dim3A_124 = arith.constant 0.000000e+00 : f32
    %broadcast_in_dim3A_125 = vector.broadcast %broadcast_in_dim3A_124 : f32 to vector<16xf32>
    %swap3A_126 = arith.constant 14 : i32
    %swap3A_127 = arith.index_cast %swap3A_126 : i32 to index
    %swap3A_128 = arith.constant 0 : index
    %swap3A_129 = tpu.vector_load %arg14[%swap3A_127, %swap3A_128] {strides = array<i32>} : memref<16x16xf32, #tpu.memory_space<vmem>>, vector<1x16xf32>,
    %swap3A_130 = vector.shape_cast %swap3A_129 : vector<1x16xf32> to vector<16xf32>
    %swap3A_131 = vector.shape_cast %broadcast_in_dim3A_125 : vector<16xf32> to vector<1x16xf32>
    tpu.vector_store %arg14[%swap3A_127, %swap3A_128], %swap3A_131 {strides = array<i32>} : memref<16x16xf32, #tpu.memory_space<vmem>>, vector<1x16xf32>,
    %broadcast_in_dim3A_132 = arith.constant 0.000000e+00 : f32
    %broadcast_in_dim3A_133 = vector.broadcast %broadcast_in_dim3A_132 : f32 to vector<16xf32>
    %swap3A_134 = arith.constant 15 : i32
    %swap3A_135 = arith.index_cast %swap3A_134 : i32 to index
    %swap3A_136 = arith.constant 0 : index
    %swap3A_137 = tpu.vector_load %arg14[%swap3A_135, %swap3A_136] {strides = array<i32>} : memref<16x16xf32, #tpu.memory_space<vmem>>, vector<1x16xf32>,
    %swap3A_138 = vector.shape_cast %swap3A_137 : vector<1x16xf32> to vector<16xf32>
    %swap3A_139 = vector.shape_cast %broadcast_in_dim3A_133 : vector<16xf32> to vector<1x16xf32>
    tpu.vector_store %arg14[%swap3A_135, %swap3A_136], %swap3A_139 {strides = array<i32>} : memref<16x16xf32, #tpu.memory_space<vmem>>, vector<1x16xf32>,
    %scan3A = arith.constant 0 : i32
    %scan3A_140 = arith.constant 40 : i32
    %scan3A_141 = arith.addi %scan3A, %scan3A_140 : i32
    %scan3A_142 = arith.constant 1 : i32
    scf.for %scan3A_204 = %scan3A to %scan3A_141 step %scan3A_142  : i32 {
      %mul3A_205 = arith.constant 1 : i32
      %mul3A_206 = arith.muli %scan3A_204, %mul3A_205 : i32
      %add3A_207 = arith.constant 0 : i32
      %add3A_208 = arith.addi %add3A_207, %mul3A_206 : i32
      %mul3A_209 = arith.constant 640 : i32
      %mul3A_210 = arith.muli %arg1, %mul3A_209 : i32
      %mul3A_211 = arith.constant 16 : i32
      %mul3A_212 = arith.muli %add3A_208, %mul3A_211 : i32
      %add3A_213 = arith.addi %mul3A_210, %mul3A_212 : i32
      "tpu.region"() ({
        %run_scoped3A = tpu.sem_alloc : memref<!tpu.dma_semaphore, #tpu.memory_space<semaphore_mem>>
        %dma_start3A_214 = arith.constant 0 : i32
        %dma_start3A_215 = tpu.memref_slice %arg15[%add3A_213, %dma_start3A_214] : memref<10240x16xf32, #tpu.memory_space<vmem_shared>> -> memref<16x16xf32, #tpu.memory_space<vmem_shared>>
        %dma_start3A_216 = arith.constant 0 : i32
        %dma_start3A_217 = tpu.memref_slice %arg15[%add3A_213, %dma_start3A_216] : memref<10240x16xf32, #tpu.memory_space<vmem_shared>> -> memref<16x16xf32, #tpu.memory_space<vmem_shared>>
        tpu.enqueue_dma source(%arg14 : memref<16x16xf32, #tpu.memory_space<vmem>>) target(%dma_start3A_217 : memref<16x16xf32, #tpu.memory_space<vmem_shared>>) target_semaphore(%run_scoped3A : memref<!tpu.dma_semaphore, #tpu.memory_space<semaphore_mem>>)
        %dma_wait3A_218 = arith.constant 0 : i32
        %dma_wait3A_219 = tpu.memref_slice %arg15[%add3A_213, %dma_wait3A_218] : memref<10240x16xf32, #tpu.memory_space<vmem_shared>> -> memref<16x16xf32, #tpu.memory_space<vmem_shared>>
        %dma_wait3A_220 = arith.constant 0 : i32
        %dma_wait3A_221 = tpu.memref_slice %arg15[%add3A_213, %dma_wait3A_220] : memref<10240x16xf32, #tpu.memory_space<vmem_shared>> -> memref<16x16xf32, #tpu.memory_space<vmem_shared>>
        tpu.wait_dma2 semaphore(%run_scoped3A : memref<!tpu.dma_semaphore, #tpu.memory_space<semaphore_mem>>) src(%arg14 : memref<16x16xf32, #tpu.memory_space<vmem>>) dst(%dma_wait3A_221 : memref<16x16xf32, #tpu.memory_space<vmem_shared>>)
        tpu.yield
      }) : () -> ()
    }
    %scan3A_143 = arith.constant 40 : i32
    %barrier3A = arith.constant 0 : index
    tpu.barrier barrier_id(%barrier3A)
    %add3A_144 = arith.constant 0 : i32
    %add3A_145 = arith.addi %select_n3A_13, %add3A_144 : i32
    %lt3A = arith.constant 2500 : i32
    %lt3A_146 = arith.cmpi slt, %add3A_145, %lt3A : i32
    %convert_element_type3A = arith.extui %lt3A_146 : i1 to i32
    %cond3A = arith.constant 0 : i32
    %cond3A_147 = arith.cmpi ne, %convert_element_type3A, %cond3A : i32
    scf.if %cond3A_147 {
      %dma_start3A_204 = arith.constant 0 : i32
      %dma_start3A_205 = tpu.memref_slice %arg2[%add3A_145, %dma_start3A_204] : memref<2500x128xi32, #tpu.memory_space<hbm>> -> memref<4x128xi32, #tpu.memory_space<hbm>>
      %dma_start3A_206 = arith.constant 0 : i32
      %dma_start3A_207 = tpu.memref_slice %arg2[%add3A_145, %dma_start3A_206] : memref<2500x128xi32, #tpu.memory_space<hbm>> -> memref<4x128xi32, #tpu.memory_space<hbm>>
      tpu.enqueue_dma source(%dma_start3A_207 : memref<4x128xi32, #tpu.memory_space<hbm>>) target(%arg8 : memref<4x128xi32, #tpu.memory_space<vmem>>) target_semaphore(%arg18 : memref<!tpu.dma_semaphore, #tpu.memory_space<semaphore_mem>>)
      %dma_start3A_208 = arith.constant 0 : i32
      %dma_start3A_209 = tpu.memref_slice %arg3[%add3A_145, %dma_start3A_208] : memref<2500x128xi32, #tpu.memory_space<hbm>> -> memref<4x128xi32, #tpu.memory_space<hbm>>
      %dma_start3A_210 = arith.constant 0 : i32
      %dma_start3A_211 = tpu.memref_slice %arg3[%add3A_145, %dma_start3A_210] : memref<2500x128xi32, #tpu.memory_space<hbm>> -> memref<4x128xi32, #tpu.memory_space<hbm>>
      tpu.enqueue_dma source(%dma_start3A_211 : memref<4x128xi32, #tpu.memory_space<hbm>>) target(%arg10 : memref<4x128xi32, #tpu.memory_space<vmem>>) target_semaphore(%arg18 : memref<!tpu.dma_semaphore, #tpu.memory_space<semaphore_mem>>)
    } else {
    }
    %ge3A = arith.constant 2500 : i32
    %ge3A_148 = arith.cmpi sge, %add3A_145, %ge3A : i32
    %convert_element_type3A_149 = arith.extui %ge3A_148 : i1 to i32
    %cond3A_150 = arith.constant 0 : i32
    %cond3A_151 = arith.cmpi ne, %convert_element_type3A_149, %cond3A_150 : i32
    scf.if %cond3A_151 {
      %sub3A_204 = arith.constant 2500 : i32
      %sub3A_205 = arith.subi %add3A_145, %sub3A_204 : i32
      %dma_start3A_206 = arith.constant 0 : i32
      %dma_start3A_207 = tpu.memref_slice %arg4[%sub3A_205, %dma_start3A_206] : memref<60x128xi32, #tpu.memory_space<hbm>> -> memref<4x128xi32, #tpu.memory_space<hbm>>
      %dma_start3A_208 = arith.constant 0 : i32
      %dma_start3A_209 = tpu.memref_slice %arg4[%sub3A_205, %dma_start3A_208] : memref<60x128xi32, #tpu.memory_space<hbm>> -> memref<4x128xi32, #tpu.memory_space<hbm>>
      tpu.enqueue_dma source(%dma_start3A_209 : memref<4x128xi32, #tpu.memory_space<hbm>>) target(%arg8 : memref<4x128xi32, #tpu.memory_space<vmem>>) target_semaphore(%arg18 : memref<!tpu.dma_semaphore, #tpu.memory_space<semaphore_mem>>)
      %dma_start3A_210 = arith.constant 0 : i32
      %dma_start3A_211 = tpu.memref_slice %arg4[%sub3A_205, %dma_start3A_210] : memref<60x128xi32, #tpu.memory_space<hbm>> -> memref<4x128xi32, #tpu.memory_space<hbm>>
      %dma_start3A_212 = arith.constant 0 : i32
      %dma_start3A_213 = tpu.memref_slice %arg4[%sub3A_205, %dma_start3A_212] : memref<60x128xi32, #tpu.memory_space<hbm>> -> memref<4x128xi32, #tpu.memory_space<hbm>>
      tpu.enqueue_dma source(%dma_start3A_213 : memref<4x128xi32, #tpu.memory_space<hbm>>) target(%arg10 : memref<4x128xi32, #tpu.memory_space<vmem>>) target_semaphore(%arg18 : memref<!tpu.dma_semaphore, #tpu.memory_space<semaphore_mem>>)
    } else {
    }
    %add3A_152 = arith.constant 0 : i32
    %add3A_153 = arith.addi %select_n3A_13, %add3A_152 : i32
    %min3A = arith.constant 2496 : i32
    %min3A_154 = arith.minsi %add3A_153, %min3A : i32
    %dma_wait3A = arith.constant 0 : i32
    %dma_wait3A_155 = tpu.memref_slice %arg2[%min3A_154, %dma_wait3A] : memref<2500x128xi32, #tpu.memory_space<hbm>> -> memref<4x128xi32, #tpu.memory_space<hbm>>
    %dma_wait3A_156 = arith.constant 0 : i32
    %dma_wait3A_157 = tpu.memref_slice %arg2[%min3A_154, %dma_wait3A_156] : memref<2500x128xi32, #tpu.memory_space<hbm>> -> memref<4x128xi32, #tpu.memory_space<hbm>>
    tpu.wait_dma2 semaphore(%arg18 : memref<!tpu.dma_semaphore, #tpu.memory_space<semaphore_mem>>) src(%dma_wait3A_157 : memref<4x128xi32, #tpu.memory_space<hbm>>) dst(%arg8 : memref<4x128xi32, #tpu.memory_space<vmem>>)
    %dma_wait3A_158 = arith.constant 0 : i32
    %dma_wait3A_159 = tpu.memref_slice %arg3[%min3A_154, %dma_wait3A_158] : memref<2500x128xi32, #tpu.memory_space<hbm>> -> memref<4x128xi32, #tpu.memory_space<hbm>>
    %dma_wait3A_160 = arith.constant 0 : i32
    %dma_wait3A_161 = tpu.memref_slice %arg3[%min3A_154, %dma_wait3A_160] : memref<2500x128xi32, #tpu.memory_space<hbm>> -> memref<4x128xi32, #tpu.memory_space<hbm>>
    tpu.wait_dma2 semaphore(%arg18 : memref<!tpu.dma_semaphore, #tpu.memory_space<semaphore_mem>>) src(%dma_wait3A_161 : memref<4x128xi32, #tpu.memory_space<hbm>>) dst(%arg10 : memref<4x128xi32, #tpu.memory_space<vmem>>)
    %dma_start3A = arith.constant 0 : i32
    %dma_start3A_162 = arith.constant 0 : i32
    %dma_start3A_163 = tpu.memref_slice %arg8[%dma_start3A, %dma_start3A_162] : memref<4x128xi32, #tpu.memory_space<vmem>> -> memref<1x128xi32, #tpu.memory_space<vmem>>
    %dma_start3A_164 = tpu.memref_squeeze %dma_start3A_163 : memref<1x128xi32, #tpu.memory_space<vmem>> -> memref<128xi32, #tpu.memory_space<vmem>>
    %dma_start3A_165 = arith.constant 0 : i32
    %dma_start3A_166 = arith.constant 0 : i32
    %dma_start3A_167 = tpu.memref_slice %arg5[%dma_start3A_165, %dma_start3A_166] : memref<10240x16xf32, #tpu.memory_space<hbm>> -> memref<10240x16xf32, #tpu.memory_space<hbm>>
    tpu.enqueue_indirect_dma source(%dma_start3A_167 : memref<10240x16xf32, #tpu.memory_space<hbm>>) target(%arg12 : memref<128x16xf32, #tpu.memory_space<vmem>>) offsets(%dma_start3A_164 : memref<128xi32, #tpu.memory_space<vmem>>) semaphore(%arg16 : memref<!tpu.dma_semaphore, #tpu.memory_space<semaphore_mem>>)
    %sub3A = arith.constant 0 : i32
    %sub3A_168 = arith.subi %select_n3A_6, %sub3A : i32
    %sub3A_169 = arith.constant 1 : i32
    %sub3A_170 = arith.constant 1 : i32
    %sub3A_171 = arith.subi %sub3A_169, %sub3A_170 : i32
    %add3A_172 = arith.addi %sub3A_168, %sub3A_171 : i32
    %div3A = arith.constant 1 : i32
    %div3A_173 = arith.divsi %add3A_172, %div3A : i32
    %while3A = arith.constant 1 : i32
    %while3A_174 = arith.constant 0 : i32
    %while3A_175 = arith.constant 0 : i32
    %while3A_176 = arith.subi %div3A_173, %while3A_175 : i32
    %while3A_177 = arith.addi %while3A_175, %while3A_176 : i32
    %while3A_178 = arith.constant 1 : i32
    %while3A_179 = arith.divsi %while3A_176, %while3A_178 : i32
    %while3A_180 = arith.muli %while3A_179, %while3A_178 : i32
    %while3A_181 = arith.addi %while3A_175, %while3A_180 : i32
    %while3A_182 = arith.constant 1 : i32
    scf.for %while3A_204 = %while3A_175 to %while3A_181 step %while3A_182  : i32 {
      %mul3A_205 = arith.muli %while3A_204, %while3A : i32
      %add3A_206 = arith.addi %while3A_174, %mul3A_205 : i32
      %mul3A_207 = arith.constant 2 : i32
      %mul3A_208 = arith.muli %mul3A_207, %add3A_206 : i32
      %add3A_209 = arith.constant 0 : i32
      %add3A_210 = arith.addi %mul3A_208, %add3A_209 : i32
      %mul3A_211 = arith.constant 4 : i32
      %mul3A_212 = arith.muli %add3A_210, %mul3A_211 : i32
      %add3A_213 = arith.constant 4 : i32
      %add3A_214 = arith.addi %mul3A_212, %add3A_213 : i32
      %lt3A_215 = arith.cmpi slt, %add3A_214, %select_n3A : i32
      %convert_element_type3A_216 = arith.extui %lt3A_215 : i1 to i32
      %cond3A_217 = arith.constant 0 : i32
      %cond3A_218 = arith.cmpi ne, %convert_element_type3A_216, %cond3A_217 : i32
      scf.if %cond3A_218 {
        %add3A_452 = arith.constant 1 : i32
        %add3A_453 = arith.addi %add3A_210, %add3A_452 : i32
        %mul3A_454 = arith.constant 4 : i32
        %mul3A_455 = arith.muli %add3A_453, %mul3A_454 : i32
        %add3A_456 = arith.addi %select_n3A_13, %mul3A_455 : i32
        %lt3A_457 = arith.constant 2500 : i32
        %lt3A_458 = arith.cmpi slt, %add3A_456, %lt3A_457 : i32
        %convert_element_type3A_459 = arith.extui %lt3A_458 : i1 to i32
        %cond3A_460 = arith.constant 0 : i32
        %cond3A_461 = arith.cmpi ne, %convert_element_type3A_459, %cond3A_460 : i32
        scf.if %cond3A_461 {
          %dma_start3A_467 = arith.constant 0 : i32
          %dma_start3A_468 = tpu.memref_slice %arg2[%add3A_456, %dma_start3A_467] : memref<2500x128xi32, #tpu.memory_space<hbm>> -> memref<4x128xi32, #tpu.memory_space<hbm>>
          %dma_start3A_469 = arith.constant 0 : i32
          %dma_start3A_470 = tpu.memref_slice %arg2[%add3A_456, %dma_start3A_469] : memref<2500x128xi32, #tpu.memory_space<hbm>> -> memref<4x128xi32, #tpu.memory_space<hbm>>
          tpu.enqueue_dma source(%dma_start3A_470 : memref<4x128xi32, #tpu.memory_space<hbm>>) target(%arg9 : memref<4x128xi32, #tpu.memory_space<vmem>>) target_semaphore(%arg19 : memref<!tpu.dma_semaphore, #tpu.memory_space<semaphore_mem>>)
          %dma_start3A_471 = arith.constant 0 : i32
          %dma_start3A_472 = tpu.memref_slice %arg3[%add3A_456, %dma_start3A_471] : memref<2500x128xi32, #tpu.memory_space<hbm>> -> memref<4x128xi32, #tpu.memory_space<hbm>>
          %dma_start3A_473 = arith.constant 0 : i32
          %dma_start3A_474 = tpu.memref_slice %arg3[%add3A_456, %dma_start3A_473] : memref<2500x128xi32, #tpu.memory_space<hbm>> -> memref<4x128xi32, #tpu.memory_space<hbm>>
          tpu.enqueue_dma source(%dma_start3A_474 : memref<4x128xi32, #tpu.memory_space<hbm>>) target(%arg11 : memref<4x128xi32, #tpu.memory_space<vmem>>) target_semaphore(%arg19 : memref<!tpu.dma_semaphore, #tpu.memory_space<semaphore_mem>>)
        } else {
        }
        %ge3A_462 = arith.constant 2500 : i32
        %ge3A_463 = arith.cmpi sge, %add3A_456, %ge3A_462 : i32
        %convert_element_type3A_464 = arith.extui %ge3A_463 : i1 to i32
        %cond3A_465 = arith.constant 0 : i32
        %cond3A_466 = arith.cmpi ne, %convert_element_type3A_464, %cond3A_465 : i32
        scf.if %cond3A_466 {
          %sub3A_467 = arith.constant 2500 : i32
          %sub3A_468 = arith.subi %add3A_456, %sub3A_467 : i32
          %dma_start3A_469 = arith.constant 0 : i32
          %dma_start3A_470 = tpu.memref_slice %arg4[%sub3A_468, %dma_start3A_469] : memref<60x128xi32, #tpu.memory_space<hbm>> -> memref<4x128xi32, #tpu.memory_space<hbm>>
          %dma_start3A_471 = arith.constant 0 : i32
          %dma_start3A_472 = tpu.memref_slice %arg4[%sub3A_468, %dma_start3A_471] : memref<60x128xi32, #tpu.memory_space<hbm>> -> memref<4x128xi32, #tpu.memory_space<hbm>>
          tpu.enqueue_dma source(%dma_start3A_472 : memref<4x128xi32, #tpu.memory_space<hbm>>) target(%arg9 : memref<4x128xi32, #tpu.memory_space<vmem>>) target_semaphore(%arg19 : memref<!tpu.dma_semaphore, #tpu.memory_space<semaphore_mem>>)
          %dma_start3A_473 = arith.constant 0 : i32
          %dma_start3A_474 = tpu.memref_slice %arg4[%sub3A_468, %dma_start3A_473] : memref<60x128xi32, #tpu.memory_space<hbm>> -> memref<4x128xi32, #tpu.memory_space<hbm>>
          %dma_start3A_475 = arith.constant 0 : i32
          %dma_start3A_476 = tpu.memref_slice %arg4[%sub3A_468, %dma_start3A_475] : memref<60x128xi32, #tpu.memory_space<hbm>> -> memref<4x128xi32, #tpu.memory_space<hbm>>
          tpu.enqueue_dma source(%dma_start3A_476 : memref<4x128xi32, #tpu.memory_space<hbm>>) target(%arg11 : memref<4x128xi32, #tpu.memory_space<vmem>>) target_semaphore(%arg19 : memref<!tpu.dma_semaphore, #tpu.memory_space<semaphore_mem>>)
        } else {
        }
      } else {
      }
      %add3A_219 = arith.constant 0 : i32
      %add3A_220 = arith.addi %mul3A_212, %add3A_219 : i32
      %dma_wait3A_221 = arith.constant 0 : i32
      %dma_wait3A_222 = arith.constant 0 : i32
      %dma_wait3A_223 = tpu.memref_slice %arg8[%dma_wait3A_221, %dma_wait3A_222] : memref<4x128xi32, #tpu.memory_space<vmem>> -> memref<1x128xi32, #tpu.memory_space<vmem>>
      %dma_wait3A_224 = tpu.memref_squeeze %dma_wait3A_223 : memref<1x128xi32, #tpu.memory_space<vmem>> -> memref<128xi32, #tpu.memory_space<vmem>>
      %dma_wait3A_225 = arith.constant 0 : i32
      %dma_wait3A_226 = arith.constant 0 : i32
      %dma_wait3A_227 = tpu.memref_slice %arg5[%dma_wait3A_225, %dma_wait3A_226] : memref<10240x16xf32, #tpu.memory_space<hbm>> -> memref<10240x16xf32, #tpu.memory_space<hbm>>
      tpu.wait_indirect_dma semaphore(%arg16 : memref<!tpu.dma_semaphore, #tpu.memory_space<semaphore_mem>>) src(%dma_wait3A_227 : memref<10240x16xf32, #tpu.memory_space<hbm>>) dst(%arg12 : memref<128x16xf32, #tpu.memory_space<vmem>>)
      %gt3A = arith.constant 0 : i32
      %gt3A_228 = arith.cmpi sgt, %add3A_220, %gt3A : i32
      %convert_element_type3A_229 = arith.extui %gt3A_228 : i1 to i32
      %cond3A_230 = arith.constant 0 : i32
      %cond3A_231 = arith.cmpi ne, %convert_element_type3A_229, %cond3A_230 : i32
      scf.if %cond3A_231 {
        %dma_wait3A_452 = arith.constant 3 : i32
        %dma_wait3A_453 = arith.constant 0 : i32
        %dma_wait3A_454 = tpu.memref_slice %arg11[%dma_wait3A_452, %dma_wait3A_453] : memref<4x128xi32, #tpu.memory_space<vmem>> -> memref<1x128xi32, #tpu.memory_space<vmem>>
        %dma_wait3A_455 = tpu.memref_squeeze %dma_wait3A_454 : memref<1x128xi32, #tpu.memory_space<vmem>> -> memref<128xi32, #tpu.memory_space<vmem>>
        %dma_wait3A_456 = arith.constant 0 : i32
        %dma_wait3A_457 = arith.constant 0 : i32
        %dma_wait3A_458 = tpu.memref_slice %arg15[%dma_wait3A_456, %dma_wait3A_457] : memref<10240x16xf32, #tpu.memory_space<vmem_shared>> -> memref<10240x16xf32, #tpu.memory_space<vmem_shared>>
        tpu.wait_indirect_dma semaphore(%arg21 : memref<!tpu.dma_semaphore, #tpu.memory_space<semaphore_mem>>) src(%arg13 : memref<128x16xf32, #tpu.memory_space<vmem>>) dst(%dma_wait3A_458 : memref<10240x16xf32, #tpu.memory_space<vmem_shared>>)
      } else {
      }
      %dma_start3A_232 = arith.constant 1 : i32
      %dma_start3A_233 = arith.constant 0 : i32
      %dma_start3A_234 = tpu.memref_slice %arg8[%dma_start3A_232, %dma_start3A_233] : memref<4x128xi32, #tpu.memory_space<vmem>> -> memref<1x128xi32, #tpu.memory_space<vmem>>
      %dma_start3A_235 = tpu.memref_squeeze %dma_start3A_234 : memref<1x128xi32, #tpu.memory_space<vmem>> -> memref<128xi32, #tpu.memory_space<vmem>>
      %dma_start3A_236 = arith.constant 0 : i32
      %dma_start3A_237 = arith.constant 0 : i32
      %dma_start3A_238 = tpu.memref_slice %arg5[%dma_start3A_236, %dma_start3A_237] : memref<10240x16xf32, #tpu.memory_space<hbm>> -> memref<10240x16xf32, #tpu.memory_space<hbm>>
      tpu.enqueue_indirect_dma source(%dma_start3A_238 : memref<10240x16xf32, #tpu.memory_space<hbm>>) target(%arg13 : memref<128x16xf32, #tpu.memory_space<vmem>>) offsets(%dma_start3A_235 : memref<128xi32, #tpu.memory_space<vmem>>) semaphore(%arg17 : memref<!tpu.dma_semaphore, #tpu.memory_space<semaphore_mem>>)
      %dma_start3A_239 = arith.constant 0 : i32
      %dma_start3A_240 = arith.constant 0 : i32
      %dma_start3A_241 = tpu.memref_slice %arg10[%dma_start3A_239, %dma_start3A_240] : memref<4x128xi32, #tpu.memory_space<vmem>> -> memref<1x128xi32, #tpu.memory_space<vmem>>
      %dma_start3A_242 = tpu.memref_squeeze %dma_start3A_241 : memref<1x128xi32, #tpu.memory_space<vmem>> -> memref<128xi32, #tpu.memory_space<vmem>>
      %dma_start3A_243 = arith.constant 0 : i32
      %dma_start3A_244 = arith.constant 0 : i32
      %dma_start3A_245 = tpu.memref_slice %arg15[%dma_start3A_243, %dma_start3A_244] : memref<10240x16xf32, #tpu.memory_space<vmem_shared>> -> memref<10240x16xf32, #tpu.memory_space<vmem_shared>>
      tpu.enqueue_indirect_dma source(%arg12 : memref<128x16xf32, #tpu.memory_space<vmem>>) target(%dma_start3A_245 : memref<10240x16xf32, #tpu.memory_space<vmem_shared>>) offsets(%dma_start3A_242 : memref<128xi32, #tpu.memory_space<vmem>>) semaphore(%arg20 : memref<!tpu.dma_semaphore, #tpu.memory_space<semaphore_mem>>) {add = true}
      %add3A_246 = arith.constant 1 : i32
      %add3A_247 = arith.addi %mul3A_212, %add3A_246 : i32
      %dma_wait3A_248 = arith.constant 1 : i32
      %dma_wait3A_249 = arith.constant 0 : i32
      %dma_wait3A_250 = tpu.memref_slice %arg8[%dma_wait3A_248, %dma_wait3A_249] : memref<4x128xi32, #tpu.memory_space<vmem>> -> memref<1x128xi32, #tpu.memory_space<vmem>>
      %dma_wait3A_251 = tpu.memref_squeeze %dma_wait3A_250 : memref<1x128xi32, #tpu.memory_space<vmem>> -> memref<128xi32, #tpu.memory_space<vmem>>
      %dma_wait3A_252 = arith.constant 0 : i32
      %dma_wait3A_253 = arith.constant 0 : i32
      %dma_wait3A_254 = tpu.memref_slice %arg5[%dma_wait3A_252, %dma_wait3A_253] : memref<10240x16xf32, #tpu.memory_space<hbm>> -> memref<10240x16xf32, #tpu.memory_space<hbm>>
      tpu.wait_indirect_dma semaphore(%arg17 : memref<!tpu.dma_semaphore, #tpu.memory_space<semaphore_mem>>) src(%dma_wait3A_254 : memref<10240x16xf32, #tpu.memory_space<hbm>>) dst(%arg13 : memref<128x16xf32, #tpu.memory_space<vmem>>)
      %gt3A_255 = arith.constant 0 : i32
      %gt3A_256 = arith.cmpi sgt, %add3A_247, %gt3A_255 : i32
      %convert_element_type3A_257 = arith.extui %gt3A_256 : i1 to i32
      %cond3A_258 = arith.constant 0 : i32
      %cond3A_259 = arith.cmpi ne, %convert_element_type3A_257, %cond3A_258 : i32
      scf.if %cond3A_259 {
        %dma_wait3A_452 = arith.constant 0 : i32
        %dma_wait3A_453 = arith.constant 0 : i32
        %dma_wait3A_454 = tpu.memref_slice %arg10[%dma_wait3A_452, %dma_wait3A_453] : memref<4x128xi32, #tpu.memory_space<vmem>> -> memref<1x128xi32, #tpu.memory_space<vmem>>
        %dma_wait3A_455 = tpu.memref_squeeze %dma_wait3A_454 : memref<1x128xi32, #tpu.memory_space<vmem>> -> memref<128xi32, #tpu.memory_space<vmem>>
        %dma_wait3A_456 = arith.constant 0 : i32
        %dma_wait3A_457 = arith.constant 0 : i32
        %dma_wait3A_458 = tpu.memref_slice %arg15[%dma_wait3A_456, %dma_wait3A_457] : memref<10240x16xf32, #tpu.memory_space<vmem_shared>> -> memref<10240x16xf32, #tpu.memory_space<vmem_shared>>
        tpu.wait_indirect_dma semaphore(%arg20 : memref<!tpu.dma_semaphore, #tpu.memory_space<semaphore_mem>>) src(%arg12 : memref<128x16xf32, #tpu.memory_space<vmem>>) dst(%dma_wait3A_458 : memref<10240x16xf32, #tpu.memory_space<vmem_shared>>)
      } else {
      }
      %dma_start3A_260 = arith.constant 2 : i32
      %dma_start3A_261 = arith.constant 0 : i32
      %dma_start3A_262 = tpu.memref_slice %arg8[%dma_start3A_260, %dma_start3A_261] : memref<4x128xi32, #tpu.memory_space<vmem>> -> memref<1x128xi32, #tpu.memory_space<vmem>>
      %dma_start3A_263 = tpu.memref_squeeze %dma_start3A_262 : memref<1x128xi32, #tpu.memory_space<vmem>> -> memref<128xi32, #tpu.memory_space<vmem>>
      %dma_start3A_264 = arith.constant 0 : i32
      %dma_start3A_265 = arith.constant 0 : i32
      %dma_start3A_266 = tpu.memref_slice %arg5[%dma_start3A_264, %dma_start3A_265] : memref<10240x16xf32, #tpu.memory_space<hbm>> -> memref<10240x16xf32, #tpu.memory_space<hbm>>
      tpu.enqueue_indirect_dma source(%dma_start3A_266 : memref<10240x16xf32, #tpu.memory_space<hbm>>) target(%arg12 : memref<128x16xf32, #tpu.memory_space<vmem>>) offsets(%dma_start3A_263 : memref<128xi32, #tpu.memory_space<vmem>>) semaphore(%arg16 : memref<!tpu.dma_semaphore, #tpu.memory_space<semaphore_mem>>)
      %dma_start3A_267 = arith.constant 1 : i32
      %dma_start3A_268 = arith.constant 0 : i32
      %dma_start3A_269 = tpu.memref_slice %arg10[%dma_start3A_267, %dma_start3A_268] : memref<4x128xi32, #tpu.memory_space<vmem>> -> memref<1x128xi32, #tpu.memory_space<vmem>>
      %dma_start3A_270 = tpu.memref_squeeze %dma_start3A_269 : memref<1x128xi32, #tpu.memory_space<vmem>> -> memref<128xi32, #tpu.memory_space<vmem>>
      %dma_start3A_271 = arith.constant 0 : i32
      %dma_start3A_272 = arith.constant 0 : i32
      %dma_start3A_273 = tpu.memref_slice %arg15[%dma_start3A_271, %dma_start3A_272] : memref<10240x16xf32, #tpu.memory_space<vmem_shared>> -> memref<10240x16xf32, #tpu.memory_space<vmem_shared>>
      tpu.enqueue_indirect_dma source(%arg13 : memref<128x16xf32, #tpu.memory_space<vmem>>) target(%dma_start3A_273 : memref<10240x16xf32, #tpu.memory_space<vmem_shared>>) offsets(%dma_start3A_270 : memref<128xi32, #tpu.memory_space<vmem>>) semaphore(%arg21 : memref<!tpu.dma_semaphore, #tpu.memory_space<semaphore_mem>>) {add = true}
      %add3A_274 = arith.constant 2 : i32
      %add3A_275 = arith.addi %mul3A_212, %add3A_274 : i32
      %dma_wait3A_276 = arith.constant 2 : i32
      %dma_wait3A_277 = arith.constant 0 : i32
      %dma_wait3A_278 = tpu.memref_slice %arg8[%dma_wait3A_276, %dma_wait3A_277] : memref<4x128xi32, #tpu.memory_space<vmem>> -> memref<1x128xi32, #tpu.memory_space<vmem>>
      %dma_wait3A_279 = tpu.memref_squeeze %dma_wait3A_278 : memref<1x128xi32, #tpu.memory_space<vmem>> -> memref<128xi32, #tpu.memory_space<vmem>>
      %dma_wait3A_280 = arith.constant 0 : i32
      %dma_wait3A_281 = arith.constant 0 : i32
      %dma_wait3A_282 = tpu.memref_slice %arg5[%dma_wait3A_280, %dma_wait3A_281] : memref<10240x16xf32, #tpu.memory_space<hbm>> -> memref<10240x16xf32, #tpu.memory_space<hbm>>
      tpu.wait_indirect_dma semaphore(%arg16 : memref<!tpu.dma_semaphore, #tpu.memory_space<semaphore_mem>>) src(%dma_wait3A_282 : memref<10240x16xf32, #tpu.memory_space<hbm>>) dst(%arg12 : memref<128x16xf32, #tpu.memory_space<vmem>>)
      %gt3A_283 = arith.constant 0 : i32
      %gt3A_284 = arith.cmpi sgt, %add3A_275, %gt3A_283 : i32
      %convert_element_type3A_285 = arith.extui %gt3A_284 : i1 to i32
      %cond3A_286 = arith.constant 0 : i32
      %cond3A_287 = arith.cmpi ne, %convert_element_type3A_285, %cond3A_286 : i32
      scf.if %cond3A_287 {
        %dma_wait3A_452 = arith.constant 1 : i32
        %dma_wait3A_453 = arith.constant 0 : i32
        %dma_wait3A_454 = tpu.memref_slice %arg10[%dma_wait3A_452, %dma_wait3A_453] : memref<4x128xi32, #tpu.memory_space<vmem>> -> memref<1x128xi32, #tpu.memory_space<vmem>>
        %dma_wait3A_455 = tpu.memref_squeeze %dma_wait3A_454 : memref<1x128xi32, #tpu.memory_space<vmem>> -> memref<128xi32, #tpu.memory_space<vmem>>
        %dma_wait3A_456 = arith.constant 0 : i32
        %dma_wait3A_457 = arith.constant 0 : i32
        %dma_wait3A_458 = tpu.memref_slice %arg15[%dma_wait3A_456, %dma_wait3A_457] : memref<10240x16xf32, #tpu.memory_space<vmem_shared>> -> memref<10240x16xf32, #tpu.memory_space<vmem_shared>>
        tpu.wait_indirect_dma semaphore(%arg21 : memref<!tpu.dma_semaphore, #tpu.memory_space<semaphore_mem>>) src(%arg13 : memref<128x16xf32, #tpu.memory_space<vmem>>) dst(%dma_wait3A_458 : memref<10240x16xf32, #tpu.memory_space<vmem_shared>>)
      } else {
      }
      %dma_start3A_288 = arith.constant 3 : i32
      %dma_start3A_289 = arith.constant 0 : i32
      %dma_start3A_290 = tpu.memref_slice %arg8[%dma_start3A_288, %dma_start3A_289] : memref<4x128xi32, #tpu.memory_space<vmem>> -> memref<1x128xi32, #tpu.memory_space<vmem>>
      %dma_start3A_291 = tpu.memref_squeeze %dma_start3A_290 : memref<1x128xi32, #tpu.memory_space<vmem>> -> memref<128xi32, #tpu.memory_space<vmem>>
      %dma_start3A_292 = arith.constant 0 : i32
      %dma_start3A_293 = arith.constant 0 : i32
      %dma_start3A_294 = tpu.memref_slice %arg5[%dma_start3A_292, %dma_start3A_293] : memref<10240x16xf32, #tpu.memory_space<hbm>> -> memref<10240x16xf32, #tpu.memory_space<hbm>>
      tpu.enqueue_indirect_dma source(%dma_start3A_294 : memref<10240x16xf32, #tpu.memory_space<hbm>>) target(%arg13 : memref<128x16xf32, #tpu.memory_space<vmem>>) offsets(%dma_start3A_291 : memref<128xi32, #tpu.memory_space<vmem>>) semaphore(%arg17 : memref<!tpu.dma_semaphore, #tpu.memory_space<semaphore_mem>>)
      %dma_start3A_295 = arith.constant 2 : i32
      %dma_start3A_296 = arith.constant 0 : i32
      %dma_start3A_297 = tpu.memref_slice %arg10[%dma_start3A_295, %dma_start3A_296] : memref<4x128xi32, #tpu.memory_space<vmem>> -> memref<1x128xi32, #tpu.memory_space<vmem>>
      %dma_start3A_298 = tpu.memref_squeeze %dma_start3A_297 : memref<1x128xi32, #tpu.memory_space<vmem>> -> memref<128xi32, #tpu.memory_space<vmem>>
      %dma_start3A_299 = arith.constant 0 : i32
      %dma_start3A_300 = arith.constant 0 : i32
      %dma_start3A_301 = tpu.memref_slice %arg15[%dma_start3A_299, %dma_start3A_300] : memref<10240x16xf32, #tpu.memory_space<vmem_shared>> -> memref<10240x16xf32, #tpu.memory_space<vmem_shared>>
      tpu.enqueue_indirect_dma source(%arg12 : memref<128x16xf32, #tpu.memory_space<vmem>>) target(%dma_start3A_301 : memref<10240x16xf32, #tpu.memory_space<vmem_shared>>) offsets(%dma_start3A_298 : memref<128xi32, #tpu.memory_space<vmem>>) semaphore(%arg20 : memref<!tpu.dma_semaphore, #tpu.memory_space<semaphore_mem>>) {add = true}
      %add3A_302 = arith.constant 3 : i32
      %add3A_303 = arith.addi %mul3A_212, %add3A_302 : i32
      %dma_wait3A_304 = arith.constant 3 : i32
      %dma_wait3A_305 = arith.constant 0 : i32
      %dma_wait3A_306 = tpu.memref_slice %arg8[%dma_wait3A_304, %dma_wait3A_305] : memref<4x128xi32, #tpu.memory_space<vmem>> -> memref<1x128xi32, #tpu.memory_space<vmem>>
      %dma_wait3A_307 = tpu.memref_squeeze %dma_wait3A_306 : memref<1x128xi32, #tpu.memory_space<vmem>> -> memref<128xi32, #tpu.memory_space<vmem>>
      %dma_wait3A_308 = arith.constant 0 : i32
      %dma_wait3A_309 = arith.constant 0 : i32
      %dma_wait3A_310 = tpu.memref_slice %arg5[%dma_wait3A_308, %dma_wait3A_309] : memref<10240x16xf32, #tpu.memory_space<hbm>> -> memref<10240x16xf32, #tpu.memory_space<hbm>>
      tpu.wait_indirect_dma semaphore(%arg17 : memref<!tpu.dma_semaphore, #tpu.memory_space<semaphore_mem>>) src(%dma_wait3A_310 : memref<10240x16xf32, #tpu.memory_space<hbm>>) dst(%arg13 : memref<128x16xf32, #tpu.memory_space<vmem>>)
      %gt3A_311 = arith.constant 0 : i32
      %gt3A_312 = arith.cmpi sgt, %add3A_303, %gt3A_311 : i32
      %convert_element_type3A_313 = arith.extui %gt3A_312 : i1 to i32
      %cond3A_314 = arith.constant 0 : i32
      %cond3A_315 = arith.cmpi ne, %convert_element_type3A_313, %cond3A_314 : i32
      scf.if %cond3A_315 {
        %dma_wait3A_452 = arith.constant 2 : i32
        %dma_wait3A_453 = arith.constant 0 : i32
        %dma_wait3A_454 = tpu.memref_slice %arg10[%dma_wait3A_452, %dma_wait3A_453] : memref<4x128xi32, #tpu.memory_space<vmem>> -> memref<1x128xi32, #tpu.memory_space<vmem>>
        %dma_wait3A_455 = tpu.memref_squeeze %dma_wait3A_454 : memref<1x128xi32, #tpu.memory_space<vmem>> -> memref<128xi32, #tpu.memory_space<vmem>>
        %dma_wait3A_456 = arith.constant 0 : i32
        %dma_wait3A_457 = arith.constant 0 : i32
        %dma_wait3A_458 = tpu.memref_slice %arg15[%dma_wait3A_456, %dma_wait3A_457] : memref<10240x16xf32, #tpu.memory_space<vmem_shared>> -> memref<10240x16xf32, #tpu.memory_space<vmem_shared>>
        tpu.wait_indirect_dma semaphore(%arg20 : memref<!tpu.dma_semaphore, #tpu.memory_space<semaphore_mem>>) src(%arg12 : memref<128x16xf32, #tpu.memory_space<vmem>>) dst(%dma_wait3A_458 : memref<10240x16xf32, #tpu.memory_space<vmem_shared>>)
      } else {
      }
      %add3A_316 = arith.constant 1 : i32
      %add3A_317 = arith.addi %add3A_303, %add3A_316 : i32
      %lt3A_318 = arith.cmpi slt, %add3A_317, %select_n3A : i32
      %convert_element_type3A_319 = arith.extui %lt3A_318 : i1 to i32
      %cond3A_320 = arith.constant 0 : i32
      %cond3A_321 = arith.cmpi ne, %convert_element_type3A_319, %cond3A_320 : i32
      scf.if %cond3A_321 {
        %add3A_452 = arith.constant 1 : i32
        %add3A_453 = arith.addi %add3A_210, %add3A_452 : i32
        %mul3A_454 = arith.constant 4 : i32
        %mul3A_455 = arith.muli %add3A_453, %mul3A_454 : i32
        %add3A_456 = arith.addi %select_n3A_13, %mul3A_455 : i32
        %min3A_457 = arith.constant 2496 : i32
        %min3A_458 = arith.minsi %add3A_456, %min3A_457 : i32
        %dma_wait3A_459 = arith.constant 0 : i32
        %dma_wait3A_460 = tpu.memref_slice %arg2[%min3A_458, %dma_wait3A_459] : memref<2500x128xi32, #tpu.memory_space<hbm>> -> memref<4x128xi32, #tpu.memory_space<hbm>>
        %dma_wait3A_461 = arith.constant 0 : i32
        %dma_wait3A_462 = tpu.memref_slice %arg2[%min3A_458, %dma_wait3A_461] : memref<2500x128xi32, #tpu.memory_space<hbm>> -> memref<4x128xi32, #tpu.memory_space<hbm>>
        tpu.wait_dma2 semaphore(%arg19 : memref<!tpu.dma_semaphore, #tpu.memory_space<semaphore_mem>>) src(%dma_wait3A_462 : memref<4x128xi32, #tpu.memory_space<hbm>>) dst(%arg9 : memref<4x128xi32, #tpu.memory_space<vmem>>)
        %dma_wait3A_463 = arith.constant 0 : i32
        %dma_wait3A_464 = tpu.memref_slice %arg3[%min3A_458, %dma_wait3A_463] : memref<2500x128xi32, #tpu.memory_space<hbm>> -> memref<4x128xi32, #tpu.memory_space<hbm>>
        %dma_wait3A_465 = arith.constant 0 : i32
        %dma_wait3A_466 = tpu.memref_slice %arg3[%min3A_458, %dma_wait3A_465] : memref<2500x128xi32, #tpu.memory_space<hbm>> -> memref<4x128xi32, #tpu.memory_space<hbm>>
        tpu.wait_dma2 semaphore(%arg19 : memref<!tpu.dma_semaphore, #tpu.memory_space<semaphore_mem>>) src(%dma_wait3A_466 : memref<4x128xi32, #tpu.memory_space<hbm>>) dst(%arg11 : memref<4x128xi32, #tpu.memory_space<vmem>>)
        %dma_start3A_467 = arith.constant 0 : i32
        %dma_start3A_468 = arith.constant 0 : i32
        %dma_start3A_469 = tpu.memref_slice %arg9[%dma_start3A_467, %dma_start3A_468] : memref<4x128xi32, #tpu.memory_space<vmem>> -> memref<1x128xi32, #tpu.memory_space<vmem>>
        %dma_start3A_470 = tpu.memref_squeeze %dma_start3A_469 : memref<1x128xi32, #tpu.memory_space<vmem>> -> memref<128xi32, #tpu.memory_space<vmem>>
        %dma_start3A_471 = arith.constant 0 : i32
        %dma_start3A_472 = arith.constant 0 : i32
        %dma_start3A_473 = tpu.memref_slice %arg5[%dma_start3A_471, %dma_start3A_472] : memref<10240x16xf32, #tpu.memory_space<hbm>> -> memref<10240x16xf32, #tpu.memory_space<hbm>>
        tpu.enqueue_indirect_dma source(%dma_start3A_473 : memref<10240x16xf32, #tpu.memory_space<hbm>>) target(%arg12 : memref<128x16xf32, #tpu.memory_space<vmem>>) offsets(%dma_start3A_470 : memref<128xi32, #tpu.memory_space<vmem>>) semaphore(%arg16 : memref<!tpu.dma_semaphore, #tpu.memory_space<semaphore_mem>>)
      } else {
      }
      %dma_start3A_322 = arith.constant 3 : i32
      %dma_start3A_323 = arith.constant 0 : i32
      %dma_start3A_324 = tpu.memref_slice %arg10[%dma_start3A_322, %dma_start3A_323] : memref<4x128xi32, #tpu.memory_space<vmem>> -> memref<1x128xi32, #tpu.memory_space<vmem>>
      %dma_start3A_325 = tpu.memref_squeeze %dma_start3A_324 : memref<1x128xi32, #tpu.memory_space<vmem>> -> memref<128xi32, #tpu.memory_space<vmem>>
      %dma_start3A_326 = arith.constant 0 : i32
      %dma_start3A_327 = arith.constant 0 : i32
      %dma_start3A_328 = tpu.memref_slice %arg15[%dma_start3A_326, %dma_start3A_327] : memref<10240x16xf32, #tpu.memory_space<vmem_shared>> -> memref<10240x16xf32, #tpu.memory_space<vmem_shared>>
      tpu.enqueue_indirect_dma source(%arg13 : memref<128x16xf32, #tpu.memory_space<vmem>>) target(%dma_start3A_328 : memref<10240x16xf32, #tpu.memory_space<vmem_shared>>) offsets(%dma_start3A_325 : memref<128xi32, #tpu.memory_space<vmem>>) semaphore(%arg21 : memref<!tpu.dma_semaphore, #tpu.memory_space<semaphore_mem>>) {add = true}
      %mul3A_329 = arith.constant 2 : i32
      %mul3A_330 = arith.muli %mul3A_329, %add3A_206 : i32
      %add3A_331 = arith.constant 1 : i32
      %add3A_332 = arith.addi %mul3A_330, %add3A_331 : i32
      %mul3A_333 = arith.constant 4 : i32
      %mul3A_334 = arith.muli %add3A_332, %mul3A_333 : i32
      %add3A_335 = arith.constant 4 : i32
      %add3A_336 = arith.addi %mul3A_334, %add3A_335 : i32
      %lt3A_337 = arith.cmpi slt, %add3A_336, %select_n3A : i32
      %convert_element_type3A_338 = arith.extui %lt3A_337 : i1 to i32
      %cond3A_339 = arith.constant 0 : i32
      %cond3A_340 = arith.cmpi ne, %convert_element_type3A_338, %cond3A_339 : i32
      scf.if %cond3A_340 {
        %add3A_452 = arith.constant 1 : i32
        %add3A_453 = arith.addi %add3A_332, %add3A_452 : i32
        %mul3A_454 = arith.constant 4 : i32
        %mul3A_455 = arith.muli %add3A_453, %mul3A_454 : i32
        %add3A_456 = arith.addi %select_n3A_13, %mul3A_455 : i32
        %lt3A_457 = arith.constant 2500 : i32
        %lt3A_458 = arith.cmpi slt, %add3A_456, %lt3A_457 : i32
        %convert_element_type3A_459 = arith.extui %lt3A_458 : i1 to i32
        %cond3A_460 = arith.constant 0 : i32
        %cond3A_461 = arith.cmpi ne, %convert_element_type3A_459, %cond3A_460 : i32
        scf.if %cond3A_461 {
          %dma_start3A_467 = arith.constant 0 : i32
          %dma_start3A_468 = tpu.memref_slice %arg2[%add3A_456, %dma_start3A_467] : memref<2500x128xi32, #tpu.memory_space<hbm>> -> memref<4x128xi32, #tpu.memory_space<hbm>>
          %dma_start3A_469 = arith.constant 0 : i32
          %dma_start3A_470 = tpu.memref_slice %arg2[%add3A_456, %dma_start3A_469] : memref<2500x128xi32, #tpu.memory_space<hbm>> -> memref<4x128xi32, #tpu.memory_space<hbm>>
          tpu.enqueue_dma source(%dma_start3A_470 : memref<4x128xi32, #tpu.memory_space<hbm>>) target(%arg8 : memref<4x128xi32, #tpu.memory_space<vmem>>) target_semaphore(%arg18 : memref<!tpu.dma_semaphore, #tpu.memory_space<semaphore_mem>>)
          %dma_start3A_471 = arith.constant 0 : i32
          %dma_start3A_472 = tpu.memref_slice %arg3[%add3A_456, %dma_start3A_471] : memref<2500x128xi32, #tpu.memory_space<hbm>> -> memref<4x128xi32, #tpu.memory_space<hbm>>
          %dma_start3A_473 = arith.constant 0 : i32
          %dma_start3A_474 = tpu.memref_slice %arg3[%add3A_456, %dma_start3A_473] : memref<2500x128xi32, #tpu.memory_space<hbm>> -> memref<4x128xi32, #tpu.memory_space<hbm>>
          tpu.enqueue_dma source(%dma_start3A_474 : memref<4x128xi32, #tpu.memory_space<hbm>>) target(%arg10 : memref<4x128xi32, #tpu.memory_space<vmem>>) target_semaphore(%arg18 : memref<!tpu.dma_semaphore, #tpu.memory_space<semaphore_mem>>)
        } else {
        }
        %ge3A_462 = arith.constant 2500 : i32
        %ge3A_463 = arith.cmpi sge, %add3A_456, %ge3A_462 : i32
        %convert_element_type3A_464 = arith.extui %ge3A_463 : i1 to i32
        %cond3A_465 = arith.constant 0 : i32
        %cond3A_466 = arith.cmpi ne, %convert_element_type3A_464, %cond3A_465 : i32
        scf.if %cond3A_466 {
          %sub3A_467 = arith.constant 2500 : i32
          %sub3A_468 = arith.subi %add3A_456, %sub3A_467 : i32
          %dma_start3A_469 = arith.constant 0 : i32
          %dma_start3A_470 = tpu.memref_slice %arg4[%sub3A_468, %dma_start3A_469] : memref<60x128xi32, #tpu.memory_space<hbm>> -> memref<4x128xi32, #tpu.memory_space<hbm>>
          %dma_start3A_471 = arith.constant 0 : i32
          %dma_start3A_472 = tpu.memref_slice %arg4[%sub3A_468, %dma_start3A_471] : memref<60x128xi32, #tpu.memory_space<hbm>> -> memref<4x128xi32, #tpu.memory_space<hbm>>
          tpu.enqueue_dma source(%dma_start3A_472 : memref<4x128xi32, #tpu.memory_space<hbm>>) target(%arg8 : memref<4x128xi32, #tpu.memory_space<vmem>>) target_semaphore(%arg18 : memref<!tpu.dma_semaphore, #tpu.memory_space<semaphore_mem>>)
          %dma_start3A_473 = arith.constant 0 : i32
          %dma_start3A_474 = tpu.memref_slice %arg4[%sub3A_468, %dma_start3A_473] : memref<60x128xi32, #tpu.memory_space<hbm>> -> memref<4x128xi32, #tpu.memory_space<hbm>>
          %dma_start3A_475 = arith.constant 0 : i32
          %dma_start3A_476 = tpu.memref_slice %arg4[%sub3A_468, %dma_start3A_475] : memref<60x128xi32, #tpu.memory_space<hbm>> -> memref<4x128xi32, #tpu.memory_space<hbm>>
          tpu.enqueue_dma source(%dma_start3A_476 : memref<4x128xi32, #tpu.memory_space<hbm>>) target(%arg10 : memref<4x128xi32, #tpu.memory_space<vmem>>) target_semaphore(%arg18 : memref<!tpu.dma_semaphore, #tpu.memory_space<semaphore_mem>>)
        } else {
        }
      } else {
      }
      %add3A_341 = arith.constant 0 : i32
      %add3A_342 = arith.addi %mul3A_334, %add3A_341 : i32
      %dma_wait3A_343 = arith.constant 0 : i32
      %dma_wait3A_344 = arith.constant 0 : i32
      %dma_wait3A_345 = tpu.memref_slice %arg9[%dma_wait3A_343, %dma_wait3A_344] : memref<4x128xi32, #tpu.memory_space<vmem>> -> memref<1x128xi32, #tpu.memory_space<vmem>>
      %dma_wait3A_346 = tpu.memref_squeeze %dma_wait3A_345 : memref<1x128xi32, #tpu.memory_space<vmem>> -> memref<128xi32, #tpu.memory_space<vmem>>
      %dma_wait3A_347 = arith.constant 0 : i32
      %dma_wait3A_348 = arith.constant 0 : i32
      %dma_wait3A_349 = tpu.memref_slice %arg5[%dma_wait3A_347, %dma_wait3A_348] : memref<10240x16xf32, #tpu.memory_space<hbm>> -> memref<10240x16xf32, #tpu.memory_space<hbm>>
      tpu.wait_indirect_dma semaphore(%arg16 : memref<!tpu.dma_semaphore, #tpu.memory_space<semaphore_mem>>) src(%dma_wait3A_349 : memref<10240x16xf32, #tpu.memory_space<hbm>>) dst(%arg12 : memref<128x16xf32, #tpu.memory_space<vmem>>)
      %gt3A_350 = arith.constant 0 : i32
      %gt3A_351 = arith.cmpi sgt, %add3A_342, %gt3A_350 : i32
      %convert_element_type3A_352 = arith.extui %gt3A_351 : i1 to i32
      %cond3A_353 = arith.constant 0 : i32
      %cond3A_354 = arith.cmpi ne, %convert_element_type3A_352, %cond3A_353 : i32
      scf.if %cond3A_354 {
        %dma_wait3A_452 = arith.constant 3 : i32
        %dma_wait3A_453 = arith.constant 0 : i32
        %dma_wait3A_454 = tpu.memref_slice %arg10[%dma_wait3A_452, %dma_wait3A_453] : memref<4x128xi32, #tpu.memory_space<vmem>> -> memref<1x128xi32, #tpu.memory_space<vmem>>
        %dma_wait3A_455 = tpu.memref_squeeze %dma_wait3A_454 : memref<1x128xi32, #tpu.memory_space<vmem>> -> memref<128xi32, #tpu.memory_space<vmem>>
        %dma_wait3A_456 = arith.constant 0 : i32
        %dma_wait3A_457 = arith.constant 0 : i32
        %dma_wait3A_458 = tpu.memref_slice %arg15[%dma_wait3A_456, %dma_wait3A_457] : memref<10240x16xf32, #tpu.memory_space<vmem_shared>> -> memref<10240x16xf32, #tpu.memory_space<vmem_shared>>
        tpu.wait_indirect_dma semaphore(%arg21 : memref<!tpu.dma_semaphore, #tpu.memory_space<semaphore_mem>>) src(%arg13 : memref<128x16xf32, #tpu.memory_space<vmem>>) dst(%dma_wait3A_458 : memref<10240x16xf32, #tpu.memory_space<vmem_shared>>)
      } else {
      }
      %dma_start3A_355 = arith.constant 1 : i32
      %dma_start3A_356 = arith.constant 0 : i32
      %dma_start3A_357 = tpu.memref_slice %arg9[%dma_start3A_355, %dma_start3A_356] : memref<4x128xi32, #tpu.memory_space<vmem>> -> memref<1x128xi32, #tpu.memory_space<vmem>>
      %dma_start3A_358 = tpu.memref_squeeze %dma_start3A_357 : memref<1x128xi32, #tpu.memory_space<vmem>> -> memref<128xi32, #tpu.memory_space<vmem>>
      %dma_start3A_359 = arith.constant 0 : i32
      %dma_start3A_360 = arith.constant 0 : i32
      %dma_start3A_361 = tpu.memref_slice %arg5[%dma_start3A_359, %dma_start3A_360] : memref<10240x16xf32, #tpu.memory_space<hbm>> -> memref<10240x16xf32, #tpu.memory_space<hbm>>
      tpu.enqueue_indirect_dma source(%dma_start3A_361 : memref<10240x16xf32, #tpu.memory_space<hbm>>) target(%arg13 : memref<128x16xf32, #tpu.memory_space<vmem>>) offsets(%dma_start3A_358 : memref<128xi32, #tpu.memory_space<vmem>>) semaphore(%arg17 : memref<!tpu.dma_semaphore, #tpu.memory_space<semaphore_mem>>)
      %dma_start3A_362 = arith.constant 0 : i32
      %dma_start3A_363 = arith.constant 0 : i32
      %dma_start3A_364 = tpu.memref_slice %arg11[%dma_start3A_362, %dma_start3A_363] : memref<4x128xi32, #tpu.memory_space<vmem>> -> memref<1x128xi32, #tpu.memory_space<vmem>>
      %dma_start3A_365 = tpu.memref_squeeze %dma_start3A_364 : memref<1x128xi32, #tpu.memory_space<vmem>> -> memref<128xi32, #tpu.memory_space<vmem>>
      %dma_start3A_366 = arith.constant 0 : i32
      %dma_start3A_367 = arith.constant 0 : i32
      %dma_start3A_368 = tpu.memref_slice %arg15[%dma_start3A_366, %dma_start3A_367] : memref<10240x16xf32, #tpu.memory_space<vmem_shared>> -> memref<10240x16xf32, #tpu.memory_space<vmem_shared>>
      tpu.enqueue_indirect_dma source(%arg12 : memref<128x16xf32, #tpu.memory_space<vmem>>) target(%dma_start3A_368 : memref<10240x16xf32, #tpu.memory_space<vmem_shared>>) offsets(%dma_start3A_365 : memref<128xi32, #tpu.memory_space<vmem>>) semaphore(%arg20 : memref<!tpu.dma_semaphore, #tpu.memory_space<semaphore_mem>>) {add = true}
      %add3A_369 = arith.constant 1 : i32
      %add3A_370 = arith.addi %mul3A_334, %add3A_369 : i32
      %dma_wait3A_371 = arith.constant 1 : i32
      %dma_wait3A_372 = arith.constant 0 : i32
      %dma_wait3A_373 = tpu.memref_slice %arg9[%dma_wait3A_371, %dma_wait3A_372] : memref<4x128xi32, #tpu.memory_space<vmem>> -> memref<1x128xi32, #tpu.memory_space<vmem>>
      %dma_wait3A_374 = tpu.memref_squeeze %dma_wait3A_373 : memref<1x128xi32, #tpu.memory_space<vmem>> -> memref<128xi32, #tpu.memory_space<vmem>>
      %dma_wait3A_375 = arith.constant 0 : i32
      %dma_wait3A_376 = arith.constant 0 : i32
      %dma_wait3A_377 = tpu.memref_slice %arg5[%dma_wait3A_375, %dma_wait3A_376] : memref<10240x16xf32, #tpu.memory_space<hbm>> -> memref<10240x16xf32, #tpu.memory_space<hbm>>
      tpu.wait_indirect_dma semaphore(%arg17 : memref<!tpu.dma_semaphore, #tpu.memory_space<semaphore_mem>>) src(%dma_wait3A_377 : memref<10240x16xf32, #tpu.memory_space<hbm>>) dst(%arg13 : memref<128x16xf32, #tpu.memory_space<vmem>>)
      %gt3A_378 = arith.constant 0 : i32
      %gt3A_379 = arith.cmpi sgt, %add3A_370, %gt3A_378 : i32
      %convert_element_type3A_380 = arith.extui %gt3A_379 : i1 to i32
      %cond3A_381 = arith.constant 0 : i32
      %cond3A_382 = arith.cmpi ne, %convert_element_type3A_380, %cond3A_381 : i32
      scf.if %cond3A_382 {
        %dma_wait3A_452 = arith.constant 0 : i32
        %dma_wait3A_453 = arith.constant 0 : i32
        %dma_wait3A_454 = tpu.memref_slice %arg11[%dma_wait3A_452, %dma_wait3A_453] : memref<4x128xi32, #tpu.memory_space<vmem>> -> memref<1x128xi32, #tpu.memory_space<vmem>>
        %dma_wait3A_455 = tpu.memref_squeeze %dma_wait3A_454 : memref<1x128xi32, #tpu.memory_space<vmem>> -> memref<128xi32, #tpu.memory_space<vmem>>
        %dma_wait3A_456 = arith.constant 0 : i32
        %dma_wait3A_457 = arith.constant 0 : i32
        %dma_wait3A_458 = tpu.memref_slice %arg15[%dma_wait3A_456, %dma_wait3A_457] : memref<10240x16xf32, #tpu.memory_space<vmem_shared>> -> memref<10240x16xf32, #tpu.memory_space<vmem_shared>>
        tpu.wait_indirect_dma semaphore(%arg20 : memref<!tpu.dma_semaphore, #tpu.memory_space<semaphore_mem>>) src(%arg12 : memref<128x16xf32, #tpu.memory_space<vmem>>) dst(%dma_wait3A_458 : memref<10240x16xf32, #tpu.memory_space<vmem_shared>>)
      } else {
      }
      %dma_start3A_383 = arith.constant 2 : i32
      %dma_start3A_384 = arith.constant 0 : i32
      %dma_start3A_385 = tpu.memref_slice %arg9[%dma_start3A_383, %dma_start3A_384] : memref<4x128xi32, #tpu.memory_space<vmem>> -> memref<1x128xi32, #tpu.memory_space<vmem>>
      %dma_start3A_386 = tpu.memref_squeeze %dma_start3A_385 : memref<1x128xi32, #tpu.memory_space<vmem>> -> memref<128xi32, #tpu.memory_space<vmem>>
      %dma_start3A_387 = arith.constant 0 : i32
      %dma_start3A_388 = arith.constant 0 : i32
      %dma_start3A_389 = tpu.memref_slice %arg5[%dma_start3A_387, %dma_start3A_388] : memref<10240x16xf32, #tpu.memory_space<hbm>> -> memref<10240x16xf32, #tpu.memory_space<hbm>>
      tpu.enqueue_indirect_dma source(%dma_start3A_389 : memref<10240x16xf32, #tpu.memory_space<hbm>>) target(%arg12 : memref<128x16xf32, #tpu.memory_space<vmem>>) offsets(%dma_start3A_386 : memref<128xi32, #tpu.memory_space<vmem>>) semaphore(%arg16 : memref<!tpu.dma_semaphore, #tpu.memory_space<semaphore_mem>>)
      %dma_start3A_390 = arith.constant 1 : i32
      %dma_start3A_391 = arith.constant 0 : i32
      %dma_start3A_392 = tpu.memref_slice %arg11[%dma_start3A_390, %dma_start3A_391] : memref<4x128xi32, #tpu.memory_space<vmem>> -> memref<1x128xi32, #tpu.memory_space<vmem>>
      %dma_start3A_393 = tpu.memref_squeeze %dma_start3A_392 : memref<1x128xi32, #tpu.memory_space<vmem>> -> memref<128xi32, #tpu.memory_space<vmem>>
      %dma_start3A_394 = arith.constant 0 : i32
      %dma_start3A_395 = arith.constant 0 : i32
      %dma_start3A_396 = tpu.memref_slice %arg15[%dma_start3A_394, %dma_start3A_395] : memref<10240x16xf32, #tpu.memory_space<vmem_shared>> -> memref<10240x16xf32, #tpu.memory_space<vmem_shared>>
      tpu.enqueue_indirect_dma source(%arg13 : memref<128x16xf32, #tpu.memory_space<vmem>>) target(%dma_start3A_396 : memref<10240x16xf32, #tpu.memory_space<vmem_shared>>) offsets(%dma_start3A_393 : memref<128xi32, #tpu.memory_space<vmem>>) semaphore(%arg21 : memref<!tpu.dma_semaphore, #tpu.memory_space<semaphore_mem>>) {add = true}
      %add3A_397 = arith.constant 2 : i32
      %add3A_398 = arith.addi %mul3A_334, %add3A_397 : i32
      %dma_wait3A_399 = arith.constant 2 : i32
      %dma_wait3A_400 = arith.constant 0 : i32
      %dma_wait3A_401 = tpu.memref_slice %arg9[%dma_wait3A_399, %dma_wait3A_400] : memref<4x128xi32, #tpu.memory_space<vmem>> -> memref<1x128xi32, #tpu.memory_space<vmem>>
      %dma_wait3A_402 = tpu.memref_squeeze %dma_wait3A_401 : memref<1x128xi32, #tpu.memory_space<vmem>> -> memref<128xi32, #tpu.memory_space<vmem>>
      %dma_wait3A_403 = arith.constant 0 : i32
      %dma_wait3A_404 = arith.constant 0 : i32
      %dma_wait3A_405 = tpu.memref_slice %arg5[%dma_wait3A_403, %dma_wait3A_404] : memref<10240x16xf32, #tpu.memory_space<hbm>> -> memref<10240x16xf32, #tpu.memory_space<hbm>>
      tpu.wait_indirect_dma semaphore(%arg16 : memref<!tpu.dma_semaphore, #tpu.memory_space<semaphore_mem>>) src(%dma_wait3A_405 : memref<10240x16xf32, #tpu.memory_space<hbm>>) dst(%arg12 : memref<128x16xf32, #tpu.memory_space<vmem>>)
      %gt3A_406 = arith.constant 0 : i32
      %gt3A_407 = arith.cmpi sgt, %add3A_398, %gt3A_406 : i32
      %convert_element_type3A_408 = arith.extui %gt3A_407 : i1 to i32
      %cond3A_409 = arith.constant 0 : i32
      %cond3A_410 = arith.cmpi ne, %convert_element_type3A_408, %cond3A_409 : i32
      scf.if %cond3A_410 {
        %dma_wait3A_452 = arith.constant 1 : i32
        %dma_wait3A_453 = arith.constant 0 : i32
        %dma_wait3A_454 = tpu.memref_slice %arg11[%dma_wait3A_452, %dma_wait3A_453] : memref<4x128xi32, #tpu.memory_space<vmem>> -> memref<1x128xi32, #tpu.memory_space<vmem>>
        %dma_wait3A_455 = tpu.memref_squeeze %dma_wait3A_454 : memref<1x128xi32, #tpu.memory_space<vmem>> -> memref<128xi32, #tpu.memory_space<vmem>>
        %dma_wait3A_456 = arith.constant 0 : i32
        %dma_wait3A_457 = arith.constant 0 : i32
        %dma_wait3A_458 = tpu.memref_slice %arg15[%dma_wait3A_456, %dma_wait3A_457] : memref<10240x16xf32, #tpu.memory_space<vmem_shared>> -> memref<10240x16xf32, #tpu.memory_space<vmem_shared>>
        tpu.wait_indirect_dma semaphore(%arg21 : memref<!tpu.dma_semaphore, #tpu.memory_space<semaphore_mem>>) src(%arg13 : memref<128x16xf32, #tpu.memory_space<vmem>>) dst(%dma_wait3A_458 : memref<10240x16xf32, #tpu.memory_space<vmem_shared>>)
      } else {
      }
      %dma_start3A_411 = arith.constant 3 : i32
      %dma_start3A_412 = arith.constant 0 : i32
      %dma_start3A_413 = tpu.memref_slice %arg9[%dma_start3A_411, %dma_start3A_412] : memref<4x128xi32, #tpu.memory_space<vmem>> -> memref<1x128xi32, #tpu.memory_space<vmem>>
      %dma_start3A_414 = tpu.memref_squeeze %dma_start3A_413 : memref<1x128xi32, #tpu.memory_space<vmem>> -> memref<128xi32, #tpu.memory_space<vmem>>
      %dma_start3A_415 = arith.constant 0 : i32
      %dma_start3A_416 = arith.constant 0 : i32
      %dma_start3A_417 = tpu.memref_slice %arg5[%dma_start3A_415, %dma_start3A_416] : memref<10240x16xf32, #tpu.memory_space<hbm>> -> memref<10240x16xf32, #tpu.memory_space<hbm>>
      tpu.enqueue_indirect_dma source(%dma_start3A_417 : memref<10240x16xf32, #tpu.memory_space<hbm>>) target(%arg13 : memref<128x16xf32, #tpu.memory_space<vmem>>) offsets(%dma_start3A_414 : memref<128xi32, #tpu.memory_space<vmem>>) semaphore(%arg17 : memref<!tpu.dma_semaphore, #tpu.memory_space<semaphore_mem>>)
      %dma_start3A_418 = arith.constant 2 : i32
      %dma_start3A_419 = arith.constant 0 : i32
      %dma_start3A_420 = tpu.memref_slice %arg11[%dma_start3A_418, %dma_start3A_419] : memref<4x128xi32, #tpu.memory_space<vmem>> -> memref<1x128xi32, #tpu.memory_space<vmem>>
      %dma_start3A_421 = tpu.memref_squeeze %dma_start3A_420 : memref<1x128xi32, #tpu.memory_space<vmem>> -> memref<128xi32, #tpu.memory_space<vmem>>
      %dma_start3A_422 = arith.constant 0 : i32
      %dma_start3A_423 = arith.constant 0 : i32
      %dma_start3A_424 = tpu.memref_slice %arg15[%dma_start3A_422, %dma_start3A_423] : memref<10240x16xf32, #tpu.memory_space<vmem_shared>> -> memref<10240x16xf32, #tpu.memory_space<vmem_shared>>
      tpu.enqueue_indirect_dma source(%arg12 : memref<128x16xf32, #tpu.memory_space<vmem>>) target(%dma_start3A_424 : memref<10240x16xf32, #tpu.memory_space<vmem_shared>>) offsets(%dma_start3A_421 : memref<128xi32, #tpu.memory_space<vmem>>) semaphore(%arg20 : memref<!tpu.dma_semaphore, #tpu.memory_space<semaphore_mem>>) {add = true}
      %add3A_425 = arith.constant 3 : i32
      %add3A_426 = arith.addi %mul3A_334, %add3A_425 : i32
      %dma_wait3A_427 = arith.constant 3 : i32
      %dma_wait3A_428 = arith.constant 0 : i32
      %dma_wait3A_429 = tpu.memref_slice %arg9[%dma_wait3A_427, %dma_wait3A_428] : memref<4x128xi32, #tpu.memory_space<vmem>> -> memref<1x128xi32, #tpu.memory_space<vmem>>
      %dma_wait3A_430 = tpu.memref_squeeze %dma_wait3A_429 : memref<1x128xi32, #tpu.memory_space<vmem>> -> memref<128xi32, #tpu.memory_space<vmem>>
      %dma_wait3A_431 = arith.constant 0 : i32
      %dma_wait3A_432 = arith.constant 0 : i32
      %dma_wait3A_433 = tpu.memref_slice %arg5[%dma_wait3A_431, %dma_wait3A_432] : memref<10240x16xf32, #tpu.memory_space<hbm>> -> memref<10240x16xf32, #tpu.memory_space<hbm>>
      tpu.wait_indirect_dma semaphore(%arg17 : memref<!tpu.dma_semaphore, #tpu.memory_space<semaphore_mem>>) src(%dma_wait3A_433 : memref<10240x16xf32, #tpu.memory_space<hbm>>) dst(%arg13 : memref<128x16xf32, #tpu.memory_space<vmem>>)
      %gt3A_434 = arith.constant 0 : i32
      %gt3A_435 = arith.cmpi sgt, %add3A_426, %gt3A_434 : i32
      %convert_element_type3A_436 = arith.extui %gt3A_435 : i1 to i32
      %cond3A_437 = arith.constant 0 : i32
      %cond3A_438 = arith.cmpi ne, %convert_element_type3A_436, %cond3A_437 : i32
      scf.if %cond3A_438 {
        %dma_wait3A_452 = arith.constant 2 : i32
        %dma_wait3A_453 = arith.constant 0 : i32
        %dma_wait3A_454 = tpu.memref_slice %arg11[%dma_wait3A_452, %dma_wait3A_453] : memref<4x128xi32, #tpu.memory_space<vmem>> -> memref<1x128xi32, #tpu.memory_space<vmem>>
        %dma_wait3A_455 = tpu.memref_squeeze %dma_wait3A_454 : memref<1x128xi32, #tpu.memory_space<vmem>> -> memref<128xi32, #tpu.memory_space<vmem>>
        %dma_wait3A_456 = arith.constant 0 : i32
        %dma_wait3A_457 = arith.constant 0 : i32
        %dma_wait3A_458 = tpu.memref_slice %arg15[%dma_wait3A_456, %dma_wait3A_457] : memref<10240x16xf32, #tpu.memory_space<vmem_shared>> -> memref<10240x16xf32, #tpu.memory_space<vmem_shared>>
        tpu.wait_indirect_dma semaphore(%arg20 : memref<!tpu.dma_semaphore, #tpu.memory_space<semaphore_mem>>) src(%arg12 : memref<128x16xf32, #tpu.memory_space<vmem>>) dst(%dma_wait3A_458 : memref<10240x16xf32, #tpu.memory_space<vmem_shared>>)
      } else {
      }
      %add3A_439 = arith.constant 1 : i32
      %add3A_440 = arith.addi %add3A_426, %add3A_439 : i32
      %lt3A_441 = arith.cmpi slt, %add3A_440, %select_n3A : i32
      %convert_element_type3A_442 = arith.extui %lt3A_441 : i1 to i32
      %cond3A_443 = arith.constant 0 : i32
      %cond3A_444 = arith.cmpi ne, %convert_element_type3A_442, %cond3A_443 : i32
      scf.if %cond3A_444 {
        %add3A_452 = arith.constant 1 : i32
        %add3A_453 = arith.addi %add3A_332, %add3A_452 : i32
        %mul3A_454 = arith.constant 4 : i32
        %mul3A_455 = arith.muli %add3A_453, %mul3A_454 : i32
        %add3A_456 = arith.addi %select_n3A_13, %mul3A_455 : i32
        %min3A_457 = arith.constant 2496 : i32
        %min3A_458 = arith.minsi %add3A_456, %min3A_457 : i32
        %dma_wait3A_459 = arith.constant 0 : i32
        %dma_wait3A_460 = tpu.memref_slice %arg2[%min3A_458, %dma_wait3A_459] : memref<2500x128xi32, #tpu.memory_space<hbm>> -> memref<4x128xi32, #tpu.memory_space<hbm>>
        %dma_wait3A_461 = arith.constant 0 : i32
        %dma_wait3A_462 = tpu.memref_slice %arg2[%min3A_458, %dma_wait3A_461] : memref<2500x128xi32, #tpu.memory_space<hbm>> -> memref<4x128xi32, #tpu.memory_space<hbm>>
        tpu.wait_dma2 semaphore(%arg18 : memref<!tpu.dma_semaphore, #tpu.memory_space<semaphore_mem>>) src(%dma_wait3A_462 : memref<4x128xi32, #tpu.memory_space<hbm>>) dst(%arg8 : memref<4x128xi32, #tpu.memory_space<vmem>>)
        %dma_wait3A_463 = arith.constant 0 : i32
        %dma_wait3A_464 = tpu.memref_slice %arg3[%min3A_458, %dma_wait3A_463] : memref<2500x128xi32, #tpu.memory_space<hbm>> -> memref<4x128xi32, #tpu.memory_space<hbm>>
        %dma_wait3A_465 = arith.constant 0 : i32
        %dma_wait3A_466 = tpu.memref_slice %arg3[%min3A_458, %dma_wait3A_465] : memref<2500x128xi32, #tpu.memory_space<hbm>> -> memref<4x128xi32, #tpu.memory_space<hbm>>
        tpu.wait_dma2 semaphore(%arg18 : memref<!tpu.dma_semaphore, #tpu.memory_space<semaphore_mem>>) src(%dma_wait3A_466 : memref<4x128xi32, #tpu.memory_space<hbm>>) dst(%arg10 : memref<4x128xi32, #tpu.memory_space<vmem>>)
        %dma_start3A_467 = arith.constant 0 : i32
        %dma_start3A_468 = arith.constant 0 : i32
        %dma_start3A_469 = tpu.memref_slice %arg8[%dma_start3A_467, %dma_start3A_468] : memref<4x128xi32, #tpu.memory_space<vmem>> -> memref<1x128xi32, #tpu.memory_space<vmem>>
        %dma_start3A_470 = tpu.memref_squeeze %dma_start3A_469 : memref<1x128xi32, #tpu.memory_space<vmem>> -> memref<128xi32, #tpu.memory_space<vmem>>
        %dma_start3A_471 = arith.constant 0 : i32
        %dma_start3A_472 = arith.constant 0 : i32
        %dma_start3A_473 = tpu.memref_slice %arg5[%dma_start3A_471, %dma_start3A_472] : memref<10240x16xf32, #tpu.memory_space<hbm>> -> memref<10240x16xf32, #tpu.memory_space<hbm>>
        tpu.enqueue_indirect_dma source(%dma_start3A_473 : memref<10240x16xf32, #tpu.memory_space<hbm>>) target(%arg12 : memref<128x16xf32, #tpu.memory_space<vmem>>) offsets(%dma_start3A_470 : memref<128xi32, #tpu.memory_space<vmem>>) semaphore(%arg16 : memref<!tpu.dma_semaphore, #tpu.memory_space<semaphore_mem>>)
      } else {
      }
      %dma_start3A_445 = arith.constant 3 : i32
      %dma_start3A_446 = arith.constant 0 : i32
      %dma_start3A_447 = tpu.memref_slice %arg11[%dma_start3A_445, %dma_start3A_446] : memref<4x128xi32, #tpu.memory_space<vmem>> -> memref<1x128xi32, #tpu.memory_space<vmem>>
      %dma_start3A_448 = tpu.memref_squeeze %dma_start3A_447 : memref<1x128xi32, #tpu.memory_space<vmem>> -> memref<128xi32, #tpu.memory_space<vmem>>
      %dma_start3A_449 = arith.constant 0 : i32
      %dma_start3A_450 = arith.constant 0 : i32
      %dma_start3A_451 = tpu.memref_slice %arg15[%dma_start3A_449, %dma_start3A_450] : memref<10240x16xf32, #tpu.memory_space<vmem_shared>> -> memref<10240x16xf32, #tpu.memory_space<vmem_shared>>
      tpu.enqueue_indirect_dma source(%arg13 : memref<128x16xf32, #tpu.memory_space<vmem>>) target(%dma_start3A_451 : memref<10240x16xf32, #tpu.memory_space<vmem_shared>>) offsets(%dma_start3A_448 : memref<128xi32, #tpu.memory_space<vmem>>) semaphore(%arg21 : memref<!tpu.dma_semaphore, #tpu.memory_space<semaphore_mem>>) {add = true}
    }
    %while3A_183 = arith.constant 1 : i32
    scf.for %while3A_204 = %while3A_181 to %while3A_177 step %while3A_183  : i32 {
      %mul3A_205 = arith.muli %while3A_204, %while3A : i32
      %add3A_206 = arith.addi %while3A_174, %mul3A_205 : i32
      %mul3A_207 = arith.constant 2 : i32
      %mul3A_208 = arith.muli %mul3A_207, %add3A_206 : i32
      %add3A_209 = arith.constant 0 : i32
      %add3A_210 = arith.addi %mul3A_208, %add3A_209 : i32
      %mul3A_211 = arith.constant 4 : i32
      %mul3A_212 = arith.muli %add3A_210, %mul3A_211 : i32
      %add3A_213 = arith.constant 4 : i32
      %add3A_214 = arith.addi %mul3A_212, %add3A_213 : i32
      %lt3A_215 = arith.cmpi slt, %add3A_214, %select_n3A : i32
      %convert_element_type3A_216 = arith.extui %lt3A_215 : i1 to i32
      %cond3A_217 = arith.constant 0 : i32
      %cond3A_218 = arith.cmpi ne, %convert_element_type3A_216, %cond3A_217 : i32
      scf.if %cond3A_218 {
        %add3A_452 = arith.constant 1 : i32
        %add3A_453 = arith.addi %add3A_210, %add3A_452 : i32
        %mul3A_454 = arith.constant 4 : i32
        %mul3A_455 = arith.muli %add3A_453, %mul3A_454 : i32
        %add3A_456 = arith.addi %select_n3A_13, %mul3A_455 : i32
        %lt3A_457 = arith.constant 2500 : i32
        %lt3A_458 = arith.cmpi slt, %add3A_456, %lt3A_457 : i32
        %convert_element_type3A_459 = arith.extui %lt3A_458 : i1 to i32
        %cond3A_460 = arith.constant 0 : i32
        %cond3A_461 = arith.cmpi ne, %convert_element_type3A_459, %cond3A_460 : i32
        scf.if %cond3A_461 {
          %dma_start3A_467 = arith.constant 0 : i32
          %dma_start3A_468 = tpu.memref_slice %arg2[%add3A_456, %dma_start3A_467] : memref<2500x128xi32, #tpu.memory_space<hbm>> -> memref<4x128xi32, #tpu.memory_space<hbm>>
          %dma_start3A_469 = arith.constant 0 : i32
          %dma_start3A_470 = tpu.memref_slice %arg2[%add3A_456, %dma_start3A_469] : memref<2500x128xi32, #tpu.memory_space<hbm>> -> memref<4x128xi32, #tpu.memory_space<hbm>>
          tpu.enqueue_dma source(%dma_start3A_470 : memref<4x128xi32, #tpu.memory_space<hbm>>) target(%arg9 : memref<4x128xi32, #tpu.memory_space<vmem>>) target_semaphore(%arg19 : memref<!tpu.dma_semaphore, #tpu.memory_space<semaphore_mem>>)
          %dma_start3A_471 = arith.constant 0 : i32
          %dma_start3A_472 = tpu.memref_slice %arg3[%add3A_456, %dma_start3A_471] : memref<2500x128xi32, #tpu.memory_space<hbm>> -> memref<4x128xi32, #tpu.memory_space<hbm>>
          %dma_start3A_473 = arith.constant 0 : i32
          %dma_start3A_474 = tpu.memref_slice %arg3[%add3A_456, %dma_start3A_473] : memref<2500x128xi32, #tpu.memory_space<hbm>> -> memref<4x128xi32, #tpu.memory_space<hbm>>
          tpu.enqueue_dma source(%dma_start3A_474 : memref<4x128xi32, #tpu.memory_space<hbm>>) target(%arg11 : memref<4x128xi32, #tpu.memory_space<vmem>>) target_semaphore(%arg19 : memref<!tpu.dma_semaphore, #tpu.memory_space<semaphore_mem>>)
        } else {
        }
        %ge3A_462 = arith.constant 2500 : i32
        %ge3A_463 = arith.cmpi sge, %add3A_456, %ge3A_462 : i32
        %convert_element_type3A_464 = arith.extui %ge3A_463 : i1 to i32
        %cond3A_465 = arith.constant 0 : i32
        %cond3A_466 = arith.cmpi ne, %convert_element_type3A_464, %cond3A_465 : i32
        scf.if %cond3A_466 {
          %sub3A_467 = arith.constant 2500 : i32
          %sub3A_468 = arith.subi %add3A_456, %sub3A_467 : i32
          %dma_start3A_469 = arith.constant 0 : i32
          %dma_start3A_470 = tpu.memref_slice %arg4[%sub3A_468, %dma_start3A_469] : memref<60x128xi32, #tpu.memory_space<hbm>> -> memref<4x128xi32, #tpu.memory_space<hbm>>
          %dma_start3A_471 = arith.constant 0 : i32
          %dma_start3A_472 = tpu.memref_slice %arg4[%sub3A_468, %dma_start3A_471] : memref<60x128xi32, #tpu.memory_space<hbm>> -> memref<4x128xi32, #tpu.memory_space<hbm>>
          tpu.enqueue_dma source(%dma_start3A_472 : memref<4x128xi32, #tpu.memory_space<hbm>>) target(%arg9 : memref<4x128xi32, #tpu.memory_space<vmem>>) target_semaphore(%arg19 : memref<!tpu.dma_semaphore, #tpu.memory_space<semaphore_mem>>)
          %dma_start3A_473 = arith.constant 0 : i32
          %dma_start3A_474 = tpu.memref_slice %arg4[%sub3A_468, %dma_start3A_473] : memref<60x128xi32, #tpu.memory_space<hbm>> -> memref<4x128xi32, #tpu.memory_space<hbm>>
          %dma_start3A_475 = arith.constant 0 : i32
          %dma_start3A_476 = tpu.memref_slice %arg4[%sub3A_468, %dma_start3A_475] : memref<60x128xi32, #tpu.memory_space<hbm>> -> memref<4x128xi32, #tpu.memory_space<hbm>>
          tpu.enqueue_dma source(%dma_start3A_476 : memref<4x128xi32, #tpu.memory_space<hbm>>) target(%arg11 : memref<4x128xi32, #tpu.memory_space<vmem>>) target_semaphore(%arg19 : memref<!tpu.dma_semaphore, #tpu.memory_space<semaphore_mem>>)
        } else {
        }
      } else {
      }
      %add3A_219 = arith.constant 0 : i32
      %add3A_220 = arith.addi %mul3A_212, %add3A_219 : i32
      %dma_wait3A_221 = arith.constant 0 : i32
      %dma_wait3A_222 = arith.constant 0 : i32
      %dma_wait3A_223 = tpu.memref_slice %arg8[%dma_wait3A_221, %dma_wait3A_222] : memref<4x128xi32, #tpu.memory_space<vmem>> -> memref<1x128xi32, #tpu.memory_space<vmem>>
      %dma_wait3A_224 = tpu.memref_squeeze %dma_wait3A_223 : memref<1x128xi32, #tpu.memory_space<vmem>> -> memref<128xi32, #tpu.memory_space<vmem>>
      %dma_wait3A_225 = arith.constant 0 : i32
      %dma_wait3A_226 = arith.constant 0 : i32
      %dma_wait3A_227 = tpu.memref_slice %arg5[%dma_wait3A_225, %dma_wait3A_226] : memref<10240x16xf32, #tpu.memory_space<hbm>> -> memref<10240x16xf32, #tpu.memory_space<hbm>>
      tpu.wait_indirect_dma semaphore(%arg16 : memref<!tpu.dma_semaphore, #tpu.memory_space<semaphore_mem>>) src(%dma_wait3A_227 : memref<10240x16xf32, #tpu.memory_space<hbm>>) dst(%arg12 : memref<128x16xf32, #tpu.memory_space<vmem>>)
      %gt3A = arith.constant 0 : i32
      %gt3A_228 = arith.cmpi sgt, %add3A_220, %gt3A : i32
      %convert_element_type3A_229 = arith.extui %gt3A_228 : i1 to i32
      %cond3A_230 = arith.constant 0 : i32
      %cond3A_231 = arith.cmpi ne, %convert_element_type3A_229, %cond3A_230 : i32
      scf.if %cond3A_231 {
        %dma_wait3A_452 = arith.constant 3 : i32
        %dma_wait3A_453 = arith.constant 0 : i32
        %dma_wait3A_454 = tpu.memref_slice %arg11[%dma_wait3A_452, %dma_wait3A_453] : memref<4x128xi32, #tpu.memory_space<vmem>> -> memref<1x128xi32, #tpu.memory_space<vmem>>
        %dma_wait3A_455 = tpu.memref_squeeze %dma_wait3A_454 : memref<1x128xi32, #tpu.memory_space<vmem>> -> memref<128xi32, #tpu.memory_space<vmem>>
        %dma_wait3A_456 = arith.constant 0 : i32
        %dma_wait3A_457 = arith.constant 0 : i32
        %dma_wait3A_458 = tpu.memref_slice %arg15[%dma_wait3A_456, %dma_wait3A_457] : memref<10240x16xf32, #tpu.memory_space<vmem_shared>> -> memref<10240x16xf32, #tpu.memory_space<vmem_shared>>
        tpu.wait_indirect_dma semaphore(%arg21 : memref<!tpu.dma_semaphore, #tpu.memory_space<semaphore_mem>>) src(%arg13 : memref<128x16xf32, #tpu.memory_space<vmem>>) dst(%dma_wait3A_458 : memref<10240x16xf32, #tpu.memory_space<vmem_shared>>)
      } else {
      }
      %dma_start3A_232 = arith.constant 1 : i32
      %dma_start3A_233 = arith.constant 0 : i32
      %dma_start3A_234 = tpu.memref_slice %arg8[%dma_start3A_232, %dma_start3A_233] : memref<4x128xi32, #tpu.memory_space<vmem>> -> memref<1x128xi32, #tpu.memory_space<vmem>>
      %dma_start3A_235 = tpu.memref_squeeze %dma_start3A_234 : memref<1x128xi32, #tpu.memory_space<vmem>> -> memref<128xi32, #tpu.memory_space<vmem>>
      %dma_start3A_236 = arith.constant 0 : i32
      %dma_start3A_237 = arith.constant 0 : i32
      %dma_start3A_238 = tpu.memref_slice %arg5[%dma_start3A_236, %dma_start3A_237] : memref<10240x16xf32, #tpu.memory_space<hbm>> -> memref<10240x16xf32, #tpu.memory_space<hbm>>
      tpu.enqueue_indirect_dma source(%dma_start3A_238 : memref<10240x16xf32, #tpu.memory_space<hbm>>) target(%arg13 : memref<128x16xf32, #tpu.memory_space<vmem>>) offsets(%dma_start3A_235 : memref<128xi32, #tpu.memory_space<vmem>>) semaphore(%arg17 : memref<!tpu.dma_semaphore, #tpu.memory_space<semaphore_mem>>)
      %dma_start3A_239 = arith.constant 0 : i32
      %dma_start3A_240 = arith.constant 0 : i32
      %dma_start3A_241 = tpu.memref_slice %arg10[%dma_start3A_239, %dma_start3A_240] : memref<4x128xi32, #tpu.memory_space<vmem>> -> memref<1x128xi32, #tpu.memory_space<vmem>>
      %dma_start3A_242 = tpu.memref_squeeze %dma_start3A_241 : memref<1x128xi32, #tpu.memory_space<vmem>> -> memref<128xi32, #tpu.memory_space<vmem>>
      %dma_start3A_243 = arith.constant 0 : i32
      %dma_start3A_244 = arith.constant 0 : i32
      %dma_start3A_245 = tpu.memref_slice %arg15[%dma_start3A_243, %dma_start3A_244] : memref<10240x16xf32, #tpu.memory_space<vmem_shared>> -> memref<10240x16xf32, #tpu.memory_space<vmem_shared>>
      tpu.enqueue_indirect_dma source(%arg12 : memref<128x16xf32, #tpu.memory_space<vmem>>) target(%dma_start3A_245 : memref<10240x16xf32, #tpu.memory_space<vmem_shared>>) offsets(%dma_start3A_242 : memref<128xi32, #tpu.memory_space<vmem>>) semaphore(%arg20 : memref<!tpu.dma_semaphore, #tpu.memory_space<semaphore_mem>>) {add = true}
      %add3A_246 = arith.constant 1 : i32
      %add3A_247 = arith.addi %mul3A_212, %add3A_246 : i32
      %dma_wait3A_248 = arith.constant 1 : i32
      %dma_wait3A_249 = arith.constant 0 : i32
      %dma_wait3A_250 = tpu.memref_slice %arg8[%dma_wait3A_248, %dma_wait3A_249] : memref<4x128xi32, #tpu.memory_space<vmem>> -> memref<1x128xi32, #tpu.memory_space<vmem>>
      %dma_wait3A_251 = tpu.memref_squeeze %dma_wait3A_250 : memref<1x128xi32, #tpu.memory_space<vmem>> -> memref<128xi32, #tpu.memory_space<vmem>>
      %dma_wait3A_252 = arith.constant 0 : i32
      %dma_wait3A_253 = arith.constant 0 : i32
      %dma_wait3A_254 = tpu.memref_slice %arg5[%dma_wait3A_252, %dma_wait3A_253] : memref<10240x16xf32, #tpu.memory_space<hbm>> -> memref<10240x16xf32, #tpu.memory_space<hbm>>
      tpu.wait_indirect_dma semaphore(%arg17 : memref<!tpu.dma_semaphore, #tpu.memory_space<semaphore_mem>>) src(%dma_wait3A_254 : memref<10240x16xf32, #tpu.memory_space<hbm>>) dst(%arg13 : memref<128x16xf32, #tpu.memory_space<vmem>>)
      %gt3A_255 = arith.constant 0 : i32
      %gt3A_256 = arith.cmpi sgt, %add3A_247, %gt3A_255 : i32
      %convert_element_type3A_257 = arith.extui %gt3A_256 : i1 to i32
      %cond3A_258 = arith.constant 0 : i32
      %cond3A_259 = arith.cmpi ne, %convert_element_type3A_257, %cond3A_258 : i32
      scf.if %cond3A_259 {
        %dma_wait3A_452 = arith.constant 0 : i32
        %dma_wait3A_453 = arith.constant 0 : i32
        %dma_wait3A_454 = tpu.memref_slice %arg10[%dma_wait3A_452, %dma_wait3A_453] : memref<4x128xi32, #tpu.memory_space<vmem>> -> memref<1x128xi32, #tpu.memory_space<vmem>>
        %dma_wait3A_455 = tpu.memref_squeeze %dma_wait3A_454 : memref<1x128xi32, #tpu.memory_space<vmem>> -> memref<128xi32, #tpu.memory_space<vmem>>
        %dma_wait3A_456 = arith.constant 0 : i32
        %dma_wait3A_457 = arith.constant 0 : i32
        %dma_wait3A_458 = tpu.memref_slice %arg15[%dma_wait3A_456, %dma_wait3A_457] : memref<10240x16xf32, #tpu.memory_space<vmem_shared>> -> memref<10240x16xf32, #tpu.memory_space<vmem_shared>>
        tpu.wait_indirect_dma semaphore(%arg20 : memref<!tpu.dma_semaphore, #tpu.memory_space<semaphore_mem>>) src(%arg12 : memref<128x16xf32, #tpu.memory_space<vmem>>) dst(%dma_wait3A_458 : memref<10240x16xf32, #tpu.memory_space<vmem_shared>>)
      } else {
      }
      %dma_start3A_260 = arith.constant 2 : i32
      %dma_start3A_261 = arith.constant 0 : i32
      %dma_start3A_262 = tpu.memref_slice %arg8[%dma_start3A_260, %dma_start3A_261] : memref<4x128xi32, #tpu.memory_space<vmem>> -> memref<1x128xi32, #tpu.memory_space<vmem>>
      %dma_start3A_263 = tpu.memref_squeeze %dma_start3A_262 : memref<1x128xi32, #tpu.memory_space<vmem>> -> memref<128xi32, #tpu.memory_space<vmem>>
      %dma_start3A_264 = arith.constant 0 : i32
      %dma_start3A_265 = arith.constant 0 : i32
      %dma_start3A_266 = tpu.memref_slice %arg5[%dma_start3A_264, %dma_start3A_265] : memref<10240x16xf32, #tpu.memory_space<hbm>> -> memref<10240x16xf32, #tpu.memory_space<hbm>>
      tpu.enqueue_indirect_dma source(%dma_start3A_266 : memref<10240x16xf32, #tpu.memory_space<hbm>>) target(%arg12 : memref<128x16xf32, #tpu.memory_space<vmem>>) offsets(%dma_start3A_263 : memref<128xi32, #tpu.memory_space<vmem>>) semaphore(%arg16 : memref<!tpu.dma_semaphore, #tpu.memory_space<semaphore_mem>>)
      %dma_start3A_267 = arith.constant 1 : i32
      %dma_start3A_268 = arith.constant 0 : i32
      %dma_start3A_269 = tpu.memref_slice %arg10[%dma_start3A_267, %dma_start3A_268] : memref<4x128xi32, #tpu.memory_space<vmem>> -> memref<1x128xi32, #tpu.memory_space<vmem>>
      %dma_start3A_270 = tpu.memref_squeeze %dma_start3A_269 : memref<1x128xi32, #tpu.memory_space<vmem>> -> memref<128xi32, #tpu.memory_space<vmem>>
      %dma_start3A_271 = arith.constant 0 : i32
      %dma_start3A_272 = arith.constant 0 : i32
      %dma_start3A_273 = tpu.memref_slice %arg15[%dma_start3A_271, %dma_start3A_272] : memref<10240x16xf32, #tpu.memory_space<vmem_shared>> -> memref<10240x16xf32, #tpu.memory_space<vmem_shared>>
      tpu.enqueue_indirect_dma source(%arg13 : memref<128x16xf32, #tpu.memory_space<vmem>>) target(%dma_start3A_273 : memref<10240x16xf32, #tpu.memory_space<vmem_shared>>) offsets(%dma_start3A_270 : memref<128xi32, #tpu.memory_space<vmem>>) semaphore(%arg21 : memref<!tpu.dma_semaphore, #tpu.memory_space<semaphore_mem>>) {add = true}
      %add3A_274 = arith.constant 2 : i32
      %add3A_275 = arith.addi %mul3A_212, %add3A_274 : i32
      %dma_wait3A_276 = arith.constant 2 : i32
      %dma_wait3A_277 = arith.constant 0 : i32
      %dma_wait3A_278 = tpu.memref_slice %arg8[%dma_wait3A_276, %dma_wait3A_277] : memref<4x128xi32, #tpu.memory_space<vmem>> -> memref<1x128xi32, #tpu.memory_space<vmem>>
      %dma_wait3A_279 = tpu.memref_squeeze %dma_wait3A_278 : memref<1x128xi32, #tpu.memory_space<vmem>> -> memref<128xi32, #tpu.memory_space<vmem>>
      %dma_wait3A_280 = arith.constant 0 : i32
      %dma_wait3A_281 = arith.constant 0 : i32
      %dma_wait3A_282 = tpu.memref_slice %arg5[%dma_wait3A_280, %dma_wait3A_281] : memref<10240x16xf32, #tpu.memory_space<hbm>> -> memref<10240x16xf32, #tpu.memory_space<hbm>>
      tpu.wait_indirect_dma semaphore(%arg16 : memref<!tpu.dma_semaphore, #tpu.memory_space<semaphore_mem>>) src(%dma_wait3A_282 : memref<10240x16xf32, #tpu.memory_space<hbm>>) dst(%arg12 : memref<128x16xf32, #tpu.memory_space<vmem>>)
      %gt3A_283 = arith.constant 0 : i32
      %gt3A_284 = arith.cmpi sgt, %add3A_275, %gt3A_283 : i32
      %convert_element_type3A_285 = arith.extui %gt3A_284 : i1 to i32
      %cond3A_286 = arith.constant 0 : i32
      %cond3A_287 = arith.cmpi ne, %convert_element_type3A_285, %cond3A_286 : i32
      scf.if %cond3A_287 {
        %dma_wait3A_452 = arith.constant 1 : i32
        %dma_wait3A_453 = arith.constant 0 : i32
        %dma_wait3A_454 = tpu.memref_slice %arg10[%dma_wait3A_452, %dma_wait3A_453] : memref<4x128xi32, #tpu.memory_space<vmem>> -> memref<1x128xi32, #tpu.memory_space<vmem>>
        %dma_wait3A_455 = tpu.memref_squeeze %dma_wait3A_454 : memref<1x128xi32, #tpu.memory_space<vmem>> -> memref<128xi32, #tpu.memory_space<vmem>>
        %dma_wait3A_456 = arith.constant 0 : i32
        %dma_wait3A_457 = arith.constant 0 : i32
        %dma_wait3A_458 = tpu.memref_slice %arg15[%dma_wait3A_456, %dma_wait3A_457] : memref<10240x16xf32, #tpu.memory_space<vmem_shared>> -> memref<10240x16xf32, #tpu.memory_space<vmem_shared>>
        tpu.wait_indirect_dma semaphore(%arg21 : memref<!tpu.dma_semaphore, #tpu.memory_space<semaphore_mem>>) src(%arg13 : memref<128x16xf32, #tpu.memory_space<vmem>>) dst(%dma_wait3A_458 : memref<10240x16xf32, #tpu.memory_space<vmem_shared>>)
      } else {
      }
      %dma_start3A_288 = arith.constant 3 : i32
      %dma_start3A_289 = arith.constant 0 : i32
      %dma_start3A_290 = tpu.memref_slice %arg8[%dma_start3A_288, %dma_start3A_289] : memref<4x128xi32, #tpu.memory_space<vmem>> -> memref<1x128xi32, #tpu.memory_space<vmem>>
      %dma_start3A_291 = tpu.memref_squeeze %dma_start3A_290 : memref<1x128xi32, #tpu.memory_space<vmem>> -> memref<128xi32, #tpu.memory_space<vmem>>
      %dma_start3A_292 = arith.constant 0 : i32
      %dma_start3A_293 = arith.constant 0 : i32
      %dma_start3A_294 = tpu.memref_slice %arg5[%dma_start3A_292, %dma_start3A_293] : memref<10240x16xf32, #tpu.memory_space<hbm>> -> memref<10240x16xf32, #tpu.memory_space<hbm>>
      tpu.enqueue_indirect_dma source(%dma_start3A_294 : memref<10240x16xf32, #tpu.memory_space<hbm>>) target(%arg13 : memref<128x16xf32, #tpu.memory_space<vmem>>) offsets(%dma_start3A_291 : memref<128xi32, #tpu.memory_space<vmem>>) semaphore(%arg17 : memref<!tpu.dma_semaphore, #tpu.memory_space<semaphore_mem>>)
      %dma_start3A_295 = arith.constant 2 : i32
      %dma_start3A_296 = arith.constant 0 : i32
      %dma_start3A_297 = tpu.memref_slice %arg10[%dma_start3A_295, %dma_start3A_296] : memref<4x128xi32, #tpu.memory_space<vmem>> -> memref<1x128xi32, #tpu.memory_space<vmem>>
      %dma_start3A_298 = tpu.memref_squeeze %dma_start3A_297 : memref<1x128xi32, #tpu.memory_space<vmem>> -> memref<128xi32, #tpu.memory_space<vmem>>
      %dma_start3A_299 = arith.constant 0 : i32
      %dma_start3A_300 = arith.constant 0 : i32
      %dma_start3A_301 = tpu.memref_slice %arg15[%dma_start3A_299, %dma_start3A_300] : memref<10240x16xf32, #tpu.memory_space<vmem_shared>> -> memref<10240x16xf32, #tpu.memory_space<vmem_shared>>
      tpu.enqueue_indirect_dma source(%arg12 : memref<128x16xf32, #tpu.memory_space<vmem>>) target(%dma_start3A_301 : memref<10240x16xf32, #tpu.memory_space<vmem_shared>>) offsets(%dma_start3A_298 : memref<128xi32, #tpu.memory_space<vmem>>) semaphore(%arg20 : memref<!tpu.dma_semaphore, #tpu.memory_space<semaphore_mem>>) {add = true}
      %add3A_302 = arith.constant 3 : i32
      %add3A_303 = arith.addi %mul3A_212, %add3A_302 : i32
      %dma_wait3A_304 = arith.constant 3 : i32
      %dma_wait3A_305 = arith.constant 0 : i32
      %dma_wait3A_306 = tpu.memref_slice %arg8[%dma_wait3A_304, %dma_wait3A_305] : memref<4x128xi32, #tpu.memory_space<vmem>> -> memref<1x128xi32, #tpu.memory_space<vmem>>
      %dma_wait3A_307 = tpu.memref_squeeze %dma_wait3A_306 : memref<1x128xi32, #tpu.memory_space<vmem>> -> memref<128xi32, #tpu.memory_space<vmem>>
      %dma_wait3A_308 = arith.constant 0 : i32
      %dma_wait3A_309 = arith.constant 0 : i32
      %dma_wait3A_310 = tpu.memref_slice %arg5[%dma_wait3A_308, %dma_wait3A_309] : memref<10240x16xf32, #tpu.memory_space<hbm>> -> memref<10240x16xf32, #tpu.memory_space<hbm>>
      tpu.wait_indirect_dma semaphore(%arg17 : memref<!tpu.dma_semaphore, #tpu.memory_space<semaphore_mem>>) src(%dma_wait3A_310 : memref<10240x16xf32, #tpu.memory_space<hbm>>) dst(%arg13 : memref<128x16xf32, #tpu.memory_space<vmem>>)
      %gt3A_311 = arith.constant 0 : i32
      %gt3A_312 = arith.cmpi sgt, %add3A_303, %gt3A_311 : i32
      %convert_element_type3A_313 = arith.extui %gt3A_312 : i1 to i32
      %cond3A_314 = arith.constant 0 : i32
      %cond3A_315 = arith.cmpi ne, %convert_element_type3A_313, %cond3A_314 : i32
      scf.if %cond3A_315 {
        %dma_wait3A_452 = arith.constant 2 : i32
        %dma_wait3A_453 = arith.constant 0 : i32
        %dma_wait3A_454 = tpu.memref_slice %arg10[%dma_wait3A_452, %dma_wait3A_453] : memref<4x128xi32, #tpu.memory_space<vmem>> -> memref<1x128xi32, #tpu.memory_space<vmem>>
        %dma_wait3A_455 = tpu.memref_squeeze %dma_wait3A_454 : memref<1x128xi32, #tpu.memory_space<vmem>> -> memref<128xi32, #tpu.memory_space<vmem>>
        %dma_wait3A_456 = arith.constant 0 : i32
        %dma_wait3A_457 = arith.constant 0 : i32
        %dma_wait3A_458 = tpu.memref_slice %arg15[%dma_wait3A_456, %dma_wait3A_457] : memref<10240x16xf32, #tpu.memory_space<vmem_shared>> -> memref<10240x16xf32, #tpu.memory_space<vmem_shared>>
        tpu.wait_indirect_dma semaphore(%arg20 : memref<!tpu.dma_semaphore, #tpu.memory_space<semaphore_mem>>) src(%arg12 : memref<128x16xf32, #tpu.memory_space<vmem>>) dst(%dma_wait3A_458 : memref<10240x16xf32, #tpu.memory_space<vmem_shared>>)
      } else {
      }
      %add3A_316 = arith.constant 1 : i32
      %add3A_317 = arith.addi %add3A_303, %add3A_316 : i32
      %lt3A_318 = arith.cmpi slt, %add3A_317, %select_n3A : i32
      %convert_element_type3A_319 = arith.extui %lt3A_318 : i1 to i32
      %cond3A_320 = arith.constant 0 : i32
      %cond3A_321 = arith.cmpi ne, %convert_element_type3A_319, %cond3A_320 : i32
      scf.if %cond3A_321 {
        %add3A_452 = arith.constant 1 : i32
        %add3A_453 = arith.addi %add3A_210, %add3A_452 : i32
        %mul3A_454 = arith.constant 4 : i32
        %mul3A_455 = arith.muli %add3A_453, %mul3A_454 : i32
        %add3A_456 = arith.addi %select_n3A_13, %mul3A_455 : i32
        %min3A_457 = arith.constant 2496 : i32
        %min3A_458 = arith.minsi %add3A_456, %min3A_457 : i32
        %dma_wait3A_459 = arith.constant 0 : i32
        %dma_wait3A_460 = tpu.memref_slice %arg2[%min3A_458, %dma_wait3A_459] : memref<2500x128xi32, #tpu.memory_space<hbm>> -> memref<4x128xi32, #tpu.memory_space<hbm>>
        %dma_wait3A_461 = arith.constant 0 : i32
        %dma_wait3A_462 = tpu.memref_slice %arg2[%min3A_458, %dma_wait3A_461] : memref<2500x128xi32, #tpu.memory_space<hbm>> -> memref<4x128xi32, #tpu.memory_space<hbm>>
        tpu.wait_dma2 semaphore(%arg19 : memref<!tpu.dma_semaphore, #tpu.memory_space<semaphore_mem>>) src(%dma_wait3A_462 : memref<4x128xi32, #tpu.memory_space<hbm>>) dst(%arg9 : memref<4x128xi32, #tpu.memory_space<vmem>>)
        %dma_wait3A_463 = arith.constant 0 : i32
        %dma_wait3A_464 = tpu.memref_slice %arg3[%min3A_458, %dma_wait3A_463] : memref<2500x128xi32, #tpu.memory_space<hbm>> -> memref<4x128xi32, #tpu.memory_space<hbm>>
        %dma_wait3A_465 = arith.constant 0 : i32
        %dma_wait3A_466 = tpu.memref_slice %arg3[%min3A_458, %dma_wait3A_465] : memref<2500x128xi32, #tpu.memory_space<hbm>> -> memref<4x128xi32, #tpu.memory_space<hbm>>
        tpu.wait_dma2 semaphore(%arg19 : memref<!tpu.dma_semaphore, #tpu.memory_space<semaphore_mem>>) src(%dma_wait3A_466 : memref<4x128xi32, #tpu.memory_space<hbm>>) dst(%arg11 : memref<4x128xi32, #tpu.memory_space<vmem>>)
        %dma_start3A_467 = arith.constant 0 : i32
        %dma_start3A_468 = arith.constant 0 : i32
        %dma_start3A_469 = tpu.memref_slice %arg9[%dma_start3A_467, %dma_start3A_468] : memref<4x128xi32, #tpu.memory_space<vmem>> -> memref<1x128xi32, #tpu.memory_space<vmem>>
        %dma_start3A_470 = tpu.memref_squeeze %dma_start3A_469 : memref<1x128xi32, #tpu.memory_space<vmem>> -> memref<128xi32, #tpu.memory_space<vmem>>
        %dma_start3A_471 = arith.constant 0 : i32
        %dma_start3A_472 = arith.constant 0 : i32
        %dma_start3A_473 = tpu.memref_slice %arg5[%dma_start3A_471, %dma_start3A_472] : memref<10240x16xf32, #tpu.memory_space<hbm>> -> memref<10240x16xf32, #tpu.memory_space<hbm>>
        tpu.enqueue_indirect_dma source(%dma_start3A_473 : memref<10240x16xf32, #tpu.memory_space<hbm>>) target(%arg12 : memref<128x16xf32, #tpu.memory_space<vmem>>) offsets(%dma_start3A_470 : memref<128xi32, #tpu.memory_space<vmem>>) semaphore(%arg16 : memref<!tpu.dma_semaphore, #tpu.memory_space<semaphore_mem>>)
      } else {
      }
      %dma_start3A_322 = arith.constant 3 : i32
      %dma_start3A_323 = arith.constant 0 : i32
      %dma_start3A_324 = tpu.memref_slice %arg10[%dma_start3A_322, %dma_start3A_323] : memref<4x128xi32, #tpu.memory_space<vmem>> -> memref<1x128xi32, #tpu.memory_space<vmem>>
      %dma_start3A_325 = tpu.memref_squeeze %dma_start3A_324 : memref<1x128xi32, #tpu.memory_space<vmem>> -> memref<128xi32, #tpu.memory_space<vmem>>
      %dma_start3A_326 = arith.constant 0 : i32
      %dma_start3A_327 = arith.constant 0 : i32
      %dma_start3A_328 = tpu.memref_slice %arg15[%dma_start3A_326, %dma_start3A_327] : memref<10240x16xf32, #tpu.memory_space<vmem_shared>> -> memref<10240x16xf32, #tpu.memory_space<vmem_shared>>
      tpu.enqueue_indirect_dma source(%arg13 : memref<128x16xf32, #tpu.memory_space<vmem>>) target(%dma_start3A_328 : memref<10240x16xf32, #tpu.memory_space<vmem_shared>>) offsets(%dma_start3A_325 : memref<128xi32, #tpu.memory_space<vmem>>) semaphore(%arg21 : memref<!tpu.dma_semaphore, #tpu.memory_space<semaphore_mem>>) {add = true}
      %mul3A_329 = arith.constant 2 : i32
      %mul3A_330 = arith.muli %mul3A_329, %add3A_206 : i32
      %add3A_331 = arith.constant 1 : i32
      %add3A_332 = arith.addi %mul3A_330, %add3A_331 : i32
      %mul3A_333 = arith.constant 4 : i32
      %mul3A_334 = arith.muli %add3A_332, %mul3A_333 : i32
      %add3A_335 = arith.constant 4 : i32
      %add3A_336 = arith.addi %mul3A_334, %add3A_335 : i32
      %lt3A_337 = arith.cmpi slt, %add3A_336, %select_n3A : i32
      %convert_element_type3A_338 = arith.extui %lt3A_337 : i1 to i32
      %cond3A_339 = arith.constant 0 : i32
      %cond3A_340 = arith.cmpi ne, %convert_element_type3A_338, %cond3A_339 : i32
      scf.if %cond3A_340 {
        %add3A_452 = arith.constant 1 : i32
        %add3A_453 = arith.addi %add3A_332, %add3A_452 : i32
        %mul3A_454 = arith.constant 4 : i32
        %mul3A_455 = arith.muli %add3A_453, %mul3A_454 : i32
        %add3A_456 = arith.addi %select_n3A_13, %mul3A_455 : i32
        %lt3A_457 = arith.constant 2500 : i32
        %lt3A_458 = arith.cmpi slt, %add3A_456, %lt3A_457 : i32
        %convert_element_type3A_459 = arith.extui %lt3A_458 : i1 to i32
        %cond3A_460 = arith.constant 0 : i32
        %cond3A_461 = arith.cmpi ne, %convert_element_type3A_459, %cond3A_460 : i32
        scf.if %cond3A_461 {
          %dma_start3A_467 = arith.constant 0 : i32
          %dma_start3A_468 = tpu.memref_slice %arg2[%add3A_456, %dma_start3A_467] : memref<2500x128xi32, #tpu.memory_space<hbm>> -> memref<4x128xi32, #tpu.memory_space<hbm>>
          %dma_start3A_469 = arith.constant 0 : i32
          %dma_start3A_470 = tpu.memref_slice %arg2[%add3A_456, %dma_start3A_469] : memref<2500x128xi32, #tpu.memory_space<hbm>> -> memref<4x128xi32, #tpu.memory_space<hbm>>
          tpu.enqueue_dma source(%dma_start3A_470 : memref<4x128xi32, #tpu.memory_space<hbm>>) target(%arg8 : memref<4x128xi32, #tpu.memory_space<vmem>>) target_semaphore(%arg18 : memref<!tpu.dma_semaphore, #tpu.memory_space<semaphore_mem>>)
          %dma_start3A_471 = arith.constant 0 : i32
          %dma_start3A_472 = tpu.memref_slice %arg3[%add3A_456, %dma_start3A_471] : memref<2500x128xi32, #tpu.memory_space<hbm>> -> memref<4x128xi32, #tpu.memory_space<hbm>>
          %dma_start3A_473 = arith.constant 0 : i32
          %dma_start3A_474 = tpu.memref_slice %arg3[%add3A_456, %dma_start3A_473] : memref<2500x128xi32, #tpu.memory_space<hbm>> -> memref<4x128xi32, #tpu.memory_space<hbm>>
          tpu.enqueue_dma source(%dma_start3A_474 : memref<4x128xi32, #tpu.memory_space<hbm>>) target(%arg10 : memref<4x128xi32, #tpu.memory_space<vmem>>) target_semaphore(%arg18 : memref<!tpu.dma_semaphore, #tpu.memory_space<semaphore_mem>>)
        } else {
        }
        %ge3A_462 = arith.constant 2500 : i32
        %ge3A_463 = arith.cmpi sge, %add3A_456, %ge3A_462 : i32
        %convert_element_type3A_464 = arith.extui %ge3A_463 : i1 to i32
        %cond3A_465 = arith.constant 0 : i32
        %cond3A_466 = arith.cmpi ne, %convert_element_type3A_464, %cond3A_465 : i32
        scf.if %cond3A_466 {
          %sub3A_467 = arith.constant 2500 : i32
          %sub3A_468 = arith.subi %add3A_456, %sub3A_467 : i32
          %dma_start3A_469 = arith.constant 0 : i32
          %dma_start3A_470 = tpu.memref_slice %arg4[%sub3A_468, %dma_start3A_469] : memref<60x128xi32, #tpu.memory_space<hbm>> -> memref<4x128xi32, #tpu.memory_space<hbm>>
          %dma_start3A_471 = arith.constant 0 : i32
          %dma_start3A_472 = tpu.memref_slice %arg4[%sub3A_468, %dma_start3A_471] : memref<60x128xi32, #tpu.memory_space<hbm>> -> memref<4x128xi32, #tpu.memory_space<hbm>>
          tpu.enqueue_dma source(%dma_start3A_472 : memref<4x128xi32, #tpu.memory_space<hbm>>) target(%arg8 : memref<4x128xi32, #tpu.memory_space<vmem>>) target_semaphore(%arg18 : memref<!tpu.dma_semaphore, #tpu.memory_space<semaphore_mem>>)
          %dma_start3A_473 = arith.constant 0 : i32
          %dma_start3A_474 = tpu.memref_slice %arg4[%sub3A_468, %dma_start3A_473] : memref<60x128xi32, #tpu.memory_space<hbm>> -> memref<4x128xi32, #tpu.memory_space<hbm>>
          %dma_start3A_475 = arith.constant 0 : i32
          %dma_start3A_476 = tpu.memref_slice %arg4[%sub3A_468, %dma_start3A_475] : memref<60x128xi32, #tpu.memory_space<hbm>> -> memref<4x128xi32, #tpu.memory_space<hbm>>
          tpu.enqueue_dma source(%dma_start3A_476 : memref<4x128xi32, #tpu.memory_space<hbm>>) target(%arg10 : memref<4x128xi32, #tpu.memory_space<vmem>>) target_semaphore(%arg18 : memref<!tpu.dma_semaphore, #tpu.memory_space<semaphore_mem>>)
        } else {
        }
      } else {
      }
      %add3A_341 = arith.constant 0 : i32
      %add3A_342 = arith.addi %mul3A_334, %add3A_341 : i32
      %dma_wait3A_343 = arith.constant 0 : i32
      %dma_wait3A_344 = arith.constant 0 : i32
      %dma_wait3A_345 = tpu.memref_slice %arg9[%dma_wait3A_343, %dma_wait3A_344] : memref<4x128xi32, #tpu.memory_space<vmem>> -> memref<1x128xi32, #tpu.memory_space<vmem>>
      %dma_wait3A_346 = tpu.memref_squeeze %dma_wait3A_345 : memref<1x128xi32, #tpu.memory_space<vmem>> -> memref<128xi32, #tpu.memory_space<vmem>>
      %dma_wait3A_347 = arith.constant 0 : i32
      %dma_wait3A_348 = arith.constant 0 : i32
      %dma_wait3A_349 = tpu.memref_slice %arg5[%dma_wait3A_347, %dma_wait3A_348] : memref<10240x16xf32, #tpu.memory_space<hbm>> -> memref<10240x16xf32, #tpu.memory_space<hbm>>
      tpu.wait_indirect_dma semaphore(%arg16 : memref<!tpu.dma_semaphore, #tpu.memory_space<semaphore_mem>>) src(%dma_wait3A_349 : memref<10240x16xf32, #tpu.memory_space<hbm>>) dst(%arg12 : memref<128x16xf32, #tpu.memory_space<vmem>>)
      %gt3A_350 = arith.constant 0 : i32
      %gt3A_351 = arith.cmpi sgt, %add3A_342, %gt3A_350 : i32
      %convert_element_type3A_352 = arith.extui %gt3A_351 : i1 to i32
      %cond3A_353 = arith.constant 0 : i32
      %cond3A_354 = arith.cmpi ne, %convert_element_type3A_352, %cond3A_353 : i32
      scf.if %cond3A_354 {
        %dma_wait3A_452 = arith.constant 3 : i32
        %dma_wait3A_453 = arith.constant 0 : i32
        %dma_wait3A_454 = tpu.memref_slice %arg10[%dma_wait3A_452, %dma_wait3A_453] : memref<4x128xi32, #tpu.memory_space<vmem>> -> memref<1x128xi32, #tpu.memory_space<vmem>>
        %dma_wait3A_455 = tpu.memref_squeeze %dma_wait3A_454 : memref<1x128xi32, #tpu.memory_space<vmem>> -> memref<128xi32, #tpu.memory_space<vmem>>
        %dma_wait3A_456 = arith.constant 0 : i32
        %dma_wait3A_457 = arith.constant 0 : i32
        %dma_wait3A_458 = tpu.memref_slice %arg15[%dma_wait3A_456, %dma_wait3A_457] : memref<10240x16xf32, #tpu.memory_space<vmem_shared>> -> memref<10240x16xf32, #tpu.memory_space<vmem_shared>>
        tpu.wait_indirect_dma semaphore(%arg21 : memref<!tpu.dma_semaphore, #tpu.memory_space<semaphore_mem>>) src(%arg13 : memref<128x16xf32, #tpu.memory_space<vmem>>) dst(%dma_wait3A_458 : memref<10240x16xf32, #tpu.memory_space<vmem_shared>>)
      } else {
      }
      %dma_start3A_355 = arith.constant 1 : i32
      %dma_start3A_356 = arith.constant 0 : i32
      %dma_start3A_357 = tpu.memref_slice %arg9[%dma_start3A_355, %dma_start3A_356] : memref<4x128xi32, #tpu.memory_space<vmem>> -> memref<1x128xi32, #tpu.memory_space<vmem>>
      %dma_start3A_358 = tpu.memref_squeeze %dma_start3A_357 : memref<1x128xi32, #tpu.memory_space<vmem>> -> memref<128xi32, #tpu.memory_space<vmem>>
      %dma_start3A_359 = arith.constant 0 : i32
      %dma_start3A_360 = arith.constant 0 : i32
      %dma_start3A_361 = tpu.memref_slice %arg5[%dma_start3A_359, %dma_start3A_360] : memref<10240x16xf32, #tpu.memory_space<hbm>> -> memref<10240x16xf32, #tpu.memory_space<hbm>>
      tpu.enqueue_indirect_dma source(%dma_start3A_361 : memref<10240x16xf32, #tpu.memory_space<hbm>>) target(%arg13 : memref<128x16xf32, #tpu.memory_space<vmem>>) offsets(%dma_start3A_358 : memref<128xi32, #tpu.memory_space<vmem>>) semaphore(%arg17 : memref<!tpu.dma_semaphore, #tpu.memory_space<semaphore_mem>>)
      %dma_start3A_362 = arith.constant 0 : i32
      %dma_start3A_363 = arith.constant 0 : i32
      %dma_start3A_364 = tpu.memref_slice %arg11[%dma_start3A_362, %dma_start3A_363] : memref<4x128xi32, #tpu.memory_space<vmem>> -> memref<1x128xi32, #tpu.memory_space<vmem>>
      %dma_start3A_365 = tpu.memref_squeeze %dma_start3A_364 : memref<1x128xi32, #tpu.memory_space<vmem>> -> memref<128xi32, #tpu.memory_space<vmem>>
      %dma_start3A_366 = arith.constant 0 : i32
      %dma_start3A_367 = arith.constant 0 : i32
      %dma_start3A_368 = tpu.memref_slice %arg15[%dma_start3A_366, %dma_start3A_367] : memref<10240x16xf32, #tpu.memory_space<vmem_shared>> -> memref<10240x16xf32, #tpu.memory_space<vmem_shared>>
      tpu.enqueue_indirect_dma source(%arg12 : memref<128x16xf32, #tpu.memory_space<vmem>>) target(%dma_start3A_368 : memref<10240x16xf32, #tpu.memory_space<vmem_shared>>) offsets(%dma_start3A_365 : memref<128xi32, #tpu.memory_space<vmem>>) semaphore(%arg20 : memref<!tpu.dma_semaphore, #tpu.memory_space<semaphore_mem>>) {add = true}
      %add3A_369 = arith.constant 1 : i32
      %add3A_370 = arith.addi %mul3A_334, %add3A_369 : i32
      %dma_wait3A_371 = arith.constant 1 : i32
      %dma_wait3A_372 = arith.constant 0 : i32
      %dma_wait3A_373 = tpu.memref_slice %arg9[%dma_wait3A_371, %dma_wait3A_372] : memref<4x128xi32, #tpu.memory_space<vmem>> -> memref<1x128xi32, #tpu.memory_space<vmem>>
      %dma_wait3A_374 = tpu.memref_squeeze %dma_wait3A_373 : memref<1x128xi32, #tpu.memory_space<vmem>> -> memref<128xi32, #tpu.memory_space<vmem>>
      %dma_wait3A_375 = arith.constant 0 : i32
      %dma_wait3A_376 = arith.constant 0 : i32
      %dma_wait3A_377 = tpu.memref_slice %arg5[%dma_wait3A_375, %dma_wait3A_376] : memref<10240x16xf32, #tpu.memory_space<hbm>> -> memref<10240x16xf32, #tpu.memory_space<hbm>>
      tpu.wait_indirect_dma semaphore(%arg17 : memref<!tpu.dma_semaphore, #tpu.memory_space<semaphore_mem>>) src(%dma_wait3A_377 : memref<10240x16xf32, #tpu.memory_space<hbm>>) dst(%arg13 : memref<128x16xf32, #tpu.memory_space<vmem>>)
      %gt3A_378 = arith.constant 0 : i32
      %gt3A_379 = arith.cmpi sgt, %add3A_370, %gt3A_378 : i32
      %convert_element_type3A_380 = arith.extui %gt3A_379 : i1 to i32
      %cond3A_381 = arith.constant 0 : i32
      %cond3A_382 = arith.cmpi ne, %convert_element_type3A_380, %cond3A_381 : i32
      scf.if %cond3A_382 {
        %dma_wait3A_452 = arith.constant 0 : i32
        %dma_wait3A_453 = arith.constant 0 : i32
        %dma_wait3A_454 = tpu.memref_slice %arg11[%dma_wait3A_452, %dma_wait3A_453] : memref<4x128xi32, #tpu.memory_space<vmem>> -> memref<1x128xi32, #tpu.memory_space<vmem>>
        %dma_wait3A_455 = tpu.memref_squeeze %dma_wait3A_454 : memref<1x128xi32, #tpu.memory_space<vmem>> -> memref<128xi32, #tpu.memory_space<vmem>>
        %dma_wait3A_456 = arith.constant 0 : i32
        %dma_wait3A_457 = arith.constant 0 : i32
        %dma_wait3A_458 = tpu.memref_slice %arg15[%dma_wait3A_456, %dma_wait3A_457] : memref<10240x16xf32, #tpu.memory_space<vmem_shared>> -> memref<10240x16xf32, #tpu.memory_space<vmem_shared>>
        tpu.wait_indirect_dma semaphore(%arg20 : memref<!tpu.dma_semaphore, #tpu.memory_space<semaphore_mem>>) src(%arg12 : memref<128x16xf32, #tpu.memory_space<vmem>>) dst(%dma_wait3A_458 : memref<10240x16xf32, #tpu.memory_space<vmem_shared>>)
      } else {
      }
      %dma_start3A_383 = arith.constant 2 : i32
      %dma_start3A_384 = arith.constant 0 : i32
      %dma_start3A_385 = tpu.memref_slice %arg9[%dma_start3A_383, %dma_start3A_384] : memref<4x128xi32, #tpu.memory_space<vmem>> -> memref<1x128xi32, #tpu.memory_space<vmem>>
      %dma_start3A_386 = tpu.memref_squeeze %dma_start3A_385 : memref<1x128xi32, #tpu.memory_space<vmem>> -> memref<128xi32, #tpu.memory_space<vmem>>
      %dma_start3A_387 = arith.constant 0 : i32
      %dma_start3A_388 = arith.constant 0 : i32
      %dma_start3A_389 = tpu.memref_slice %arg5[%dma_start3A_387, %dma_start3A_388] : memref<10240x16xf32, #tpu.memory_space<hbm>> -> memref<10240x16xf32, #tpu.memory_space<hbm>>
      tpu.enqueue_indirect_dma source(%dma_start3A_389 : memref<10240x16xf32, #tpu.memory_space<hbm>>) target(%arg12 : memref<128x16xf32, #tpu.memory_space<vmem>>) offsets(%dma_start3A_386 : memref<128xi32, #tpu.memory_space<vmem>>) semaphore(%arg16 : memref<!tpu.dma_semaphore, #tpu.memory_space<semaphore_mem>>)
      %dma_start3A_390 = arith.constant 1 : i32
      %dma_start3A_391 = arith.constant 0 : i32
      %dma_start3A_392 = tpu.memref_slice %arg11[%dma_start3A_390, %dma_start3A_391] : memref<4x128xi32, #tpu.memory_space<vmem>> -> memref<1x128xi32, #tpu.memory_space<vmem>>
      %dma_start3A_393 = tpu.memref_squeeze %dma_start3A_392 : memref<1x128xi32, #tpu.memory_space<vmem>> -> memref<128xi32, #tpu.memory_space<vmem>>
      %dma_start3A_394 = arith.constant 0 : i32
      %dma_start3A_395 = arith.constant 0 : i32
      %dma_start3A_396 = tpu.memref_slice %arg15[%dma_start3A_394, %dma_start3A_395] : memref<10240x16xf32, #tpu.memory_space<vmem_shared>> -> memref<10240x16xf32, #tpu.memory_space<vmem_shared>>
      tpu.enqueue_indirect_dma source(%arg13 : memref<128x16xf32, #tpu.memory_space<vmem>>) target(%dma_start3A_396 : memref<10240x16xf32, #tpu.memory_space<vmem_shared>>) offsets(%dma_start3A_393 : memref<128xi32, #tpu.memory_space<vmem>>) semaphore(%arg21 : memref<!tpu.dma_semaphore, #tpu.memory_space<semaphore_mem>>) {add = true}
      %add3A_397 = arith.constant 2 : i32
      %add3A_398 = arith.addi %mul3A_334, %add3A_397 : i32
      %dma_wait3A_399 = arith.constant 2 : i32
      %dma_wait3A_400 = arith.constant 0 : i32
      %dma_wait3A_401 = tpu.memref_slice %arg9[%dma_wait3A_399, %dma_wait3A_400] : memref<4x128xi32, #tpu.memory_space<vmem>> -> memref<1x128xi32, #tpu.memory_space<vmem>>
      %dma_wait3A_402 = tpu.memref_squeeze %dma_wait3A_401 : memref<1x128xi32, #tpu.memory_space<vmem>> -> memref<128xi32, #tpu.memory_space<vmem>>
      %dma_wait3A_403 = arith.constant 0 : i32
      %dma_wait3A_404 = arith.constant 0 : i32
      %dma_wait3A_405 = tpu.memref_slice %arg5[%dma_wait3A_403, %dma_wait3A_404] : memref<10240x16xf32, #tpu.memory_space<hbm>> -> memref<10240x16xf32, #tpu.memory_space<hbm>>
      tpu.wait_indirect_dma semaphore(%arg16 : memref<!tpu.dma_semaphore, #tpu.memory_space<semaphore_mem>>) src(%dma_wait3A_405 : memref<10240x16xf32, #tpu.memory_space<hbm>>) dst(%arg12 : memref<128x16xf32, #tpu.memory_space<vmem>>)
      %gt3A_406 = arith.constant 0 : i32
      %gt3A_407 = arith.cmpi sgt, %add3A_398, %gt3A_406 : i32
      %convert_element_type3A_408 = arith.extui %gt3A_407 : i1 to i32
      %cond3A_409 = arith.constant 0 : i32
      %cond3A_410 = arith.cmpi ne, %convert_element_type3A_408, %cond3A_409 : i32
      scf.if %cond3A_410 {
        %dma_wait3A_452 = arith.constant 1 : i32
        %dma_wait3A_453 = arith.constant 0 : i32
        %dma_wait3A_454 = tpu.memref_slice %arg11[%dma_wait3A_452, %dma_wait3A_453] : memref<4x128xi32, #tpu.memory_space<vmem>> -> memref<1x128xi32, #tpu.memory_space<vmem>>
        %dma_wait3A_455 = tpu.memref_squeeze %dma_wait3A_454 : memref<1x128xi32, #tpu.memory_space<vmem>> -> memref<128xi32, #tpu.memory_space<vmem>>
        %dma_wait3A_456 = arith.constant 0 : i32
        %dma_wait3A_457 = arith.constant 0 : i32
        %dma_wait3A_458 = tpu.memref_slice %arg15[%dma_wait3A_456, %dma_wait3A_457] : memref<10240x16xf32, #tpu.memory_space<vmem_shared>> -> memref<10240x16xf32, #tpu.memory_space<vmem_shared>>
        tpu.wait_indirect_dma semaphore(%arg21 : memref<!tpu.dma_semaphore, #tpu.memory_space<semaphore_mem>>) src(%arg13 : memref<128x16xf32, #tpu.memory_space<vmem>>) dst(%dma_wait3A_458 : memref<10240x16xf32, #tpu.memory_space<vmem_shared>>)
      } else {
      }
      %dma_start3A_411 = arith.constant 3 : i32
      %dma_start3A_412 = arith.constant 0 : i32
      %dma_start3A_413 = tpu.memref_slice %arg9[%dma_start3A_411, %dma_start3A_412] : memref<4x128xi32, #tpu.memory_space<vmem>> -> memref<1x128xi32, #tpu.memory_space<vmem>>
      %dma_start3A_414 = tpu.memref_squeeze %dma_start3A_413 : memref<1x128xi32, #tpu.memory_space<vmem>> -> memref<128xi32, #tpu.memory_space<vmem>>
      %dma_start3A_415 = arith.constant 0 : i32
      %dma_start3A_416 = arith.constant 0 : i32
      %dma_start3A_417 = tpu.memref_slice %arg5[%dma_start3A_415, %dma_start3A_416] : memref<10240x16xf32, #tpu.memory_space<hbm>> -> memref<10240x16xf32, #tpu.memory_space<hbm>>
      tpu.enqueue_indirect_dma source(%dma_start3A_417 : memref<10240x16xf32, #tpu.memory_space<hbm>>) target(%arg13 : memref<128x16xf32, #tpu.memory_space<vmem>>) offsets(%dma_start3A_414 : memref<128xi32, #tpu.memory_space<vmem>>) semaphore(%arg17 : memref<!tpu.dma_semaphore, #tpu.memory_space<semaphore_mem>>)
      %dma_start3A_418 = arith.constant 2 : i32
      %dma_start3A_419 = arith.constant 0 : i32
      %dma_start3A_420 = tpu.memref_slice %arg11[%dma_start3A_418, %dma_start3A_419] : memref<4x128xi32, #tpu.memory_space<vmem>> -> memref<1x128xi32, #tpu.memory_space<vmem>>
      %dma_start3A_421 = tpu.memref_squeeze %dma_start3A_420 : memref<1x128xi32, #tpu.memory_space<vmem>> -> memref<128xi32, #tpu.memory_space<vmem>>
      %dma_start3A_422 = arith.constant 0 : i32
      %dma_start3A_423 = arith.constant 0 : i32
      %dma_start3A_424 = tpu.memref_slice %arg15[%dma_start3A_422, %dma_start3A_423] : memref<10240x16xf32, #tpu.memory_space<vmem_shared>> -> memref<10240x16xf32, #tpu.memory_space<vmem_shared>>
      tpu.enqueue_indirect_dma source(%arg12 : memref<128x16xf32, #tpu.memory_space<vmem>>) target(%dma_start3A_424 : memref<10240x16xf32, #tpu.memory_space<vmem_shared>>) offsets(%dma_start3A_421 : memref<128xi32, #tpu.memory_space<vmem>>) semaphore(%arg20 : memref<!tpu.dma_semaphore, #tpu.memory_space<semaphore_mem>>) {add = true}
      %add3A_425 = arith.constant 3 : i32
      %add3A_426 = arith.addi %mul3A_334, %add3A_425 : i32
      %dma_wait3A_427 = arith.constant 3 : i32
      %dma_wait3A_428 = arith.constant 0 : i32
      %dma_wait3A_429 = tpu.memref_slice %arg9[%dma_wait3A_427, %dma_wait3A_428] : memref<4x128xi32, #tpu.memory_space<vmem>> -> memref<1x128xi32, #tpu.memory_space<vmem>>
      %dma_wait3A_430 = tpu.memref_squeeze %dma_wait3A_429 : memref<1x128xi32, #tpu.memory_space<vmem>> -> memref<128xi32, #tpu.memory_space<vmem>>
      %dma_wait3A_431 = arith.constant 0 : i32
      %dma_wait3A_432 = arith.constant 0 : i32
      %dma_wait3A_433 = tpu.memref_slice %arg5[%dma_wait3A_431, %dma_wait3A_432] : memref<10240x16xf32, #tpu.memory_space<hbm>> -> memref<10240x16xf32, #tpu.memory_space<hbm>>
      tpu.wait_indirect_dma semaphore(%arg17 : memref<!tpu.dma_semaphore, #tpu.memory_space<semaphore_mem>>) src(%dma_wait3A_433 : memref<10240x16xf32, #tpu.memory_space<hbm>>) dst(%arg13 : memref<128x16xf32, #tpu.memory_space<vmem>>)
      %gt3A_434 = arith.constant 0 : i32
      %gt3A_435 = arith.cmpi sgt, %add3A_426, %gt3A_434 : i32
      %convert_element_type3A_436 = arith.extui %gt3A_435 : i1 to i32
      %cond3A_437 = arith.constant 0 : i32
      %cond3A_438 = arith.cmpi ne, %convert_element_type3A_436, %cond3A_437 : i32
      scf.if %cond3A_438 {
        %dma_wait3A_452 = arith.constant 2 : i32
        %dma_wait3A_453 = arith.constant 0 : i32
        %dma_wait3A_454 = tpu.memref_slice %arg11[%dma_wait3A_452, %dma_wait3A_453] : memref<4x128xi32, #tpu.memory_space<vmem>> -> memref<1x128xi32, #tpu.memory_space<vmem>>
        %dma_wait3A_455 = tpu.memref_squeeze %dma_wait3A_454 : memref<1x128xi32, #tpu.memory_space<vmem>> -> memref<128xi32, #tpu.memory_space<vmem>>
        %dma_wait3A_456 = arith.constant 0 : i32
        %dma_wait3A_457 = arith.constant 0 : i32
        %dma_wait3A_458 = tpu.memref_slice %arg15[%dma_wait3A_456, %dma_wait3A_457] : memref<10240x16xf32, #tpu.memory_space<vmem_shared>> -> memref<10240x16xf32, #tpu.memory_space<vmem_shared>>
        tpu.wait_indirect_dma semaphore(%arg20 : memref<!tpu.dma_semaphore, #tpu.memory_space<semaphore_mem>>) src(%arg12 : memref<128x16xf32, #tpu.memory_space<vmem>>) dst(%dma_wait3A_458 : memref<10240x16xf32, #tpu.memory_space<vmem_shared>>)
      } else {
      }
      %add3A_439 = arith.constant 1 : i32
      %add3A_440 = arith.addi %add3A_426, %add3A_439 : i32
      %lt3A_441 = arith.cmpi slt, %add3A_440, %select_n3A : i32
      %convert_element_type3A_442 = arith.extui %lt3A_441 : i1 to i32
      %cond3A_443 = arith.constant 0 : i32
      %cond3A_444 = arith.cmpi ne, %convert_element_type3A_442, %cond3A_443 : i32
      scf.if %cond3A_444 {
        %add3A_452 = arith.constant 1 : i32
        %add3A_453 = arith.addi %add3A_332, %add3A_452 : i32
        %mul3A_454 = arith.constant 4 : i32
        %mul3A_455 = arith.muli %add3A_453, %mul3A_454 : i32
        %add3A_456 = arith.addi %select_n3A_13, %mul3A_455 : i32
        %min3A_457 = arith.constant 2496 : i32
        %min3A_458 = arith.minsi %add3A_456, %min3A_457 : i32
        %dma_wait3A_459 = arith.constant 0 : i32
        %dma_wait3A_460 = tpu.memref_slice %arg2[%min3A_458, %dma_wait3A_459] : memref<2500x128xi32, #tpu.memory_space<hbm>> -> memref<4x128xi32, #tpu.memory_space<hbm>>
        %dma_wait3A_461 = arith.constant 0 : i32
        %dma_wait3A_462 = tpu.memref_slice %arg2[%min3A_458, %dma_wait3A_461] : memref<2500x128xi32, #tpu.memory_space<hbm>> -> memref<4x128xi32, #tpu.memory_space<hbm>>
        tpu.wait_dma2 semaphore(%arg18 : memref<!tpu.dma_semaphore, #tpu.memory_space<semaphore_mem>>) src(%dma_wait3A_462 : memref<4x128xi32, #tpu.memory_space<hbm>>) dst(%arg8 : memref<4x128xi32, #tpu.memory_space<vmem>>)
        %dma_wait3A_463 = arith.constant 0 : i32
        %dma_wait3A_464 = tpu.memref_slice %arg3[%min3A_458, %dma_wait3A_463] : memref<2500x128xi32, #tpu.memory_space<hbm>> -> memref<4x128xi32, #tpu.memory_space<hbm>>
        %dma_wait3A_465 = arith.constant 0 : i32
        %dma_wait3A_466 = tpu.memref_slice %arg3[%min3A_458, %dma_wait3A_465] : memref<2500x128xi32, #tpu.memory_space<hbm>> -> memref<4x128xi32, #tpu.memory_space<hbm>>
        tpu.wait_dma2 semaphore(%arg18 : memref<!tpu.dma_semaphore, #tpu.memory_space<semaphore_mem>>) src(%dma_wait3A_466 : memref<4x128xi32, #tpu.memory_space<hbm>>) dst(%arg10 : memref<4x128xi32, #tpu.memory_space<vmem>>)
        %dma_start3A_467 = arith.constant 0 : i32
        %dma_start3A_468 = arith.constant 0 : i32
        %dma_start3A_469 = tpu.memref_slice %arg8[%dma_start3A_467, %dma_start3A_468] : memref<4x128xi32, #tpu.memory_space<vmem>> -> memref<1x128xi32, #tpu.memory_space<vmem>>
        %dma_start3A_470 = tpu.memref_squeeze %dma_start3A_469 : memref<1x128xi32, #tpu.memory_space<vmem>> -> memref<128xi32, #tpu.memory_space<vmem>>
        %dma_start3A_471 = arith.constant 0 : i32
        %dma_start3A_472 = arith.constant 0 : i32
        %dma_start3A_473 = tpu.memref_slice %arg5[%dma_start3A_471, %dma_start3A_472] : memref<10240x16xf32, #tpu.memory_space<hbm>> -> memref<10240x16xf32, #tpu.memory_space<hbm>>
        tpu.enqueue_indirect_dma source(%dma_start3A_473 : memref<10240x16xf32, #tpu.memory_space<hbm>>) target(%arg12 : memref<128x16xf32, #tpu.memory_space<vmem>>) offsets(%dma_start3A_470 : memref<128xi32, #tpu.memory_space<vmem>>) semaphore(%arg16 : memref<!tpu.dma_semaphore, #tpu.memory_space<semaphore_mem>>)
      } else {
      }
      %dma_start3A_445 = arith.constant 3 : i32
      %dma_start3A_446 = arith.constant 0 : i32
      %dma_start3A_447 = tpu.memref_slice %arg11[%dma_start3A_445, %dma_start3A_446] : memref<4x128xi32, #tpu.memory_space<vmem>> -> memref<1x128xi32, #tpu.memory_space<vmem>>
      %dma_start3A_448 = tpu.memref_squeeze %dma_start3A_447 : memref<1x128xi32, #tpu.memory_space<vmem>> -> memref<128xi32, #tpu.memory_space<vmem>>
      %dma_start3A_449 = arith.constant 0 : i32
      %dma_start3A_450 = arith.constant 0 : i32
      %dma_start3A_451 = tpu.memref_slice %arg15[%dma_start3A_449, %dma_start3A_450] : memref<10240x16xf32, #tpu.memory_space<vmem_shared>> -> memref<10240x16xf32, #tpu.memory_space<vmem_shared>>
      tpu.enqueue_indirect_dma source(%arg13 : memref<128x16xf32, #tpu.memory_space<vmem>>) target(%dma_start3A_451 : memref<10240x16xf32, #tpu.memory_space<vmem_shared>>) offsets(%dma_start3A_448 : memref<128xi32, #tpu.memory_space<vmem>>) semaphore(%arg21 : memref<!tpu.dma_semaphore, #tpu.memory_space<semaphore_mem>>) {add = true}
    }
    %dma_wait3A_184 = arith.constant 3 : i32
    %dma_wait3A_185 = arith.constant 0 : i32
    %dma_wait3A_186 = tpu.memref_slice %arg11[%dma_wait3A_184, %dma_wait3A_185] : memref<4x128xi32, #tpu.memory_space<vmem>> -> memref<1x128xi32, #tpu.memory_space<vmem>>
    %dma_wait3A_187 = tpu.memref_squeeze %dma_wait3A_186 : memref<1x128xi32, #tpu.memory_space<vmem>> -> memref<128xi32, #tpu.memory_space<vmem>>
    %dma_wait3A_188 = arith.constant 0 : i32
    %dma_wait3A_189 = arith.constant 0 : i32
    %dma_wait3A_190 = tpu.memref_slice %arg15[%dma_wait3A_188, %dma_wait3A_189] : memref<10240x16xf32, #tpu.memory_space<vmem_shared>> -> memref<10240x16xf32, #tpu.memory_space<vmem_shared>>
    tpu.wait_indirect_dma semaphore(%arg21 : memref<!tpu.dma_semaphore, #tpu.memory_space<semaphore_mem>>) src(%arg13 : memref<128x16xf32, #tpu.memory_space<vmem>>) dst(%dma_wait3A_190 : memref<10240x16xf32, #tpu.memory_space<vmem_shared>>)
    %barrier3A_191 = arith.constant 0 : index
    tpu.barrier barrier_id(%barrier3A_191)
    %mul3A_192 = arith.constant 640 : i32
    %mul3A_193 = arith.muli %arg1, %mul3A_192 : i32
    %eq3A_194 = arith.constant 0 : i32
    %eq3A_195 = arith.cmpi eq, %arg0, %eq3A_194 : i32
    %convert_element_type3A_196 = arith.extui %eq3A_195 : i1 to i32
    %cond3A_197 = arith.constant 0 : i32
    %cond3A_198 = arith.cmpi ne, %convert_element_type3A_196, %cond3A_197 : i32
    scf.if %cond3A_198 {
      "tpu.region"() ({
        %run_scoped3A = tpu.sem_alloc : memref<!tpu.dma_semaphore, #tpu.memory_space<semaphore_mem>>
        %dma_start3A_204 = arith.constant 0 : i32
        %dma_start3A_205 = tpu.memref_slice %arg6[%mul3A_193, %dma_start3A_204] : memref<10240x16xf32, #tpu.memory_space<hbm>> -> memref<640x16xf32, #tpu.memory_space<hbm>>
        %dma_start3A_206 = arith.constant 0 : i32
        %dma_start3A_207 = tpu.memref_slice %arg15[%mul3A_193, %dma_start3A_206] : memref<10240x16xf32, #tpu.memory_space<vmem_shared>> -> memref<640x16xf32, #tpu.memory_space<vmem_shared>>
        tpu.enqueue_dma source(%dma_start3A_207 : memref<640x16xf32, #tpu.memory_space<vmem_shared>>) target(%dma_start3A_205 : memref<640x16xf32, #tpu.memory_space<hbm>>) target_semaphore(%run_scoped3A : memref<!tpu.dma_semaphore, #tpu.memory_space<semaphore_mem>>)
        %dma_wait3A_208 = arith.constant 0 : i32
        %dma_wait3A_209 = tpu.memref_slice %arg6[%mul3A_193, %dma_wait3A_208] : memref<10240x16xf32, #tpu.memory_space<hbm>> -> memref<640x16xf32, #tpu.memory_space<hbm>>
        %dma_wait3A_210 = arith.constant 0 : i32
        %dma_wait3A_211 = tpu.memref_slice %arg15[%mul3A_193, %dma_wait3A_210] : memref<10240x16xf32, #tpu.memory_space<vmem_shared>> -> memref<640x16xf32, #tpu.memory_space<vmem_shared>>
        tpu.wait_dma2 semaphore(%run_scoped3A : memref<!tpu.dma_semaphore, #tpu.memory_space<semaphore_mem>>) src(%dma_wait3A_211 : memref<640x16xf32, #tpu.memory_space<vmem_shared>>) dst(%dma_wait3A_209 : memref<640x16xf32, #tpu.memory_space<hbm>>)
        tpu.yield
      }) : () -> ()
    } else {
    }
    %eq3A_199 = arith.constant 1 : i32
    %eq3A_200 = arith.cmpi eq, %arg0, %eq3A_199 : i32
    %convert_element_type3A_201 = arith.extui %eq3A_200 : i1 to i32
    %cond3A_202 = arith.constant 0 : i32
    %cond3A_203 = arith.cmpi ne, %convert_element_type3A_201, %cond3A_202 : i32
    scf.if %cond3A_203 {
      "tpu.region"() ({
        %run_scoped3A = tpu.sem_alloc : memref<!tpu.dma_semaphore, #tpu.memory_space<semaphore_mem>>
        %dma_start3A_204 = arith.constant 0 : i32
        %dma_start3A_205 = tpu.memref_slice %arg7[%mul3A_193, %dma_start3A_204] : memref<10240x16xf32, #tpu.memory_space<hbm>> -> memref<640x16xf32, #tpu.memory_space<hbm>>
        %dma_start3A_206 = arith.constant 0 : i32
        %dma_start3A_207 = tpu.memref_slice %arg15[%mul3A_193, %dma_start3A_206] : memref<10240x16xf32, #tpu.memory_space<vmem_shared>> -> memref<640x16xf32, #tpu.memory_space<vmem_shared>>
        tpu.enqueue_dma source(%dma_start3A_207 : memref<640x16xf32, #tpu.memory_space<vmem_shared>>) target(%dma_start3A_205 : memref<640x16xf32, #tpu.memory_space<hbm>>) target_semaphore(%run_scoped3A : memref<!tpu.dma_semaphore, #tpu.memory_space<semaphore_mem>>)
        %dma_wait3A_208 = arith.constant 0 : i32
        %dma_wait3A_209 = tpu.memref_slice %arg7[%mul3A_193, %dma_wait3A_208] : memref<10240x16xf32, #tpu.memory_space<hbm>> -> memref<640x16xf32, #tpu.memory_space<hbm>>
        %dma_wait3A_210 = arith.constant 0 : i32
        %dma_wait3A_211 = tpu.memref_slice %arg15[%mul3A_193, %dma_wait3A_210] : memref<10240x16xf32, #tpu.memory_space<vmem_shared>> -> memref<640x16xf32, #tpu.memory_space<vmem_shared>>
        tpu.wait_dma2 semaphore(%run_scoped3A : memref<!tpu.dma_semaphore, #tpu.memory_space<semaphore_mem>>) src(%dma_wait3A_211 : memref<640x16xf32, #tpu.memory_space<vmem_shared>>) dst(%dma_wait3A_209 : memref<640x16xf32, #tpu.memory_space<hbm>>)
        tpu.yield
      }) : () -> ()
    } else {
    }
    return
  }
}

#map = affine_map<(d0, d1) -> (0, 0)>
#map1 = affine_map<(d0, d1) -> (0)>
module attributes {stable_mosaic.version = 14 : i64} {
  func.func @_deg_sc(%arg0: i32, %arg1: i32, %arg2: memref<2500x128xi32, #tpu.memory_space<hbm>>, %arg3: memref<60x128xi32, #tpu.memory_space<hbm>>, %arg4: memref<10240xf32, #tpu.memory_space<hbm>>, %arg5: memref<10240xf32, #tpu.memory_space<hbm>>, %arg6: memref<80x128xi32, #tpu.memory_space<vmem>>, %arg7: memref<128xf32, #tpu.memory_space<vmem>>, %arg8: memref<640xf32, #tpu.memory_space<vmem>>, %arg9: memref<10240xf32, #tpu.memory_space<vmem_shared>>) attributes {dimension_semantics = [#tpu.dimension_semantics<core_parallel>, #tpu.dimension_semantics<subcore_parallel>], iteration_bounds = array<i64: 2, 16>, scalar_prefetch = 0 : i64, scratch_operands = 4 : i64, tpu.core_type = #tpu.core_type<sc_vector_subcore>, window_params = [{transform_indices = #map}, {transform_indices = #map}, {transform_indices = #map1}, {transform_indices = #map1}]} {
    %mul3A = arith.constant 2 : i32
    %mul3A_0 = arith.muli %arg1, %mul3A : i32
    %add3A = arith.addi %mul3A_0, %arg0 : i32
    %broadcast_in_dim3A = arith.constant 1.000000e+00 : f32
    %broadcast_in_dim3A_1 = vector.broadcast %broadcast_in_dim3A : f32 to vector<16xf32>
    %swap3A = arith.constant 0 : index
    %swap3A_2 = tpu.vector_load %arg7[%swap3A] {strides = array<i32>} : memref<128xf32, #tpu.memory_space<vmem>>, vector<16xf32>,
    %swap3A_3 = vector.shape_cast %swap3A_2 : vector<16xf32> to vector<16xf32>
    %swap3A_4 = vector.shape_cast %broadcast_in_dim3A_1 : vector<16xf32> to vector<16xf32>
    tpu.vector_store %arg7[%swap3A], %swap3A_4 {strides = array<i32>} : memref<128xf32, #tpu.memory_space<vmem>>, vector<16xf32>,
    %broadcast_in_dim3A_5 = arith.constant 1.000000e+00 : f32
    %broadcast_in_dim3A_6 = vector.broadcast %broadcast_in_dim3A_5 : f32 to vector<16xf32>
    %swap3A_7 = arith.constant 16 : index
    %swap3A_8 = tpu.vector_load %arg7[%swap3A_7] {strides = array<i32>} : memref<128xf32, #tpu.memory_space<vmem>>, vector<16xf32>,
    %swap3A_9 = vector.shape_cast %swap3A_8 : vector<16xf32> to vector<16xf32>
    %swap3A_10 = vector.shape_cast %broadcast_in_dim3A_6 : vector<16xf32> to vector<16xf32>
    tpu.vector_store %arg7[%swap3A_7], %swap3A_10 {strides = array<i32>} : memref<128xf32, #tpu.memory_space<vmem>>, vector<16xf32>,
    %broadcast_in_dim3A_11 = arith.constant 1.000000e+00 : f32
    %broadcast_in_dim3A_12 = vector.broadcast %broadcast_in_dim3A_11 : f32 to vector<16xf32>
    %swap3A_13 = arith.constant 32 : index
    %swap3A_14 = tpu.vector_load %arg7[%swap3A_13] {strides = array<i32>} : memref<128xf32, #tpu.memory_space<vmem>>, vector<16xf32>,
    %swap3A_15 = vector.shape_cast %swap3A_14 : vector<16xf32> to vector<16xf32>
    %swap3A_16 = vector.shape_cast %broadcast_in_dim3A_12 : vector<16xf32> to vector<16xf32>
    tpu.vector_store %arg7[%swap3A_13], %swap3A_16 {strides = array<i32>} : memref<128xf32, #tpu.memory_space<vmem>>, vector<16xf32>,
    %broadcast_in_dim3A_17 = arith.constant 1.000000e+00 : f32
    %broadcast_in_dim3A_18 = vector.broadcast %broadcast_in_dim3A_17 : f32 to vector<16xf32>
    %swap3A_19 = arith.constant 48 : index
    %swap3A_20 = tpu.vector_load %arg7[%swap3A_19] {strides = array<i32>} : memref<128xf32, #tpu.memory_space<vmem>>, vector<16xf32>,
    %swap3A_21 = vector.shape_cast %swap3A_20 : vector<16xf32> to vector<16xf32>
    %swap3A_22 = vector.shape_cast %broadcast_in_dim3A_18 : vector<16xf32> to vector<16xf32>
    tpu.vector_store %arg7[%swap3A_19], %swap3A_22 {strides = array<i32>} : memref<128xf32, #tpu.memory_space<vmem>>, vector<16xf32>,
    %broadcast_in_dim3A_23 = arith.constant 1.000000e+00 : f32
    %broadcast_in_dim3A_24 = vector.broadcast %broadcast_in_dim3A_23 : f32 to vector<16xf32>
    %swap3A_25 = arith.constant 64 : index
    %swap3A_26 = tpu.vector_load %arg7[%swap3A_25] {strides = array<i32>} : memref<128xf32, #tpu.memory_space<vmem>>, vector<16xf32>,
    %swap3A_27 = vector.shape_cast %swap3A_26 : vector<16xf32> to vector<16xf32>
    %swap3A_28 = vector.shape_cast %broadcast_in_dim3A_24 : vector<16xf32> to vector<16xf32>
    tpu.vector_store %arg7[%swap3A_25], %swap3A_28 {strides = array<i32>} : memref<128xf32, #tpu.memory_space<vmem>>, vector<16xf32>,
    %broadcast_in_dim3A_29 = arith.constant 1.000000e+00 : f32
    %broadcast_in_dim3A_30 = vector.broadcast %broadcast_in_dim3A_29 : f32 to vector<16xf32>
    %swap3A_31 = arith.constant 80 : index
    %swap3A_32 = tpu.vector_load %arg7[%swap3A_31] {strides = array<i32>} : memref<128xf32, #tpu.memory_space<vmem>>, vector<16xf32>,
    %swap3A_33 = vector.shape_cast %swap3A_32 : vector<16xf32> to vector<16xf32>
    %swap3A_34 = vector.shape_cast %broadcast_in_dim3A_30 : vector<16xf32> to vector<16xf32>
    tpu.vector_store %arg7[%swap3A_31], %swap3A_34 {strides = array<i32>} : memref<128xf32, #tpu.memory_space<vmem>>, vector<16xf32>,
    %broadcast_in_dim3A_35 = arith.constant 1.000000e+00 : f32
    %broadcast_in_dim3A_36 = vector.broadcast %broadcast_in_dim3A_35 : f32 to vector<16xf32>
    %swap3A_37 = arith.constant 96 : index
    %swap3A_38 = tpu.vector_load %arg7[%swap3A_37] {strides = array<i32>} : memref<128xf32, #tpu.memory_space<vmem>>, vector<16xf32>,
    %swap3A_39 = vector.shape_cast %swap3A_38 : vector<16xf32> to vector<16xf32>
    %swap3A_40 = vector.shape_cast %broadcast_in_dim3A_36 : vector<16xf32> to vector<16xf32>
    tpu.vector_store %arg7[%swap3A_37], %swap3A_40 {strides = array<i32>} : memref<128xf32, #tpu.memory_space<vmem>>, vector<16xf32>,
    %broadcast_in_dim3A_41 = arith.constant 1.000000e+00 : f32
    %broadcast_in_dim3A_42 = vector.broadcast %broadcast_in_dim3A_41 : f32 to vector<16xf32>
    %swap3A_43 = arith.constant 112 : index
    %swap3A_44 = tpu.vector_load %arg7[%swap3A_43] {strides = array<i32>} : memref<128xf32, #tpu.memory_space<vmem>>, vector<16xf32>,
    %swap3A_45 = vector.shape_cast %swap3A_44 : vector<16xf32> to vector<16xf32>
    %swap3A_46 = vector.shape_cast %broadcast_in_dim3A_42 : vector<16xf32> to vector<16xf32>
    tpu.vector_store %arg7[%swap3A_43], %swap3A_46 {strides = array<i32>} : memref<128xf32, #tpu.memory_space<vmem>>, vector<16xf32>,
    %broadcast_in_dim3A_47 = arith.constant 0.000000e+00 : f32
    %broadcast_in_dim3A_48 = vector.broadcast %broadcast_in_dim3A_47 : f32 to vector<16xf32>
    %swap3A_49 = arith.constant 0 : index
    %swap3A_50 = tpu.vector_load %arg8[%swap3A_49] {strides = array<i32>} : memref<640xf32, #tpu.memory_space<vmem>>, vector<16xf32>,
    %swap3A_51 = vector.shape_cast %swap3A_50 : vector<16xf32> to vector<16xf32>
    %swap3A_52 = vector.shape_cast %broadcast_in_dim3A_48 : vector<16xf32> to vector<16xf32>
    tpu.vector_store %arg8[%swap3A_49], %swap3A_52 {strides = array<i32>} : memref<640xf32, #tpu.memory_space<vmem>>, vector<16xf32>,
    %broadcast_in_dim3A_53 = arith.constant 0.000000e+00 : f32
    %broadcast_in_dim3A_54 = vector.broadcast %broadcast_in_dim3A_53 : f32 to vector<16xf32>
    %swap3A_55 = arith.constant 16 : index
    %swap3A_56 = tpu.vector_load %arg8[%swap3A_55] {strides = array<i32>} : memref<640xf32, #tpu.memory_space<vmem>>, vector<16xf32>,
    %swap3A_57 = vector.shape_cast %swap3A_56 : vector<16xf32> to vector<16xf32>
    %swap3A_58 = vector.shape_cast %broadcast_in_dim3A_54 : vector<16xf32> to vector<16xf32>
    tpu.vector_store %arg8[%swap3A_55], %swap3A_58 {strides = array<i32>} : memref<640xf32, #tpu.memory_space<vmem>>, vector<16xf32>,
    %broadcast_in_dim3A_59 = arith.constant 0.000000e+00 : f32
    %broadcast_in_dim3A_60 = vector.broadcast %broadcast_in_dim3A_59 : f32 to vector<16xf32>
    %swap3A_61 = arith.constant 32 : index
    %swap3A_62 = tpu.vector_load %arg8[%swap3A_61] {strides = array<i32>} : memref<640xf32, #tpu.memory_space<vmem>>, vector<16xf32>,
    %swap3A_63 = vector.shape_cast %swap3A_62 : vector<16xf32> to vector<16xf32>
    %swap3A_64 = vector.shape_cast %broadcast_in_dim3A_60 : vector<16xf32> to vector<16xf32>
    tpu.vector_store %arg8[%swap3A_61], %swap3A_64 {strides = array<i32>} : memref<640xf32, #tpu.memory_space<vmem>>, vector<16xf32>,
    %broadcast_in_dim3A_65 = arith.constant 0.000000e+00 : f32
    %broadcast_in_dim3A_66 = vector.broadcast %broadcast_in_dim3A_65 : f32 to vector<16xf32>
    %swap3A_67 = arith.constant 48 : index
    %swap3A_68 = tpu.vector_load %arg8[%swap3A_67] {strides = array<i32>} : memref<640xf32, #tpu.memory_space<vmem>>, vector<16xf32>,
    %swap3A_69 = vector.shape_cast %swap3A_68 : vector<16xf32> to vector<16xf32>
    %swap3A_70 = vector.shape_cast %broadcast_in_dim3A_66 : vector<16xf32> to vector<16xf32>
    tpu.vector_store %arg8[%swap3A_67], %swap3A_70 {strides = array<i32>} : memref<640xf32, #tpu.memory_space<vmem>>, vector<16xf32>,
    %broadcast_in_dim3A_71 = arith.constant 0.000000e+00 : f32
    %broadcast_in_dim3A_72 = vector.broadcast %broadcast_in_dim3A_71 : f32 to vector<16xf32>
    %swap3A_73 = arith.constant 64 : index
    %swap3A_74 = tpu.vector_load %arg8[%swap3A_73] {strides = array<i32>} : memref<640xf32, #tpu.memory_space<vmem>>, vector<16xf32>,
    %swap3A_75 = vector.shape_cast %swap3A_74 : vector<16xf32> to vector<16xf32>
    %swap3A_76 = vector.shape_cast %broadcast_in_dim3A_72 : vector<16xf32> to vector<16xf32>
    tpu.vector_store %arg8[%swap3A_73], %swap3A_76 {strides = array<i32>} : memref<640xf32, #tpu.memory_space<vmem>>, vector<16xf32>,
    %broadcast_in_dim3A_77 = arith.constant 0.000000e+00 : f32
    %broadcast_in_dim3A_78 = vector.broadcast %broadcast_in_dim3A_77 : f32 to vector<16xf32>
    %swap3A_79 = arith.constant 80 : index
    %swap3A_80 = tpu.vector_load %arg8[%swap3A_79] {strides = array<i32>} : memref<640xf32, #tpu.memory_space<vmem>>, vector<16xf32>,
    %swap3A_81 = vector.shape_cast %swap3A_80 : vector<16xf32> to vector<16xf32>
    %swap3A_82 = vector.shape_cast %broadcast_in_dim3A_78 : vector<16xf32> to vector<16xf32>
    tpu.vector_store %arg8[%swap3A_79], %swap3A_82 {strides = array<i32>} : memref<640xf32, #tpu.memory_space<vmem>>, vector<16xf32>,
    %broadcast_in_dim3A_83 = arith.constant 0.000000e+00 : f32
    %broadcast_in_dim3A_84 = vector.broadcast %broadcast_in_dim3A_83 : f32 to vector<16xf32>
    %swap3A_85 = arith.constant 96 : index
    %swap3A_86 = tpu.vector_load %arg8[%swap3A_85] {strides = array<i32>} : memref<640xf32, #tpu.memory_space<vmem>>, vector<16xf32>,
    %swap3A_87 = vector.shape_cast %swap3A_86 : vector<16xf32> to vector<16xf32>
    %swap3A_88 = vector.shape_cast %broadcast_in_dim3A_84 : vector<16xf32> to vector<16xf32>
    tpu.vector_store %arg8[%swap3A_85], %swap3A_88 {strides = array<i32>} : memref<640xf32, #tpu.memory_space<vmem>>, vector<16xf32>,
    %broadcast_in_dim3A_89 = arith.constant 0.000000e+00 : f32
    %broadcast_in_dim3A_90 = vector.broadcast %broadcast_in_dim3A_89 : f32 to vector<16xf32>
    %swap3A_91 = arith.constant 112 : index
    %swap3A_92 = tpu.vector_load %arg8[%swap3A_91] {strides = array<i32>} : memref<640xf32, #tpu.memory_space<vmem>>, vector<16xf32>,
    %swap3A_93 = vector.shape_cast %swap3A_92 : vector<16xf32> to vector<16xf32>
    %swap3A_94 = vector.shape_cast %broadcast_in_dim3A_90 : vector<16xf32> to vector<16xf32>
    tpu.vector_store %arg8[%swap3A_91], %swap3A_94 {strides = array<i32>} : memref<640xf32, #tpu.memory_space<vmem>>, vector<16xf32>,
    %broadcast_in_dim3A_95 = arith.constant 0.000000e+00 : f32
    %broadcast_in_dim3A_96 = vector.broadcast %broadcast_in_dim3A_95 : f32 to vector<16xf32>
    %swap3A_97 = arith.constant 128 : index
    %swap3A_98 = tpu.vector_load %arg8[%swap3A_97] {strides = array<i32>} : memref<640xf32, #tpu.memory_space<vmem>>, vector<16xf32>,
    %swap3A_99 = vector.shape_cast %swap3A_98 : vector<16xf32> to vector<16xf32>
    %swap3A_100 = vector.shape_cast %broadcast_in_dim3A_96 : vector<16xf32> to vector<16xf32>
    tpu.vector_store %arg8[%swap3A_97], %swap3A_100 {strides = array<i32>} : memref<640xf32, #tpu.memory_space<vmem>>, vector<16xf32>,
    %broadcast_in_dim3A_101 = arith.constant 0.000000e+00 : f32
    %broadcast_in_dim3A_102 = vector.broadcast %broadcast_in_dim3A_101 : f32 to vector<16xf32>
    %swap3A_103 = arith.constant 144 : index
    %swap3A_104 = tpu.vector_load %arg8[%swap3A_103] {strides = array<i32>} : memref<640xf32, #tpu.memory_space<vmem>>, vector<16xf32>,
    %swap3A_105 = vector.shape_cast %swap3A_104 : vector<16xf32> to vector<16xf32>
    %swap3A_106 = vector.shape_cast %broadcast_in_dim3A_102 : vector<16xf32> to vector<16xf32>
    tpu.vector_store %arg8[%swap3A_103], %swap3A_106 {strides = array<i32>} : memref<640xf32, #tpu.memory_space<vmem>>, vector<16xf32>,
    %broadcast_in_dim3A_107 = arith.constant 0.000000e+00 : f32
    %broadcast_in_dim3A_108 = vector.broadcast %broadcast_in_dim3A_107 : f32 to vector<16xf32>
    %swap3A_109 = arith.constant 160 : index
    %swap3A_110 = tpu.vector_load %arg8[%swap3A_109] {strides = array<i32>} : memref<640xf32, #tpu.memory_space<vmem>>, vector<16xf32>,
    %swap3A_111 = vector.shape_cast %swap3A_110 : vector<16xf32> to vector<16xf32>
    %swap3A_112 = vector.shape_cast %broadcast_in_dim3A_108 : vector<16xf32> to vector<16xf32>
    tpu.vector_store %arg8[%swap3A_109], %swap3A_112 {strides = array<i32>} : memref<640xf32, #tpu.memory_space<vmem>>, vector<16xf32>,
    %broadcast_in_dim3A_113 = arith.constant 0.000000e+00 : f32
    %broadcast_in_dim3A_114 = vector.broadcast %broadcast_in_dim3A_113 : f32 to vector<16xf32>
    %swap3A_115 = arith.constant 176 : index
    %swap3A_116 = tpu.vector_load %arg8[%swap3A_115] {strides = array<i32>} : memref<640xf32, #tpu.memory_space<vmem>>, vector<16xf32>,
    %swap3A_117 = vector.shape_cast %swap3A_116 : vector<16xf32> to vector<16xf32>
    %swap3A_118 = vector.shape_cast %broadcast_in_dim3A_114 : vector<16xf32> to vector<16xf32>
    tpu.vector_store %arg8[%swap3A_115], %swap3A_118 {strides = array<i32>} : memref<640xf32, #tpu.memory_space<vmem>>, vector<16xf32>,
    %broadcast_in_dim3A_119 = arith.constant 0.000000e+00 : f32
    %broadcast_in_dim3A_120 = vector.broadcast %broadcast_in_dim3A_119 : f32 to vector<16xf32>
    %swap3A_121 = arith.constant 192 : index
    %swap3A_122 = tpu.vector_load %arg8[%swap3A_121] {strides = array<i32>} : memref<640xf32, #tpu.memory_space<vmem>>, vector<16xf32>,
    %swap3A_123 = vector.shape_cast %swap3A_122 : vector<16xf32> to vector<16xf32>
    %swap3A_124 = vector.shape_cast %broadcast_in_dim3A_120 : vector<16xf32> to vector<16xf32>
    tpu.vector_store %arg8[%swap3A_121], %swap3A_124 {strides = array<i32>} : memref<640xf32, #tpu.memory_space<vmem>>, vector<16xf32>,
    %broadcast_in_dim3A_125 = arith.constant 0.000000e+00 : f32
    %broadcast_in_dim3A_126 = vector.broadcast %broadcast_in_dim3A_125 : f32 to vector<16xf32>
    %swap3A_127 = arith.constant 208 : index
    %swap3A_128 = tpu.vector_load %arg8[%swap3A_127] {strides = array<i32>} : memref<640xf32, #tpu.memory_space<vmem>>, vector<16xf32>,
    %swap3A_129 = vector.shape_cast %swap3A_128 : vector<16xf32> to vector<16xf32>
    %swap3A_130 = vector.shape_cast %broadcast_in_dim3A_126 : vector<16xf32> to vector<16xf32>
    tpu.vector_store %arg8[%swap3A_127], %swap3A_130 {strides = array<i32>} : memref<640xf32, #tpu.memory_space<vmem>>, vector<16xf32>,
    %broadcast_in_dim3A_131 = arith.constant 0.000000e+00 : f32
    %broadcast_in_dim3A_132 = vector.broadcast %broadcast_in_dim3A_131 : f32 to vector<16xf32>
    %swap3A_133 = arith.constant 224 : index
    %swap3A_134 = tpu.vector_load %arg8[%swap3A_133] {strides = array<i32>} : memref<640xf32, #tpu.memory_space<vmem>>, vector<16xf32>,
    %swap3A_135 = vector.shape_cast %swap3A_134 : vector<16xf32> to vector<16xf32>
    %swap3A_136 = vector.shape_cast %broadcast_in_dim3A_132 : vector<16xf32> to vector<16xf32>
    tpu.vector_store %arg8[%swap3A_133], %swap3A_136 {strides = array<i32>} : memref<640xf32, #tpu.memory_space<vmem>>, vector<16xf32>,
    %broadcast_in_dim3A_137 = arith.constant 0.000000e+00 : f32
    %broadcast_in_dim3A_138 = vector.broadcast %broadcast_in_dim3A_137 : f32 to vector<16xf32>
    %swap3A_139 = arith.constant 240 : index
    %swap3A_140 = tpu.vector_load %arg8[%swap3A_139] {strides = array<i32>} : memref<640xf32, #tpu.memory_space<vmem>>, vector<16xf32>,
    %swap3A_141 = vector.shape_cast %swap3A_140 : vector<16xf32> to vector<16xf32>
    %swap3A_142 = vector.shape_cast %broadcast_in_dim3A_138 : vector<16xf32> to vector<16xf32>
    tpu.vector_store %arg8[%swap3A_139], %swap3A_142 {strides = array<i32>} : memref<640xf32, #tpu.memory_space<vmem>>, vector<16xf32>,
    %broadcast_in_dim3A_143 = arith.constant 0.000000e+00 : f32
    %broadcast_in_dim3A_144 = vector.broadcast %broadcast_in_dim3A_143 : f32 to vector<16xf32>
    %swap3A_145 = arith.constant 256 : index
    %swap3A_146 = tpu.vector_load %arg8[%swap3A_145] {strides = array<i32>} : memref<640xf32, #tpu.memory_space<vmem>>, vector<16xf32>,
    %swap3A_147 = vector.shape_cast %swap3A_146 : vector<16xf32> to vector<16xf32>
    %swap3A_148 = vector.shape_cast %broadcast_in_dim3A_144 : vector<16xf32> to vector<16xf32>
    tpu.vector_store %arg8[%swap3A_145], %swap3A_148 {strides = array<i32>} : memref<640xf32, #tpu.memory_space<vmem>>, vector<16xf32>,
    %broadcast_in_dim3A_149 = arith.constant 0.000000e+00 : f32
    %broadcast_in_dim3A_150 = vector.broadcast %broadcast_in_dim3A_149 : f32 to vector<16xf32>
    %swap3A_151 = arith.constant 272 : index
    %swap3A_152 = tpu.vector_load %arg8[%swap3A_151] {strides = array<i32>} : memref<640xf32, #tpu.memory_space<vmem>>, vector<16xf32>,
    %swap3A_153 = vector.shape_cast %swap3A_152 : vector<16xf32> to vector<16xf32>
    %swap3A_154 = vector.shape_cast %broadcast_in_dim3A_150 : vector<16xf32> to vector<16xf32>
    tpu.vector_store %arg8[%swap3A_151], %swap3A_154 {strides = array<i32>} : memref<640xf32, #tpu.memory_space<vmem>>, vector<16xf32>,
    %broadcast_in_dim3A_155 = arith.constant 0.000000e+00 : f32
    %broadcast_in_dim3A_156 = vector.broadcast %broadcast_in_dim3A_155 : f32 to vector<16xf32>
    %swap3A_157 = arith.constant 288 : index
    %swap3A_158 = tpu.vector_load %arg8[%swap3A_157] {strides = array<i32>} : memref<640xf32, #tpu.memory_space<vmem>>, vector<16xf32>,
    %swap3A_159 = vector.shape_cast %swap3A_158 : vector<16xf32> to vector<16xf32>
    %swap3A_160 = vector.shape_cast %broadcast_in_dim3A_156 : vector<16xf32> to vector<16xf32>
    tpu.vector_store %arg8[%swap3A_157], %swap3A_160 {strides = array<i32>} : memref<640xf32, #tpu.memory_space<vmem>>, vector<16xf32>,
    %broadcast_in_dim3A_161 = arith.constant 0.000000e+00 : f32
    %broadcast_in_dim3A_162 = vector.broadcast %broadcast_in_dim3A_161 : f32 to vector<16xf32>
    %swap3A_163 = arith.constant 304 : index
    %swap3A_164 = tpu.vector_load %arg8[%swap3A_163] {strides = array<i32>} : memref<640xf32, #tpu.memory_space<vmem>>, vector<16xf32>,
    %swap3A_165 = vector.shape_cast %swap3A_164 : vector<16xf32> to vector<16xf32>
    %swap3A_166 = vector.shape_cast %broadcast_in_dim3A_162 : vector<16xf32> to vector<16xf32>
    tpu.vector_store %arg8[%swap3A_163], %swap3A_166 {strides = array<i32>} : memref<640xf32, #tpu.memory_space<vmem>>, vector<16xf32>,
    %broadcast_in_dim3A_167 = arith.constant 0.000000e+00 : f32
    %broadcast_in_dim3A_168 = vector.broadcast %broadcast_in_dim3A_167 : f32 to vector<16xf32>
    %swap3A_169 = arith.constant 320 : index
    %swap3A_170 = tpu.vector_load %arg8[%swap3A_169] {strides = array<i32>} : memref<640xf32, #tpu.memory_space<vmem>>, vector<16xf32>,
    %swap3A_171 = vector.shape_cast %swap3A_170 : vector<16xf32> to vector<16xf32>
    %swap3A_172 = vector.shape_cast %broadcast_in_dim3A_168 : vector<16xf32> to vector<16xf32>
    tpu.vector_store %arg8[%swap3A_169], %swap3A_172 {strides = array<i32>} : memref<640xf32, #tpu.memory_space<vmem>>, vector<16xf32>,
    %broadcast_in_dim3A_173 = arith.constant 0.000000e+00 : f32
    %broadcast_in_dim3A_174 = vector.broadcast %broadcast_in_dim3A_173 : f32 to vector<16xf32>
    %swap3A_175 = arith.constant 336 : index
    %swap3A_176 = tpu.vector_load %arg8[%swap3A_175] {strides = array<i32>} : memref<640xf32, #tpu.memory_space<vmem>>, vector<16xf32>,
    %swap3A_177 = vector.shape_cast %swap3A_176 : vector<16xf32> to vector<16xf32>
    %swap3A_178 = vector.shape_cast %broadcast_in_dim3A_174 : vector<16xf32> to vector<16xf32>
    tpu.vector_store %arg8[%swap3A_175], %swap3A_178 {strides = array<i32>} : memref<640xf32, #tpu.memory_space<vmem>>, vector<16xf32>,
    %broadcast_in_dim3A_179 = arith.constant 0.000000e+00 : f32
    %broadcast_in_dim3A_180 = vector.broadcast %broadcast_in_dim3A_179 : f32 to vector<16xf32>
    %swap3A_181 = arith.constant 352 : index
    %swap3A_182 = tpu.vector_load %arg8[%swap3A_181] {strides = array<i32>} : memref<640xf32, #tpu.memory_space<vmem>>, vector<16xf32>,
    %swap3A_183 = vector.shape_cast %swap3A_182 : vector<16xf32> to vector<16xf32>
    %swap3A_184 = vector.shape_cast %broadcast_in_dim3A_180 : vector<16xf32> to vector<16xf32>
    tpu.vector_store %arg8[%swap3A_181], %swap3A_184 {strides = array<i32>} : memref<640xf32, #tpu.memory_space<vmem>>, vector<16xf32>,
    %broadcast_in_dim3A_185 = arith.constant 0.000000e+00 : f32
    %broadcast_in_dim3A_186 = vector.broadcast %broadcast_in_dim3A_185 : f32 to vector<16xf32>
    %swap3A_187 = arith.constant 368 : index
    %swap3A_188 = tpu.vector_load %arg8[%swap3A_187] {strides = array<i32>} : memref<640xf32, #tpu.memory_space<vmem>>, vector<16xf32>,
    %swap3A_189 = vector.shape_cast %swap3A_188 : vector<16xf32> to vector<16xf32>
    %swap3A_190 = vector.shape_cast %broadcast_in_dim3A_186 : vector<16xf32> to vector<16xf32>
    tpu.vector_store %arg8[%swap3A_187], %swap3A_190 {strides = array<i32>} : memref<640xf32, #tpu.memory_space<vmem>>, vector<16xf32>,
    %broadcast_in_dim3A_191 = arith.constant 0.000000e+00 : f32
    %broadcast_in_dim3A_192 = vector.broadcast %broadcast_in_dim3A_191 : f32 to vector<16xf32>
    %swap3A_193 = arith.constant 384 : index
    %swap3A_194 = tpu.vector_load %arg8[%swap3A_193] {strides = array<i32>} : memref<640xf32, #tpu.memory_space<vmem>>, vector<16xf32>,
    %swap3A_195 = vector.shape_cast %swap3A_194 : vector<16xf32> to vector<16xf32>
    %swap3A_196 = vector.shape_cast %broadcast_in_dim3A_192 : vector<16xf32> to vector<16xf32>
    tpu.vector_store %arg8[%swap3A_193], %swap3A_196 {strides = array<i32>} : memref<640xf32, #tpu.memory_space<vmem>>, vector<16xf32>,
    %broadcast_in_dim3A_197 = arith.constant 0.000000e+00 : f32
    %broadcast_in_dim3A_198 = vector.broadcast %broadcast_in_dim3A_197 : f32 to vector<16xf32>
    %swap3A_199 = arith.constant 400 : index
    %swap3A_200 = tpu.vector_load %arg8[%swap3A_199] {strides = array<i32>} : memref<640xf32, #tpu.memory_space<vmem>>, vector<16xf32>,
    %swap3A_201 = vector.shape_cast %swap3A_200 : vector<16xf32> to vector<16xf32>
    %swap3A_202 = vector.shape_cast %broadcast_in_dim3A_198 : vector<16xf32> to vector<16xf32>
    tpu.vector_store %arg8[%swap3A_199], %swap3A_202 {strides = array<i32>} : memref<640xf32, #tpu.memory_space<vmem>>, vector<16xf32>,
    %broadcast_in_dim3A_203 = arith.constant 0.000000e+00 : f32
    %broadcast_in_dim3A_204 = vector.broadcast %broadcast_in_dim3A_203 : f32 to vector<16xf32>
    %swap3A_205 = arith.constant 416 : index
    %swap3A_206 = tpu.vector_load %arg8[%swap3A_205] {strides = array<i32>} : memref<640xf32, #tpu.memory_space<vmem>>, vector<16xf32>,
    %swap3A_207 = vector.shape_cast %swap3A_206 : vector<16xf32> to vector<16xf32>
    %swap3A_208 = vector.shape_cast %broadcast_in_dim3A_204 : vector<16xf32> to vector<16xf32>
    tpu.vector_store %arg8[%swap3A_205], %swap3A_208 {strides = array<i32>} : memref<640xf32, #tpu.memory_space<vmem>>, vector<16xf32>,
    %broadcast_in_dim3A_209 = arith.constant 0.000000e+00 : f32
    %broadcast_in_dim3A_210 = vector.broadcast %broadcast_in_dim3A_209 : f32 to vector<16xf32>
    %swap3A_211 = arith.constant 432 : index
    %swap3A_212 = tpu.vector_load %arg8[%swap3A_211] {strides = array<i32>} : memref<640xf32, #tpu.memory_space<vmem>>, vector<16xf32>,
    %swap3A_213 = vector.shape_cast %swap3A_212 : vector<16xf32> to vector<16xf32>
    %swap3A_214 = vector.shape_cast %broadcast_in_dim3A_210 : vector<16xf32> to vector<16xf32>
    tpu.vector_store %arg8[%swap3A_211], %swap3A_214 {strides = array<i32>} : memref<640xf32, #tpu.memory_space<vmem>>, vector<16xf32>,
    %broadcast_in_dim3A_215 = arith.constant 0.000000e+00 : f32
    %broadcast_in_dim3A_216 = vector.broadcast %broadcast_in_dim3A_215 : f32 to vector<16xf32>
    %swap3A_217 = arith.constant 448 : index
    %swap3A_218 = tpu.vector_load %arg8[%swap3A_217] {strides = array<i32>} : memref<640xf32, #tpu.memory_space<vmem>>, vector<16xf32>,
    %swap3A_219 = vector.shape_cast %swap3A_218 : vector<16xf32> to vector<16xf32>
    %swap3A_220 = vector.shape_cast %broadcast_in_dim3A_216 : vector<16xf32> to vector<16xf32>
    tpu.vector_store %arg8[%swap3A_217], %swap3A_220 {strides = array<i32>} : memref<640xf32, #tpu.memory_space<vmem>>, vector<16xf32>,
    %broadcast_in_dim3A_221 = arith.constant 0.000000e+00 : f32
    %broadcast_in_dim3A_222 = vector.broadcast %broadcast_in_dim3A_221 : f32 to vector<16xf32>
    %swap3A_223 = arith.constant 464 : index
    %swap3A_224 = tpu.vector_load %arg8[%swap3A_223] {strides = array<i32>} : memref<640xf32, #tpu.memory_space<vmem>>, vector<16xf32>,
    %swap3A_225 = vector.shape_cast %swap3A_224 : vector<16xf32> to vector<16xf32>
    %swap3A_226 = vector.shape_cast %broadcast_in_dim3A_222 : vector<16xf32> to vector<16xf32>
    tpu.vector_store %arg8[%swap3A_223], %swap3A_226 {strides = array<i32>} : memref<640xf32, #tpu.memory_space<vmem>>, vector<16xf32>,
    %broadcast_in_dim3A_227 = arith.constant 0.000000e+00 : f32
    %broadcast_in_dim3A_228 = vector.broadcast %broadcast_in_dim3A_227 : f32 to vector<16xf32>
    %swap3A_229 = arith.constant 480 : index
    %swap3A_230 = tpu.vector_load %arg8[%swap3A_229] {strides = array<i32>} : memref<640xf32, #tpu.memory_space<vmem>>, vector<16xf32>,
    %swap3A_231 = vector.shape_cast %swap3A_230 : vector<16xf32> to vector<16xf32>
    %swap3A_232 = vector.shape_cast %broadcast_in_dim3A_228 : vector<16xf32> to vector<16xf32>
    tpu.vector_store %arg8[%swap3A_229], %swap3A_232 {strides = array<i32>} : memref<640xf32, #tpu.memory_space<vmem>>, vector<16xf32>,
    %broadcast_in_dim3A_233 = arith.constant 0.000000e+00 : f32
    %broadcast_in_dim3A_234 = vector.broadcast %broadcast_in_dim3A_233 : f32 to vector<16xf32>
    %swap3A_235 = arith.constant 496 : index
    %swap3A_236 = tpu.vector_load %arg8[%swap3A_235] {strides = array<i32>} : memref<640xf32, #tpu.memory_space<vmem>>, vector<16xf32>,
    %swap3A_237 = vector.shape_cast %swap3A_236 : vector<16xf32> to vector<16xf32>
    %swap3A_238 = vector.shape_cast %broadcast_in_dim3A_234 : vector<16xf32> to vector<16xf32>
    tpu.vector_store %arg8[%swap3A_235], %swap3A_238 {strides = array<i32>} : memref<640xf32, #tpu.memory_space<vmem>>, vector<16xf32>,
    %broadcast_in_dim3A_239 = arith.constant 0.000000e+00 : f32
    %broadcast_in_dim3A_240 = vector.broadcast %broadcast_in_dim3A_239 : f32 to vector<16xf32>
    %swap3A_241 = arith.constant 512 : index
    %swap3A_242 = tpu.vector_load %arg8[%swap3A_241] {strides = array<i32>} : memref<640xf32, #tpu.memory_space<vmem>>, vector<16xf32>,
    %swap3A_243 = vector.shape_cast %swap3A_242 : vector<16xf32> to vector<16xf32>
    %swap3A_244 = vector.shape_cast %broadcast_in_dim3A_240 : vector<16xf32> to vector<16xf32>
    tpu.vector_store %arg8[%swap3A_241], %swap3A_244 {strides = array<i32>} : memref<640xf32, #tpu.memory_space<vmem>>, vector<16xf32>,
    %broadcast_in_dim3A_245 = arith.constant 0.000000e+00 : f32
    %broadcast_in_dim3A_246 = vector.broadcast %broadcast_in_dim3A_245 : f32 to vector<16xf32>
    %swap3A_247 = arith.constant 528 : index
    %swap3A_248 = tpu.vector_load %arg8[%swap3A_247] {strides = array<i32>} : memref<640xf32, #tpu.memory_space<vmem>>, vector<16xf32>,
    %swap3A_249 = vector.shape_cast %swap3A_248 : vector<16xf32> to vector<16xf32>
    %swap3A_250 = vector.shape_cast %broadcast_in_dim3A_246 : vector<16xf32> to vector<16xf32>
    tpu.vector_store %arg8[%swap3A_247], %swap3A_250 {strides = array<i32>} : memref<640xf32, #tpu.memory_space<vmem>>, vector<16xf32>,
    %broadcast_in_dim3A_251 = arith.constant 0.000000e+00 : f32
    %broadcast_in_dim3A_252 = vector.broadcast %broadcast_in_dim3A_251 : f32 to vector<16xf32>
    %swap3A_253 = arith.constant 544 : index
    %swap3A_254 = tpu.vector_load %arg8[%swap3A_253] {strides = array<i32>} : memref<640xf32, #tpu.memory_space<vmem>>, vector<16xf32>,
    %swap3A_255 = vector.shape_cast %swap3A_254 : vector<16xf32> to vector<16xf32>
    %swap3A_256 = vector.shape_cast %broadcast_in_dim3A_252 : vector<16xf32> to vector<16xf32>
    tpu.vector_store %arg8[%swap3A_253], %swap3A_256 {strides = array<i32>} : memref<640xf32, #tpu.memory_space<vmem>>, vector<16xf32>,
    %broadcast_in_dim3A_257 = arith.constant 0.000000e+00 : f32
    %broadcast_in_dim3A_258 = vector.broadcast %broadcast_in_dim3A_257 : f32 to vector<16xf32>
    %swap3A_259 = arith.constant 560 : index
    %swap3A_260 = tpu.vector_load %arg8[%swap3A_259] {strides = array<i32>} : memref<640xf32, #tpu.memory_space<vmem>>, vector<16xf32>,
    %swap3A_261 = vector.shape_cast %swap3A_260 : vector<16xf32> to vector<16xf32>
    %swap3A_262 = vector.shape_cast %broadcast_in_dim3A_258 : vector<16xf32> to vector<16xf32>
    tpu.vector_store %arg8[%swap3A_259], %swap3A_262 {strides = array<i32>} : memref<640xf32, #tpu.memory_space<vmem>>, vector<16xf32>,
    %broadcast_in_dim3A_263 = arith.constant 0.000000e+00 : f32
    %broadcast_in_dim3A_264 = vector.broadcast %broadcast_in_dim3A_263 : f32 to vector<16xf32>
    %swap3A_265 = arith.constant 576 : index
    %swap3A_266 = tpu.vector_load %arg8[%swap3A_265] {strides = array<i32>} : memref<640xf32, #tpu.memory_space<vmem>>, vector<16xf32>,
    %swap3A_267 = vector.shape_cast %swap3A_266 : vector<16xf32> to vector<16xf32>
    %swap3A_268 = vector.shape_cast %broadcast_in_dim3A_264 : vector<16xf32> to vector<16xf32>
    tpu.vector_store %arg8[%swap3A_265], %swap3A_268 {strides = array<i32>} : memref<640xf32, #tpu.memory_space<vmem>>, vector<16xf32>,
    %broadcast_in_dim3A_269 = arith.constant 0.000000e+00 : f32
    %broadcast_in_dim3A_270 = vector.broadcast %broadcast_in_dim3A_269 : f32 to vector<16xf32>
    %swap3A_271 = arith.constant 592 : index
    %swap3A_272 = tpu.vector_load %arg8[%swap3A_271] {strides = array<i32>} : memref<640xf32, #tpu.memory_space<vmem>>, vector<16xf32>,
    %swap3A_273 = vector.shape_cast %swap3A_272 : vector<16xf32> to vector<16xf32>
    %swap3A_274 = vector.shape_cast %broadcast_in_dim3A_270 : vector<16xf32> to vector<16xf32>
    tpu.vector_store %arg8[%swap3A_271], %swap3A_274 {strides = array<i32>} : memref<640xf32, #tpu.memory_space<vmem>>, vector<16xf32>,
    %broadcast_in_dim3A_275 = arith.constant 0.000000e+00 : f32
    %broadcast_in_dim3A_276 = vector.broadcast %broadcast_in_dim3A_275 : f32 to vector<16xf32>
    %swap3A_277 = arith.constant 608 : index
    %swap3A_278 = tpu.vector_load %arg8[%swap3A_277] {strides = array<i32>} : memref<640xf32, #tpu.memory_space<vmem>>, vector<16xf32>,
    %swap3A_279 = vector.shape_cast %swap3A_278 : vector<16xf32> to vector<16xf32>
    %swap3A_280 = vector.shape_cast %broadcast_in_dim3A_276 : vector<16xf32> to vector<16xf32>
    tpu.vector_store %arg8[%swap3A_277], %swap3A_280 {strides = array<i32>} : memref<640xf32, #tpu.memory_space<vmem>>, vector<16xf32>,
    %broadcast_in_dim3A_281 = arith.constant 0.000000e+00 : f32
    %broadcast_in_dim3A_282 = vector.broadcast %broadcast_in_dim3A_281 : f32 to vector<16xf32>
    %swap3A_283 = arith.constant 624 : index
    %swap3A_284 = tpu.vector_load %arg8[%swap3A_283] {strides = array<i32>} : memref<640xf32, #tpu.memory_space<vmem>>, vector<16xf32>,
    %swap3A_285 = vector.shape_cast %swap3A_284 : vector<16xf32> to vector<16xf32>
    %swap3A_286 = vector.shape_cast %broadcast_in_dim3A_282 : vector<16xf32> to vector<16xf32>
    tpu.vector_store %arg8[%swap3A_283], %swap3A_286 {strides = array<i32>} : memref<640xf32, #tpu.memory_space<vmem>>, vector<16xf32>,
    %mul3A_287 = arith.constant 640 : i32
    %mul3A_288 = arith.muli %arg1, %mul3A_287 : i32
    "tpu.region"() ({
      %run_scoped3A = tpu.sem_alloc : memref<!tpu.dma_semaphore, #tpu.memory_space<semaphore_mem>>
      %dma_start3A = tpu.memref_slice %arg9[%mul3A_288] : memref<10240xf32, #tpu.memory_space<vmem_shared>> -> memref<640xf32, #tpu.memory_space<vmem_shared>>
      %dma_start3A_312 = tpu.memref_slice %arg9[%mul3A_288] : memref<10240xf32, #tpu.memory_space<vmem_shared>> -> memref<640xf32, #tpu.memory_space<vmem_shared>>
      tpu.enqueue_dma source(%arg8 : memref<640xf32, #tpu.memory_space<vmem>>) target(%dma_start3A_312 : memref<640xf32, #tpu.memory_space<vmem_shared>>) target_semaphore(%run_scoped3A : memref<!tpu.dma_semaphore, #tpu.memory_space<semaphore_mem>>)
      %dma_wait3A = tpu.memref_slice %arg9[%mul3A_288] : memref<10240xf32, #tpu.memory_space<vmem_shared>> -> memref<640xf32, #tpu.memory_space<vmem_shared>>
      %dma_wait3A_313 = tpu.memref_slice %arg9[%mul3A_288] : memref<10240xf32, #tpu.memory_space<vmem_shared>> -> memref<640xf32, #tpu.memory_space<vmem_shared>>
      tpu.wait_dma2 semaphore(%run_scoped3A : memref<!tpu.dma_semaphore, #tpu.memory_space<semaphore_mem>>) src(%arg8 : memref<640xf32, #tpu.memory_space<vmem>>) dst(%dma_wait3A_313 : memref<640xf32, #tpu.memory_space<vmem_shared>>)
      tpu.yield
    }) : () -> ()
    %barrier3A = arith.constant 0 : index
    tpu.barrier barrier_id(%barrier3A)
    %lt3A = arith.constant 31 : i32
    %lt3A_289 = arith.cmpi slt, %add3A, %lt3A : i32
    %convert_element_type3A = arith.extui %lt3A_289 : i1 to i32
    %cond3A = arith.constant 0 : i32
    %cond3A_290 = arith.cmpi ne, %convert_element_type3A, %cond3A : i32
    scf.if %cond3A_290 {
      %mul3A_312 = arith.constant 80 : i32
      %mul3A_313 = arith.muli %add3A, %mul3A_312 : i32
      "tpu.region"() ({
        %run_scoped3A = tpu.sem_alloc : memref<!tpu.dma_semaphore, #tpu.memory_space<semaphore_mem>>
        %dma_start3A = arith.constant 0 : i32
        %dma_start3A_314 = tpu.memref_slice %arg2[%mul3A_313, %dma_start3A] : memref<2500x128xi32, #tpu.memory_space<hbm>> -> memref<80x128xi32, #tpu.memory_space<hbm>>
        %dma_start3A_315 = arith.constant 0 : i32
        %dma_start3A_316 = tpu.memref_slice %arg2[%mul3A_313, %dma_start3A_315] : memref<2500x128xi32, #tpu.memory_space<hbm>> -> memref<80x128xi32, #tpu.memory_space<hbm>>
        tpu.enqueue_dma source(%dma_start3A_316 : memref<80x128xi32, #tpu.memory_space<hbm>>) target(%arg6 : memref<80x128xi32, #tpu.memory_space<vmem>>) target_semaphore(%run_scoped3A : memref<!tpu.dma_semaphore, #tpu.memory_space<semaphore_mem>>)
        %dma_wait3A = arith.constant 0 : i32
        %dma_wait3A_317 = tpu.memref_slice %arg2[%mul3A_313, %dma_wait3A] : memref<2500x128xi32, #tpu.memory_space<hbm>> -> memref<80x128xi32, #tpu.memory_space<hbm>>
        %dma_wait3A_318 = arith.constant 0 : i32
        %dma_wait3A_319 = tpu.memref_slice %arg2[%mul3A_313, %dma_wait3A_318] : memref<2500x128xi32, #tpu.memory_space<hbm>> -> memref<80x128xi32, #tpu.memory_space<hbm>>
        tpu.wait_dma2 semaphore(%run_scoped3A : memref<!tpu.dma_semaphore, #tpu.memory_space<semaphore_mem>>) src(%dma_wait3A_319 : memref<80x128xi32, #tpu.memory_space<hbm>>) dst(%arg6 : memref<80x128xi32, #tpu.memory_space<vmem>>)
        tpu.yield
      }) : () -> ()
    } else {
    }
    %eq3A = arith.constant 31 : i32
    %eq3A_291 = arith.cmpi eq, %add3A, %eq3A : i32
    %convert_element_type3A_292 = arith.extui %eq3A_291 : i1 to i32
    %cond3A_293 = arith.constant 0 : i32
    %cond3A_294 = arith.cmpi ne, %convert_element_type3A_292, %cond3A_293 : i32
    scf.if %cond3A_294 {
      "tpu.region"() ({
        %run_scoped3A = tpu.sem_alloc : memref<!tpu.dma_semaphore, #tpu.memory_space<semaphore_mem>>
        %dma_start3A = arith.constant 0 : i32
        %dma_start3A_312 = arith.constant 0 : i32
        %dma_start3A_313 = tpu.memref_slice %arg6[%dma_start3A, %dma_start3A_312] : memref<80x128xi32, #tpu.memory_space<vmem>> -> memref<20x128xi32, #tpu.memory_space<vmem>>
        %dma_start3A_314 = arith.constant 2480 : i32
        %dma_start3A_315 = arith.constant 0 : i32
        %dma_start3A_316 = tpu.memref_slice %arg2[%dma_start3A_314, %dma_start3A_315] : memref<2500x128xi32, #tpu.memory_space<hbm>> -> memref<20x128xi32, #tpu.memory_space<hbm>>
        %dma_start3A_317 = arith.constant 0 : i32
        %dma_start3A_318 = arith.constant 0 : i32
        %dma_start3A_319 = tpu.memref_slice %arg6[%dma_start3A_317, %dma_start3A_318] : memref<80x128xi32, #tpu.memory_space<vmem>> -> memref<20x128xi32, #tpu.memory_space<vmem>>
        %dma_start3A_320 = arith.constant 2480 : i32
        %dma_start3A_321 = arith.constant 0 : i32
        %dma_start3A_322 = tpu.memref_slice %arg2[%dma_start3A_320, %dma_start3A_321] : memref<2500x128xi32, #tpu.memory_space<hbm>> -> memref<20x128xi32, #tpu.memory_space<hbm>>
        tpu.enqueue_dma source(%dma_start3A_322 : memref<20x128xi32, #tpu.memory_space<hbm>>) target(%dma_start3A_319 : memref<20x128xi32, #tpu.memory_space<vmem>>) target_semaphore(%run_scoped3A : memref<!tpu.dma_semaphore, #tpu.memory_space<semaphore_mem>>)
        %dma_wait3A = arith.constant 0 : i32
        %dma_wait3A_323 = arith.constant 0 : i32
        %dma_wait3A_324 = tpu.memref_slice %arg6[%dma_wait3A, %dma_wait3A_323] : memref<80x128xi32, #tpu.memory_space<vmem>> -> memref<20x128xi32, #tpu.memory_space<vmem>>
        %dma_wait3A_325 = arith.constant 2480 : i32
        %dma_wait3A_326 = arith.constant 0 : i32
        %dma_wait3A_327 = tpu.memref_slice %arg2[%dma_wait3A_325, %dma_wait3A_326] : memref<2500x128xi32, #tpu.memory_space<hbm>> -> memref<20x128xi32, #tpu.memory_space<hbm>>
        %dma_wait3A_328 = arith.constant 0 : i32
        %dma_wait3A_329 = arith.constant 0 : i32
        %dma_wait3A_330 = tpu.memref_slice %arg6[%dma_wait3A_328, %dma_wait3A_329] : memref<80x128xi32, #tpu.memory_space<vmem>> -> memref<20x128xi32, #tpu.memory_space<vmem>>
        %dma_wait3A_331 = arith.constant 2480 : i32
        %dma_wait3A_332 = arith.constant 0 : i32
        %dma_wait3A_333 = tpu.memref_slice %arg2[%dma_wait3A_331, %dma_wait3A_332] : memref<2500x128xi32, #tpu.memory_space<hbm>> -> memref<20x128xi32, #tpu.memory_space<hbm>>
        tpu.wait_dma2 semaphore(%run_scoped3A : memref<!tpu.dma_semaphore, #tpu.memory_space<semaphore_mem>>) src(%dma_wait3A_333 : memref<20x128xi32, #tpu.memory_space<hbm>>) dst(%dma_wait3A_330 : memref<20x128xi32, #tpu.memory_space<vmem>>)
        tpu.yield
      }) : () -> ()
      "tpu.region"() ({
        %run_scoped3A = tpu.sem_alloc : memref<!tpu.dma_semaphore, #tpu.memory_space<semaphore_mem>>
        %dma_start3A = arith.constant 20 : i32
        %dma_start3A_312 = arith.constant 0 : i32
        %dma_start3A_313 = tpu.memref_slice %arg6[%dma_start3A, %dma_start3A_312] : memref<80x128xi32, #tpu.memory_space<vmem>> -> memref<60x128xi32, #tpu.memory_space<vmem>>
        %dma_start3A_314 = arith.constant 20 : i32
        %dma_start3A_315 = arith.constant 0 : i32
        %dma_start3A_316 = tpu.memref_slice %arg6[%dma_start3A_314, %dma_start3A_315] : memref<80x128xi32, #tpu.memory_space<vmem>> -> memref<60x128xi32, #tpu.memory_space<vmem>>
        tpu.enqueue_dma source(%arg3 : memref<60x128xi32, #tpu.memory_space<hbm>>) target(%dma_start3A_316 : memref<60x128xi32, #tpu.memory_space<vmem>>) target_semaphore(%run_scoped3A : memref<!tpu.dma_semaphore, #tpu.memory_space<semaphore_mem>>)
        %dma_wait3A = arith.constant 20 : i32
        %dma_wait3A_317 = arith.constant 0 : i32
        %dma_wait3A_318 = tpu.memref_slice %arg6[%dma_wait3A, %dma_wait3A_317] : memref<80x128xi32, #tpu.memory_space<vmem>> -> memref<60x128xi32, #tpu.memory_space<vmem>>
        %dma_wait3A_319 = arith.constant 20 : i32
        %dma_wait3A_320 = arith.constant 0 : i32
        %dma_wait3A_321 = tpu.memref_slice %arg6[%dma_wait3A_319, %dma_wait3A_320] : memref<80x128xi32, #tpu.memory_space<vmem>> -> memref<60x128xi32, #tpu.memory_space<vmem>>
        tpu.wait_dma2 semaphore(%run_scoped3A : memref<!tpu.dma_semaphore, #tpu.memory_space<semaphore_mem>>) src(%arg3 : memref<60x128xi32, #tpu.memory_space<hbm>>) dst(%dma_wait3A_321 : memref<60x128xi32, #tpu.memory_space<vmem>>)
        tpu.yield
      }) : () -> ()
    } else {
    }
    %scan3A = arith.constant 0 : i32
    %scan3A_295 = arith.constant 80 : i32
    %scan3A_296 = arith.addi %scan3A, %scan3A_295 : i32
    %scan3A_297 = arith.constant 1 : i32
    scf.for %scan3A_312 = %scan3A to %scan3A_296 step %scan3A_297  : i32 {
      %mul3A_313 = arith.constant 1 : i32
      %mul3A_314 = arith.muli %scan3A_312, %mul3A_313 : i32
      %add3A_315 = arith.constant 0 : i32
      %add3A_316 = arith.addi %add3A_315, %mul3A_314 : i32
      "tpu.region"() ({
        %run_scoped3A = tpu.sem_alloc : memref<!tpu.dma_semaphore, #tpu.memory_space<semaphore_mem>>
        %dma_start3A = arith.constant 0 : i32
        %dma_start3A_317 = tpu.memref_slice %arg6[%add3A_316, %dma_start3A] : memref<80x128xi32, #tpu.memory_space<vmem>> -> memref<1x128xi32, #tpu.memory_space<vmem>>
        %dma_start3A_318 = tpu.memref_squeeze %dma_start3A_317 : memref<1x128xi32, #tpu.memory_space<vmem>> -> memref<128xi32, #tpu.memory_space<vmem>>
        %dma_start3A_319 = arith.constant 0 : i32
        %dma_start3A_320 = tpu.memref_slice %arg9[%dma_start3A_319] : memref<10240xf32, #tpu.memory_space<vmem_shared>> -> memref<10240xf32, #tpu.memory_space<vmem_shared>>
        tpu.enqueue_indirect_dma source(%arg7 : memref<128xf32, #tpu.memory_space<vmem>>) target(%dma_start3A_320 : memref<10240xf32, #tpu.memory_space<vmem_shared>>) offsets(%dma_start3A_318 : memref<128xi32, #tpu.memory_space<vmem>>) semaphore(%run_scoped3A : memref<!tpu.dma_semaphore, #tpu.memory_space<semaphore_mem>>) {add = true}
        %dma_wait3A = arith.constant 0 : i32
        %dma_wait3A_321 = tpu.memref_slice %arg6[%add3A_316, %dma_wait3A] : memref<80x128xi32, #tpu.memory_space<vmem>> -> memref<1x128xi32, #tpu.memory_space<vmem>>
        %dma_wait3A_322 = tpu.memref_squeeze %dma_wait3A_321 : memref<1x128xi32, #tpu.memory_space<vmem>> -> memref<128xi32, #tpu.memory_space<vmem>>
        %dma_wait3A_323 = arith.constant 0 : i32
        %dma_wait3A_324 = tpu.memref_slice %arg9[%dma_wait3A_323] : memref<10240xf32, #tpu.memory_space<vmem_shared>> -> memref<10240xf32, #tpu.memory_space<vmem_shared>>
        tpu.wait_indirect_dma semaphore(%run_scoped3A : memref<!tpu.dma_semaphore, #tpu.memory_space<semaphore_mem>>) src(%arg7 : memref<128xf32, #tpu.memory_space<vmem>>) dst(%dma_wait3A_324 : memref<10240xf32, #tpu.memory_space<vmem_shared>>)
        tpu.yield
      }) : () -> ()
    }
    %scan3A_298 = arith.constant 80 : i32
    %barrier3A_299 = arith.constant 0 : index
    tpu.barrier barrier_id(%barrier3A_299)
    %mul3A_300 = arith.constant 640 : i32
    %mul3A_301 = arith.muli %arg1, %mul3A_300 : i32
    %eq3A_302 = arith.constant 0 : i32
    %eq3A_303 = arith.cmpi eq, %arg0, %eq3A_302 : i32
    %convert_element_type3A_304 = arith.extui %eq3A_303 : i1 to i32
    %cond3A_305 = arith.constant 0 : i32
    %cond3A_306 = arith.cmpi ne, %convert_element_type3A_304, %cond3A_305 : i32
    scf.if %cond3A_306 {
      "tpu.region"() ({
        %run_scoped3A = tpu.sem_alloc : memref<!tpu.dma_semaphore, #tpu.memory_space<semaphore_mem>>
        %dma_start3A = tpu.memref_slice %arg4[%mul3A_301] : memref<10240xf32, #tpu.memory_space<hbm>> -> memref<640xf32, #tpu.memory_space<hbm>>
        %dma_start3A_312 = tpu.memref_slice %arg9[%mul3A_301] : memref<10240xf32, #tpu.memory_space<vmem_shared>> -> memref<640xf32, #tpu.memory_space<vmem_shared>>
        tpu.enqueue_dma source(%dma_start3A_312 : memref<640xf32, #tpu.memory_space<vmem_shared>>) target(%dma_start3A : memref<640xf32, #tpu.memory_space<hbm>>) target_semaphore(%run_scoped3A : memref<!tpu.dma_semaphore, #tpu.memory_space<semaphore_mem>>)
        %dma_wait3A = tpu.memref_slice %arg4[%mul3A_301] : memref<10240xf32, #tpu.memory_space<hbm>> -> memref<640xf32, #tpu.memory_space<hbm>>
        %dma_wait3A_313 = tpu.memref_slice %arg9[%mul3A_301] : memref<10240xf32, #tpu.memory_space<vmem_shared>> -> memref<640xf32, #tpu.memory_space<vmem_shared>>
        tpu.wait_dma2 semaphore(%run_scoped3A : memref<!tpu.dma_semaphore, #tpu.memory_space<semaphore_mem>>) src(%dma_wait3A_313 : memref<640xf32, #tpu.memory_space<vmem_shared>>) dst(%dma_wait3A : memref<640xf32, #tpu.memory_space<hbm>>)
        tpu.yield
      }) : () -> ()
    } else {
    }
    %eq3A_307 = arith.constant 1 : i32
    %eq3A_308 = arith.cmpi eq, %arg0, %eq3A_307 : i32
    %convert_element_type3A_309 = arith.extui %eq3A_308 : i1 to i32
    %cond3A_310 = arith.constant 0 : i32
    %cond3A_311 = arith.cmpi ne, %convert_element_type3A_309, %cond3A_310 : i32
    scf.if %cond3A_311 {
      "tpu.region"() ({
        %run_scoped3A = tpu.sem_alloc : memref<!tpu.dma_semaphore, #tpu.memory_space<semaphore_mem>>
        %dma_start3A = tpu.memref_slice %arg5[%mul3A_301] : memref<10240xf32, #tpu.memory_space<hbm>> -> memref<640xf32, #tpu.memory_space<hbm>>
        %dma_start3A_312 = tpu.memref_slice %arg9[%mul3A_301] : memref<10240xf32, #tpu.memory_space<vmem_shared>> -> memref<640xf32, #tpu.memory_space<vmem_shared>>
        tpu.enqueue_dma source(%dma_start3A_312 : memref<640xf32, #tpu.memory_space<vmem_shared>>) target(%dma_start3A : memref<640xf32, #tpu.memory_space<hbm>>) target_semaphore(%run_scoped3A : memref<!tpu.dma_semaphore, #tpu.memory_space<semaphore_mem>>)
        %dma_wait3A = tpu.memref_slice %arg5[%mul3A_301] : memref<10240xf32, #tpu.memory_space<hbm>> -> memref<640xf32, #tpu.memory_space<hbm>>
        %dma_wait3A_313 = tpu.memref_slice %arg9[%mul3A_301] : memref<10240xf32, #tpu.memory_space<vmem_shared>> -> memref<640xf32, #tpu.memory_space<vmem_shared>>
        tpu.wait_dma2 semaphore(%run_scoped3A : memref<!tpu.dma_semaphore, #tpu.memory_space<semaphore_mem>>) src(%dma_wait3A_313 : memref<640xf32, #tpu.memory_space<vmem_shared>>) dst(%dma_wait3A : memref<640xf32, #tpu.memory_space<hbm>>)
        tpu.yield
      }) : () -> ()
    } else {
    }
    return
  }
}

module attributes {stable_mosaic.version = 14 : i64} {
  func.func @_mm_scale_body(%arg0: i32, %arg1: memref<1024x128xf32, #tpu.memory_space<vmem>>, %arg2: memref<128x128xf32, #tpu.memory_space<vmem>>, %arg3: memref<2x1024xf32, #tpu.memory_space<vmem>>, %arg4: memref<1024x128xf32, #tpu.memory_space<vmem>>) attributes {dimension_semantics = [#tpu.dimension_semantics<arbitrary>], iteration_bounds = array<i64: 10>, scalar_prefetch = 0 : i64, scratch_operands = 0 : i64, tpu.core_type = #tpu.core_type<tc>, window_params = [{transform_indices = @transform_0, window_bounds = array<i64: 1024, 128>}, {pipeline_mode = #tpu.pipeline_mode<synchronous>, transform_indices = @transform_1, window_bounds = array<i64: 128, 128>}, {transform_indices = @transform_2, window_bounds = array<i64: 2, 1024>}, {transform_indices = @transform_3, window_bounds = array<i64: 1024, 128>}]} {
    %get3A = arith.constant 0 : index
    %get3A_0 = arith.constant 0 : index
    %get3A_1 = vector.load %arg3[%get3A, %get3A_0] : memref<2x1024xf32, #tpu.memory_space<vmem>>, vector<1x1024xf32>
    %get3A_2 = vector.shape_cast %get3A_1 : vector<1x1024xf32> to vector<1024xf32>
    %get3A_3 = arith.constant 1 : index
    %get3A_4 = arith.constant 0 : index
    %get3A_5 = vector.load %arg3[%get3A_3, %get3A_4] : memref<2x1024xf32, #tpu.memory_space<vmem>>, vector<1x1024xf32>
    %get3A_6 = vector.shape_cast %get3A_5 : vector<1x1024xf32> to vector<1024xf32>
    %add3A = arith.addf %get3A_2, %get3A_6 : vector<1024xf32>
    %add3A_7 = arith.constant 1.000000e+00 : f32
    %add3A_8 = vector.broadcast %add3A_7 : f32 to vector<1024xf32>
    %add3A_9 = arith.addf %add3A, %add3A_8 : vector<1024xf32>
    %rsqrt3A = math.rsqrt %add3A_9 : vector<1024xf32>
    %get3A_10 = arith.constant 0 : index
    %get3A_11 = arith.constant 0 : index
    %get3A_12 = vector.load %arg1[%get3A_10, %get3A_11] : memref<1024x128xf32, #tpu.memory_space<vmem>>, vector<1024x128xf32>
    %get3A_13 = arith.constant 0 : index
    %get3A_14 = arith.constant 0 : index
    %get3A_15 = vector.load %arg2[%get3A_13, %get3A_14] : memref<128x128xf32, #tpu.memory_space<vmem>>, vector<128x128xf32>
    %dot_general3A = arith.constant dense<0.000000e+00> : vector<1024x128xf32>
    %dot_general3A_16 = tpu.matmul %get3A_12, %get3A_15, %dot_general3A {dimension_numbers = #tpu.dot_dimension_numbers<[1], [0], [0], [1], [0, 0, 1, 1], [], []>, transpose_lhs_hint = false} : vector<1024x128xf32>, vector<128x128xf32>, vector<1024x128xf32> -> vector<1024x128xf32>
    %broadcast_in_dim3A = vector.shape_cast %rsqrt3A : vector<1024xf32> to vector<1024x1xf32>
    %mul3A = vector.broadcast %broadcast_in_dim3A : vector<1024x1xf32> to vector<1024x128xf32>
    %mul3A_17 = arith.mulf %dot_general3A_16, %mul3A : vector<1024x128xf32>
    %swap3A = arith.constant 0 : index
    %swap3A_18 = arith.constant 0 : index
    %swap3A_19 = vector.load %arg4[%swap3A, %swap3A_18] : memref<1024x128xf32, #tpu.memory_space<vmem>>, vector<1024x128xf32>
    tpu.vector_store %arg4[%swap3A, %swap3A_18], %mul3A_17 {strides = array<i32>} : memref<1024x128xf32, #tpu.memory_space<vmem>>, vector<1024x128xf32>,
    return
  }
  func.func @transform_0(%arg0: i32) -> (i32, i32) {
    %c0_i32 = arith.constant 0 : i32
    %c0_i32_0 = arith.constant 0 : i32
    return %arg0, %c0_i32 : i32, i32
  }
  func.func @transform_1(%arg0: i32) -> (i32, i32) {
    %c0_i32 = arith.constant 0 : i32
    %c0_i32_0 = arith.constant 0 : i32
    %c0_i32_1 = arith.constant 0 : i32
    return %c0_i32, %c0_i32_0 : i32, i32
  }
  func.func @transform_2(%arg0: i32) -> (i32, i32) {
    %c0_i32 = arith.constant 0 : i32
    %c0_i32_0 = arith.constant 0 : i32
    return %c0_i32, %arg0 : i32, i32
  }
  func.func @transform_3(%arg0: i32) -> (i32, i32) {
    %c0_i32 = arith.constant 0 : i32
    %c0_i32_0 = arith.constant 0 : i32
    return %arg0, %c0_i32 : i32, i32
  }
}

module attributes {stable_mosaic.version = 14 : i64} {
  func.func @_mid_body(%arg0: i32, %arg1: memref<1024x128xf32, #tpu.memory_space<vmem>>, %arg2: memref<1024x128xf32, #tpu.memory_space<vmem>>, %arg3: memref<1024x128xf32, #tpu.memory_space<vmem>>, %arg4: memref<2x1024xf32, #tpu.memory_space<vmem>>, %arg5: memref<1x128xf32, #tpu.memory_space<vmem>>, %arg6: memref<128x16xf32, #tpu.memory_space<vmem>>, %arg7: memref<1024x16xf32, #tpu.memory_space<vmem>>) attributes {dimension_semantics = [#tpu.dimension_semantics<arbitrary>], iteration_bounds = array<i64: 10>, scalar_prefetch = 0 : i64, scratch_operands = 0 : i64, tpu.core_type = #tpu.core_type<tc>, window_params = [{transform_indices = @transform_0, window_bounds = array<i64: 1024, 128>}, {transform_indices = @transform_1, window_bounds = array<i64: 1024, 128>}, {transform_indices = @transform_2, window_bounds = array<i64: 1024, 128>}, {transform_indices = @transform_3, window_bounds = array<i64: 2, 1024>}, {pipeline_mode = #tpu.pipeline_mode<synchronous>, transform_indices = @transform_4, window_bounds = array<i64: 1, 128>}, {pipeline_mode = #tpu.pipeline_mode<synchronous>, transform_indices = @transform_5, window_bounds = array<i64: 128, 16>}, {transform_indices = @transform_6, window_bounds = array<i64: 1024, 16>}]} {
    %get3A = arith.constant 0 : index
    %get3A_0 = arith.constant 0 : index
    %get3A_1 = vector.load %arg4[%get3A, %get3A_0] : memref<2x1024xf32, #tpu.memory_space<vmem>>, vector<1x1024xf32>
    %get3A_2 = vector.shape_cast %get3A_1 : vector<1x1024xf32> to vector<1024xf32>
    %get3A_3 = arith.constant 1 : index
    %get3A_4 = arith.constant 0 : index
    %get3A_5 = vector.load %arg4[%get3A_3, %get3A_4] : memref<2x1024xf32, #tpu.memory_space<vmem>>, vector<1x1024xf32>
    %get3A_6 = vector.shape_cast %get3A_5 : vector<1x1024xf32> to vector<1024xf32>
    %add3A = arith.addf %get3A_2, %get3A_6 : vector<1024xf32>
    %add3A_7 = arith.constant 1.000000e+00 : f32
    %add3A_8 = vector.broadcast %add3A_7 : f32 to vector<1024xf32>
    %add3A_9 = arith.addf %add3A, %add3A_8 : vector<1024xf32>
    %rsqrt3A = math.rsqrt %add3A_9 : vector<1024xf32>
    %get3A_10 = arith.constant 0 : index
    %get3A_11 = arith.constant 0 : index
    %get3A_12 = vector.load %arg1[%get3A_10, %get3A_11] : memref<1024x128xf32, #tpu.memory_space<vmem>>, vector<1024x128xf32>
    %get3A_13 = arith.constant 0 : index
    %get3A_14 = arith.constant 0 : index
    %get3A_15 = vector.load %arg2[%get3A_13, %get3A_14] : memref<1024x128xf32, #tpu.memory_space<vmem>>, vector<1024x128xf32>
    %add3A_16 = arith.addf %get3A_12, %get3A_15 : vector<1024x128xf32>
    %get3A_17 = arith.constant 0 : index
    %get3A_18 = arith.constant 0 : index
    %get3A_19 = vector.load %arg3[%get3A_17, %get3A_18] : memref<1024x128xf32, #tpu.memory_space<vmem>>, vector<1024x128xf32>
    %add3A_20 = arith.addf %add3A_16, %get3A_19 : vector<1024x128xf32>
    %broadcast_in_dim3A = vector.shape_cast %rsqrt3A : vector<1024xf32> to vector<1024x1xf32>
    %mul3A = vector.broadcast %broadcast_in_dim3A : vector<1024x1xf32> to vector<1024x128xf32>
    %mul3A_21 = arith.mulf %add3A_20, %mul3A : vector<1024x128xf32>
    %get3A_22 = arith.constant 0 : index
    %get3A_23 = arith.constant 0 : index
    %get3A_24 = vector.load %arg5[%get3A_22, %get3A_23] : memref<1x128xf32, #tpu.memory_space<vmem>>, vector<1x128xf32>
    %add3A_25 = vector.broadcast %get3A_24 : vector<1x128xf32> to vector<1024x128xf32>
    %add3A_26 = arith.addf %mul3A_21, %add3A_25 : vector<1024x128xf32>
    %max3A = arith.constant 0.000000e+00 : f32
    %max3A_27 = vector.broadcast %max3A : f32 to vector<1024x128xf32>
    %max3A_28 = arith.maximumf %add3A_26, %max3A_27 : vector<1024x128xf32>
    %get3A_29 = arith.constant 0 : index
    %get3A_30 = arith.constant 0 : index
    %get3A_31 = vector.load %arg6[%get3A_29, %get3A_30] : memref<128x16xf32, #tpu.memory_space<vmem>>, vector<128x16xf32>
    %dot_general3A = arith.constant dense<0.000000e+00> : vector<1024x16xf32>
    %dot_general3A_32 = tpu.matmul %max3A_28, %get3A_31, %dot_general3A {dimension_numbers = #tpu.dot_dimension_numbers<[1], [0], [0], [1], [0, 0, 1, 1], [], []>, transpose_lhs_hint = false} : vector<1024x128xf32>, vector<128x16xf32>, vector<1024x16xf32> -> vector<1024x16xf32>
    %broadcast_in_dim3A_33 = vector.shape_cast %rsqrt3A : vector<1024xf32> to vector<1024x1xf32>
    %mul3A_34 = vector.broadcast %broadcast_in_dim3A_33 : vector<1024x1xf32> to vector<1024x16xf32>
    %mul3A_35 = arith.mulf %dot_general3A_32, %mul3A_34 : vector<1024x16xf32>
    %swap3A = arith.constant 0 : index
    %swap3A_36 = arith.constant 0 : index
    %swap3A_37 = vector.load %arg7[%swap3A, %swap3A_36] : memref<1024x16xf32, #tpu.memory_space<vmem>>, vector<1024x16xf32>
    tpu.vector_store %arg7[%swap3A, %swap3A_36], %mul3A_35 {strides = array<i32>} : memref<1024x16xf32, #tpu.memory_space<vmem>>, vector<1024x16xf32>,
    return
  }
  func.func @transform_0(%arg0: i32) -> (i32, i32) {
    %c0_i32 = arith.constant 0 : i32
    %c0_i32_0 = arith.constant 0 : i32
    return %arg0, %c0_i32 : i32, i32
  }
  func.func @transform_1(%arg0: i32) -> (i32, i32) {
    %c0_i32 = arith.constant 0 : i32
    %c0_i32_0 = arith.constant 0 : i32
    return %arg0, %c0_i32 : i32, i32
  }
  func.func @transform_2(%arg0: i32) -> (i32, i32) {
    %c0_i32 = arith.constant 0 : i32
    %c0_i32_0 = arith.constant 0 : i32
    return %arg0, %c0_i32 : i32, i32
  }
  func.func @transform_3(%arg0: i32) -> (i32, i32) {
    %c0_i32 = arith.constant 0 : i32
    %c0_i32_0 = arith.constant 0 : i32
    return %c0_i32, %arg0 : i32, i32
  }
  func.func @transform_4(%arg0: i32) -> (i32, i32) {
    %c0_i32 = arith.constant 0 : i32
    %c0_i32_0 = arith.constant 0 : i32
    %c0_i32_1 = arith.constant 0 : i32
    return %c0_i32, %c0_i32_0 : i32, i32
  }
  func.func @transform_5(%arg0: i32) -> (i32, i32) {
    %c0_i32 = arith.constant 0 : i32
    %c0_i32_0 = arith.constant 0 : i32
    %c0_i32_1 = arith.constant 0 : i32
    return %c0_i32, %c0_i32_0 : i32, i32
  }
  func.func @transform_6(%arg0: i32) -> (i32, i32) {
    %c0_i32 = arith.constant 0 : i32
    %c0_i32_0 = arith.constant 0 : i32
    return %arg0, %c0_i32 : i32, i32
  }
}

module attributes {stable_mosaic.version = 14 : i64} {
  func.func @_final_body(%arg0: i32, %arg1: memref<2560x16xf32, #tpu.memory_space<vmem>>, %arg2: memref<2560x16xf32, #tpu.memory_space<vmem>>, %arg3: memref<2560x16xf32, #tpu.memory_space<vmem>>, %arg4: memref<2x2560xf32, #tpu.memory_space<vmem>>, %arg5: memref<1x16xf32, #tpu.memory_space<vmem>>, %arg6: memref<2560x16xf32, #tpu.memory_space<vmem>>) attributes {dimension_semantics = [#tpu.dimension_semantics<arbitrary>], iteration_bounds = array<i64: 4>, scalar_prefetch = 0 : i64, scratch_operands = 0 : i64, tpu.core_type = #tpu.core_type<tc>, window_params = [{transform_indices = @transform_0, window_bounds = array<i64: 2560, 16>}, {transform_indices = @transform_1, window_bounds = array<i64: 2560, 16>}, {transform_indices = @transform_2, window_bounds = array<i64: 2560, 16>}, {transform_indices = @transform_3, window_bounds = array<i64: 2, 2560>}, {pipeline_mode = #tpu.pipeline_mode<synchronous>, transform_indices = @transform_4, window_bounds = array<i64: 1, 16>}, {transform_indices = @transform_5, window_bounds = array<i64: 2560, 16>}]} {
    %get3A = arith.constant 0 : index
    %get3A_0 = arith.constant 0 : index
    %get3A_1 = vector.load %arg4[%get3A, %get3A_0] : memref<2x2560xf32, #tpu.memory_space<vmem>>, vector<1x2560xf32>
    %get3A_2 = vector.shape_cast %get3A_1 : vector<1x2560xf32> to vector<2560xf32>
    %get3A_3 = arith.constant 1 : index
    %get3A_4 = arith.constant 0 : index
    %get3A_5 = vector.load %arg4[%get3A_3, %get3A_4] : memref<2x2560xf32, #tpu.memory_space<vmem>>, vector<1x2560xf32>
    %get3A_6 = vector.shape_cast %get3A_5 : vector<1x2560xf32> to vector<2560xf32>
    %add3A = arith.addf %get3A_2, %get3A_6 : vector<2560xf32>
    %add3A_7 = arith.constant 1.000000e+00 : f32
    %add3A_8 = vector.broadcast %add3A_7 : f32 to vector<2560xf32>
    %add3A_9 = arith.addf %add3A, %add3A_8 : vector<2560xf32>
    %rsqrt3A = math.rsqrt %add3A_9 : vector<2560xf32>
    %get3A_10 = arith.constant 0 : index
    %get3A_11 = arith.constant 0 : index
    %get3A_12 = vector.load %arg1[%get3A_10, %get3A_11] : memref<2560x16xf32, #tpu.memory_space<vmem>>, vector<2560x16xf32>
    %get3A_13 = arith.constant 0 : index
    %get3A_14 = arith.constant 0 : index
    %get3A_15 = vector.load %arg2[%get3A_13, %get3A_14] : memref<2560x16xf32, #tpu.memory_space<vmem>>, vector<2560x16xf32>
    %add3A_16 = arith.addf %get3A_12, %get3A_15 : vector<2560x16xf32>
    %get3A_17 = arith.constant 0 : index
    %get3A_18 = arith.constant 0 : index
    %get3A_19 = vector.load %arg3[%get3A_17, %get3A_18] : memref<2560x16xf32, #tpu.memory_space<vmem>>, vector<2560x16xf32>
    %add3A_20 = arith.addf %add3A_16, %get3A_19 : vector<2560x16xf32>
    %broadcast_in_dim3A = vector.shape_cast %rsqrt3A : vector<2560xf32> to vector<2560x1xf32>
    %mul3A = vector.broadcast %broadcast_in_dim3A : vector<2560x1xf32> to vector<2560x16xf32>
    %mul3A_21 = arith.mulf %add3A_20, %mul3A : vector<2560x16xf32>
    %get3A_22 = arith.constant 0 : index
    %get3A_23 = arith.constant 0 : index
    %get3A_24 = vector.load %arg5[%get3A_22, %get3A_23] : memref<1x16xf32, #tpu.memory_space<vmem>>, vector<1x16xf32>
    %add3A_25 = vector.broadcast %get3A_24 : vector<1x16xf32> to vector<2560x16xf32>
    %add3A_26 = arith.addf %mul3A_21, %add3A_25 : vector<2560x16xf32>
    %swap3A = arith.constant 0 : index
    %swap3A_27 = arith.constant 0 : index
    %swap3A_28 = vector.load %arg6[%swap3A, %swap3A_27] : memref<2560x16xf32, #tpu.memory_space<vmem>>, vector<2560x16xf32>
    tpu.vector_store %arg6[%swap3A, %swap3A_27], %add3A_26 {strides = array<i32>} : memref<2560x16xf32, #tpu.memory_space<vmem>>, vector<2560x16xf32>,
    return
  }
  func.func @transform_0(%arg0: i32) -> (i32, i32) {
    %c0_i32 = arith.constant 0 : i32
    %c0_i32_0 = arith.constant 0 : i32
    return %arg0, %c0_i32 : i32, i32
  }
  func.func @transform_1(%arg0: i32) -> (i32, i32) {
    %c0_i32 = arith.constant 0 : i32
    %c0_i32_0 = arith.constant 0 : i32
    return %arg0, %c0_i32 : i32, i32
  }
  func.func @transform_2(%arg0: i32) -> (i32, i32) {
    %c0_i32 = arith.constant 0 : i32
    %c0_i32_0 = arith.constant 0 : i32
    return %arg0, %c0_i32 : i32, i32
  }
  func.func @transform_3(%arg0: i32) -> (i32, i32) {
    %c0_i32 = arith.constant 0 : i32
    %c0_i32_0 = arith.constant 0 : i32
    return %c0_i32, %arg0 : i32, i32
  }
  func.func @transform_4(%arg0: i32) -> (i32, i32) {
    %c0_i32 = arith.constant 0 : i32
    %c0_i32_0 = arith.constant 0 : i32
    %c0_i32_1 = arith.constant 0 : i32
    return %c0_i32, %c0_i32_0 : i32, i32
  }
  func.func @transform_5(%arg0: i32) -> (i32, i32) {
    %c0_i32 = arith.constant 0 : i32
    %c0_i32_0 = arith.constant 0 : i32
    return %arg0, %c0_i32 : i32, i32
  }
}

</mosaic_0001>

<sc_bundles>
// kernel: kernel.11.cloned.1.call-start
scs
__scs_entry_jumppad:
0x0: {  	(pc) =	sbr.rel $0x88, $3  }
0x1: {  	(tag) =	ssettag $0x0;
	lr =	simm.s32 $0x1  }
0x2: {  	[smem:$0x3F9B] =	sst lr;
	_ =	strace $0xD0000000  }
0x3: {  	_ = 	snop  }
0x4: {  	_ = 	snop  }
0x5: {  	_ = 	snop  }
0x6: {  	_ = 	snop  }
0x7: {  	_ = 	snop  }
__scs_overlays_trampoline_lowered:
0x8: {  	[smem:$0x3FAA] =	sst s0  }
0x9: {  	[smem:$0x3FAB] =	sst s1  }
0xa: {  	[smem:$0x3FAC] =	sst s2  }
0xb: {  	[smem:$0x3FAD] =	sst s3  }
0xc: {  	[smem:$0x3FAE] =	sst s4  }
0xd: {  	[smem:$0x3FAF] =	sst s5  }
0xe: {  	[smem:$0x3FB0] =	sst s6  }
0xf: {  	[smem:$0x3FB1] =	sst s7  }
0x10: {  	[smem:$0x3FB2] =	sst s8  }
0x11: {  	[smem:$0x3FB3] =	sst s9;
	s0 =	simm.s32 @!p0 $0x0  }
0x12: {  	s1 =	sld [smem:$0x3F99];
	s0 =	simm.s32 @p0 $0x1  }
0x13: {  	[smem:$0x3FB4] =	sst s0;
	s0 =	simm.s32 @!p1 $0x0  }
0x14: {  	s2 =	sld [smem:$0x3F98];
	s0 =	simm.s32 @p1 $0x1  }
0x15: {  	[smem:$0x3FB5] =	sst s0;
	s0 =	simm.s32 @!p2 $0x0  }
0x16: {  	s3 =	sld [smem:$0x3FDB];
	s0 =	simm.s32 @p2 $0x1  }
0x17: {  	s4 =	simm.s32 $0x1BF5;
	[smem:$0x3FB7] =	sst s0  }
0x18: {  	s0 =	sld [smem:$0x3F9A];
	_ =	swait.ge [sflag:s4], $0x0  }
0x19: {  	s7 =	sld [smem:$0x3F9B]  }
0x1a: {  	s8 =	sadd.s32 $0xFFFFE003, lr  }
0x1b: {  	s9 =	sadd.s32 $0xFFFFFEF7, lr;
	s5 =	simm.s32 $0xFFFFFFFF;
	p2 =	slt.u32 s8, $0xFFFFF086  }
0x1c: {  	p1 =	slt.u32 s9, $0xF7A;
	s5 =	simm.s32 @!p2 $0x0  }
0x1d: {  	s5 =	simm.s32 @p1 $0x1;
	p0 =	seq.s32 s7, s2  }
0x1e: {  	s7 =	smul.u32 @!p0 $0xF7A, s2;
	p2 =	seq.s32 @!p0 s5, $0x0  }
0x1f: {  	s9 =	smul.u32 $0xF7A, s1;
	s8 =	simm.s32 @!p0 $0x1BF5;
	p2 =	por !p2, p0  }
0x20: {  	[sflag:s8] =	ssyncset.s32 @!p0 $0xFFFFF086;
	s6 =	sadd.s32 @!p0 s3, s7;
	s7 =	simm.s32 @!p0 $0x108  }
0x21: {  	s3 =	sadd.s32 s3, s9;
	s6 =	sadd.s32 @!p0 $0x88, s6;
	s7 =	simm.s32 @p2 $0x1082  }
0x22: {  	[simem:s7], [sflag:s8] =	dma.local @!p0 [hbm:s6], $0xF7A  }
0x23: {  	s9 =	sor.u32 $0xD0000000, s2;
	s6 =	simm.s32 $0x108;
	_ =	swait.ge @!p0 [sflag:s8], $0x0  }
0x24: {  	s3 =	sadd.s32 $0x88, s3;
	s6 =	simm.s32 @!p1 $0x1082;
	[sflag:s4] =	ssyncset.s32 $0xFFFFF086  }
0x25: {  	[simem:s6], [sflag:s4] =	dma.local [hbm:s3], $0xF7A  }
0x26: {  	[smem:$0x3F9B] =	sst s1;
	(tag) =	ssettag s2;
	_ =	strace s9  }
0x27: {  	s1 =	sld [smem:$0x3FAB]  }
0x28: {  	s2 =	sld [smem:$0x3FAC]  }
0x29: {  	s4 =	sld [smem:$0x3FAE]  }
0x2a: {  	p0 =	seq.s32 s5, $0x0;
	s5 =	sld [smem:$0x3FAF]  }
0x2b: {  	s6 =	sld [smem:$0x3FB0]  }
0x2c: {  	s7 =	sld [smem:$0x3FB1]  }
0x2d: {  	s3 =	simm.s32 $0x108;
	s8 =	sld [smem:$0x3FB2]  }
0x2e: {  	s3 =	simm.s32 @!p0 $0x1082;
	s9 =	sld [smem:$0x3FB3]  }
0x2f: {  	lr =	sadd.s32 s0, s3;
	s0 =	sld [smem:$0x3FAA]  }
0x30: {  	s3 =	sld [smem:$0x3FAD]  }
0x31: {  	[smem:$0x3FB6] =	sst s10  }
0x32: {  	s10 =	sld [smem:$0x3FB4];
	_ =	sdelay $0x3  }
0x33: {  	p0 =	seq.s32 s10, $0x1;
	s10 =	sld [smem:$0x3FB6];
	_ =	sdelay $0x3  }
0x34: {  	[smem:$0x3FB6] =	sst s10  }
0x35: {  	s10 =	sld [smem:$0x3FB5];
	_ =	sdelay $0x3  }
0x36: {  	p1 =	seq.s32 s10, $0x1;
	s10 =	sld [smem:$0x3FB6];
	_ =	sdelay $0x3  }
0x37: {  	[smem:$0x3FB6] =	sst s10  }
0x38: {  	s10 =	sld [smem:$0x3FB7]  }
0x39: {  	_ = 	snop;
	(pc) =	sbr.ind lr, $3  }
0x3a: {  	_ = 	snop  }
0x3b: {  	_ = 	snop  }
0x3c: {  	p2 =	seq.s32 s10, $0x1;
	s10 =	sld [smem:$0x3FB6]  }
0x3d: {  	_ =	shalt  }
0x3e: {  	_ =	shalt  }
0x3f: {  	_ =	shalt  }
0x40: {  	_ =	shalt  }
0x41: {  	_ =	shalt  }
0x42: {  	_ =	shalt  }
0x43: {  	_ =	shalt  }
0x44: {  	_ =	shalt  }
0x45: {  	_ =	shalt  }
0x46: {  	_ =	shalt  }
0x47: {  	_ =	shalt  }
0x48: {  	_ =	shalt  }
0x49: {  	_ =	shalt  }
0x4a: {  	_ =	shalt  }
0x4b: {  	_ =	shalt  }
0x4c: {  	_ =	shalt  }
0x4d: {  	_ =	shalt  }
0x4e: {  	_ =	shalt  }
0x4f: {  	_ =	shalt  }
0x50: {  	_ =	shalt  }
0x51: {  	_ =	shalt  }
0x52: {  	_ =	shalt  }
0x53: {  	_ =	shalt  }
0x54: {  	_ =	shalt  }
0x55: {  	_ =	shalt  }
0x56: {  	_ =	shalt  }
0x57: {  	_ =	shalt  }
0x58: {  	_ =	shalt  }
0x59: {  	_ =	shalt  }
0x5a: {  	_ =	shalt  }
0x5b: {  	_ =	shalt  }
0x5c: {  	_ =	shalt  }
0x5d: {  	_ =	shalt  }
0x5e: {  	_ =	shalt  }
0x5f: {  	_ =	shalt  }
0x60: {  	_ =	shalt  }
0x61: {  	_ =	shalt  }
0x62: {  	_ =	shalt  }
0x63: {  	_ =	shalt  }
0x64: {  	_ =	shalt  }
0x65: {  	_ =	shalt  }
0x66: {  	_ =	shalt  }
0x67: {  	_ =	shalt  }
0x68: {  	_ =	shalt  }
0x69: {  	_ =	shalt  }
0x6a: {  	_ =	shalt  }
0x6b: {  	_ =	shalt  }
0x6c: {  	_ =	shalt  }
0x6d: {  	_ =	shalt  }
0x6e: {  	_ =	shalt  }
0x6f: {  	_ =	shalt  }
0x70: {  	_ =	shalt  }
0x71: {  	_ =	shalt  }
0x72: {  	_ =	shalt  }
0x73: {  	_ =	shalt  }
0x74: {  	_ =	shalt  }
0x75: {  	_ =	shalt  }
0x76: {  	_ =	shalt  }
0x77: {  	_ =	shalt  }
0x78: {  	_ =	shalt  }
0x79: {  	_ =	shalt  }
0x7a: {  	_ =	shalt  }
0x7b: {  	_ =	shalt  }
0x7c: {  	_ =	shalt  }
0x7d: {  	_ =	shalt  }
0x7e: {  	_ =	shalt  }
0x7f: {  	_ =	shalt  }
0x80: {  	_ =	shalt  }
0x81: {  	_ =	shalt  }
0x82: {  	_ =	shalt  }
0x83: {  	_ =	shalt  }
0x84: {  	_ =	shalt  }
0x85: {  	_ =	shalt  }
0x86: {  	_ =	shalt  }
0x87: {  	_ =	shalt  }
.Lfunc_end0:
.L_simem_size_0:
called_computation.1_lowered:
.L_overlay_start_0:
0x88: {  	s2 =	sld [smem:$0x3FD9]  }
0x89: {  	s3 =	sld [smem:$0x3FFE];
	_ =	sdelay $0x1  }
0x8a: {  	s1 =	srdreg.scid  }
0x8b: {  	s0 =	sand.u32 $0x1, s1  }
0x8c: {  	s16 =	sshll.u32 s0, $0xA;
	s2 =	sadd.s32 s3, s2  }
0x8d: {  	s2 =	sadd.s32 s2, s16  }
0x8e: {  	[smem:$0x3FC2] =	sst s2  }
0x8f: {  	_ = 	snop  }
0x90: {  	(tm) =	ssettm $0x1  }
0x91: {  	s17 =	sld [smem:$0x3FFB];
	_ =	sdelay $0x3  }
0x92: {  	_ =	strace s17  }
0x93: {  	s2 =	sld [smem:$0x3FFC];
	_ =	sdelay $0x3  }
0x94: {  	_ =	strace s2  }
0x95: {  	s2 =	sld [smem:$0x3FFD];
	_ =	sdelay $0x3  }
0x96: {  	_ =	strace s2  }
0x97: {  	_ =	strace $0x8FFFFFFF  }
0x98: {  	s18 =	sld [smem:$0x3FDB];
	_ =	sdelay $0x1  }
0x99: {  	s19 =	simm.s32 $_scs_section_size  }
0x9a: {  	s4 =	simm.s32 $_size__tile_overlayer_lowered;
	s5 =	simm.s32 $_tile_overlayer_lowered  }
0x9b: {  	s22 =	simm.s32 $0x1BFF;
	s21 =	sshll.u32 s5, $0x1;
	s2 =	sadd.s32 s19, s18  }
0x9c: {  	s6 =	simm.s32 $0x0;
	s20 =	sshll.u32 s4, $0x1;
	s4 =	sadd.s32 s21, s2  }
0x9d: {  	[timem:s6], [sflag:s22] =	dma.local [hbm:s4], s20  }
0x9e: {  	_ =	swait.ge [sflag:s22], s20  }
0x9f: {  	s3 =	ssub.s32 $0x0, s20;
	[sflag:s22] =	ssyncset.done $0x0  }
0xa0: {  	[sflag:s22] =	ssyncadd.s32 s3;
	_ =	sdelay $0x1  }
0xa1: {  	s23 =	simm.s32 $0x1B8B  }
0xa2: {  	_ =	swait.ge [sflag:s23], $0x1  }
0xa3: {  	[sflag:s23] =	ssyncset.done $0x0  }
0xa4: {  	s25 =	simm.s32 $0x1B8E;
	s24 =	sld [smem:$0x3FFE];
	[sflag:s23] =	ssyncadd.s32 $0xFFFFFFFF  }
0xa5: {  	s26 =	simm.s32 $execute0_lowered;
	[smem:$0x3FD2] =	sst s25  }
0xa6: {  	s4 =	sshll.u32 s26, $0x1;
	_ =	strace $0x80000049;
	[dreg:$0x1] =	wrdreg $0xFFFFFFFF  }
0xa7: {  	s28 =	simm.s32 $_size_execute0_lowered;
	s2 =	sadd.s32 s2, s4;
	[dreg:$0x0] =	wrdreg $0x0  }
0xa8: {  	s4 =	sshll.u32 s28, $0x1;
	[dreg:$0x2] =	wrdreg s2  }
0xa9: {  	[dreg:$0x3] =	wrdreg s4  }
0xaa: {  	[dreg:$0x4] =	wrdreg $0xC0  }
0xab: {  	_ =	task [dreg:s6], $0x5FFFF  }
0xac: {  	[dreg:$0x1] =	wrdreg $0xFFFFFFFF  }
0xad: {  	[dreg:$0x0] =	wrdreg $0x60  }
0xae: {  	[dreg:$0x2] =	wrdreg s24  }
0xaf: {  	[dreg:$0x3] =	wrdreg $0x90000  }
0xb0: {  	[dreg:$0x4] =	wrdreg $0x9  }
0xb1: {  	_ =	task.clear_ibuf [dreg:s6], $0x5FFFF;
	_ =	strace $0x90000049  }
0xb2: {  	s29 =	simm.s32 $0x9;
	_ =	strace $0x8000004B  }
0xb3: {  	_ =	swait.ge [sflag:s29], $0x1  }
0xb4: {  	[sflag:s29] =	ssyncadd.s32 $0xFFFFFFFF  }
0xb5: {  	_ =	strace $0x9000004B  }
0xb6: {  	_ =	sfence  }
0xb7: {  	s30 =	sld [smem:$0x0];
	_ =	sdelay $0x2  }
0xb8: {  	s31 =	sshll.u32 s1, $0xD;
	s1 =	sshrl.u32 s1, $0x2  }
0xb9: {  	s3 =	sand.u32 $0x4000, s31;
	s1 =	sadd.s32 s1, s30  }
0xba: {  	s0 =	sor.u32 s3, s0;
	s1 =	sshll.u32 s1, $0x11  }
0xbb: {  	s0 =	sor.u32 s1, s0  }
0xbc: {  	s0 =	sadd.s32 $0x8F2B, s0  }
0xbd: {  	[sflag:s0] =	ssyncadd.remote.s32 $0x1  }
0xbe: {  	_ =	sfence.sel $0xFFFF  }
0xbf: {  	[dreg:$0x0] =	wrdreg $0xFFFFFFFF;
	(pc) =	sbr.abs _section_cstart, $3  }
0xc0: {  	[dreg:$0x1] =	wrdreg $0xFFFFFFFF  }
0xc1: {  	_ =	task.clear_ibuf [dreg:s6], $0x2FFFF;
	_ =	strace $0x9FFFFFFF  }
0xc2: {  	(tm) =	ssettm $0x7FFFFFFF  }
0xc3: {  	_ =	shalt  }
tec
execute0_lowered:
.L_overlay_start_1:
0x0: {  	(tag) =	ssettag $0x1  }
0x1: {  	s11 =	stileid.u32  }
0x2: {  	s0 =	srdreg.scid;
	s6 =	rddreg [dreg:$0x0]  }
0x3: {  	s2 =	rddreg [dreg:$0x1];
	s3 =	simm.s32 $0x0;
	s13 =	simm.s32 $0x8800  }
0x4: {  	s14 =	simm.s32 $0x7;
	s16 =	simm.s32 $0x3;
	s17 =	simm.s32 $0x80  }
0x5: {  	s18 =	simm.s32 $0x800;
	s19 =	simm.s32 $0x600;
	s20 =	simm.s32 $0x1  }
0x6: {  	s21 =	simm.s32 $0x4800;
	s22 =	simm.s32 $0x2;
	s23 =	simm.s32 $0x5  }
0x7: {  	s28 =	simm.s32 $0x6;
	s31 =	simm.s32 $0x4;
	s24 =	simm.s32 $0x780  }
0x8: {  	s1 =	smul.u32 $0x50, s11;
	s0 =	sand.u32 $0x1, s0;
	[smem:$0x7FF] =	sst s3  }
0x9: {  	s5 =	sadd.s32 $0x16400, s6;
	s7 =	smul.u32 $0x50000, s11;
	s9 =	sadd.s32 $0x3E400, s6  }
0xa: {  	s10 =	sadd.s32 $0x66400, s6;
	s11 =	smul.u32 $0x14000, s11;
	p0 =	seq.s32 s0, $0x0  }
0xb: {  	_ =	strace $0x8000004A;
	s0 =	ssub.s32 $0x2, s0;
	s4 =	sadd.s32 $0x500, s1  }
0xc: {  	s25 =	sshrl.u32 s0, $0x1;
	s7 =	sshrl.u32 s7, $0x2;
	s12 =	sshrl.u32 s11, $0x3  }
0xd: {  	s11 =	sadd.s32 s11, s2;
	s10 =	smov.u32 @p0 s9;
	s1 =	smov.u32 @p0 s4  }
0xe: {  	s0 =	ssub.s32 s0, s25;
	s9 =	sadd.s32 s10, s12;
	s30 =	sshrl.u32 s11, $0x3  }
0xf: {  	s10 =	simm.s32 $0x300;
	s11 =	simm.s32 $0x680;
	s12 =	simm.s32 $0x380  }
0x10: {  	s25 =	simm.s32 $0x700;
	s4 =	sshll.u32 s1, $0x4;
	s0 =	smax.u32 s0, $0x1  }
.Ltmp0:
0x11: {  	s26 =	sshll.u32 s1, $0x7;
	[dreg:$0x4] =	wrdreg s9;
	(pc) =	sbr.rel .LBB2_1-.Ltmp0, $4  }
0x12: {  	s29 =	sor.u32 $0x8, s1;
	[dreg:$0x7] =	wrdreg s30;
	s1 =	simm.s32 $0x0  }
0x13: {  	s8 =	sadd.s32 s4, s6;
	s4 =	sadd.s32 $0x2400, s6;
	[dreg:$0x3] =	wrdreg s0  }
0x14: {  	s6 =	sadd.s32 s7, s2;
	s0 =	sadd.s32 $0xFFFB2000, s26;
	[dreg:$0x6] =	wrdreg s29  }
0x15: {  	v0 =	vimm.f32 $0.0e+00;
	s7 =	sadd.s32 $0xC600, s8;
	s8 =	sadd.s32 $0x2800, s8;
	[dreg:$0x5] =	wrdreg s0  }
.LBB2_6:
0x16: {  	[spmem:s2] =	stream.indirect.scatter.add.f32 [tilespmem:s21], [sflag:$0x6], $0x80, s24, s17, $0xb8;
	[tilespmem:$0x1D000] =	vst v63  }
0x17: {  	_ =	swait.ge [sflag:s28], $0x4000  }
0x18: {  	[sflag:s28] =	ssyncset.done $0x0  }
0x19: {  	[sflag:s28] =	ssyncadd.s32 $0xFFFFC000  }
0x1a: {  	s0 =	stileid.u32;
	[bflag:$0x0] =	sbarrier.arrive $0xFFFF  }
0x1b: {  	s0 =	sshll.u32 s0, $0x6;
	s1 =	rddreg [dreg:$0x4]  }
0x1c: {  	s0 =	sor.u32 $0x1C07, s0;
	s9 =	rddreg [dreg:$0x7]  }
0x1d: {  	[hbm:s1], [sflag:s0] =	dma.local [spmem:s9], $0x2800  }
0x1e: {  	_ =	swait.ge [sflag:s14], $0x2800  }
0x1f: {  	s29 =	rddreg [dreg:$0x8]  }
0x20: {  	s30 =	rddreg [dreg:$0x3];
	s1 =	sadd.s32 $0x1, s29  }
0x21: {  	p0 =	sne.s32 s1, s30  }
.Ltmp1:
0x22: {  	_ = 	snop;
	(pc) =	sbr.rel @!p0 .LBB2_7-.Ltmp1, $3  }
0x23: {  	_ =	sdelay $0x1  }
0x24: {  	[sflag:s14] =	ssyncset.done $0x0  }
0x25: {  	[sflag:s14] =	ssyncadd.s32 $0xFFFFD800  }
.LBB2_1:
0x26: {  	[tilespmem:$0x8800] =	vst v0  }
0x27: {  	[tilespmem:$0x8810] =	vst v0  }
0x28: {  	[tilespmem:$0x8820] =	vst v0  }
0x29: {  	[tilespmem:$0x8830] =	vst v0  }
0x2a: {  	[tilespmem:$0x8840] =	vst v0  }
0x2b: {  	[tilespmem:$0x8850] =	vst v0  }
0x2c: {  	[tilespmem:$0x8860] =	vst v0  }
0x2d: {  	[tilespmem:$0x8870] =	vst v0  }
0x2e: {  	[tilespmem:$0x8880] =	vst v0  }
0x2f: {  	[tilespmem:$0x8890] =	vst v0  }
0x30: {  	[tilespmem:$0x88A0] =	vst v0  }
0x31: {  	[tilespmem:$0x88B0] =	vst v0  }
0x32: {  	[tilespmem:$0x88C0] =	vst v0  }
0x33: {  	[tilespmem:$0x88D0] =	vst v0  }
0x34: {  	[tilespmem:$0x88E0] =	vst v0  }
0x35: {  	[tilespmem:$0x88F0] =	vst v0  }
0x36: {  	[tilespmem:$0x8900] =	vst v0  }
0x37: {  	[tilespmem:$0x8910] =	vst v0  }
0x38: {  	[tilespmem:$0x8920] =	vst v0  }
0x39: {  	[tilespmem:$0x8930] =	vst v0  }
0x3a: {  	[tilespmem:$0x8940] =	vst v0  }
0x3b: {  	[tilespmem:$0x8950] =	vst v0  }
0x3c: {  	[tilespmem:$0x8960] =	vst v0  }
0x3d: {  	[tilespmem:$0x8970] =	vst v0  }
0x3e: {  	[tilespmem:$0x8980] =	vst v0  }
0x3f: {  	[tilespmem:$0x8990] =	vst v0  }
0x40: {  	[tilespmem:$0x89A0] =	vst v0  }
0x41: {  	[tilespmem:$0x89B0] =	vst v0  }
0x42: {  	[tilespmem:$0x89C0] =	vst v0  }
0x43: {  	[tilespmem:$0x89D0] =	vst v0  }
0x44: {  	[tilespmem:$0x89E0] =	vst v0  }
0x45: {  	[tilespmem:$0x89F0] =	vst v0  }
0x46: {  	[tilespmem:$0x8A00] =	vst v0  }
0x47: {  	[tilespmem:$0x8A10] =	vst v0  }
0x48: {  	[tilespmem:$0x8A20] =	vst v0  }
0x49: {  	[tilespmem:$0x8A30] =	vst v0  }
0x4a: {  	[tilespmem:$0x8A40] =	vst v0  }
0x4b: {  	[tilespmem:$0x8A50] =	vst v0  }
0x4c: {  	[tilespmem:$0x8A60] =	vst v0  }
0x4d: {  	[tilespmem:$0x8A70] =	vst v0  }
0x4e: {  	[tilespmem:$0x8A80] =	vst v0  }
0x4f: {  	[tilespmem:$0x8A90] =	vst v0  }
0x50: {  	[tilespmem:$0x8AA0] =	vst v0  }
0x51: {  	[tilespmem:$0x8AB0] =	vst v0  }
0x52: {  	[tilespmem:$0x8AC0] =	vst v0  }
0x53: {  	[tilespmem:$0x8AD0] =	vst v0  }
0x54: {  	[tilespmem:$0x8AE0] =	vst v0  }
0x55: {  	[tilespmem:$0x8AF0] =	vst v0  }
0x56: {  	[tilespmem:$0x8B00] =	vst v0  }
0x57: {  	[tilespmem:$0x8B10] =	vst v0  }
0x58: {  	[tilespmem:$0x8B20] =	vst v0  }
0x59: {  	[tilespmem:$0x8B30] =	vst v0  }
0x5a: {  	[tilespmem:$0x8B40] =	vst v0  }
0x5b: {  	[tilespmem:$0x8B50] =	vst v0  }
0x5c: {  	[tilespmem:$0x8B60] =	vst v0  }
0x5d: {  	[tilespmem:$0x8B70] =	vst v0  }
0x5e: {  	[tilespmem:$0x8B80] =	vst v0  }
0x5f: {  	[tilespmem:$0x8B90] =	vst v0  }
0x60: {  	[tilespmem:$0x8BA0] =	vst v0  }
0x61: {  	[tilespmem:$0x8BB0] =	vst v0  }
0x62: {  	[tilespmem:$0x8BC0] =	vst v0  }
0x63: {  	[tilespmem:$0x8BD0] =	vst v0  }
0x64: {  	[tilespmem:$0x8BE0] =	vst v0  }
0x65: {  	[tilespmem:$0x8BF0] =	vst v0  }
0x66: {  	[tilespmem:$0x8C00] =	vst v0  }
0x67: {  	[tilespmem:$0x8C10] =	vst v0  }
0x68: {  	[tilespmem:$0x8C20] =	vst v0  }
0x69: {  	[tilespmem:$0x8C30] =	vst v0  }
0x6a: {  	[tilespmem:$0x8C40] =	vst v0  }
0x6b: {  	[tilespmem:$0x8C50] =	vst v0  }
0x6c: {  	[tilespmem:$0x8C60] =	vst v0  }
0x6d: {  	[tilespmem:$0x8C70] =	vst v0  }
0x6e: {  	[tilespmem:$0x8C80] =	vst v0  }
0x6f: {  	[tilespmem:$0x8C90] =	vst v0  }
0x70: {  	[tilespmem:$0x8CA0] =	vst v0  }
0x71: {  	[tilespmem:$0x8CB0] =	vst v0  }
0x72: {  	[tilespmem:$0x8CC0] =	vst v0  }
0x73: {  	[tilespmem:$0x8CD0] =	vst v0  }
0x74: {  	[tilespmem:$0x8CE0] =	vst v0  }
0x75: {  	[tilespmem:$0x8CF0] =	vst v0  }
0x76: {  	[tilespmem:$0x8D00] =	vst v0  }
0x77: {  	[tilespmem:$0x8D10] =	vst v0  }
0x78: {  	[tilespmem:$0x8D20] =	vst v0  }
0x79: {  	[tilespmem:$0x8D30] =	vst v0  }
0x7a: {  	[tilespmem:$0x8D40] =	vst v0  }
0x7b: {  	[tilespmem:$0x8D50] =	vst v0  }
0x7c: {  	[tilespmem:$0x8D60] =	vst v0  }
0x7d: {  	[tilespmem:$0x8D70] =	vst v0  }
0x7e: {  	[tilespmem:$0x8D80] =	vst v0  }
0x7f: {  	[tilespmem:$0x8D90] =	vst v0  }
0x80: {  	[tilespmem:$0x8DA0] =	vst v0  }
0x81: {  	[tilespmem:$0x8DB0] =	vst v0  }
0x82: {  	[tilespmem:$0x8DC0] =	vst v0  }
0x83: {  	[tilespmem:$0x8DD0] =	vst v0  }
0x84: {  	[tilespmem:$0x8DE0] =	vst v0  }
0x85: {  	[tilespmem:$0x8DF0] =	vst v0  }
0x86: {  	[tilespmem:$0x8E00] =	vst v0  }
0x87: {  	[tilespmem:$0x8E10] =	vst v0  }
0x88: {  	[tilespmem:$0x8E20] =	vst v0  }
0x89: {  	[tilespmem:$0x8E30] =	vst v0  }
0x8a: {  	[tilespmem:$0x8E40] =	vst v0  }
0x8b: {  	[tilespmem:$0x8E50] =	vst v0  }
0x8c: {  	[tilespmem:$0x8E60] =	vst v0  }
0x8d: {  	[tilespmem:$0x8E70] =	vst v0  }
0x8e: {  	[tilespmem:$0x8E80] =	vst v0  }
0x8f: {  	[tilespmem:$0x8E90] =	vst v0  }
0x90: {  	[tilespmem:$0x8EA0] =	vst v0  }
0x91: {  	[tilespmem:$0x8EB0] =	vst v0  }
0x92: {  	[tilespmem:$0x8EC0] =	vst v0  }
0x93: {  	[tilespmem:$0x8ED0] =	vst v0  }
0x94: {  	[tilespmem:$0x8EE0] =	vst v0  }
0x95: {  	[tilespmem:$0x8EF0] =	vst v0  }
0x96: {  	[tilespmem:$0x8F00] =	vst v0  }
0x97: {  	[tilespmem:$0x8F10] =	vst v0  }
0x98: {  	[tilespmem:$0x8F20] =	vst v0  }
0x99: {  	[tilespmem:$0x8F30] =	vst v0  }
0x9a: {  	[tilespmem:$0x8F40] =	vst v0  }
0x9b: {  	[tilespmem:$0x8F50] =	vst v0  }
0x9c: {  	[tilespmem:$0x8F60] =	vst v0  }
0x9d: {  	[tilespmem:$0x8F70] =	vst v0  }
0x9e: {  	[tilespmem:$0x8F80] =	vst v0  }
0x9f: {  	[tilespmem:$0x8F90] =	vst v0  }
0xa0: {  	[tilespmem:$0x8FA0] =	vst v0  }
0xa1: {  	[tilespmem:$0x8FB0] =	vst v0  }
0xa2: {  	[tilespmem:$0x8FC0] =	vst v0  }
0xa3: {  	[tilespmem:$0x8FD0] =	vst v0  }
0xa4: {  	[tilespmem:$0x8FE0] =	vst v0  }
0xa5: {  	[dreg:$0x8] =	wrdreg s1;
	[tilespmem:$0x8FF0] =	vst v0;
	s15 =	sadd.s32 $0x0, s6  }
0xa6: {  	[spmem:s15] =	stream.linear.scatter [tilespmem:s13], [sflag:$0x7], $0x800, $0x38;
	[tilespmem:$0x1D000] =	vst v63  }
0xa7: {  	s15 =	simm.s32 $0x2000;
	_ =	swait.ge [sflag:s14], $0x800  }
.LBB2_2:
0xa8: {  	s26 =	sshra.s32 s15, $0x2;
	[sflag:s14] =	ssyncset.done $0x0;
	p0 =	sne.s32 s15, $0x4E000  }
.Ltmp2:
0xa9: {  	s26 =	sadd.s32 s26, s6;
	[sflag:s14] =	ssyncadd.s32 $0xFFFFF800;
	(pc) =	sbr.rel @p0 .LBB2_2-.Ltmp2, $3  }
0xaa: {  	[spmem:s26] =	stream.linear.scatter [tilespmem:s13], [sflag:$0x7], $0x800, $0x38;
	[tilespmem:$0x1D000] =	vst v63  }
0xab: {  	s15 =	sadd.s32 $0x2000, s15;
	_ =	sdelay $0x1  }
0xac: {  	_ =	swait.ge [sflag:s14], $0x800  }
0xad: {  	[sflag:s14] =	ssyncset.done $0x0  }
0xae: {  	[sflag:s14] =	ssyncadd.s32 $0xFFFFF800  }
0xaf: {  	s15 =	simm.s32 $0x0;
	[bflag:$0x0] =	sbarrier.arrive $0xFFFF  }
0xb0: {  	[tilespmem:s15], [sflag:$0x3] =	stream.linear.gather [hbm4b:s7+s15], $0x200, $0x38;
	[tilespmem:$0x1D000] =	vst v63  }
0xb1: {  	s0 =	simm.s32 $0x400  }
0xb2: {  	[tilespmem:s0], [sflag:$0x3] =	stream.linear.gather [hbm4b:s8+s15], $0x200, $0x38;
	[tilespmem:$0x1D000] =	vst v63  }
0xb3: {  	_ =	swait.ge [sflag:s16], $0x200  }
0xb4: {  	[sflag:s16] =	ssyncset.done $0x0  }
0xb5: {  	[sflag:s16] =	ssyncadd.s32 $0xFFFFFE00  }
0xb6: {  	_ =	swait.ge [sflag:s16], $0x200  }
0xb7: {  	[sflag:s16] =	ssyncset.done $0x0;
	s26 =	rddreg [dreg:$0x6]  }
0xb8: {  	s29 =	rddreg [dreg:$0x5];
	[sflag:s16] =	ssyncadd.s32 $0xFFFFFE00  }
0xb9: {  	[tilespmem:s18], [sflag:$0x1] =	stream.indirect.gather [hbm4b:s5+s17], $0x80, s15, s17, $0xb8;
	[tilespmem:$0x1D000] =	vst v63  }
.LBB2_4:
0xba: {  	s30 =	sadd.s32 $0xFFFFFFFC, s26  }
0xbb: {  	p0 =	sgt.u32 s30, $0x9C3  }
0xbc: {  	s30 =	sshrl.u32 @p0 s29, $0x3  }
0xbd: {  	s1 =	simm.s32 @p0 $0x0;
	s0 =	simm.s32 @p0 $0x200;
	s30 =	sadd.s32 @p0 s4, s30  }
0xbe: {  	[tilespmem:s0], [sflag:$0x4] =	stream.linear.gather @p0 [hbm4b:s30+s1], $0x200, $0x38;
	[tilespmem:$0x1D000] =	vst v63  }
0xbf: {  	s0 =	sadd.s32 @!p0 s15, s7  }
0xc0: {  	s9 =	simm.s32 @!p0 $0x200;
	s1 =	simm.s32 @!p0 $0x0;
	s0 =	sadd.s32 @!p0 $0x40, s0  }
0xc1: {  	[tilespmem:s9], [sflag:$0x4] =	stream.linear.gather @!p0 [hbm4b:s0+s1], $0x200, $0x38;
	[tilespmem:$0x1D000] =	vst v63  }
0xc2: {  	s0 =	sadd.s32 @!p0 s15, s8  }
0xc3: {  	s0 =	sadd.s32 @!p0 $0x40, s0  }
0xc4: {  	s0 =	smov.u32 @p0 s30  }
0xc5: {  	[tilespmem:s19], [sflag:$0x4] =	stream.linear.gather [hbm4b:s0+s3], $0x200, $0x38;
	[tilespmem:$0x1D000] =	vst v63  }
0xc6: {  	_ =	swait.ge [sflag:s20], $0x4000  }
0xc7: {  	p0 =	seq.s32 s15, $0x0;
	[sflag:s20] =	ssyncset.done $0x0  }
0xc8: {  	s0 =	simm.s32 @!p0 $0x6;
	[sflag:s20] =	ssyncadd.s32 $0xFFFFC000  }
0xc9: {  	_ =	swait.ge @!p0 [sflag:s0], $0x4000  }
0xca: {  	[sflag:s0] =	ssyncset.done @!p0 $0x0  }
0xcb: {  	[sflag:s0] =	ssyncadd.s32 @!p0 $0xFFFFC000  }
0xcc: {  	[tilespmem:s21], [sflag:$0x2] =	stream.indirect.gather [hbm4b:s5+s17], $0x80, s17, s17, $0xb8;
	[tilespmem:$0x1D000] =	vst v63  }
0xcd: {  	s9 =	simm.s32 $0x400  }
0xce: {  	[spmem:s2] =	stream.indirect.scatter.add.f32 [tilespmem:s18], [sflag:$0x5], $0x80, s9, s17, $0xb8;
	[tilespmem:$0x1D000] =	vst v63  }
0xcf: {  	_ =	swait.ge [sflag:s22], $0x4000  }
0xd0: {  	[sflag:s22] =	ssyncset.done $0x0  }
0xd1: {  	[sflag:s22] =	ssyncadd.s32 $0xFFFFC000  }
0xd2: {  	_ =	swait.ge [sflag:s23], $0x4000  }
0xd3: {  	[sflag:s23] =	ssyncset.done $0x0  }
0xd4: {  	s30 =	simm.s32 $0x100;
	[sflag:s23] =	ssyncadd.s32 $0xFFFFC000  }
0xd5: {  	[tilespmem:s18], [sflag:$0x1] =	stream.indirect.gather [hbm4b:s5+s17], $0x80, s30, s17, $0xb8;
	[tilespmem:$0x1D000] =	vst v63  }
0xd6: {  	s1 =	simm.s32 $0x480  }
0xd7: {  	[spmem:s2] =	stream.indirect.scatter.add.f32 [tilespmem:s21], [sflag:$0x6], $0x80, s1, s17, $0xb8;
	[tilespmem:$0x1D000] =	vst v63  }
0xd8: {  	_ =	swait.ge [sflag:s20], $0x4000  }
0xd9: {  	[sflag:s20] =	ssyncset.done $0x0  }
0xda: {  	[sflag:s20] =	ssyncadd.s32 $0xFFFFC000  }
0xdb: {  	_ =	swait.ge [sflag:s28], $0x4000  }
0xdc: {  	[sflag:s28] =	ssyncset.done $0x0  }
0xdd: {  	s9 =	simm.s32 $0x180;
	[sflag:s28] =	ssyncadd.s32 $0xFFFFC000  }
0xde: {  	[tilespmem:s21], [sflag:$0x2] =	stream.indirect.gather [hbm4b:s5+s17], $0x80, s9, s17, $0xb8;
	[tilespmem:$0x1D000] =	vst v63  }
0xdf: {  	s30 =	simm.s32 $0x500  }
0xe0: {  	[spmem:s2] =	stream.indirect.scatter.add.f32 [tilespmem:s18], [sflag:$0x5], $0x80, s30, s17, $0xb8;
	[tilespmem:$0x1D000] =	vst v63  }
0xe1: {  	_ =	swait.ge [sflag:s22], $0x4000  }
0xe2: {  	[sflag:s22] =	ssyncset.done $0x0  }
0xe3: {  	[sflag:s22] =	ssyncadd.s32 $0xFFFFC000  }
0xe4: {  	_ =	swait.ge [sflag:s23], $0x4000  }
0xe5: {  	[sflag:s23] =	ssyncset.done $0x0  }
0xe6: {  	[sflag:s23] =	ssyncadd.s32 $0xFFFFC000  }
0xe7: {  	_ =	swait.ge [sflag:s31], $0x200  }
0xe8: {  	[sflag:s31] =	ssyncset.done $0x0  }
0xe9: {  	p0 =	seq.s32 s15, $0x480;
	[sflag:s31] =	ssyncadd.s32 $0xFFFFFE00  }
0xea: {  	p1 =	sgt.u32 @!p0 s26, $0x9C3;
	_ =	swait.ge [sflag:s31], $0x200  }
0xeb: {  	p2 =	por !p1, p0;
	[sflag:s31] =	ssyncset.done $0x0  }
0xec: {  	s0 =	sadd.s32 @!p2 $0x200, s29;
	s1 =	simm.s32 $0x200;
	[sflag:s31] =	ssyncadd.s32 $0xFFFFFE00  }
0xed: {  	[tilespmem:s18], [sflag:$0x1] =	stream.indirect.gather [hbm4b:s5+s17], $0x80, s1, s17, $0xb8;
	[tilespmem:$0x1D000] =	vst v63  }
0xee: {  	s0 =	sshrl.u32 @!p2 s0, $0x3;
	s9 =	simm.s32 $0x580  }
0xef: {  	[spmem:s2] =	stream.indirect.scatter.add.f32 [tilespmem:s21], [sflag:$0x6], $0x80, s9, s17, $0xb8;
	[tilespmem:$0x1D000] =	vst v63  }
0xf0: {  	p1 =	por p1, p0;
	s0 =	sadd.s32 @!p2 s4, s0;
	s1 =	simm.s32 @!p2 $0x0  }
0xf1: {  	[tilespmem:s1], [sflag:$0x3] =	stream.linear.gather @!p2 [hbm4b:s0+s1], $0x200, $0x38;
	[tilespmem:$0x1D000] =	vst v63  }
0xf2: {  	s1 =	sadd.s32 @!p1 s15, s7  }
0xf3: {  	s9 =	simm.s32 @!p1 $0x0;
	s1 =	sadd.s32 @!p1 $0x80, s1  }
0xf4: {  	[tilespmem:s9], [sflag:$0x3] =	stream.linear.gather @!p1 [hbm4b:s1+s9], $0x200, $0x38;
	[tilespmem:$0x1D000] =	vst v63  }
0xf5: {  	s1 =	sadd.s32 @!p1 s15, s8  }
0xf6: {  	s1 =	sadd.s32 @!p1 $0x80, s1  }
0xf7: {  	s9 =	simm.s32 @!p0 $0x400;
	s0 =	smov.u32 @p2 s1;
	s1 =	simm.s32 @!p0 $0x0  }
0xf8: {  	[tilespmem:s9], [sflag:$0x3] =	stream.linear.gather @!p0 [hbm4b:s0+s1], $0x200, $0x38;
	[tilespmem:$0x1D000] =	vst v63  }
0xf9: {  	_ =	swait.ge [sflag:s20], $0x4000  }
0xfa: {  	[sflag:s20] =	ssyncset.done $0x0  }
0xfb: {  	[sflag:s20] =	ssyncadd.s32 $0xFFFFC000  }
0xfc: {  	_ =	swait.ge [sflag:s28], $0x4000  }
0xfd: {  	[sflag:s28] =	ssyncset.done $0x0  }
0xfe: {  	s30 =	simm.s32 $0x280;
	[sflag:s28] =	ssyncadd.s32 $0xFFFFC000  }
0xff: {  	[tilespmem:s21], [sflag:$0x2] =	stream.indirect.gather [hbm4b:s5+s17], $0x80, s30, s17, $0xb8;
	[tilespmem:$0x1D000] =	vst v63  }
0x100: {  	_ = 	snop  }
0x101: {  	[spmem:s2] =	stream.indirect.scatter.add.f32 [tilespmem:s18], [sflag:$0x5], $0x80, s19, s17, $0xb8;
	[tilespmem:$0x1D000] =	vst v63  }
0x102: {  	_ =	swait.ge [sflag:s22], $0x4000  }
0x103: {  	[sflag:s22] =	ssyncset.done $0x0  }
0x104: {  	[sflag:s22] =	ssyncadd.s32 $0xFFFFC000  }
0x105: {  	_ =	swait.ge [sflag:s23], $0x4000  }
0x106: {  	[sflag:s23] =	ssyncset.done $0x0  }
0x107: {  	[sflag:s23] =	ssyncadd.s32 $0xFFFFC000  }
0x108: {  	[tilespmem:s18], [sflag:$0x1] =	stream.indirect.gather [hbm4b:s5+s17], $0x80, s10, s17, $0xb8;
	[tilespmem:$0x1D000] =	vst v63  }
0x109: {  	_ = 	snop  }
0x10a: {  	[spmem:s2] =	stream.indirect.scatter.add.f32 [tilespmem:s21], [sflag:$0x6], $0x80, s11, s17, $0xb8;
	[tilespmem:$0x1D000] =	vst v63  }
0x10b: {  	_ =	swait.ge [sflag:s20], $0x4000  }
0x10c: {  	[sflag:s20] =	ssyncset.done $0x0  }
0x10d: {  	[sflag:s20] =	ssyncadd.s32 $0xFFFFC000  }
0x10e: {  	_ =	swait.ge [sflag:s28], $0x4000  }
0x10f: {  	[sflag:s28] =	ssyncset.done $0x0  }
0x110: {  	[sflag:s28] =	ssyncadd.s32 $0xFFFFC000  }
0x111: {  	[tilespmem:s21], [sflag:$0x2] =	stream.indirect.gather [hbm4b:s5+s17], $0x80, s12, s17, $0xb8;
	[tilespmem:$0x1D000] =	vst v63  }
0x112: {  	_ = 	snop  }
0x113: {  	[spmem:s2] =	stream.indirect.scatter.add.f32 [tilespmem:s18], [sflag:$0x5], $0x80, s25, s17, $0xb8;
	[tilespmem:$0x1D000] =	vst v63  }
0x114: {  	_ =	swait.ge [sflag:s22], $0x4000  }
.Ltmp3:
0x115: {  	[sflag:s22] =	ssyncset.done $0x0;
	(pc) =	sbr.rel @p0 .LBB2_6-.Ltmp3, $4  }
0x116: {  	[sflag:s22] =	ssyncadd.s32 $0xFFFFC000  }
0x117: {  	_ =	swait.ge [sflag:s23], $0x4000  }
0x118: {  	[sflag:s23] =	ssyncset.done $0x0  }
0x119: {  	[sflag:s23] =	ssyncadd.s32 $0xFFFFC000  }
0x11a: {  	_ =	swait.ge [sflag:s16], $0x200  }
0x11b: {  	[sflag:s16] =	ssyncset.done $0x0  }
0x11c: {  	[sflag:s16] =	ssyncadd.s32 $0xFFFFFE00  }
0x11d: {  	_ =	swait.ge [sflag:s16], $0x200  }
.Ltmp4:
0x11e: {  	[sflag:s16] =	ssyncset.done $0x0;
	(pc) =	sbr.rel .LBB2_4-.Ltmp4, $4  }
0x11f: {  	[sflag:s16] =	ssyncadd.s32 $0xFFFFFE00  }
0x120: {  	[tilespmem:s18], [sflag:$0x1] =	stream.indirect.gather [hbm4b:s5+s17], $0x80, s3, s17, $0xb8;
	[tilespmem:$0x1D000] =	vst v63  }
0x121: {  	s29 =	sadd.s32 $0x400, s29;
	s15 =	sadd.s32 $0x80, s15;
	s26 =	sadd.s32 $0x8, s26  }
0x122: {  	[spmem:s2] =	stream.indirect.scatter.add.f32 [tilespmem:s21], [sflag:$0x6], $0x80, s24, s17, $0xb8;
	[tilespmem:$0x1D000] =	vst v63  }
.LBB2_7:
0x123: {  	_ =	sfence.sel $0x180000  }
0x124: {  	[bflag:$0x0] =	sbarrier.arrive $0xFFFF  }
0x125: {  	_ =	strace $0x9000004A  }
0x126: {  	s0 =	stileid.u32;
	[bflag:$0x2] =	sbarrier.arrive $0xFFFF  }
0x127: {  	p0 =	sne.s32 s0, $0x0;
	s0 =	rddreg [dreg:$0x2]  }
0x128: {  	s0 =	sadd.s32 @!p0 $0x100000, s0  }
0x129: {  	[sflag:s0] =	ssyncadd.tile.s32 @!p0 $0x1;
	_ =	shalt  }
.Lfunc_end2:
_tile_overlayer_lowered:
.L_overlay_start_2:
0x12a: {  	(tag) =	ssettag $0x2  }
0x12b: {  	s0 =	rddreg [dreg:$0x0];
	s2 =	stileid.u32  }
0x12c: {  	s1 =	rddreg [dreg:$0x1];
	p0 =	sne.s32 s2, $0x0  }
0x12d: {  	s3 =	rddreg [dreg:$0x2];
	[bflag:$0x3] =	sbarrier.arrive $0xFFFF;
	s2 =	simm.s32 @!p0 $0x1C07  }
0x12e: {  	[timem:s3], [sflag:s2] =	dma.local @!p0 [hbm:s0], s1  }
0x12f: {  	s0 =	simm.s32 @!p0 $0x7  }
0x130: {  	_ =	swait.ge @!p0 [sflag:s0], s1  }
0x131: {  	s1 =	ssub.s32 @!p0 $0x0, s1;
	[sflag:s0] =	ssyncset.done @!p0 $0x0  }
0x132: {  	[sflag:s0] =	ssyncadd.s32 @!p0 s1  }
0x133: {  	[bflag:$0x3] =	sbarrier.arrive $0xFFFF  }
0x134: {  	_ =	shalt  }

// kernel: kernel.14.cloned.1.call-start
scs
__scs_entry_jumppad:
0x0: {  	(pc) =	sbr.rel $0x88, $3  }
0x1: {  	(tag) =	ssettag $0x0;
	lr =	simm.s32 $0x1  }
0x2: {  	[smem:$0x3F9B] =	sst lr;
	_ =	strace $0xD0000000  }
0x3: {  	_ = 	snop  }
0x4: {  	_ = 	snop  }
0x5: {  	_ = 	snop  }
0x6: {  	_ = 	snop  }
0x7: {  	_ = 	snop  }
__scs_overlays_trampoline_lowered:
0x8: {  	[smem:$0x3FAA] =	sst s0  }
0x9: {  	[smem:$0x3FAB] =	sst s1  }
0xa: {  	[smem:$0x3FAC] =	sst s2  }
0xb: {  	[smem:$0x3FAD] =	sst s3  }
0xc: {  	[smem:$0x3FAE] =	sst s4  }
0xd: {  	[smem:$0x3FAF] =	sst s5  }
0xe: {  	[smem:$0x3FB0] =	sst s6  }
0xf: {  	[smem:$0x3FB1] =	sst s7  }
0x10: {  	[smem:$0x3FB2] =	sst s8  }
0x11: {  	[smem:$0x3FB3] =	sst s9;
	s0 =	simm.s32 @!p0 $0x0  }
0x12: {  	s1 =	sld [smem:$0x3F99];
	s0 =	simm.s32 @p0 $0x1  }
0x13: {  	[smem:$0x3FB4] =	sst s0;
	s0 =	simm.s32 @!p1 $0x0  }
0x14: {  	s2 =	sld [smem:$0x3F98];
	s0 =	simm.s32 @p1 $0x1  }
0x15: {  	[smem:$0x3FB5] =	sst s0;
	s0 =	simm.s32 @!p2 $0x0  }
0x16: {  	s3 =	sld [smem:$0x3FDB];
	s0 =	simm.s32 @p2 $0x1  }
0x17: {  	s4 =	simm.s32 $0x1BF5;
	[smem:$0x3FB7] =	sst s0  }
0x18: {  	s0 =	sld [smem:$0x3F9A];
	_ =	swait.ge [sflag:s4], $0x0  }
0x19: {  	s7 =	sld [smem:$0x3F9B]  }
0x1a: {  	s8 =	sadd.s32 $0xFFFFE003, lr  }
0x1b: {  	s9 =	sadd.s32 $0xFFFFFEF7, lr;
	s5 =	simm.s32 $0xFFFFFFFF;
	p2 =	slt.u32 s8, $0xFFFFF086  }
0x1c: {  	p1 =	slt.u32 s9, $0xF7A;
	s5 =	simm.s32 @!p2 $0x0  }
0x1d: {  	s5 =	simm.s32 @p1 $0x1;
	p0 =	seq.s32 s7, s2  }
0x1e: {  	s7 =	smul.u32 @!p0 $0xF7A, s2;
	p2 =	seq.s32 @!p0 s5, $0x0  }
0x1f: {  	s9 =	smul.u32 $0xF7A, s1;
	s8 =	simm.s32 @!p0 $0x1BF5;
	p2 =	por !p2, p0  }
0x20: {  	[sflag:s8] =	ssyncset.s32 @!p0 $0xFFFFF086;
	s6 =	sadd.s32 @!p0 s3, s7;
	s7 =	simm.s32 @!p0 $0x108  }
0x21: {  	s3 =	sadd.s32 s3, s9;
	s6 =	sadd.s32 @!p0 $0x88, s6;
	s7 =	simm.s32 @p2 $0x1082  }
0x22: {  	[simem:s7], [sflag:s8] =	dma.local @!p0 [hbm:s6], $0xF7A  }
0x23: {  	s9 =	sor.u32 $0xD0000000, s2;
	s6 =	simm.s32 $0x108;
	_ =	swait.ge @!p0 [sflag:s8], $0x0  }
0x24: {  	s3 =	sadd.s32 $0x88, s3;
	s6 =	simm.s32 @!p1 $0x1082;
	[sflag:s4] =	ssyncset.s32 $0xFFFFF086  }
0x25: {  	[simem:s6], [sflag:s4] =	dma.local [hbm:s3], $0xF7A  }
0x26: {  	[smem:$0x3F9B] =	sst s1;
	(tag) =	ssettag s2;
	_ =	strace s9  }
0x27: {  	s1 =	sld [smem:$0x3FAB]  }
0x28: {  	s2 =	sld [smem:$0x3FAC]  }
0x29: {  	s4 =	sld [smem:$0x3FAE]  }
0x2a: {  	p0 =	seq.s32 s5, $0x0;
	s5 =	sld [smem:$0x3FAF]  }
0x2b: {  	s6 =	sld [smem:$0x3FB0]  }
0x2c: {  	s7 =	sld [smem:$0x3FB1]  }
0x2d: {  	s3 =	simm.s32 $0x108;
	s8 =	sld [smem:$0x3FB2]  }
0x2e: {  	s3 =	simm.s32 @!p0 $0x1082;
	s9 =	sld [smem:$0x3FB3]  }
0x2f: {  	lr =	sadd.s32 s0, s3;
	s0 =	sld [smem:$0x3FAA]  }
0x30: {  	s3 =	sld [smem:$0x3FAD]  }
0x31: {  	[smem:$0x3FB6] =	sst s10  }
0x32: {  	s10 =	sld [smem:$0x3FB4];
	_ =	sdelay $0x3  }
0x33: {  	p0 =	seq.s32 s10, $0x1;
	s10 =	sld [smem:$0x3FB6];
	_ =	sdelay $0x3  }
0x34: {  	[smem:$0x3FB6] =	sst s10  }
0x35: {  	s10 =	sld [smem:$0x3FB5];
	_ =	sdelay $0x3  }
0x36: {  	p1 =	seq.s32 s10, $0x1;
	s10 =	sld [smem:$0x3FB6];
	_ =	sdelay $0x3  }
0x37: {  	[smem:$0x3FB6] =	sst s10  }
0x38: {  	s10 =	sld [smem:$0x3FB7]  }
0x39: {  	_ = 	snop;
	(pc) =	sbr.ind lr, $3  }
0x3a: {  	_ = 	snop  }
0x3b: {  	_ = 	snop  }
0x3c: {  	p2 =	seq.s32 s10, $0x1;
	s10 =	sld [smem:$0x3FB6]  }
0x3d: {  	_ =	shalt  }
0x3e: {  	_ =	shalt  }
0x3f: {  	_ =	shalt  }
0x40: {  	_ =	shalt  }
0x41: {  	_ =	shalt  }
0x42: {  	_ =	shalt  }
0x43: {  	_ =	shalt  }
0x44: {  	_ =	shalt  }
0x45: {  	_ =	shalt  }
0x46: {  	_ =	shalt  }
0x47: {  	_ =	shalt  }
0x48: {  	_ =	shalt  }
0x49: {  	_ =	shalt  }
0x4a: {  	_ =	shalt  }
0x4b: {  	_ =	shalt  }
0x4c: {  	_ =	shalt  }
0x4d: {  	_ =	shalt  }
0x4e: {  	_ =	shalt  }
0x4f: {  	_ =	shalt  }
0x50: {  	_ =	shalt  }
0x51: {  	_ =	shalt  }
0x52: {  	_ =	shalt  }
0x53: {  	_ =	shalt  }
0x54: {  	_ =	shalt  }
0x55: {  	_ =	shalt  }
0x56: {  	_ =	shalt  }
0x57: {  	_ =	shalt  }
0x58: {  	_ =	shalt  }
0x59: {  	_ =	shalt  }
0x5a: {  	_ =	shalt  }
0x5b: {  	_ =	shalt  }
0x5c: {  	_ =	shalt  }
0x5d: {  	_ =	shalt  }
0x5e: {  	_ =	shalt  }
0x5f: {  	_ =	shalt  }
0x60: {  	_ =	shalt  }
0x61: {  	_ =	shalt  }
0x62: {  	_ =	shalt  }
0x63: {  	_ =	shalt  }
0x64: {  	_ =	shalt  }
0x65: {  	_ =	shalt  }
0x66: {  	_ =	shalt  }
0x67: {  	_ =	shalt  }
0x68: {  	_ =	shalt  }
0x69: {  	_ =	shalt  }
0x6a: {  	_ =	shalt  }
0x6b: {  	_ =	shalt  }
0x6c: {  	_ =	shalt  }
0x6d: {  	_ =	shalt  }
0x6e: {  	_ =	shalt  }
0x6f: {  	_ =	shalt  }
0x70: {  	_ =	shalt  }
0x71: {  	_ =	shalt  }
0x72: {  	_ =	shalt  }
0x73: {  	_ =	shalt  }
0x74: {  	_ =	shalt  }
0x75: {  	_ =	shalt  }
0x76: {  	_ =	shalt  }
0x77: {  	_ =	shalt  }
0x78: {  	_ =	shalt  }
0x79: {  	_ =	shalt  }
0x7a: {  	_ =	shalt  }
0x7b: {  	_ =	shalt  }
0x7c: {  	_ =	shalt  }
0x7d: {  	_ =	shalt  }
0x7e: {  	_ =	shalt  }
0x7f: {  	_ =	shalt  }
0x80: {  	_ =	shalt  }
0x81: {  	_ =	shalt  }
0x82: {  	_ =	shalt  }
0x83: {  	_ =	shalt  }
0x84: {  	_ =	shalt  }
0x85: {  	_ =	shalt  }
0x86: {  	_ =	shalt  }
0x87: {  	_ =	shalt  }
.Lfunc_end0:
.L_simem_size_0:
called_computation.2_lowered:
.L_overlay_start_0:
0x88: {  	s2 =	sld [smem:$0x3FD9]  }
0x89: {  	s3 =	sld [smem:$0x3FFE];
	_ =	sdelay $0x1  }
0x8a: {  	s1 =	srdreg.scid  }
0x8b: {  	s0 =	sand.u32 $0x1, s1  }
0x8c: {  	s16 =	sshll.u32 s0, $0xA;
	s2 =	sadd.s32 s3, s2  }
0x8d: {  	s2 =	sadd.s32 s2, s16  }
0x8e: {  	[smem:$0x3FC2] =	sst s2  }
0x8f: {  	_ = 	snop  }
0x90: {  	(tm) =	ssettm $0x1  }
0x91: {  	s17 =	sld [smem:$0x3FFB];
	_ =	sdelay $0x3  }
0x92: {  	_ =	strace s17  }
0x93: {  	s2 =	sld [smem:$0x3FFC];
	_ =	sdelay $0x3  }
0x94: {  	_ =	strace s2  }
0x95: {  	s2 =	sld [smem:$0x3FFD];
	_ =	sdelay $0x3  }
0x96: {  	_ =	strace s2  }
0x97: {  	_ =	strace $0x8FFFFFFF  }
0x98: {  	s18 =	sld [smem:$0x3FDB];
	_ =	sdelay $0x1  }
0x99: {  	s19 =	simm.s32 $_scs_section_size  }
0x9a: {  	s4 =	simm.s32 $_size__tile_overlayer_lowered;
	s5 =	simm.s32 $_tile_overlayer_lowered  }
0x9b: {  	s22 =	simm.s32 $0x1BFF;
	s21 =	sshll.u32 s5, $0x1;
	s2 =	sadd.s32 s19, s18  }
0x9c: {  	s6 =	simm.s32 $0x0;
	s20 =	sshll.u32 s4, $0x1;
	s4 =	sadd.s32 s21, s2  }
0x9d: {  	[timem:s6], [sflag:s22] =	dma.local [hbm:s4], s20  }
0x9e: {  	_ =	swait.ge [sflag:s22], s20  }
0x9f: {  	s3 =	ssub.s32 $0x0, s20;
	[sflag:s22] =	ssyncset.done $0x0  }
0xa0: {  	[sflag:s22] =	ssyncadd.s32 s3;
	_ =	sdelay $0x1  }
0xa1: {  	s23 =	simm.s32 $0x1B8B  }
0xa2: {  	_ =	swait.ge [sflag:s23], $0x1  }
0xa3: {  	[sflag:s23] =	ssyncset.done $0x0  }
0xa4: {  	s25 =	simm.s32 $0x1B8E;
	s24 =	sld [smem:$0x3FFE];
	[sflag:s23] =	ssyncadd.s32 $0xFFFFFFFF  }
0xa5: {  	s26 =	simm.s32 $execute0_lowered;
	[smem:$0x3FD2] =	sst s25  }
0xa6: {  	s4 =	sshll.u32 s26, $0x1;
	_ =	strace $0x8000004C;
	[dreg:$0x1] =	wrdreg $0xFFFFFFFF  }
0xa7: {  	s28 =	simm.s32 $_size_execute0_lowered;
	s2 =	sadd.s32 s2, s4;
	[dreg:$0x0] =	wrdreg $0x0  }
0xa8: {  	s4 =	sshll.u32 s28, $0x1;
	[dreg:$0x2] =	wrdreg s2  }
0xa9: {  	[dreg:$0x3] =	wrdreg s4  }
0xaa: {  	[dreg:$0x4] =	wrdreg $0xC0  }
0xab: {  	_ =	task [dreg:s6], $0x5FFFF  }
0xac: {  	[dreg:$0x1] =	wrdreg $0xFFFFFFFF  }
0xad: {  	[dreg:$0x0] =	wrdreg $0x60  }
0xae: {  	[dreg:$0x2] =	wrdreg s24  }
0xaf: {  	[dreg:$0x3] =	wrdreg $0x19000  }
0xb0: {  	[dreg:$0x4] =	wrdreg $0x9  }
0xb1: {  	_ =	task.clear_ibuf [dreg:s6], $0x5FFFF;
	_ =	strace $0x9000004C  }
0xb2: {  	s29 =	simm.s32 $0x9;
	_ =	strace $0x8000004E  }
0xb3: {  	_ =	swait.ge [sflag:s29], $0x1  }
0xb4: {  	[sflag:s29] =	ssyncadd.s32 $0xFFFFFFFF  }
0xb5: {  	_ =	strace $0x9000004E  }
0xb6: {  	_ =	sfence  }
0xb7: {  	s30 =	sld [smem:$0x0];
	_ =	sdelay $0x2  }
0xb8: {  	s31 =	sshll.u32 s1, $0xD;
	s1 =	sshrl.u32 s1, $0x2  }
0xb9: {  	s3 =	sand.u32 $0x4000, s31;
	s1 =	sadd.s32 s1, s30  }
0xba: {  	s0 =	sor.u32 s3, s0;
	s1 =	sshll.u32 s1, $0x11  }
0xbb: {  	s0 =	sor.u32 s1, s0  }
0xbc: {  	s0 =	sadd.s32 $0x8F2B, s0  }
0xbd: {  	[sflag:s0] =	ssyncadd.remote.s32 $0x1  }
0xbe: {  	_ =	sfence.sel $0xFFFF  }
0xbf: {  	[dreg:$0x0] =	wrdreg $0xFFFFFFFF;
	(pc) =	sbr.abs _section_cstart, $3  }
0xc0: {  	[dreg:$0x1] =	wrdreg $0xFFFFFFFF  }
0xc1: {  	_ =	task.clear_ibuf [dreg:s6], $0x2FFFF;
	_ =	strace $0x9FFFFFFF  }
0xc2: {  	(tm) =	ssettm $0x7FFFFFFF  }
0xc3: {  	_ =	shalt  }
tec
execute0_lowered:
.L_overlay_start_1:
0x0: {  	(tag) =	ssettag $0x1  }
0x1: {  	s11 =	stileid.u32  }
0x2: {  	s0 =	srdreg.scid;
	s6 =	rddreg [dreg:$0x0]  }
0x3: {  	s2 =	rddreg [dreg:$0x1];
	s3 =	simm.s32 $0x0;
	s13 =	simm.s32 $0x1800  }
0x4: {  	s14 =	simm.s32 $0x7;
	s16 =	simm.s32 $0x3;
	s17 =	simm.s32 $0x80  }
0x5: {  	s18 =	simm.s32 $0x800;
	s19 =	simm.s32 $0x600;
	s20 =	simm.s32 $0x1  }
0x6: {  	s21 =	simm.s32 $0x1000;
	s22 =	simm.s32 $0x2;
	s23 =	simm.s32 $0x5  }
0x7: {  	s28 =	simm.s32 $0x6;
	s31 =	simm.s32 $0x4;
	s15 =	simm.s32 $0x780  }
0x8: {  	s1 =	smul.u32 $0x50, s11;
	s0 =	sand.u32 $0x1, s0;
	[smem:$0x7FF] =	sst s3  }
0x9: {  	s5 =	sadd.s32 $0x16400, s6;
	s7 =	smul.u32 $0xA000, s11;
	s9 =	sadd.s32 $0x20400, s6  }
0xa: {  	s10 =	sadd.s32 $0x1B400, s6;
	s11 =	smul.u32 $0x2800, s11;
	p0 =	seq.s32 s0, $0x0  }
0xb: {  	_ =	strace $0x8000004D;
	s0 =	ssub.s32 $0x2, s0;
	s4 =	sadd.s32 $0x500, s1  }
0xc: {  	s25 =	sshrl.u32 s0, $0x1;
	s7 =	sshrl.u32 s7, $0x2;
	s12 =	sshrl.u32 s11, $0x3  }
0xd: {  	s11 =	sadd.s32 s11, s2;
	s10 =	smov.u32 @p0 s9;
	s1 =	smov.u32 @p0 s4  }
0xe: {  	s0 =	ssub.s32 s0, s25;
	s9 =	sadd.s32 s10, s12;
	s30 =	sshrl.u32 s11, $0x3  }
0xf: {  	s10 =	simm.s32 $0x300;
	s11 =	simm.s32 $0x680;
	s12 =	simm.s32 $0x380  }
0x10: {  	s25 =	simm.s32 $0x700;
	s4 =	sshll.u32 s1, $0x4;
	s0 =	smax.u32 s0, $0x1  }
.Ltmp0:
0x11: {  	s26 =	sshll.u32 s1, $0x7;
	[dreg:$0x4] =	wrdreg s9;
	(pc) =	sbr.rel .LBB2_1-.Ltmp0, $4  }
0x12: {  	s29 =	sor.u32 $0x8, s1;
	[dreg:$0x7] =	wrdreg s30;
	s1 =	simm.s32 $0x0  }
0x13: {  	s8 =	sadd.s32 s4, s6;
	s4 =	sadd.s32 $0x2400, s6;
	[dreg:$0x3] =	wrdreg s0  }
0x14: {  	s6 =	sadd.s32 s7, s2;
	s0 =	sadd.s32 $0xFFFB2000, s26;
	[dreg:$0x6] =	wrdreg s29  }
0x15: {  	v0 =	vimm.f32 $0.0e+00;
	s7 =	sadd.s32 $0xC600, s8;
	s8 =	sadd.s32 $0x2800, s8;
	[dreg:$0x5] =	wrdreg s0  }
.LBB2_6:
0x16: {  	[spmem:s2] =	stream.indirect.scatter.add.f32 [tilespmem:s21], [sflag:$0x6], $0x10, s15, s17, $0xb8;
	[tilespmem:$0x4100] =	vst v63  }
0x17: {  	_ =	swait.ge [sflag:s28], $0x800  }
0x18: {  	[sflag:s28] =	ssyncset.done $0x0  }
0x19: {  	[sflag:s28] =	ssyncadd.s32 $0xFFFFF800  }
0x1a: {  	s0 =	stileid.u32;
	[bflag:$0x0] =	sbarrier.arrive $0xFFFF  }
0x1b: {  	s0 =	sshll.u32 s0, $0x6;
	s1 =	rddreg [dreg:$0x4]  }
0x1c: {  	s0 =	sor.u32 $0x1C07, s0;
	s9 =	rddreg [dreg:$0x7]  }
0x1d: {  	[hbm:s1], [sflag:s0] =	dma.local [spmem:s9], $0x500  }
0x1e: {  	_ =	swait.ge [sflag:s14], $0x500  }
0x1f: {  	s29 =	rddreg [dreg:$0x8]  }
0x20: {  	s30 =	rddreg [dreg:$0x3];
	s1 =	sadd.s32 $0x1, s29  }
0x21: {  	p0 =	sne.s32 s1, s30  }
.Ltmp1:
0x22: {  	_ = 	snop;
	(pc) =	sbr.rel @!p0 .LBB2_7-.Ltmp1, $3  }
0x23: {  	_ =	sdelay $0x1  }
0x24: {  	[sflag:s14] =	ssyncset.done $0x0  }
0x25: {  	[sflag:s14] =	ssyncadd.s32 $0xFFFFFB00  }
.LBB2_1:
0x26: {  	[tilespmem:$0x1800] =	vst v0  }
0x27: {  	[tilespmem:$0x1810] =	vst v0  }
0x28: {  	[tilespmem:$0x1820] =	vst v0  }
0x29: {  	[tilespmem:$0x1830] =	vst v0  }
0x2a: {  	[tilespmem:$0x1840] =	vst v0  }
0x2b: {  	[tilespmem:$0x1850] =	vst v0  }
0x2c: {  	[tilespmem:$0x1860] =	vst v0  }
0x2d: {  	[tilespmem:$0x1870] =	vst v0  }
0x2e: {  	[tilespmem:$0x1880] =	vst v0  }
0x2f: {  	[tilespmem:$0x1890] =	vst v0  }
0x30: {  	[tilespmem:$0x18A0] =	vst v0  }
0x31: {  	[tilespmem:$0x18B0] =	vst v0  }
0x32: {  	[tilespmem:$0x18C0] =	vst v0  }
0x33: {  	[tilespmem:$0x18D0] =	vst v0  }
0x34: {  	[tilespmem:$0x18E0] =	vst v0  }
0x35: {  	[dreg:$0x8] =	wrdreg s1;
	[tilespmem:$0x18F0] =	vst v0;
	s24 =	sadd.s32 $0x0, s6  }
0x36: {  	[spmem:s24] =	stream.linear.scatter [tilespmem:s13], [sflag:$0x7], $0x100, $0x38;
	[tilespmem:$0x4100] =	vst v63  }
0x37: {  	s24 =	simm.s32 $0x400;
	_ =	swait.ge [sflag:s14], $0x100  }
.LBB2_2:
0x38: {  	s26 =	sshra.s32 s24, $0x2;
	[sflag:s14] =	ssyncset.done $0x0;
	p0 =	sne.s32 s24, $0x9C00  }
.Ltmp2:
0x39: {  	s26 =	sadd.s32 s26, s6;
	[sflag:s14] =	ssyncadd.s32 $0xFFFFFF00;
	(pc) =	sbr.rel @p0 .LBB2_2-.Ltmp2, $3  }
0x3a: {  	[spmem:s26] =	stream.linear.scatter [tilespmem:s13], [sflag:$0x7], $0x100, $0x38;
	[tilespmem:$0x4100] =	vst v63  }
0x3b: {  	s24 =	sadd.s32 $0x400, s24;
	_ =	sdelay $0x1  }
0x3c: {  	_ =	swait.ge [sflag:s14], $0x100  }
0x3d: {  	[sflag:s14] =	ssyncset.done $0x0  }
0x3e: {  	[sflag:s14] =	ssyncadd.s32 $0xFFFFFF00  }
0x3f: {  	s24 =	simm.s32 $0x0;
	[bflag:$0x0] =	sbarrier.arrive $0xFFFF  }
0x40: {  	[tilespmem:s24], [sflag:$0x3] =	stream.linear.gather [hbm4b:s7+s24], $0x200, $0x38;
	[tilespmem:$0x4100] =	vst v63  }
0x41: {  	s0 =	simm.s32 $0x400  }
0x42: {  	[tilespmem:s0], [sflag:$0x3] =	stream.linear.gather [hbm4b:s8+s24], $0x200, $0x38;
	[tilespmem:$0x4100] =	vst v63  }
0x43: {  	_ =	swait.ge [sflag:s16], $0x200  }
0x44: {  	[sflag:s16] =	ssyncset.done $0x0  }
0x45: {  	[sflag:s16] =	ssyncadd.s32 $0xFFFFFE00  }
0x46: {  	_ =	swait.ge [sflag:s16], $0x200  }
0x47: {  	[sflag:s16] =	ssyncset.done $0x0;
	s26 =	rddreg [dreg:$0x6]  }
0x48: {  	s29 =	rddreg [dreg:$0x5];
	[sflag:s16] =	ssyncadd.s32 $0xFFFFFE00  }
0x49: {  	[tilespmem:s18], [sflag:$0x1] =	stream.indirect.gather [hbm4b:s5+s17], $0x10, s24, s17, $0xb8;
	[tilespmem:$0x4100] =	vst v63  }
.LBB2_4:
0x4a: {  	s30 =	sadd.s32 $0xFFFFFFFC, s26  }
0x4b: {  	p0 =	sgt.u32 s30, $0x9C3  }
0x4c: {  	s30 =	sshrl.u32 @p0 s29, $0x3  }
0x4d: {  	s1 =	simm.s32 @p0 $0x0;
	s0 =	simm.s32 @p0 $0x200;
	s30 =	sadd.s32 @p0 s4, s30  }
0x4e: {  	[tilespmem:s0], [sflag:$0x4] =	stream.linear.gather @p0 [hbm4b:s30+s1], $0x200, $0x38;
	[tilespmem:$0x4100] =	vst v63  }
0x4f: {  	s0 =	sadd.s32 @!p0 s24, s7  }
0x50: {  	s9 =	simm.s32 @!p0 $0x200;
	s1 =	simm.s32 @!p0 $0x0;
	s0 =	sadd.s32 @!p0 $0x40, s0  }
0x51: {  	[tilespmem:s9], [sflag:$0x4] =	stream.linear.gather @!p0 [hbm4b:s0+s1], $0x200, $0x38;
	[tilespmem:$0x4100] =	vst v63  }
0x52: {  	s0 =	sadd.s32 @!p0 s24, s8  }
0x53: {  	s0 =	sadd.s32 @!p0 $0x40, s0  }
0x54: {  	s0 =	smov.u32 @p0 s30  }
0x55: {  	[tilespmem:s19], [sflag:$0x4] =	stream.linear.gather [hbm4b:s0+s3], $0x200, $0x38;
	[tilespmem:$0x4100] =	vst v63  }
0x56: {  	_ =	swait.ge [sflag:s20], $0x800  }
0x57: {  	p0 =	seq.s32 s24, $0x0;
	[sflag:s20] =	ssyncset.done $0x0  }
0x58: {  	s0 =	simm.s32 @!p0 $0x6;
	[sflag:s20] =	ssyncadd.s32 $0xFFFFF800  }
0x59: {  	_ =	swait.ge @!p0 [sflag:s0], $0x800  }
0x5a: {  	[sflag:s0] =	ssyncset.done @!p0 $0x0  }
0x5b: {  	[sflag:s0] =	ssyncadd.s32 @!p0 $0xFFFFF800  }
0x5c: {  	[tilespmem:s21], [sflag:$0x2] =	stream.indirect.gather [hbm4b:s5+s17], $0x10, s17, s17, $0xb8;
	[tilespmem:$0x4100] =	vst v63  }
0x5d: {  	s9 =	simm.s32 $0x400  }
0x5e: {  	[spmem:s2] =	stream.indirect.scatter.add.f32 [tilespmem:s18], [sflag:$0x5], $0x10, s9, s17, $0xb8;
	[tilespmem:$0x4100] =	vst v63  }
0x5f: {  	_ =	swait.ge [sflag:s22], $0x800  }
0x60: {  	[sflag:s22] =	ssyncset.done $0x0  }
0x61: {  	[sflag:s22] =	ssyncadd.s32 $0xFFFFF800  }
0x62: {  	_ =	swait.ge [sflag:s23], $0x800  }
0x63: {  	[sflag:s23] =	ssyncset.done $0x0  }
0x64: {  	s30 =	simm.s32 $0x100;
	[sflag:s23] =	ssyncadd.s32 $0xFFFFF800  }
0x65: {  	[tilespmem:s18], [sflag:$0x1] =	stream.indirect.gather [hbm4b:s5+s17], $0x10, s30, s17, $0xb8;
	[tilespmem:$0x4100] =	vst v63  }
0x66: {  	s1 =	simm.s32 $0x480  }
0x67: {  	[spmem:s2] =	stream.indirect.scatter.add.f32 [tilespmem:s21], [sflag:$0x6], $0x10, s1, s17, $0xb8;
	[tilespmem:$0x4100] =	vst v63  }
0x68: {  	_ =	swait.ge [sflag:s20], $0x800  }
0x69: {  	[sflag:s20] =	ssyncset.done $0x0  }
0x6a: {  	[sflag:s20] =	ssyncadd.s32 $0xFFFFF800  }
0x6b: {  	_ =	swait.ge [sflag:s28], $0x800  }
0x6c: {  	[sflag:s28] =	ssyncset.done $0x0  }
0x6d: {  	s9 =	simm.s32 $0x180;
	[sflag:s28] =	ssyncadd.s32 $0xFFFFF800  }
0x6e: {  	[tilespmem:s21], [sflag:$0x2] =	stream.indirect.gather [hbm4b:s5+s17], $0x10, s9, s17, $0xb8;
	[tilespmem:$0x4100] =	vst v63  }
0x6f: {  	s30 =	simm.s32 $0x500  }
0x70: {  	[spmem:s2] =	stream.indirect.scatter.add.f32 [tilespmem:s18], [sflag:$0x5], $0x10, s30, s17, $0xb8;
	[tilespmem:$0x4100] =	vst v63  }
0x71: {  	_ =	swait.ge [sflag:s22], $0x800  }
0x72: {  	[sflag:s22] =	ssyncset.done $0x0  }
0x73: {  	[sflag:s22] =	ssyncadd.s32 $0xFFFFF800  }
0x74: {  	_ =	swait.ge [sflag:s23], $0x800  }
0x75: {  	[sflag:s23] =	ssyncset.done $0x0  }
0x76: {  	[sflag:s23] =	ssyncadd.s32 $0xFFFFF800  }
0x77: {  	_ =	swait.ge [sflag:s31], $0x200  }
0x78: {  	[sflag:s31] =	ssyncset.done $0x0  }
0x79: {  	p0 =	seq.s32 s24, $0x480;
	[sflag:s31] =	ssyncadd.s32 $0xFFFFFE00  }
0x7a: {  	p1 =	sgt.u32 @!p0 s26, $0x9C3;
	_ =	swait.ge [sflag:s31], $0x200  }
0x7b: {  	p2 =	por !p1, p0;
	[sflag:s31] =	ssyncset.done $0x0  }
0x7c: {  	s0 =	sadd.s32 @!p2 $0x200, s29;
	s1 =	simm.s32 $0x200;
	[sflag:s31] =	ssyncadd.s32 $0xFFFFFE00  }
0x7d: {  	[tilespmem:s18], [sflag:$0x1] =	stream.indirect.gather [hbm4b:s5+s17], $0x10, s1, s17, $0xb8;
	[tilespmem:$0x4100] =	vst v63  }
0x7e: {  	s0 =	sshrl.u32 @!p2 s0, $0x3;
	s9 =	simm.s32 $0x580  }
0x7f: {  	[spmem:s2] =	stream.indirect.scatter.add.f32 [tilespmem:s21], [sflag:$0x6], $0x10, s9, s17, $0xb8;
	[tilespmem:$0x4100] =	vst v63  }
0x80: {  	p1 =	por p1, p0;
	s0 =	sadd.s32 @!p2 s4, s0;
	s1 =	simm.s32 @!p2 $0x0  }
0x81: {  	[tilespmem:s1], [sflag:$0x3] =	stream.linear.gather @!p2 [hbm4b:s0+s1], $0x200, $0x38;
	[tilespmem:$0x4100] =	vst v63  }
0x82: {  	s1 =	sadd.s32 @!p1 s24, s7  }
0x83: {  	s9 =	simm.s32 @!p1 $0x0;
	s1 =	sadd.s32 @!p1 $0x80, s1  }
0x84: {  	[tilespmem:s9], [sflag:$0x3] =	stream.linear.gather @!p1 [hbm4b:s1+s9], $0x200, $0x38;
	[tilespmem:$0x4100] =	vst v63  }
0x85: {  	s1 =	sadd.s32 @!p1 s24, s8  }
0x86: {  	s1 =	sadd.s32 @!p1 $0x80, s1  }
0x87: {  	s9 =	simm.s32 @!p0 $0x400;
	s0 =	smov.u32 @p2 s1;
	s1 =	simm.s32 @!p0 $0x0  }
0x88: {  	[tilespmem:s9], [sflag:$0x3] =	stream.linear.gather @!p0 [hbm4b:s0+s1], $0x200, $0x38;
	[tilespmem:$0x4100] =	vst v63  }
0x89: {  	_ =	swait.ge [sflag:s20], $0x800  }
0x8a: {  	[sflag:s20] =	ssyncset.done $0x0  }
0x8b: {  	[sflag:s20] =	ssyncadd.s32 $0xFFFFF800  }
0x8c: {  	_ =	swait.ge [sflag:s28], $0x800  }
0x8d: {  	[sflag:s28] =	ssyncset.done $0x0  }
0x8e: {  	s30 =	simm.s32 $0x280;
	[sflag:s28] =	ssyncadd.s32 $0xFFFFF800  }
0x8f: {  	[tilespmem:s21], [sflag:$0x2] =	stream.indirect.gather [hbm4b:s5+s17], $0x10, s30, s17, $0xb8;
	[tilespmem:$0x4100] =	vst v63  }
0x90: {  	_ = 	snop  }
0x91: {  	[spmem:s2] =	stream.indirect.scatter.add.f32 [tilespmem:s18], [sflag:$0x5], $0x10, s19, s17, $0xb8;
	[tilespmem:$0x4100] =	vst v63  }
0x92: {  	_ =	swait.ge [sflag:s22], $0x800  }
0x93: {  	[sflag:s22] =	ssyncset.done $0x0  }
0x94: {  	[sflag:s22] =	ssyncadd.s32 $0xFFFFF800  }
0x95: {  	_ =	swait.ge [sflag:s23], $0x800  }
0x96: {  	[sflag:s23] =	ssyncset.done $0x0  }
0x97: {  	[sflag:s23] =	ssyncadd.s32 $0xFFFFF800  }
0x98: {  	[tilespmem:s18], [sflag:$0x1] =	stream.indirect.gather [hbm4b:s5+s17], $0x10, s10, s17, $0xb8;
	[tilespmem:$0x4100] =	vst v63  }
0x99: {  	_ = 	snop  }
0x9a: {  	[spmem:s2] =	stream.indirect.scatter.add.f32 [tilespmem:s21], [sflag:$0x6], $0x10, s11, s17, $0xb8;
	[tilespmem:$0x4100] =	vst v63  }
0x9b: {  	_ =	swait.ge [sflag:s20], $0x800  }
0x9c: {  	[sflag:s20] =	ssyncset.done $0x0  }
0x9d: {  	[sflag:s20] =	ssyncadd.s32 $0xFFFFF800  }
0x9e: {  	_ =	swait.ge [sflag:s28], $0x800  }
0x9f: {  	[sflag:s28] =	ssyncset.done $0x0  }
0xa0: {  	[sflag:s28] =	ssyncadd.s32 $0xFFFFF800  }
0xa1: {  	[tilespmem:s21], [sflag:$0x2] =	stream.indirect.gather [hbm4b:s5+s17], $0x10, s12, s17, $0xb8;
	[tilespmem:$0x4100] =	vst v63  }
0xa2: {  	_ = 	snop  }
0xa3: {  	[spmem:s2] =	stream.indirect.scatter.add.f32 [tilespmem:s18], [sflag:$0x5], $0x10, s25, s17, $0xb8;
	[tilespmem:$0x4100] =	vst v63  }
0xa4: {  	_ =	swait.ge [sflag:s22], $0x800  }
.Ltmp3:
0xa5: {  	[sflag:s22] =	ssyncset.done $0x0;
	(pc) =	sbr.rel @p0 .LBB2_6-.Ltmp3, $4  }
0xa6: {  	[sflag:s22] =	ssyncadd.s32 $0xFFFFF800  }
0xa7: {  	_ =	swait.ge [sflag:s23], $0x800  }
0xa8: {  	[sflag:s23] =	ssyncset.done $0x0  }
0xa9: {  	[sflag:s23] =	ssyncadd.s32 $0xFFFFF800  }
0xaa: {  	_ =	swait.ge [sflag:s16], $0x200  }
0xab: {  	[sflag:s16] =	ssyncset.done $0x0  }
0xac: {  	[sflag:s16] =	ssyncadd.s32 $0xFFFFFE00  }
0xad: {  	_ =	swait.ge [sflag:s16], $0x200  }
.Ltmp4:
0xae: {  	[sflag:s16] =	ssyncset.done $0x0;
	(pc) =	sbr.rel .LBB2_4-.Ltmp4, $4  }
0xaf: {  	[sflag:s16] =	ssyncadd.s32 $0xFFFFFE00  }
0xb0: {  	[tilespmem:s18], [sflag:$0x1] =	stream.indirect.gather [hbm4b:s5+s17], $0x10, s3, s17, $0xb8;
	[tilespmem:$0x4100] =	vst v63  }
0xb1: {  	s29 =	sadd.s32 $0x400, s29;
	s24 =	sadd.s32 $0x80, s24;
	s26 =	sadd.s32 $0x8, s26  }
0xb2: {  	[spmem:s2] =	stream.indirect.scatter.add.f32 [tilespmem:s21], [sflag:$0x6], $0x10, s15, s17, $0xb8;
	[tilespmem:$0x4100] =	vst v63  }
.LBB2_7:
0xb3: {  	_ =	sfence.sel $0x180000  }
0xb4: {  	[bflag:$0x0] =	sbarrier.arrive $0xFFFF  }
0xb5: {  	_ =	strace $0x9000004D  }
0xb6: {  	s0 =	stileid.u32;
	[bflag:$0x2] =	sbarrier.arrive $0xFFFF  }
0xb7: {  	p0 =	sne.s32 s0, $0x0;
	s0 =	rddreg [dreg:$0x2]  }
0xb8: {  	s0 =	sadd.s32 @!p0 $0x100000, s0  }
0xb9: {  	[sflag:s0] =	ssyncadd.tile.s32 @!p0 $0x1;
	_ =	shalt  }
.Lfunc_end2:
_tile_overlayer_lowered:
.L_overlay_start_2:
0xba: {  	(tag) =	ssettag $0x2  }
0xbb: {  	s0 =	rddreg [dreg:$0x0];
	s2 =	stileid.u32  }
0xbc: {  	s1 =	rddreg [dreg:$0x1];
	p0 =	sne.s32 s2, $0x0  }
0xbd: {  	s3 =	rddreg [dreg:$0x2];
	[bflag:$0x3] =	sbarrier.arrive $0xFFFF;
	s2 =	simm.s32 @!p0 $0x1C07  }
0xbe: {  	[timem:s3], [sflag:s2] =	dma.local @!p0 [hbm:s0], s1  }
0xbf: {  	s0 =	simm.s32 @!p0 $0x7  }
0xc0: {  	_ =	swait.ge @!p0 [sflag:s0], s1  }
0xc1: {  	s1 =	ssub.s32 @!p0 $0x0, s1;
	[sflag:s0] =	ssyncset.done @!p0 $0x0  }
0xc2: {  	[sflag:s0] =	ssyncadd.s32 @!p0 s1  }
0xc3: {  	[bflag:$0x3] =	sbarrier.arrive $0xFFFF  }
0xc4: {  	_ =	shalt  }

// kernel: kernel.8.cloned.1.call-start
scs
__scs_entry_jumppad:
0x0: {  	(pc) =	sbr.rel $0x88, $3  }
0x1: {  	(tag) =	ssettag $0x0;
	lr =	simm.s32 $0x1  }
0x2: {  	[smem:$0x3F9B] =	sst lr;
	_ =	strace $0xD0000000  }
0x3: {  	_ = 	snop  }
0x4: {  	_ = 	snop  }
0x5: {  	_ = 	snop  }
0x6: {  	_ = 	snop  }
0x7: {  	_ = 	snop  }
__scs_overlays_trampoline_lowered:
0x8: {  	[smem:$0x3FAA] =	sst s0  }
0x9: {  	[smem:$0x3FAB] =	sst s1  }
0xa: {  	[smem:$0x3FAC] =	sst s2  }
0xb: {  	[smem:$0x3FAD] =	sst s3  }
0xc: {  	[smem:$0x3FAE] =	sst s4  }
0xd: {  	[smem:$0x3FAF] =	sst s5  }
0xe: {  	[smem:$0x3FB0] =	sst s6  }
0xf: {  	[smem:$0x3FB1] =	sst s7  }
0x10: {  	[smem:$0x3FB2] =	sst s8  }
0x11: {  	[smem:$0x3FB3] =	sst s9;
	s0 =	simm.s32 @!p0 $0x0  }
0x12: {  	s1 =	sld [smem:$0x3F99];
	s0 =	simm.s32 @p0 $0x1  }
0x13: {  	[smem:$0x3FB4] =	sst s0;
	s0 =	simm.s32 @!p1 $0x0  }
0x14: {  	s2 =	sld [smem:$0x3F98];
	s0 =	simm.s32 @p1 $0x1  }
0x15: {  	[smem:$0x3FB5] =	sst s0;
	s0 =	simm.s32 @!p2 $0x0  }
0x16: {  	s3 =	sld [smem:$0x3FDB];
	s0 =	simm.s32 @p2 $0x1  }
0x17: {  	s4 =	simm.s32 $0x1BF5;
	[smem:$0x3FB7] =	sst s0  }
0x18: {  	s0 =	sld [smem:$0x3F9A];
	_ =	swait.ge [sflag:s4], $0x0  }
0x19: {  	s7 =	sld [smem:$0x3F9B]  }
0x1a: {  	s8 =	sadd.s32 $0xFFFFE003, lr  }
0x1b: {  	s9 =	sadd.s32 $0xFFFFFEF7, lr;
	s5 =	simm.s32 $0xFFFFFFFF;
	p2 =	slt.u32 s8, $0xFFFFF086  }
0x1c: {  	p1 =	slt.u32 s9, $0xF7A;
	s5 =	simm.s32 @!p2 $0x0  }
0x1d: {  	s5 =	simm.s32 @p1 $0x1;
	p0 =	seq.s32 s7, s2  }
0x1e: {  	s7 =	smul.u32 @!p0 $0xF7A, s2;
	p2 =	seq.s32 @!p0 s5, $0x0  }
0x1f: {  	s9 =	smul.u32 $0xF7A, s1;
	s8 =	simm.s32 @!p0 $0x1BF5;
	p2 =	por !p2, p0  }
0x20: {  	[sflag:s8] =	ssyncset.s32 @!p0 $0xFFFFF086;
	s6 =	sadd.s32 @!p0 s3, s7;
	s7 =	simm.s32 @!p0 $0x108  }
0x21: {  	s3 =	sadd.s32 s3, s9;
	s6 =	sadd.s32 @!p0 $0x88, s6;
	s7 =	simm.s32 @p2 $0x1082  }
0x22: {  	[simem:s7], [sflag:s8] =	dma.local @!p0 [hbm:s6], $0xF7A  }
0x23: {  	s9 =	sor.u32 $0xD0000000, s2;
	s6 =	simm.s32 $0x108;
	_ =	swait.ge @!p0 [sflag:s8], $0x0  }
0x24: {  	s3 =	sadd.s32 $0x88, s3;
	s6 =	simm.s32 @!p1 $0x1082;
	[sflag:s4] =	ssyncset.s32 $0xFFFFF086  }
0x25: {  	[simem:s6], [sflag:s4] =	dma.local [hbm:s3], $0xF7A  }
0x26: {  	[smem:$0x3F9B] =	sst s1;
	(tag) =	ssettag s2;
	_ =	strace s9  }
0x27: {  	s1 =	sld [smem:$0x3FAB]  }
0x28: {  	s2 =	sld [smem:$0x3FAC]  }
0x29: {  	s4 =	sld [smem:$0x3FAE]  }
0x2a: {  	p0 =	seq.s32 s5, $0x0;
	s5 =	sld [smem:$0x3FAF]  }
0x2b: {  	s6 =	sld [smem:$0x3FB0]  }
0x2c: {  	s7 =	sld [smem:$0x3FB1]  }
0x2d: {  	s3 =	simm.s32 $0x108;
	s8 =	sld [smem:$0x3FB2]  }
0x2e: {  	s3 =	simm.s32 @!p0 $0x1082;
	s9 =	sld [smem:$0x3FB3]  }
0x2f: {  	lr =	sadd.s32 s0, s3;
	s0 =	sld [smem:$0x3FAA]  }
0x30: {  	s3 =	sld [smem:$0x3FAD]  }
0x31: {  	[smem:$0x3FB6] =	sst s10  }
0x32: {  	s10 =	sld [smem:$0x3FB4];
	_ =	sdelay $0x3  }
0x33: {  	p0 =	seq.s32 s10, $0x1;
	s10 =	sld [smem:$0x3FB6];
	_ =	sdelay $0x3  }
0x34: {  	[smem:$0x3FB6] =	sst s10  }
0x35: {  	s10 =	sld [smem:$0x3FB5];
	_ =	sdelay $0x3  }
0x36: {  	p1 =	seq.s32 s10, $0x1;
	s10 =	sld [smem:$0x3FB6];
	_ =	sdelay $0x3  }
0x37: {  	[smem:$0x3FB6] =	sst s10  }
0x38: {  	s10 =	sld [smem:$0x3FB7]  }
0x39: {  	_ = 	snop;
	(pc) =	sbr.ind lr, $3  }
0x3a: {  	_ = 	snop  }
0x3b: {  	_ = 	snop  }
0x3c: {  	p2 =	seq.s32 s10, $0x1;
	s10 =	sld [smem:$0x3FB6]  }
0x3d: {  	_ =	shalt  }
0x3e: {  	_ =	shalt  }
0x3f: {  	_ =	shalt  }
0x40: {  	_ =	shalt  }
0x41: {  	_ =	shalt  }
0x42: {  	_ =	shalt  }
0x43: {  	_ =	shalt  }
0x44: {  	_ =	shalt  }
0x45: {  	_ =	shalt  }
0x46: {  	_ =	shalt  }
0x47: {  	_ =	shalt  }
0x48: {  	_ =	shalt  }
0x49: {  	_ =	shalt  }
0x4a: {  	_ =	shalt  }
0x4b: {  	_ =	shalt  }
0x4c: {  	_ =	shalt  }
0x4d: {  	_ =	shalt  }
0x4e: {  	_ =	shalt  }
0x4f: {  	_ =	shalt  }
0x50: {  	_ =	shalt  }
0x51: {  	_ =	shalt  }
0x52: {  	_ =	shalt  }
0x53: {  	_ =	shalt  }
0x54: {  	_ =	shalt  }
0x55: {  	_ =	shalt  }
0x56: {  	_ =	shalt  }
0x57: {  	_ =	shalt  }
0x58: {  	_ =	shalt  }
0x59: {  	_ =	shalt  }
0x5a: {  	_ =	shalt  }
0x5b: {  	_ =	shalt  }
0x5c: {  	_ =	shalt  }
0x5d: {  	_ =	shalt  }
0x5e: {  	_ =	shalt  }
0x5f: {  	_ =	shalt  }
0x60: {  	_ =	shalt  }
0x61: {  	_ =	shalt  }
0x62: {  	_ =	shalt  }
0x63: {  	_ =	shalt  }
0x64: {  	_ =	shalt  }
0x65: {  	_ =	shalt  }
0x66: {  	_ =	shalt  }
0x67: {  	_ =	shalt  }
0x68: {  	_ =	shalt  }
0x69: {  	_ =	shalt  }
0x6a: {  	_ =	shalt  }
0x6b: {  	_ =	shalt  }
0x6c: {  	_ =	shalt  }
0x6d: {  	_ =	shalt  }
0x6e: {  	_ =	shalt  }
0x6f: {  	_ =	shalt  }
0x70: {  	_ =	shalt  }
0x71: {  	_ =	shalt  }
0x72: {  	_ =	shalt  }
0x73: {  	_ =	shalt  }
0x74: {  	_ =	shalt  }
0x75: {  	_ =	shalt  }
0x76: {  	_ =	shalt  }
0x77: {  	_ =	shalt  }
0x78: {  	_ =	shalt  }
0x79: {  	_ =	shalt  }
0x7a: {  	_ =	shalt  }
0x7b: {  	_ =	shalt  }
0x7c: {  	_ =	shalt  }
0x7d: {  	_ =	shalt  }
0x7e: {  	_ =	shalt  }
0x7f: {  	_ =	shalt  }
0x80: {  	_ =	shalt  }
0x81: {  	_ =	shalt  }
0x82: {  	_ =	shalt  }
0x83: {  	_ =	shalt  }
0x84: {  	_ =	shalt  }
0x85: {  	_ =	shalt  }
0x86: {  	_ =	shalt  }
0x87: {  	_ =	shalt  }
.Lfunc_end0:
.L_simem_size_0:
called_computation_lowered:
.L_overlay_start_0:
0x88: {  	s2 =	sld [smem:$0x3FD9]  }
0x89: {  	s3 =	sld [smem:$0x3FFE];
	_ =	sdelay $0x1  }
0x8a: {  	s1 =	srdreg.scid  }
0x8b: {  	s0 =	sand.u32 $0x1, s1  }
0x8c: {  	s17 =	sshll.u32 s0, $0xA;
	s2 =	sadd.s32 s3, s2  }
0x8d: {  	s2 =	sadd.s32 s2, s17  }
0x8e: {  	[smem:$0x3FC2] =	sst s2  }
0x8f: {  	_ = 	snop  }
0x90: {  	s2 =	sld [smem:$0x3FD0];
	(tm) =	ssettm $0x1  }
0x91: {  	s18 =	sld [smem:$0x3FFB];
	_ =	sdelay $0x3  }
0x92: {  	_ =	strace s18  }
0x93: {  	s3 =	sld [smem:$0x3FFC];
	_ =	sdelay $0x3  }
0x94: {  	_ =	strace s3  }
0x95: {  	s3 =	sld [smem:$0x3FFD];
	_ =	sdelay $0x3  }
0x96: {  	_ =	strace s3  }
0x97: {  	_ =	strace $0x8FFFFFFF  }
0x98: {  	s19 =	sld [smem:$0x3FDB];
	_ =	sdelay $0x1  }
0x99: {  	s4 =	simm.s32 $_scs_section_size  }
0x9a: {  	s5 =	simm.s32 $_size__tile_overlayer_lowered;
	s6 =	simm.s32 $_tile_overlayer_lowered  }
0x9b: {  	s22 =	simm.s32 $0x1BFF;
	s21 =	sshll.u32 s6, $0x1;
	s3 =	sadd.s32 s4, s19  }
0x9c: {  	s7 =	simm.s32 $0x0;
	s20 =	sshll.u32 s5, $0x1;
	s5 =	sadd.s32 s21, s3  }
0x9d: {  	[timem:s7], [sflag:s22] =	dma.local [hbm:s5], s20  }
0x9e: {  	_ =	swait.ge [sflag:s22], s20  }
0x9f: {  	s4 =	ssub.s32 $0x0, s20;
	[sflag:s22] =	ssyncset.done $0x0  }
0xa0: {  	[sflag:s22] =	ssyncadd.s32 s4;
	_ =	sdelay $0x1  }
0xa1: {  	s23 =	simm.s32 $0x1B8B  }
0xa2: {  	_ =	swait.ge [sflag:s23], $0x1  }
0xa3: {  	[sflag:s23] =	ssyncset.done $0x0  }
0xa4: {  	s25 =	simm.s32 $0x1B8E;
	s24 =	sld [smem:$0x3FFE];
	[sflag:s23] =	ssyncadd.s32 $0xFFFFFFFF  }
0xa5: {  	s26 =	simm.s32 $execute0_lowered;
	[smem:$0x3FD2] =	sst s25  }
0xa6: {  	s5 =	sshll.u32 s26, $0x1;
	_ =	strace $0x80000046;
	[dreg:$0x1] =	wrdreg $0xFFFFFFFF  }
0xa7: {  	s28 =	simm.s32 $_size_execute0_lowered;
	s3 =	sadd.s32 s3, s5;
	[dreg:$0x0] =	wrdreg $0x0  }
0xa8: {  	s5 =	sshll.u32 s28, $0x1;
	[dreg:$0x2] =	wrdreg s3  }
0xa9: {  	[dreg:$0x3] =	wrdreg s5  }
0xaa: {  	[dreg:$0x4] =	wrdreg $0xC0  }
0xab: {  	_ =	task [dreg:s7], $0x5FFFF  }
0xac: {  	[dreg:$0x1] =	wrdreg $0xFFFFFFFF  }
0xad: {  	[dreg:$0x0] =	wrdreg $0x60  }
0xae: {  	[dreg:$0x2] =	wrdreg s24  }
0xaf: {  	[dreg:$0x3] =	wrdreg s2  }
0xb0: {  	[dreg:$0x4] =	wrdreg $0x2B000  }
0xb1: {  	[dreg:$0x5] =	wrdreg $0x9  }
0xb2: {  	_ =	task.clear_ibuf [dreg:s7], $0x6FFFF;
	_ =	strace $0x90000046  }
0xb3: {  	s29 =	simm.s32 $0x9;
	_ =	strace $0x80000048  }
0xb4: {  	_ =	swait.ge [sflag:s29], $0x1  }
0xb5: {  	[sflag:s29] =	ssyncadd.s32 $0xFFFFFFFF  }
0xb6: {  	_ =	strace $0x90000048  }
0xb7: {  	_ =	sfence  }
0xb8: {  	s30 =	sld [smem:$0x0];
	_ =	sdelay $0x2  }
0xb9: {  	s31 =	sshll.u32 s1, $0xD;
	s1 =	sshrl.u32 s1, $0x2  }
0xba: {  	s3 =	sand.u32 $0x4000, s31;
	s1 =	sadd.s32 s1, s30  }
0xbb: {  	s0 =	sor.u32 s3, s0;
	s1 =	sshll.u32 s1, $0x11  }
0xbc: {  	s0 =	sor.u32 s1, s0  }
0xbd: {  	s0 =	sadd.s32 $0x8F2B, s0  }
0xbe: {  	[sflag:s0] =	ssyncadd.remote.s32 $0x1  }
0xbf: {  	_ =	sfence.sel $0xFFFF  }
0xc0: {  	[dreg:$0x0] =	wrdreg $0xFFFFFFFF;
	(pc) =	sbr.abs _section_cstart, $3  }
0xc1: {  	[dreg:$0x1] =	wrdreg $0xFFFFFFFF  }
0xc2: {  	_ =	task.clear_ibuf [dreg:s7], $0x2FFFF;
	_ =	strace $0x9FFFFFFF  }
0xc3: {  	(tm) =	ssettm $0x7FFFFFFF  }
tec
execute0_lowered:
.L_overlay_start_1:
0x0: {  	(tag) =	ssettag $0x1  }
0x1: {  	s7 =	rddreg [dreg:$0x0]  }
0x2: {  	s9 =	rddreg [dreg:$0x1];
	s1 =	srdreg.scid  }
0x3: {  	s0 =	stileid.u32;
	s2 =	rddreg [dreg:$0x2];
	s3 =	simm.s32 $0x0  }
0x4: {  	s8 =	sand.u32 $0x1, s1;
	s4 =	sshll.u32 s0, $0x1;
	s1 =	rddreg [dreg:$0x3]  }
0x5: {  	[smem:$0x7FF] =	sst s3;
	s11 =	smul.u32 $0x280, s0;
	s13 =	sadd.s32 $0x16400, s7  }
0x6: {  	s14 =	sshll.u32 s0, $0x6;
	s10 =	sor.u32 s8, s4;
	_ =	strace $0x80000047  }
0x7: {  	s5 =	ssub.s32 $0x2, s8;
	p0 =	seq.s32 s8, $0x1;
	s14 =	sor.u32 $0x1C01, s14  }
0x8: {  	s4 =	smul.u32 $0x500, s10;
	s12 =	sshrl.u32 s5, $0x1;
	s9 =	smov.u32 @p0 s13  }
0x9: {  	p0 =	seq.s32 s10, $0x1F;
	s10 =	simm.s32 $0x2880;
	s13 =	simm.s32 $0x2800  }
0xa: {  	s12 =	ssub.s32 s5, s12;
	s5 =	sadd.s32 s11, s2;
	s11 =	sshrl.u32 s11, $0x3  }
0xb: {  	s6 =	sadd.s32 s4, s7;
	s4 =	sadd.s32 $0x2400, s7;
	s7 =	sadd.s32 $0xC300, s7  }
0xc: {  	s8 =	smax.u32 s12, $0x1;
	s9 =	sadd.s32 s9, s11;
	s11 =	simm.s32 $0x1  }
0xd: {  	v0 =	vimm.f32 $1.000000000e+00;
	v1 =	vimm.f32 $0.0e+00;
	s12 =	simm.s32 $0x80;
	s15 =	sshrl.u32 s5, $0x3;
	s6 =	sadd.s32 $0x2800, s6  }
.LBB2_1:
0xe: {  	[tilespmem:$0x2800] =	vst v0  }
0xf: {  	[tilespmem:$0x2810] =	vst v0  }
0x10: {  	[tilespmem:$0x2820] =	vst v0  }
0x11: {  	[tilespmem:$0x2830] =	vst v0  }
0x12: {  	[tilespmem:$0x2840] =	vst v0  }
0x13: {  	[tilespmem:$0x2850] =	vst v0  }
0x14: {  	[tilespmem:$0x2860] =	vst v0  }
0x15: {  	[tilespmem:$0x2870] =	vst v0  }
0x16: {  	[tilespmem:$0x2880] =	vst v1  }
0x17: {  	[tilespmem:$0x2890] =	vst v1  }
0x18: {  	[tilespmem:$0x28A0] =	vst v1  }
0x19: {  	[tilespmem:$0x28B0] =	vst v1  }
0x1a: {  	[tilespmem:$0x28C0] =	vst v1  }
0x1b: {  	[tilespmem:$0x28D0] =	vst v1  }
0x1c: {  	[tilespmem:$0x28E0] =	vst v1  }
0x1d: {  	[tilespmem:$0x28F0] =	vst v1  }
0x1e: {  	[tilespmem:$0x2900] =	vst v1  }
0x1f: {  	[tilespmem:$0x2910] =	vst v1  }
0x20: {  	[tilespmem:$0x2920] =	vst v1  }
0x21: {  	[tilespmem:$0x2930] =	vst v1  }
0x22: {  	[tilespmem:$0x2940] =	vst v1  }
0x23: {  	[tilespmem:$0x2950] =	vst v1  }
0x24: {  	[tilespmem:$0x2960] =	vst v1  }
0x25: {  	[tilespmem:$0x2970] =	vst v1  }
0x26: {  	[tilespmem:$0x2980] =	vst v1  }
0x27: {  	[tilespmem:$0x2990] =	vst v1  }
0x28: {  	[tilespmem:$0x29A0] =	vst v1  }
0x29: {  	[tilespmem:$0x29B0] =	vst v1  }
0x2a: {  	[tilespmem:$0x29C0] =	vst v1  }
0x2b: {  	[tilespmem:$0x29D0] =	vst v1  }
0x2c: {  	[tilespmem:$0x29E0] =	vst v1  }
0x2d: {  	[tilespmem:$0x29F0] =	vst v1  }
0x2e: {  	[tilespmem:$0x2A00] =	vst v1  }
0x2f: {  	[tilespmem:$0x2A10] =	vst v1  }
0x30: {  	[tilespmem:$0x2A20] =	vst v1  }
0x31: {  	[tilespmem:$0x2A30] =	vst v1  }
0x32: {  	[tilespmem:$0x2A40] =	vst v1  }
0x33: {  	[tilespmem:$0x2A50] =	vst v1  }
0x34: {  	[tilespmem:$0x2A60] =	vst v1  }
0x35: {  	[tilespmem:$0x2A70] =	vst v1  }
0x36: {  	[tilespmem:$0x2A80] =	vst v1  }
0x37: {  	[tilespmem:$0x2A90] =	vst v1  }
0x38: {  	[tilespmem:$0x2AA0] =	vst v1  }
0x39: {  	[tilespmem:$0x2AB0] =	vst v1  }
0x3a: {  	[tilespmem:$0x2AC0] =	vst v1  }
0x3b: {  	[tilespmem:$0x2AD0] =	vst v1  }
0x3c: {  	[tilespmem:$0x2AE0] =	vst v1  }
0x3d: {  	[tilespmem:$0x2AF0] =	vst v1  }
0x3e: {  	[spmem:s5] =	stream.linear.scatter [tilespmem:s10], [sflag:$0x1], $0x280, $0x38;
	[tilespmem:$0x2D80] =	vst v63  }
0x3f: {  	_ =	swait.ge [sflag:s11], $0x280  }
0x40: {  	[sflag:s11] =	ssyncset.done $0x0  }
0x41: {  	[sflag:s11] =	ssyncadd.s32 $0xFFFFFD80  }
0x42: {  	s16 =	simm.s32 @p0 $0x0;
	s17 =	simm.s32 @p0 $0x1;
	[bflag:$0x0] =	sbarrier.arrive $0xFFFF  }
0x43: {  	[tilespmem:s16], [sflag:$0x1] =	stream.linear.gather @p0 [hbm4b:s7+s16], $0xA00, $0x38;
	[tilespmem:$0x2D80] =	vst v63  }
0x44: {  	_ =	swait.ge @p0 [sflag:s17], $0xA00  }
0x45: {  	[sflag:s17] =	ssyncset.done @p0 $0x0  }
0x46: {  	s18 =	simm.s32 @p0 $0xA00;
	[sflag:s17] =	ssyncadd.s32 @p0 $0xFFFFF600  }
0x47: {  	[tilespmem:s18], [sflag:$0x1] =	stream.linear.gather @p0 [hbm4b:s4+s16], $0x1E00, $0x38;
	[tilespmem:$0x2D80] =	vst v63  }
0x48: {  	_ =	swait.ge @p0 [sflag:s17], $0x1E00  }
0x49: {  	[sflag:s17] =	ssyncset.done @p0 $0x0  }
0x4a: {  	s16 =	simm.s32 @!p0 $0x0;
	[sflag:s17] =	ssyncadd.s32 @p0 $0xFFFFE200  }
0x4b: {  	[tilespmem:s16], [sflag:$0x1] =	stream.linear.gather @!p0 [hbm4b:s6+s16], $0x2800, $0x38;
	[tilespmem:$0x2D80] =	vst v63  }
0x4c: {  	s16 =	simm.s32 @!p0 $0x1  }
0x4d: {  	_ =	swait.ge @!p0 [sflag:s16], $0x2800  }
0x4e: {  	[sflag:s16] =	ssyncset.done @!p0 $0x0  }
0x4f: {  	s31 =	simm.s32 $0x0;
	[sflag:s16] =	ssyncadd.s32 @!p0 $0xFFFFD800  }
0x50: {  	[spmem:s2] =	stream.indirect.scatter.add.f32 [tilespmem:s13], [sflag:$0x1], $0x1, s31, s12, $0xb8;
	[tilespmem:$0x2D80] =	vst v63  }
0x51: {  	_ =	swait.ge [sflag:s11], $0x80  }
0x52: {  	s16 =	simm.s32 $0x200;
	[sflag:s11] =	ssyncset.done $0x0  }
.LBB2_2:
0x53: {  	s17 =	sshra.s32 s16, $0x2;
	[sflag:s11] =	ssyncadd.s32 $0xFFFFFF80;
	p1 =	sne.s32 s16, $0x9E00  }
0x54: {  	[spmem:s2] =	stream.indirect.scatter.add.f32 [tilespmem:s13], [sflag:$0x1], $0x1, s17, s12, $0xb8;
	[tilespmem:$0x2D80] =	vst v63  }
.Ltmp0:
0x55: {  	_ = 	snop;
	(pc) =	sbr.rel @p1 .LBB2_2-.Ltmp0, $4  }
0x56: {  	_ = 	snop  }
0x57: {  	s16 =	sadd.s32 $0x200, s16  }
0x58: {  	_ =	swait.ge [sflag:s11], $0x80  }
0x59: {  	[sflag:s11] =	ssyncset.done $0x0  }
0x5a: {  	s3 =	sadd.s32 $0x1, s3  }
0x5b: {  	[sflag:s11] =	ssyncadd.s32 $0xFFFFFF80;
	p1 =	sne.s32 s3, s8  }
.Ltmp1:
0x5c: {  	[bflag:$0x0] =	sbarrier.arrive $0xFFFF;
	(pc) =	sbr.rel @p1 .LBB2_1-.Ltmp1, $4  }
0x5d: {  	[hbm:s9], [sflag:s14] =	dma.local [spmem:s15], $0x50  }
0x5e: {  	_ =	swait.ge [sflag:s11], $0x50  }
0x5f: {  	[sflag:s11] =	ssyncset.done $0x0  }
0x60: {  	[sflag:s11] =	ssyncadd.s32 $0xFFFFFFB0  }
0x61: {  	_ =	sfence.sel $0x180000  }
0x62: {  	[bflag:$0x0] =	sbarrier.arrive $0xFFFF  }
0x63: {  	p0 =	sne.s32 s0, $0x0;
	_ =	strace $0x90000047  }
0x64: {  	s0 =	sadd.s32 @!p0 $0x100000, s1;
	[bflag:$0x2] =	sbarrier.arrive $0xFFFF  }
0x65: {  	[sflag:s0] =	ssyncadd.tile.s32 @!p0 $0x1;
	_ =	shalt  }
.Lfunc_end2:
_tile_overlayer_lowered:
.L_overlay_start_2:
0x66: {  	(tag) =	ssettag $0x2  }
0x67: {  	s0 =	rddreg [dreg:$0x0];
	s2 =	stileid.u32  }
0x68: {  	s1 =	rddreg [dreg:$0x1];
	p0 =	sne.s32 s2, $0x0  }
0x69: {  	s3 =	rddreg [dreg:$0x2];
	[bflag:$0x3] =	sbarrier.arrive $0xFFFF;
	s2 =	simm.s32 @!p0 $0x1C01  }
0x6a: {  	[timem:s3], [sflag:s2] =	dma.local @!p0 [hbm:s0], s1  }
0x6b: {  	s0 =	simm.s32 @!p0 $0x1  }
0x6c: {  	_ =	swait.ge @!p0 [sflag:s0], s1  }
0x6d: {  	s1 =	ssub.s32 @!p0 $0x0, s1;
	[sflag:s0] =	ssyncset.done @!p0 $0x0  }
0x6e: {  	[sflag:s0] =	ssyncadd.s32 @!p0 s1  }
0x6f: {  	[bflag:$0x3] =	sbarrier.arrive $0xFFFF  }
0x70: {  	_ =	shalt  }

</sc_bundles>
